<compile_context>
chip_gen: v7x
topology: tpu7x:2x2x1
jax: 0.10.2.dev20260603
libtpu: 0.0.44.dev20260713+nightly
codegen_flags: <defaults>
</compile_context>

<pallas_src>
import functools

import jax
import jax.numpy as jnp
from jax import lax
from jax.experimental import pallas as pl
from jax.experimental.pallas import tpu as pltpu
from jax.experimental.pallas import tpu_sc as plsc

VOCAB = 100000
DIM = 128
BATCH = 16384
NEG = 20

NC = 2
NS = 16
L = 16
NW = NC * NS
BPW = BATCH // NW
CHUNK = L
NCHUNK = BPW // CHUNK
NEGC = CHUNK * NEG
DC = DIM // L


def _sc_scores(u_weight, v_weight, pos_u, pos_v, neg_idx_flat):
  mesh = plsc.VectorSubcoreMesh(
      core_axis_name="c", subcore_axis_name="s", num_cores=NC,
      num_subcores=NS)

  @functools.partial(
      pl.kernel,
      out_type=[
          jax.ShapeDtypeStruct((BATCH,), jnp.float32),
          jax.ShapeDtypeStruct((BATCH * NEG,), jnp.float32),
      ],
      mesh=mesh,
      scratch_types=[
          pltpu.VMEM((BPW,), jnp.int32),
          pltpu.VMEM((BPW,), jnp.int32),
          pltpu.VMEM((BPW * NEG,), jnp.int32),
          pltpu.VMEM((CHUNK, DIM), jnp.float32),
          pltpu.VMEM((CHUNK, DIM), jnp.float32),
          pltpu.VMEM((NEGC, DIM), jnp.float32),
          pltpu.VMEM((CHUNK * L,), jnp.float32),
          pltpu.VMEM((NEGC * L,), jnp.float32),
          pltpu.VMEM((BPW,), jnp.float32),
          pltpu.VMEM((BPW * NEG,), jnp.float32),
          pltpu.SemaphoreType.DMA,
      ],
      compiler_params=pltpu.CompilerParams(needs_layout_passes=False),
  )
  def kern(u_hbm, v_hbm, pu_hbm, pv_hbm, nv_hbm, pos_out, neg_out,
           idx_u, idx_v, idx_neg, u_rows, v_rows, neg_rows,
           pstage, nstage, pos_all, neg_all, sem):
    wid = lax.axis_index("s") * NC + lax.axis_index("c")
    base = wid * BPW

    pltpu.sync_copy(pu_hbm.at[pl.ds(base, BPW)], idx_u)
    pltpu.sync_copy(pv_hbm.at[pl.ds(base, BPW)], idx_v)
    pltpu.sync_copy(nv_hbm.at[pl.ds(base * NEG, BPW * NEG)], idx_neg)

    lanes = lax.iota(jnp.int32, L)

    def chunk_body(c, carry):
      cbase = c * CHUNK
      d1 = pltpu.async_copy(u_hbm.at[idx_u.at[pl.ds(cbase, CHUNK)]],
                            u_rows, sem)
      d2 = pltpu.async_copy(v_hbm.at[idx_v.at[pl.ds(cbase, CHUNK)]],
                            v_rows, sem)
      nbase = cbase * NEG
      d3 = pltpu.async_copy(v_hbm.at[idx_neg.at[pl.ds(nbase, 128)]],
                            neg_rows.at[pl.ds(0, 128)], sem)
      d4 = pltpu.async_copy(v_hbm.at[idx_neg.at[pl.ds(nbase + 128, 128)]],
                            neg_rows.at[pl.ds(128, 128)], sem)
      d5 = pltpu.async_copy(v_hbm.at[idx_neg.at[pl.ds(nbase + 256, 64)]],
                            neg_rows.at[pl.ds(256, 64)], sem)
      d1.wait(); d2.wait(); d3.wait(); d4.wait(); d5.wait()

      def item_body(i, carry2):
        u = [u_rows[i, pl.ds(cc * L, L)] for cc in range(DC)]
        accp = u[0] * v_rows[i, pl.ds(0, L)]
        for cc in range(1, DC):
          accp = accp + u[cc] * v_rows[i, pl.ds(cc * L, L)]
        pstage[pl.ds(i * L, L)] = accp
        for kk in range(NEG):
          r = i * NEG + kk
          accn = u[0] * neg_rows[r, pl.ds(0, L)]
          for cc in range(1, DC):
            accn = accn + u[cc] * neg_rows[r, pl.ds(cc * L, L)]
          nstage[pl.ds(r * L, L)] = accn
        return carry2

      lax.fori_loop(0, CHUNK, item_body, 0)

      sp = plsc.load_gather(pstage, [lanes * L])
      for l in range(1, L):
        sp = sp + plsc.load_gather(pstage, [lanes * L + l])
      pos_all[pl.ds(cbase, CHUNK)] = sp

      for kk in range(NEG):
        ridx = (lanes * NEG + kk) * L
        sn = plsc.load_gather(nstage, [ridx])
        for l in range(1, L):
          sn = sn + plsc.load_gather(nstage, [ridx + l])
        plsc.store_scatter(neg_all, [nbase + lanes * NEG + kk], sn)
      return carry

    lax.fori_loop(0, NCHUNK, chunk_body, 0)

    pltpu.sync_copy(pos_all, pos_out.at[pl.ds(base, BPW)])
    pltpu.sync_copy(neg_all, neg_out.at[pl.ds(base * NEG, BPW * NEG)])

  return kern(u_weight, v_weight, pos_u, pos_v, neg_idx_flat)


def _loss_epilogue(pos_score, neg_score):
  pos2 = pos_score.reshape(BATCH // DIM, DIM)
  neg2 = neg_score.reshape(BATCH * NEG // DIM, DIM)

  def body(p_ref, n_ref, o_ref):
    p = jnp.clip(p_ref[...], -10.0, 10.0)
    n = jnp.clip(n_ref[...], -10.0, 10.0)
    tot = jnp.sum(jnp.log(1.0 + jnp.exp(-p))) + jnp.sum(
        jnp.log(1.0 + jnp.exp(n)))
    o_ref[0, 0] = tot / BATCH

  out = pl.pallas_call(
      body,
      out_shape=jax.ShapeDtypeStruct((1, 1), jnp.float32),
      out_specs=pl.BlockSpec(memory_space=pltpu.SMEM),
  )(pos2, neg2)
  return out[0, 0]


def kernel(u_weight, v_weight, pos_u, pos_v, neg_v):
  pos_u = pos_u.astype(jnp.int32)
  pos_v = pos_v.astype(jnp.int32)
  neg_flat = neg_v.astype(jnp.int32).reshape(-1)
  pos_score, neg_score = _sc_scores(u_weight, v_weight, pos_u, pos_v,
                                    neg_flat)
  return _loss_epilogue(pos_score, neg_score)

# --- scband reference (transcript-rebuilt; emitter-appended) ---
"""Pipeline reference for scband-word2-vec-83305185673499 (READ-ONLY COPY).

The authoritative reference and input builder live on the scoring server;
editing this copy changes nothing except your own understanding.
"""

import jax, jax.numpy as jnp
import numpy as np

VOCAB = 100000
DIM = 128
BATCH = 16384
NEG = 20


def setup_inputs(seed: int = 0) -> dict:
    key = jax.random.key(seed)
    k1, k2, k3, k4, k5 = jax.random.split(key, 5)
    pos_u = jax.random.randint(k1, (BATCH,), 0, VOCAB)
    pos_v = jax.random.randint(k2, (BATCH,), 0, VOCAB)
    neg_v = jax.random.randint(k3, (BATCH, NEG), 0, VOCAB)
    initrange = 0.5 / DIM
    u_weight = jax.random.uniform(k4, (VOCAB, DIM), dtype=jnp.float32, minval=-initrange, maxval=initrange)
    v_weight = jax.random.uniform(k5, (VOCAB, DIM), dtype=jnp.float32, minval=-initrange, maxval=initrange)
    return {"u_weight": u_weight, "v_weight": v_weight, "pos_u": pos_u, "pos_v": pos_v, "neg_v": neg_v}


def reference(u_weight, v_weight, pos_u, pos_v, neg_v):
    # Skip-gram with negative sampling (SGNS) forward, the canonical Word2Vec loss.
    emb_u = jnp.take(u_weight, pos_u, axis=0)           # [B, D]
    emb_v = jnp.take(v_weight, pos_v, axis=0)           # [B, D]
    score = jnp.sum(emb_u * emb_v, axis=1)
    score = jnp.clip(score, -10.0, 10.0)
    pos_loss = -jax.nn.log_sigmoid(score)               # [B]
    neg_emb = jnp.take(v_weight, neg_v, axis=0)         # [B, K, D]
    neg_score = jnp.einsum('bkd,bd->bk', neg_emb, emb_u)
    neg_score = jnp.clip(neg_score, -10.0, 10.0)
    neg_loss = -jnp.sum(jax.nn.log_sigmoid(-neg_score), axis=1)  # [B]
    return jnp.mean(pos_loss + neg_loss)

if __name__ == "__main__":
    import jax
    _d = setup_inputs()
    print(jax.jit(kernel)(*tuple(_d.values())))

</pallas_src>

<mosaic_0001>
#map = affine_map<(d0, d1) -> (0, 0)>
#map1 = affine_map<(d0, d1) -> (0)>
module attributes {stable_mosaic.version = 14 : i64} {
  func.func @kern(%arg0: i32, %arg1: i32, %arg2: memref<100000x128xf32, #tpu.memory_space<hbm>>, %arg3: memref<100000x128xf32, #tpu.memory_space<hbm>>, %arg4: memref<16384xi32, #tpu.memory_space<hbm>>, %arg5: memref<16384xi32, #tpu.memory_space<hbm>>, %arg6: memref<327680xi32, #tpu.memory_space<hbm>>, %arg7: memref<16384xf32, #tpu.memory_space<hbm>>, %arg8: memref<327680xf32, #tpu.memory_space<hbm>>, %arg9: memref<512xi32, #tpu.memory_space<vmem>>, %arg10: memref<512xi32, #tpu.memory_space<vmem>>, %arg11: memref<10240xi32, #tpu.memory_space<vmem>>, %arg12: memref<16x128xf32, #tpu.memory_space<vmem>>, %arg13: memref<16x128xf32, #tpu.memory_space<vmem>>, %arg14: memref<320x128xf32, #tpu.memory_space<vmem>>, %arg15: memref<256xf32, #tpu.memory_space<vmem>>, %arg16: memref<5120xf32, #tpu.memory_space<vmem>>, %arg17: memref<512xf32, #tpu.memory_space<vmem>>, %arg18: memref<10240xf32, #tpu.memory_space<vmem>>, %arg19: memref<!tpu.dma_semaphore, #tpu.memory_space<semaphore_mem>>) attributes {dimension_semantics = [#tpu.dimension_semantics<core_parallel>, #tpu.dimension_semantics<subcore_parallel>], iteration_bounds = array<i64: 2, 16>, scalar_prefetch = 0 : i64, scratch_operands = 11 : i64, tpu.core_type = #tpu.core_type<sc_vector_subcore>, window_params = [{transform_indices = #map}, {transform_indices = #map}, {transform_indices = #map1}, {transform_indices = #map1}, {transform_indices = #map1}, {transform_indices = #map1}, {transform_indices = #map1}]} {
    %mul3A = arith.constant 2 : i32
    %mul3A_0 = arith.muli %arg1, %mul3A : i32
    %add3A = arith.addi %mul3A_0, %arg0 : i32
    %mul3A_1 = arith.constant 512 : i32
    %mul3A_2 = arith.muli %add3A, %mul3A_1 : i32
    "tpu.region"() ({
      %run_scoped3A = tpu.sem_alloc : memref<!tpu.dma_semaphore, #tpu.memory_space<semaphore_mem>>
      %dma_start3A = tpu.memref_slice %arg4[%mul3A_2] : memref<16384xi32, #tpu.memory_space<hbm>> -> memref<512xi32, #tpu.memory_space<hbm>>
      %dma_start3A_12 = tpu.memref_slice %arg4[%mul3A_2] : memref<16384xi32, #tpu.memory_space<hbm>> -> memref<512xi32, #tpu.memory_space<hbm>>
      tpu.enqueue_dma source(%dma_start3A_12 : memref<512xi32, #tpu.memory_space<hbm>>) target(%arg9 : memref<512xi32, #tpu.memory_space<vmem>>) target_semaphore(%run_scoped3A : memref<!tpu.dma_semaphore, #tpu.memory_space<semaphore_mem>>)
      %dma_wait3A = tpu.memref_slice %arg4[%mul3A_2] : memref<16384xi32, #tpu.memory_space<hbm>> -> memref<512xi32, #tpu.memory_space<hbm>>
      %dma_wait3A_13 = tpu.memref_slice %arg4[%mul3A_2] : memref<16384xi32, #tpu.memory_space<hbm>> -> memref<512xi32, #tpu.memory_space<hbm>>
      tpu.wait_dma2 semaphore(%run_scoped3A : memref<!tpu.dma_semaphore, #tpu.memory_space<semaphore_mem>>) src(%dma_wait3A_13 : memref<512xi32, #tpu.memory_space<hbm>>) dst(%arg9 : memref<512xi32, #tpu.memory_space<vmem>>)
      tpu.yield
    }) : () -> ()
    "tpu.region"() ({
      %run_scoped3A = tpu.sem_alloc : memref<!tpu.dma_semaphore, #tpu.memory_space<semaphore_mem>>
      %dma_start3A = tpu.memref_slice %arg5[%mul3A_2] : memref<16384xi32, #tpu.memory_space<hbm>> -> memref<512xi32, #tpu.memory_space<hbm>>
      %dma_start3A_12 = tpu.memref_slice %arg5[%mul3A_2] : memref<16384xi32, #tpu.memory_space<hbm>> -> memref<512xi32, #tpu.memory_space<hbm>>
      tpu.enqueue_dma source(%dma_start3A_12 : memref<512xi32, #tpu.memory_space<hbm>>) target(%arg10 : memref<512xi32, #tpu.memory_space<vmem>>) target_semaphore(%run_scoped3A : memref<!tpu.dma_semaphore, #tpu.memory_space<semaphore_mem>>)
      %dma_wait3A = tpu.memref_slice %arg5[%mul3A_2] : memref<16384xi32, #tpu.memory_space<hbm>> -> memref<512xi32, #tpu.memory_space<hbm>>
      %dma_wait3A_13 = tpu.memref_slice %arg5[%mul3A_2] : memref<16384xi32, #tpu.memory_space<hbm>> -> memref<512xi32, #tpu.memory_space<hbm>>
      tpu.wait_dma2 semaphore(%run_scoped3A : memref<!tpu.dma_semaphore, #tpu.memory_space<semaphore_mem>>) src(%dma_wait3A_13 : memref<512xi32, #tpu.memory_space<hbm>>) dst(%arg10 : memref<512xi32, #tpu.memory_space<vmem>>)
      tpu.yield
    }) : () -> ()
    %mul3A_3 = arith.constant 20 : i32
    %mul3A_4 = arith.muli %mul3A_2, %mul3A_3 : i32
    "tpu.region"() ({
      %run_scoped3A = tpu.sem_alloc : memref<!tpu.dma_semaphore, #tpu.memory_space<semaphore_mem>>
      %dma_start3A = tpu.memref_slice %arg6[%mul3A_4] : memref<327680xi32, #tpu.memory_space<hbm>> -> memref<10240xi32, #tpu.memory_space<hbm>>
      %dma_start3A_12 = tpu.memref_slice %arg6[%mul3A_4] : memref<327680xi32, #tpu.memory_space<hbm>> -> memref<10240xi32, #tpu.memory_space<hbm>>
      tpu.enqueue_dma source(%dma_start3A_12 : memref<10240xi32, #tpu.memory_space<hbm>>) target(%arg11 : memref<10240xi32, #tpu.memory_space<vmem>>) target_semaphore(%run_scoped3A : memref<!tpu.dma_semaphore, #tpu.memory_space<semaphore_mem>>)
      %dma_wait3A = tpu.memref_slice %arg6[%mul3A_4] : memref<327680xi32, #tpu.memory_space<hbm>> -> memref<10240xi32, #tpu.memory_space<hbm>>
      %dma_wait3A_13 = tpu.memref_slice %arg6[%mul3A_4] : memref<327680xi32, #tpu.memory_space<hbm>> -> memref<10240xi32, #tpu.memory_space<hbm>>
      tpu.wait_dma2 semaphore(%run_scoped3A : memref<!tpu.dma_semaphore, #tpu.memory_space<semaphore_mem>>) src(%dma_wait3A_13 : memref<10240xi32, #tpu.memory_space<hbm>>) dst(%arg11 : memref<10240xi32, #tpu.memory_space<vmem>>)
      tpu.yield
    }) : () -> ()
    %iota3A = tpu.iota {dimensions = array<i32: 0>} : vector<16xi32>
    %scan3A = arith.constant 0 : i32
    %scan3A_5 = arith.constant 0 : i32
    %scan3A_6 = arith.constant 32 : i32
    %scan3A_7 = arith.addi %scan3A_5, %scan3A_6 : i32
    %scan3A_8 = arith.constant 1 : i32
    scf.for %scan3A_12 = %scan3A_5 to %scan3A_7 step %scan3A_8  : i32 {
      %mul3A_13 = arith.constant 16 : i32
      %mul3A_14 = arith.muli %scan3A_12, %mul3A_13 : i32
      %dma_start3A = tpu.memref_slice %arg9[%mul3A_14] : memref<512xi32, #tpu.memory_space<vmem>> -> memref<16xi32, #tpu.memory_space<vmem>>
      %dma_start3A_15 = arith.constant 0 : i32
      %dma_start3A_16 = arith.constant 0 : i32
      %dma_start3A_17 = tpu.memref_slice %arg2[%dma_start3A_15, %dma_start3A_16] : memref<100000x128xf32, #tpu.memory_space<hbm>> -> memref<100000x128xf32, #tpu.memory_space<hbm>>
      tpu.enqueue_indirect_dma source(%dma_start3A_17 : memref<100000x128xf32, #tpu.memory_space<hbm>>) target(%arg12 : memref<16x128xf32, #tpu.memory_space<vmem>>) offsets(%dma_start3A : memref<16xi32, #tpu.memory_space<vmem>>) semaphore(%arg19 : memref<!tpu.dma_semaphore, #tpu.memory_space<semaphore_mem>>)
      %dma_start3A_18 = tpu.memref_slice %arg10[%mul3A_14] : memref<512xi32, #tpu.memory_space<vmem>> -> memref<16xi32, #tpu.memory_space<vmem>>
      %dma_start3A_19 = arith.constant 0 : i32
      %dma_start3A_20 = arith.constant 0 : i32
      %dma_start3A_21 = tpu.memref_slice %arg3[%dma_start3A_19, %dma_start3A_20] : memref<100000x128xf32, #tpu.memory_space<hbm>> -> memref<100000x128xf32, #tpu.memory_space<hbm>>
      tpu.enqueue_indirect_dma source(%dma_start3A_21 : memref<100000x128xf32, #tpu.memory_space<hbm>>) target(%arg13 : memref<16x128xf32, #tpu.memory_space<vmem>>) offsets(%dma_start3A_18 : memref<16xi32, #tpu.memory_space<vmem>>) semaphore(%arg19 : memref<!tpu.dma_semaphore, #tpu.memory_space<semaphore_mem>>)
      %mul3A_22 = arith.constant 20 : i32
      %mul3A_23 = arith.muli %mul3A_14, %mul3A_22 : i32
      %dma_start3A_24 = arith.constant 0 : i32
      %dma_start3A_25 = arith.constant 0 : i32
      %dma_start3A_26 = tpu.memref_slice %arg14[%dma_start3A_24, %dma_start3A_25] : memref<320x128xf32, #tpu.memory_space<vmem>> -> memref<128x128xf32, #tpu.memory_space<vmem>>
      %dma_start3A_27 = tpu.memref_slice %arg11[%mul3A_23] : memref<10240xi32, #tpu.memory_space<vmem>> -> memref<128xi32, #tpu.memory_space<vmem>>
      %dma_start3A_28 = arith.constant 0 : i32
      %dma_start3A_29 = arith.constant 0 : i32
      %dma_start3A_30 = tpu.memref_slice %arg3[%dma_start3A_28, %dma_start3A_29] : memref<100000x128xf32, #tpu.memory_space<hbm>> -> memref<100000x128xf32, #tpu.memory_space<hbm>>
      tpu.enqueue_indirect_dma source(%dma_start3A_30 : memref<100000x128xf32, #tpu.memory_space<hbm>>) target(%dma_start3A_26 : memref<128x128xf32, #tpu.memory_space<vmem>>) offsets(%dma_start3A_27 : memref<128xi32, #tpu.memory_space<vmem>>) semaphore(%arg19 : memref<!tpu.dma_semaphore, #tpu.memory_space<semaphore_mem>>)
      %add3A_31 = arith.constant 128 : i32
      %add3A_32 = arith.addi %mul3A_23, %add3A_31 : i32
      %dma_start3A_33 = arith.constant 128 : i32
      %dma_start3A_34 = arith.constant 0 : i32
      %dma_start3A_35 = tpu.memref_slice %arg14[%dma_start3A_33, %dma_start3A_34] : memref<320x128xf32, #tpu.memory_space<vmem>> -> memref<128x128xf32, #tpu.memory_space<vmem>>
      %dma_start3A_36 = tpu.memref_slice %arg11[%add3A_32] : memref<10240xi32, #tpu.memory_space<vmem>> -> memref<128xi32, #tpu.memory_space<vmem>>
      %dma_start3A_37 = arith.constant 0 : i32
      %dma_start3A_38 = arith.constant 0 : i32
      %dma_start3A_39 = tpu.memref_slice %arg3[%dma_start3A_37, %dma_start3A_38] : memref<100000x128xf32, #tpu.memory_space<hbm>> -> memref<100000x128xf32, #tpu.memory_space<hbm>>
      tpu.enqueue_indirect_dma source(%dma_start3A_39 : memref<100000x128xf32, #tpu.memory_space<hbm>>) target(%dma_start3A_35 : memref<128x128xf32, #tpu.memory_space<vmem>>) offsets(%dma_start3A_36 : memref<128xi32, #tpu.memory_space<vmem>>) semaphore(%arg19 : memref<!tpu.dma_semaphore, #tpu.memory_space<semaphore_mem>>)
      %add3A_40 = arith.constant 256 : i32
      %add3A_41 = arith.addi %mul3A_23, %add3A_40 : i32
      %dma_start3A_42 = arith.constant 256 : i32
      %dma_start3A_43 = arith.constant 0 : i32
      %dma_start3A_44 = tpu.memref_slice %arg14[%dma_start3A_42, %dma_start3A_43] : memref<320x128xf32, #tpu.memory_space<vmem>> -> memref<64x128xf32, #tpu.memory_space<vmem>>
      %dma_start3A_45 = tpu.memref_slice %arg11[%add3A_41] : memref<10240xi32, #tpu.memory_space<vmem>> -> memref<64xi32, #tpu.memory_space<vmem>>
      %dma_start3A_46 = arith.constant 0 : i32
      %dma_start3A_47 = arith.constant 0 : i32
      %dma_start3A_48 = tpu.memref_slice %arg3[%dma_start3A_46, %dma_start3A_47] : memref<100000x128xf32, #tpu.memory_space<hbm>> -> memref<100000x128xf32, #tpu.memory_space<hbm>>
      tpu.enqueue_indirect_dma source(%dma_start3A_48 : memref<100000x128xf32, #tpu.memory_space<hbm>>) target(%dma_start3A_44 : memref<64x128xf32, #tpu.memory_space<vmem>>) offsets(%dma_start3A_45 : memref<64xi32, #tpu.memory_space<vmem>>) semaphore(%arg19 : memref<!tpu.dma_semaphore, #tpu.memory_space<semaphore_mem>>)
      %dma_wait3A = tpu.memref_slice %arg9[%mul3A_14] : memref<512xi32, #tpu.memory_space<vmem>> -> memref<16xi32, #tpu.memory_space<vmem>>
      %dma_wait3A_49 = arith.constant 0 : i32
      %dma_wait3A_50 = arith.constant 0 : i32
      %dma_wait3A_51 = tpu.memref_slice %arg2[%dma_wait3A_49, %dma_wait3A_50] : memref<100000x128xf32, #tpu.memory_space<hbm>> -> memref<100000x128xf32, #tpu.memory_space<hbm>>
      tpu.wait_indirect_dma semaphore(%arg19 : memref<!tpu.dma_semaphore, #tpu.memory_space<semaphore_mem>>) src(%dma_wait3A_51 : memref<100000x128xf32, #tpu.memory_space<hbm>>) dst(%arg12 : memref<16x128xf32, #tpu.memory_space<vmem>>)
      %dma_wait3A_52 = tpu.memref_slice %arg10[%mul3A_14] : memref<512xi32, #tpu.memory_space<vmem>> -> memref<16xi32, #tpu.memory_space<vmem>>
      %dma_wait3A_53 = arith.constant 0 : i32
      %dma_wait3A_54 = arith.constant 0 : i32
      %dma_wait3A_55 = tpu.memref_slice %arg3[%dma_wait3A_53, %dma_wait3A_54] : memref<100000x128xf32, #tpu.memory_space<hbm>> -> memref<100000x128xf32, #tpu.memory_space<hbm>>
      tpu.wait_indirect_dma semaphore(%arg19 : memref<!tpu.dma_semaphore, #tpu.memory_space<semaphore_mem>>) src(%dma_wait3A_55 : memref<100000x128xf32, #tpu.memory_space<hbm>>) dst(%arg13 : memref<16x128xf32, #tpu.memory_space<vmem>>)
      %dma_wait3A_56 = arith.constant 0 : i32
      %dma_wait3A_57 = arith.constant 0 : i32
      %dma_wait3A_58 = tpu.memref_slice %arg14[%dma_wait3A_56, %dma_wait3A_57] : memref<320x128xf32, #tpu.memory_space<vmem>> -> memref<128x128xf32, #tpu.memory_space<vmem>>
      %dma_wait3A_59 = tpu.memref_slice %arg11[%mul3A_23] : memref<10240xi32, #tpu.memory_space<vmem>> -> memref<128xi32, #tpu.memory_space<vmem>>
      %dma_wait3A_60 = arith.constant 0 : i32
      %dma_wait3A_61 = arith.constant 0 : i32
      %dma_wait3A_62 = tpu.memref_slice %arg3[%dma_wait3A_60, %dma_wait3A_61] : memref<100000x128xf32, #tpu.memory_space<hbm>> -> memref<100000x128xf32, #tpu.memory_space<hbm>>
      tpu.wait_indirect_dma semaphore(%arg19 : memref<!tpu.dma_semaphore, #tpu.memory_space<semaphore_mem>>) src(%dma_wait3A_62 : memref<100000x128xf32, #tpu.memory_space<hbm>>) dst(%dma_wait3A_58 : memref<128x128xf32, #tpu.memory_space<vmem>>)
      %dma_wait3A_63 = arith.constant 128 : i32
      %dma_wait3A_64 = arith.constant 0 : i32
      %dma_wait3A_65 = tpu.memref_slice %arg14[%dma_wait3A_63, %dma_wait3A_64] : memref<320x128xf32, #tpu.memory_space<vmem>> -> memref<128x128xf32, #tpu.memory_space<vmem>>
      %dma_wait3A_66 = tpu.memref_slice %arg11[%add3A_32] : memref<10240xi32, #tpu.memory_space<vmem>> -> memref<128xi32, #tpu.memory_space<vmem>>
      %dma_wait3A_67 = arith.constant 0 : i32
      %dma_wait3A_68 = arith.constant 0 : i32
      %dma_wait3A_69 = tpu.memref_slice %arg3[%dma_wait3A_67, %dma_wait3A_68] : memref<100000x128xf32, #tpu.memory_space<hbm>> -> memref<100000x128xf32, #tpu.memory_space<hbm>>
      tpu.wait_indirect_dma semaphore(%arg19 : memref<!tpu.dma_semaphore, #tpu.memory_space<semaphore_mem>>) src(%dma_wait3A_69 : memref<100000x128xf32, #tpu.memory_space<hbm>>) dst(%dma_wait3A_65 : memref<128x128xf32, #tpu.memory_space<vmem>>)
      %dma_wait3A_70 = arith.constant 256 : i32
      %dma_wait3A_71 = arith.constant 0 : i32
      %dma_wait3A_72 = tpu.memref_slice %arg14[%dma_wait3A_70, %dma_wait3A_71] : memref<320x128xf32, #tpu.memory_space<vmem>> -> memref<64x128xf32, #tpu.memory_space<vmem>>
      %dma_wait3A_73 = tpu.memref_slice %arg11[%add3A_41] : memref<10240xi32, #tpu.memory_space<vmem>> -> memref<64xi32, #tpu.memory_space<vmem>>
      %dma_wait3A_74 = arith.constant 0 : i32
      %dma_wait3A_75 = arith.constant 0 : i32
      %dma_wait3A_76 = tpu.memref_slice %arg3[%dma_wait3A_74, %dma_wait3A_75] : memref<100000x128xf32, #tpu.memory_space<hbm>> -> memref<100000x128xf32, #tpu.memory_space<hbm>>
      tpu.wait_indirect_dma semaphore(%arg19 : memref<!tpu.dma_semaphore, #tpu.memory_space<semaphore_mem>>) src(%dma_wait3A_76 : memref<100000x128xf32, #tpu.memory_space<hbm>>) dst(%dma_wait3A_72 : memref<64x128xf32, #tpu.memory_space<vmem>>)
      %scan3A_77 = arith.constant 0 : i32
      %scan3A_78 = arith.constant 0 : i32
      %scan3A_79 = arith.constant 16 : i32
      %scan3A_80 = arith.addi %scan3A_78, %scan3A_79 : i32
      %scan3A_81 = arith.constant 1 : i32
      scf.for %scan3A_2067 = %scan3A_78 to %scan3A_80 step %scan3A_81  : i32 {
        %get3A = arith.index_cast %scan3A_2067 : i32 to index
        %get3A_2068 = arith.constant 0 : index
        %get3A_2069 = tpu.vector_load %arg12[%get3A, %get3A_2068] {strides = array<i32>} : memref<16x128xf32, #tpu.memory_space<vmem>>, vector<16xf32>,
        %get3A_2070 = arith.index_cast %scan3A_2067 : i32 to index
        %get3A_2071 = arith.constant 16 : index
        %get3A_2072 = tpu.vector_load %arg12[%get3A_2070, %get3A_2071] {strides = array<i32>} : memref<16x128xf32, #tpu.memory_space<vmem>>, vector<16xf32>,
        %get3A_2073 = arith.index_cast %scan3A_2067 : i32 to index
        %get3A_2074 = arith.constant 32 : index
        %get3A_2075 = tpu.vector_load %arg12[%get3A_2073, %get3A_2074] {strides = array<i32>} : memref<16x128xf32, #tpu.memory_space<vmem>>, vector<16xf32>,
        %get3A_2076 = arith.index_cast %scan3A_2067 : i32 to index
        %get3A_2077 = arith.constant 48 : index
        %get3A_2078 = tpu.vector_load %arg12[%get3A_2076, %get3A_2077] {strides = array<i32>} : memref<16x128xf32, #tpu.memory_space<vmem>>, vector<16xf32>,
        %get3A_2079 = arith.index_cast %scan3A_2067 : i32 to index
        %get3A_2080 = arith.constant 64 : index
        %get3A_2081 = tpu.vector_load %arg12[%get3A_2079, %get3A_2080] {strides = array<i32>} : memref<16x128xf32, #tpu.memory_space<vmem>>, vector<16xf32>,
        %get3A_2082 = arith.index_cast %scan3A_2067 : i32 to index
        %get3A_2083 = arith.constant 80 : index
        %get3A_2084 = tpu.vector_load %arg12[%get3A_2082, %get3A_2083] {strides = array<i32>} : memref<16x128xf32, #tpu.memory_space<vmem>>, vector<16xf32>,
        %get3A_2085 = arith.index_cast %scan3A_2067 : i32 to index
        %get3A_2086 = arith.constant 96 : index
        %get3A_2087 = tpu.vector_load %arg12[%get3A_2085, %get3A_2086] {strides = array<i32>} : memref<16x128xf32, #tpu.memory_space<vmem>>, vector<16xf32>,
        %get3A_2088 = arith.index_cast %scan3A_2067 : i32 to index
        %get3A_2089 = arith.constant 112 : index
        %get3A_2090 = tpu.vector_load %arg12[%get3A_2088, %get3A_2089] {strides = array<i32>} : memref<16x128xf32, #tpu.memory_space<vmem>>, vector<16xf32>,
        %get3A_2091 = arith.index_cast %scan3A_2067 : i32 to index
        %get3A_2092 = arith.constant 0 : index
        %get3A_2093 = tpu.vector_load %arg13[%get3A_2091, %get3A_2092] {strides = array<i32>} : memref<16x128xf32, #tpu.memory_space<vmem>>, vector<16xf32>,
        %mul3A_2094 = arith.mulf %get3A_2069, %get3A_2093 : vector<16xf32>
        %get3A_2095 = arith.index_cast %scan3A_2067 : i32 to index
        %get3A_2096 = arith.constant 16 : index
        %get3A_2097 = tpu.vector_load %arg13[%get3A_2095, %get3A_2096] {strides = array<i32>} : memref<16x128xf32, #tpu.memory_space<vmem>>, vector<16xf32>,
        %mul3A_2098 = arith.mulf %get3A_2072, %get3A_2097 : vector<16xf32>
        %add3A_2099 = arith.addf %mul3A_2094, %mul3A_2098 : vector<16xf32>
        %get3A_2100 = arith.index_cast %scan3A_2067 : i32 to index
        %get3A_2101 = arith.constant 32 : index
        %get3A_2102 = tpu.vector_load %arg13[%get3A_2100, %get3A_2101] {strides = array<i32>} : memref<16x128xf32, #tpu.memory_space<vmem>>, vector<16xf32>,
        %mul3A_2103 = arith.mulf %get3A_2075, %get3A_2102 : vector<16xf32>
        %add3A_2104 = arith.addf %add3A_2099, %mul3A_2103 : vector<16xf32>
        %get3A_2105 = arith.index_cast %scan3A_2067 : i32 to index
        %get3A_2106 = arith.constant 48 : index
        %get3A_2107 = tpu.vector_load %arg13[%get3A_2105, %get3A_2106] {strides = array<i32>} : memref<16x128xf32, #tpu.memory_space<vmem>>, vector<16xf32>,
        %mul3A_2108 = arith.mulf %get3A_2078, %get3A_2107 : vector<16xf32>
        %add3A_2109 = arith.addf %add3A_2104, %mul3A_2108 : vector<16xf32>
        %get3A_2110 = arith.index_cast %scan3A_2067 : i32 to index
        %get3A_2111 = arith.constant 64 : index
        %get3A_2112 = tpu.vector_load %arg13[%get3A_2110, %get3A_2111] {strides = array<i32>} : memref<16x128xf32, #tpu.memory_space<vmem>>, vector<16xf32>,
        %mul3A_2113 = arith.mulf %get3A_2081, %get3A_2112 : vector<16xf32>
        %add3A_2114 = arith.addf %add3A_2109, %mul3A_2113 : vector<16xf32>
        %get3A_2115 = arith.index_cast %scan3A_2067 : i32 to index
        %get3A_2116 = arith.constant 80 : index
        %get3A_2117 = tpu.vector_load %arg13[%get3A_2115, %get3A_2116] {strides = array<i32>} : memref<16x128xf32, #tpu.memory_space<vmem>>, vector<16xf32>,
        %mul3A_2118 = arith.mulf %get3A_2084, %get3A_2117 : vector<16xf32>
        %add3A_2119 = arith.addf %add3A_2114, %mul3A_2118 : vector<16xf32>
        %get3A_2120 = arith.index_cast %scan3A_2067 : i32 to index
        %get3A_2121 = arith.constant 96 : index
        %get3A_2122 = tpu.vector_load %arg13[%get3A_2120, %get3A_2121] {strides = array<i32>} : memref<16x128xf32, #tpu.memory_space<vmem>>, vector<16xf32>,
        %mul3A_2123 = arith.mulf %get3A_2087, %get3A_2122 : vector<16xf32>
        %add3A_2124 = arith.addf %add3A_2119, %mul3A_2123 : vector<16xf32>
        %get3A_2125 = arith.index_cast %scan3A_2067 : i32 to index
        %get3A_2126 = arith.constant 112 : index
        %get3A_2127 = tpu.vector_load %arg13[%get3A_2125, %get3A_2126] {strides = array<i32>} : memref<16x128xf32, #tpu.memory_space<vmem>>, vector<16xf32>,
        %mul3A_2128 = arith.mulf %get3A_2090, %get3A_2127 : vector<16xf32>
        %add3A_2129 = arith.addf %add3A_2124, %mul3A_2128 : vector<16xf32>
        %mul3A_2130 = arith.constant 16 : i32
        %mul3A_2131 = arith.muli %scan3A_2067, %mul3A_2130 : i32
        %swap3A_2132 = arith.index_cast %mul3A_2131 : i32 to index
        %swap3A_2133 = tpu.vector_load %arg15[%swap3A_2132] {strides = array<i32>} : memref<256xf32, #tpu.memory_space<vmem>>, vector<16xf32>,
        tpu.vector_store %arg15[%swap3A_2132], %add3A_2129 {strides = array<i32>} : memref<256xf32, #tpu.memory_space<vmem>>, vector<16xf32>,
        %mul3A_2134 = arith.constant 20 : i32
        %mul3A_2135 = arith.muli %scan3A_2067, %mul3A_2134 : i32
        %add3A_2136 = arith.constant 0 : i32
        %add3A_2137 = arith.addi %mul3A_2135, %add3A_2136 : i32
        %get3A_2138 = arith.index_cast %add3A_2137 : i32 to index
        %get3A_2139 = arith.constant 0 : index
        %get3A_2140 = tpu.vector_load %arg14[%get3A_2138, %get3A_2139] {strides = array<i32>} : memref<320x128xf32, #tpu.memory_space<vmem>>, vector<16xf32>,
        %mul3A_2141 = arith.mulf %get3A_2069, %get3A_2140 : vector<16xf32>
        %get3A_2142 = arith.index_cast %add3A_2137 : i32 to index
        %get3A_2143 = arith.constant 16 : index
        %get3A_2144 = tpu.vector_load %arg14[%get3A_2142, %get3A_2143] {strides = array<i32>} : memref<320x128xf32, #tpu.memory_space<vmem>>, vector<16xf32>,
        %mul3A_2145 = arith.mulf %get3A_2072, %get3A_2144 : vector<16xf32>
        %add3A_2146 = arith.addf %mul3A_2141, %mul3A_2145 : vector<16xf32>
        %get3A_2147 = arith.index_cast %add3A_2137 : i32 to index
        %get3A_2148 = arith.constant 32 : index
        %get3A_2149 = tpu.vector_load %arg14[%get3A_2147, %get3A_2148] {strides = array<i32>} : memref<320x128xf32, #tpu.memory_space<vmem>>, vector<16xf32>,
        %mul3A_2150 = arith.mulf %get3A_2075, %get3A_2149 : vector<16xf32>
        %add3A_2151 = arith.addf %add3A_2146, %mul3A_2150 : vector<16xf32>
        %get3A_2152 = arith.index_cast %add3A_2137 : i32 to index
        %get3A_2153 = arith.constant 48 : index
        %get3A_2154 = tpu.vector_load %arg14[%get3A_2152, %get3A_2153] {strides = array<i32>} : memref<320x128xf32, #tpu.memory_space<vmem>>, vector<16xf32>,
        %mul3A_2155 = arith.mulf %get3A_2078, %get3A_2154 : vector<16xf32>
        %add3A_2156 = arith.addf %add3A_2151, %mul3A_2155 : vector<16xf32>
        %get3A_2157 = arith.index_cast %add3A_2137 : i32 to index
        %get3A_2158 = arith.constant 64 : index
        %get3A_2159 = tpu.vector_load %arg14[%get3A_2157, %get3A_2158] {strides = array<i32>} : memref<320x128xf32, #tpu.memory_space<vmem>>, vector<16xf32>,
        %mul3A_2160 = arith.mulf %get3A_2081, %get3A_2159 : vector<16xf32>
        %add3A_2161 = arith.addf %add3A_2156, %mul3A_2160 : vector<16xf32>
        %get3A_2162 = arith.index_cast %add3A_2137 : i32 to index
        %get3A_2163 = arith.constant 80 : index
        %get3A_2164 = tpu.vector_load %arg14[%get3A_2162, %get3A_2163] {strides = array<i32>} : memref<320x128xf32, #tpu.memory_space<vmem>>, vector<16xf32>,
        %mul3A_2165 = arith.mulf %get3A_2084, %get3A_2164 : vector<16xf32>
        %add3A_2166 = arith.addf %add3A_2161, %mul3A_2165 : vector<16xf32>
        %get3A_2167 = arith.index_cast %add3A_2137 : i32 to index
        %get3A_2168 = arith.constant 96 : index
        %get3A_2169 = tpu.vector_load %arg14[%get3A_2167, %get3A_2168] {strides = array<i32>} : memref<320x128xf32, #tpu.memory_space<vmem>>, vector<16xf32>,
        %mul3A_2170 = arith.mulf %get3A_2087, %get3A_2169 : vector<16xf32>
        %add3A_2171 = arith.addf %add3A_2166, %mul3A_2170 : vector<16xf32>
        %get3A_2172 = arith.index_cast %add3A_2137 : i32 to index
        %get3A_2173 = arith.constant 112 : index
        %get3A_2174 = tpu.vector_load %arg14[%get3A_2172, %get3A_2173] {strides = array<i32>} : memref<320x128xf32, #tpu.memory_space<vmem>>, vector<16xf32>,
        %mul3A_2175 = arith.mulf %get3A_2090, %get3A_2174 : vector<16xf32>
        %add3A_2176 = arith.addf %add3A_2171, %mul3A_2175 : vector<16xf32>
        %mul3A_2177 = arith.constant 16 : i32
        %mul3A_2178 = arith.muli %add3A_2137, %mul3A_2177 : i32
        %swap3A_2179 = arith.index_cast %mul3A_2178 : i32 to index
        %swap3A_2180 = tpu.vector_load %arg16[%swap3A_2179] {strides = array<i32>} : memref<5120xf32, #tpu.memory_space<vmem>>, vector<16xf32>,
        tpu.vector_store %arg16[%swap3A_2179], %add3A_2176 {strides = array<i32>} : memref<5120xf32, #tpu.memory_space<vmem>>, vector<16xf32>,
        %mul3A_2181 = arith.constant 20 : i32
        %mul3A_2182 = arith.muli %scan3A_2067, %mul3A_2181 : i32
        %add3A_2183 = arith.constant 1 : i32
        %add3A_2184 = arith.addi %mul3A_2182, %add3A_2183 : i32
        %get3A_2185 = arith.index_cast %add3A_2184 : i32 to index
        %get3A_2186 = arith.constant 0 : index
        %get3A_2187 = tpu.vector_load %arg14[%get3A_2185, %get3A_2186] {strides = array<i32>} : memref<320x128xf32, #tpu.memory_space<vmem>>, vector<16xf32>,
        %mul3A_2188 = arith.mulf %get3A_2069, %get3A_2187 : vector<16xf32>
        %get3A_2189 = arith.index_cast %add3A_2184 : i32 to index
        %get3A_2190 = arith.constant 16 : index
        %get3A_2191 = tpu.vector_load %arg14[%get3A_2189, %get3A_2190] {strides = array<i32>} : memref<320x128xf32, #tpu.memory_space<vmem>>, vector<16xf32>,
        %mul3A_2192 = arith.mulf %get3A_2072, %get3A_2191 : vector<16xf32>
        %add3A_2193 = arith.addf %mul3A_2188, %mul3A_2192 : vector<16xf32>
        %get3A_2194 = arith.index_cast %add3A_2184 : i32 to index
        %get3A_2195 = arith.constant 32 : index
        %get3A_2196 = tpu.vector_load %arg14[%get3A_2194, %get3A_2195] {strides = array<i32>} : memref<320x128xf32, #tpu.memory_space<vmem>>, vector<16xf32>,
        %mul3A_2197 = arith.mulf %get3A_2075, %get3A_2196 : vector<16xf32>
        %add3A_2198 = arith.addf %add3A_2193, %mul3A_2197 : vector<16xf32>
        %get3A_2199 = arith.index_cast %add3A_2184 : i32 to index
        %get3A_2200 = arith.constant 48 : index
        %get3A_2201 = tpu.vector_load %arg14[%get3A_2199, %get3A_2200] {strides = array<i32>} : memref<320x128xf32, #tpu.memory_space<vmem>>, vector<16xf32>,
        %mul3A_2202 = arith.mulf %get3A_2078, %get3A_2201 : vector<16xf32>
        %add3A_2203 = arith.addf %add3A_2198, %mul3A_2202 : vector<16xf32>
        %get3A_2204 = arith.index_cast %add3A_2184 : i32 to index
        %get3A_2205 = arith.constant 64 : index
        %get3A_2206 = tpu.vector_load %arg14[%get3A_2204, %get3A_2205] {strides = array<i32>} : memref<320x128xf32, #tpu.memory_space<vmem>>, vector<16xf32>,
        %mul3A_2207 = arith.mulf %get3A_2081, %get3A_2206 : vector<16xf32>
        %add3A_2208 = arith.addf %add3A_2203, %mul3A_2207 : vector<16xf32>
        %get3A_2209 = arith.index_cast %add3A_2184 : i32 to index
        %get3A_2210 = arith.constant 80 : index
        %get3A_2211 = tpu.vector_load %arg14[%get3A_2209, %get3A_2210] {strides = array<i32>} : memref<320x128xf32, #tpu.memory_space<vmem>>, vector<16xf32>,
        %mul3A_2212 = arith.mulf %get3A_2084, %get3A_2211 : vector<16xf32>
        %add3A_2213 = arith.addf %add3A_2208, %mul3A_2212 : vector<16xf32>
        %get3A_2214 = arith.index_cast %add3A_2184 : i32 to index
        %get3A_2215 = arith.constant 96 : index
        %get3A_2216 = tpu.vector_load %arg14[%get3A_2214, %get3A_2215] {strides = array<i32>} : memref<320x128xf32, #tpu.memory_space<vmem>>, vector<16xf32>,
        %mul3A_2217 = arith.mulf %get3A_2087, %get3A_2216 : vector<16xf32>
        %add3A_2218 = arith.addf %add3A_2213, %mul3A_2217 : vector<16xf32>
        %get3A_2219 = arith.index_cast %add3A_2184 : i32 to index
        %get3A_2220 = arith.constant 112 : index
        %get3A_2221 = tpu.vector_load %arg14[%get3A_2219, %get3A_2220] {strides = array<i32>} : memref<320x128xf32, #tpu.memory_space<vmem>>, vector<16xf32>,
        %mul3A_2222 = arith.mulf %get3A_2090, %get3A_2221 : vector<16xf32>
        %add3A_2223 = arith.addf %add3A_2218, %mul3A_2222 : vector<16xf32>
        %mul3A_2224 = arith.constant 16 : i32
        %mul3A_2225 = arith.muli %add3A_2184, %mul3A_2224 : i32
        %swap3A_2226 = arith.index_cast %mul3A_2225 : i32 to index
        %swap3A_2227 = tpu.vector_load %arg16[%swap3A_2226] {strides = array<i32>} : memref<5120xf32, #tpu.memory_space<vmem>>, vector<16xf32>,
        tpu.vector_store %arg16[%swap3A_2226], %add3A_2223 {strides = array<i32>} : memref<5120xf32, #tpu.memory_space<vmem>>, vector<16xf32>,
        %mul3A_2228 = arith.constant 20 : i32
        %mul3A_2229 = arith.muli %scan3A_2067, %mul3A_2228 : i32
        %add3A_2230 = arith.constant 2 : i32
        %add3A_2231 = arith.addi %mul3A_2229, %add3A_2230 : i32
        %get3A_2232 = arith.index_cast %add3A_2231 : i32 to index
        %get3A_2233 = arith.constant 0 : index
        %get3A_2234 = tpu.vector_load %arg14[%get3A_2232, %get3A_2233] {strides = array<i32>} : memref<320x128xf32, #tpu.memory_space<vmem>>, vector<16xf32>,
        %mul3A_2235 = arith.mulf %get3A_2069, %get3A_2234 : vector<16xf32>
        %get3A_2236 = arith.index_cast %add3A_2231 : i32 to index
        %get3A_2237 = arith.constant 16 : index
        %get3A_2238 = tpu.vector_load %arg14[%get3A_2236, %get3A_2237] {strides = array<i32>} : memref<320x128xf32, #tpu.memory_space<vmem>>, vector<16xf32>,
        %mul3A_2239 = arith.mulf %get3A_2072, %get3A_2238 : vector<16xf32>
        %add3A_2240 = arith.addf %mul3A_2235, %mul3A_2239 : vector<16xf32>
        %get3A_2241 = arith.index_cast %add3A_2231 : i32 to index
        %get3A_2242 = arith.constant 32 : index
        %get3A_2243 = tpu.vector_load %arg14[%get3A_2241, %get3A_2242] {strides = array<i32>} : memref<320x128xf32, #tpu.memory_space<vmem>>, vector<16xf32>,
        %mul3A_2244 = arith.mulf %get3A_2075, %get3A_2243 : vector<16xf32>
        %add3A_2245 = arith.addf %add3A_2240, %mul3A_2244 : vector<16xf32>
        %get3A_2246 = arith.index_cast %add3A_2231 : i32 to index
        %get3A_2247 = arith.constant 48 : index
        %get3A_2248 = tpu.vector_load %arg14[%get3A_2246, %get3A_2247] {strides = array<i32>} : memref<320x128xf32, #tpu.memory_space<vmem>>, vector<16xf32>,
        %mul3A_2249 = arith.mulf %get3A_2078, %get3A_2248 : vector<16xf32>
        %add3A_2250 = arith.addf %add3A_2245, %mul3A_2249 : vector<16xf32>
        %get3A_2251 = arith.index_cast %add3A_2231 : i32 to index
        %get3A_2252 = arith.constant 64 : index
        %get3A_2253 = tpu.vector_load %arg14[%get3A_2251, %get3A_2252] {strides = array<i32>} : memref<320x128xf32, #tpu.memory_space<vmem>>, vector<16xf32>,
        %mul3A_2254 = arith.mulf %get3A_2081, %get3A_2253 : vector<16xf32>
        %add3A_2255 = arith.addf %add3A_2250, %mul3A_2254 : vector<16xf32>
        %get3A_2256 = arith.index_cast %add3A_2231 : i32 to index
        %get3A_2257 = arith.constant 80 : index
        %get3A_2258 = tpu.vector_load %arg14[%get3A_2256, %get3A_2257] {strides = array<i32>} : memref<320x128xf32, #tpu.memory_space<vmem>>, vector<16xf32>,
        %mul3A_2259 = arith.mulf %get3A_2084, %get3A_2258 : vector<16xf32>
        %add3A_2260 = arith.addf %add3A_2255, %mul3A_2259 : vector<16xf32>
        %get3A_2261 = arith.index_cast %add3A_2231 : i32 to index
        %get3A_2262 = arith.constant 96 : index
        %get3A_2263 = tpu.vector_load %arg14[%get3A_2261, %get3A_2262] {strides = array<i32>} : memref<320x128xf32, #tpu.memory_space<vmem>>, vector<16xf32>,
        %mul3A_2264 = arith.mulf %get3A_2087, %get3A_2263 : vector<16xf32>
        %add3A_2265 = arith.addf %add3A_2260, %mul3A_2264 : vector<16xf32>
        %get3A_2266 = arith.index_cast %add3A_2231 : i32 to index
        %get3A_2267 = arith.constant 112 : index
        %get3A_2268 = tpu.vector_load %arg14[%get3A_2266, %get3A_2267] {strides = array<i32>} : memref<320x128xf32, #tpu.memory_space<vmem>>, vector<16xf32>,
        %mul3A_2269 = arith.mulf %get3A_2090, %get3A_2268 : vector<16xf32>
        %add3A_2270 = arith.addf %add3A_2265, %mul3A_2269 : vector<16xf32>
        %mul3A_2271 = arith.constant 16 : i32
        %mul3A_2272 = arith.muli %add3A_2231, %mul3A_2271 : i32
        %swap3A_2273 = arith.index_cast %mul3A_2272 : i32 to index
        %swap3A_2274 = tpu.vector_load %arg16[%swap3A_2273] {strides = array<i32>} : memref<5120xf32, #tpu.memory_space<vmem>>, vector<16xf32>,
        tpu.vector_store %arg16[%swap3A_2273], %add3A_2270 {strides = array<i32>} : memref<5120xf32, #tpu.memory_space<vmem>>, vector<16xf32>,
        %mul3A_2275 = arith.constant 20 : i32
        %mul3A_2276 = arith.muli %scan3A_2067, %mul3A_2275 : i32
        %add3A_2277 = arith.constant 3 : i32
        %add3A_2278 = arith.addi %mul3A_2276, %add3A_2277 : i32
        %get3A_2279 = arith.index_cast %add3A_2278 : i32 to index
        %get3A_2280 = arith.constant 0 : index
        %get3A_2281 = tpu.vector_load %arg14[%get3A_2279, %get3A_2280] {strides = array<i32>} : memref<320x128xf32, #tpu.memory_space<vmem>>, vector<16xf32>,
        %mul3A_2282 = arith.mulf %get3A_2069, %get3A_2281 : vector<16xf32>
        %get3A_2283 = arith.index_cast %add3A_2278 : i32 to index
        %get3A_2284 = arith.constant 16 : index
        %get3A_2285 = tpu.vector_load %arg14[%get3A_2283, %get3A_2284] {strides = array<i32>} : memref<320x128xf32, #tpu.memory_space<vmem>>, vector<16xf32>,
        %mul3A_2286 = arith.mulf %get3A_2072, %get3A_2285 : vector<16xf32>
        %add3A_2287 = arith.addf %mul3A_2282, %mul3A_2286 : vector<16xf32>
        %get3A_2288 = arith.index_cast %add3A_2278 : i32 to index
        %get3A_2289 = arith.constant 32 : index
        %get3A_2290 = tpu.vector_load %arg14[%get3A_2288, %get3A_2289] {strides = array<i32>} : memref<320x128xf32, #tpu.memory_space<vmem>>, vector<16xf32>,
        %mul3A_2291 = arith.mulf %get3A_2075, %get3A_2290 : vector<16xf32>
        %add3A_2292 = arith.addf %add3A_2287, %mul3A_2291 : vector<16xf32>
        %get3A_2293 = arith.index_cast %add3A_2278 : i32 to index
        %get3A_2294 = arith.constant 48 : index
        %get3A_2295 = tpu.vector_load %arg14[%get3A_2293, %get3A_2294] {strides = array<i32>} : memref<320x128xf32, #tpu.memory_space<vmem>>, vector<16xf32>,
        %mul3A_2296 = arith.mulf %get3A_2078, %get3A_2295 : vector<16xf32>
        %add3A_2297 = arith.addf %add3A_2292, %mul3A_2296 : vector<16xf32>
        %get3A_2298 = arith.index_cast %add3A_2278 : i32 to index
        %get3A_2299 = arith.constant 64 : index
        %get3A_2300 = tpu.vector_load %arg14[%get3A_2298, %get3A_2299] {strides = array<i32>} : memref<320x128xf32, #tpu.memory_space<vmem>>, vector<16xf32>,
        %mul3A_2301 = arith.mulf %get3A_2081, %get3A_2300 : vector<16xf32>
        %add3A_2302 = arith.addf %add3A_2297, %mul3A_2301 : vector<16xf32>
        %get3A_2303 = arith.index_cast %add3A_2278 : i32 to index
        %get3A_2304 = arith.constant 80 : index
        %get3A_2305 = tpu.vector_load %arg14[%get3A_2303, %get3A_2304] {strides = array<i32>} : memref<320x128xf32, #tpu.memory_space<vmem>>, vector<16xf32>,
        %mul3A_2306 = arith.mulf %get3A_2084, %get3A_2305 : vector<16xf32>
        %add3A_2307 = arith.addf %add3A_2302, %mul3A_2306 : vector<16xf32>
        %get3A_2308 = arith.index_cast %add3A_2278 : i32 to index
        %get3A_2309 = arith.constant 96 : index
        %get3A_2310 = tpu.vector_load %arg14[%get3A_2308, %get3A_2309] {strides = array<i32>} : memref<320x128xf32, #tpu.memory_space<vmem>>, vector<16xf32>,
        %mul3A_2311 = arith.mulf %get3A_2087, %get3A_2310 : vector<16xf32>
        %add3A_2312 = arith.addf %add3A_2307, %mul3A_2311 : vector<16xf32>
        %get3A_2313 = arith.index_cast %add3A_2278 : i32 to index
        %get3A_2314 = arith.constant 112 : index
        %get3A_2315 = tpu.vector_load %arg14[%get3A_2313, %get3A_2314] {strides = array<i32>} : memref<320x128xf32, #tpu.memory_space<vmem>>, vector<16xf32>,
        %mul3A_2316 = arith.mulf %get3A_2090, %get3A_2315 : vector<16xf32>
        %add3A_2317 = arith.addf %add3A_2312, %mul3A_2316 : vector<16xf32>
        %mul3A_2318 = arith.constant 16 : i32
        %mul3A_2319 = arith.muli %add3A_2278, %mul3A_2318 : i32
        %swap3A_2320 = arith.index_cast %mul3A_2319 : i32 to index
        %swap3A_2321 = tpu.vector_load %arg16[%swap3A_2320] {strides = array<i32>} : memref<5120xf32, #tpu.memory_space<vmem>>, vector<16xf32>,
        tpu.vector_store %arg16[%swap3A_2320], %add3A_2317 {strides = array<i32>} : memref<5120xf32, #tpu.memory_space<vmem>>, vector<16xf32>,
        %mul3A_2322 = arith.constant 20 : i32
        %mul3A_2323 = arith.muli %scan3A_2067, %mul3A_2322 : i32
        %add3A_2324 = arith.constant 4 : i32
        %add3A_2325 = arith.addi %mul3A_2323, %add3A_2324 : i32
        %get3A_2326 = arith.index_cast %add3A_2325 : i32 to index
        %get3A_2327 = arith.constant 0 : index
        %get3A_2328 = tpu.vector_load %arg14[%get3A_2326, %get3A_2327] {strides = array<i32>} : memref<320x128xf32, #tpu.memory_space<vmem>>, vector<16xf32>,
        %mul3A_2329 = arith.mulf %get3A_2069, %get3A_2328 : vector<16xf32>
        %get3A_2330 = arith.index_cast %add3A_2325 : i32 to index
        %get3A_2331 = arith.constant 16 : index
        %get3A_2332 = tpu.vector_load %arg14[%get3A_2330, %get3A_2331] {strides = array<i32>} : memref<320x128xf32, #tpu.memory_space<vmem>>, vector<16xf32>,
        %mul3A_2333 = arith.mulf %get3A_2072, %get3A_2332 : vector<16xf32>
        %add3A_2334 = arith.addf %mul3A_2329, %mul3A_2333 : vector<16xf32>
        %get3A_2335 = arith.index_cast %add3A_2325 : i32 to index
        %get3A_2336 = arith.constant 32 : index
        %get3A_2337 = tpu.vector_load %arg14[%get3A_2335, %get3A_2336] {strides = array<i32>} : memref<320x128xf32, #tpu.memory_space<vmem>>, vector<16xf32>,
        %mul3A_2338 = arith.mulf %get3A_2075, %get3A_2337 : vector<16xf32>
        %add3A_2339 = arith.addf %add3A_2334, %mul3A_2338 : vector<16xf32>
        %get3A_2340 = arith.index_cast %add3A_2325 : i32 to index
        %get3A_2341 = arith.constant 48 : index
        %get3A_2342 = tpu.vector_load %arg14[%get3A_2340, %get3A_2341] {strides = array<i32>} : memref<320x128xf32, #tpu.memory_space<vmem>>, vector<16xf32>,
        %mul3A_2343 = arith.mulf %get3A_2078, %get3A_2342 : vector<16xf32>
        %add3A_2344 = arith.addf %add3A_2339, %mul3A_2343 : vector<16xf32>
        %get3A_2345 = arith.index_cast %add3A_2325 : i32 to index
        %get3A_2346 = arith.constant 64 : index
        %get3A_2347 = tpu.vector_load %arg14[%get3A_2345, %get3A_2346] {strides = array<i32>} : memref<320x128xf32, #tpu.memory_space<vmem>>, vector<16xf32>,
        %mul3A_2348 = arith.mulf %get3A_2081, %get3A_2347 : vector<16xf32>
        %add3A_2349 = arith.addf %add3A_2344, %mul3A_2348 : vector<16xf32>
        %get3A_2350 = arith.index_cast %add3A_2325 : i32 to index
        %get3A_2351 = arith.constant 80 : index
        %get3A_2352 = tpu.vector_load %arg14[%get3A_2350, %get3A_2351] {strides = array<i32>} : memref<320x128xf32, #tpu.memory_space<vmem>>, vector<16xf32>,
        %mul3A_2353 = arith.mulf %get3A_2084, %get3A_2352 : vector<16xf32>
        %add3A_2354 = arith.addf %add3A_2349, %mul3A_2353 : vector<16xf32>
        %get3A_2355 = arith.index_cast %add3A_2325 : i32 to index
        %get3A_2356 = arith.constant 96 : index
        %get3A_2357 = tpu.vector_load %arg14[%get3A_2355, %get3A_2356] {strides = array<i32>} : memref<320x128xf32, #tpu.memory_space<vmem>>, vector<16xf32>,
        %mul3A_2358 = arith.mulf %get3A_2087, %get3A_2357 : vector<16xf32>
        %add3A_2359 = arith.addf %add3A_2354, %mul3A_2358 : vector<16xf32>
        %get3A_2360 = arith.index_cast %add3A_2325 : i32 to index
        %get3A_2361 = arith.constant 112 : index
        %get3A_2362 = tpu.vector_load %arg14[%get3A_2360, %get3A_2361] {strides = array<i32>} : memref<320x128xf32, #tpu.memory_space<vmem>>, vector<16xf32>,
        %mul3A_2363 = arith.mulf %get3A_2090, %get3A_2362 : vector<16xf32>
        %add3A_2364 = arith.addf %add3A_2359, %mul3A_2363 : vector<16xf32>
        %mul3A_2365 = arith.constant 16 : i32
        %mul3A_2366 = arith.muli %add3A_2325, %mul3A_2365 : i32
        %swap3A_2367 = arith.index_cast %mul3A_2366 : i32 to index
        %swap3A_2368 = tpu.vector_load %arg16[%swap3A_2367] {strides = array<i32>} : memref<5120xf32, #tpu.memory_space<vmem>>, vector<16xf32>,
        tpu.vector_store %arg16[%swap3A_2367], %add3A_2364 {strides = array<i32>} : memref<5120xf32, #tpu.memory_space<vmem>>, vector<16xf32>,
        %mul3A_2369 = arith.constant 20 : i32
        %mul3A_2370 = arith.muli %scan3A_2067, %mul3A_2369 : i32
        %add3A_2371 = arith.constant 5 : i32
        %add3A_2372 = arith.addi %mul3A_2370, %add3A_2371 : i32
        %get3A_2373 = arith.index_cast %add3A_2372 : i32 to index
        %get3A_2374 = arith.constant 0 : index
        %get3A_2375 = tpu.vector_load %arg14[%get3A_2373, %get3A_2374] {strides = array<i32>} : memref<320x128xf32, #tpu.memory_space<vmem>>, vector<16xf32>,
        %mul3A_2376 = arith.mulf %get3A_2069, %get3A_2375 : vector<16xf32>
        %get3A_2377 = arith.index_cast %add3A_2372 : i32 to index
        %get3A_2378 = arith.constant 16 : index
        %get3A_2379 = tpu.vector_load %arg14[%get3A_2377, %get3A_2378] {strides = array<i32>} : memref<320x128xf32, #tpu.memory_space<vmem>>, vector<16xf32>,
        %mul3A_2380 = arith.mulf %get3A_2072, %get3A_2379 : vector<16xf32>
        %add3A_2381 = arith.addf %mul3A_2376, %mul3A_2380 : vector<16xf32>
        %get3A_2382 = arith.index_cast %add3A_2372 : i32 to index
        %get3A_2383 = arith.constant 32 : index
        %get3A_2384 = tpu.vector_load %arg14[%get3A_2382, %get3A_2383] {strides = array<i32>} : memref<320x128xf32, #tpu.memory_space<vmem>>, vector<16xf32>,
        %mul3A_2385 = arith.mulf %get3A_2075, %get3A_2384 : vector<16xf32>
        %add3A_2386 = arith.addf %add3A_2381, %mul3A_2385 : vector<16xf32>
        %get3A_2387 = arith.index_cast %add3A_2372 : i32 to index
        %get3A_2388 = arith.constant 48 : index
        %get3A_2389 = tpu.vector_load %arg14[%get3A_2387, %get3A_2388] {strides = array<i32>} : memref<320x128xf32, #tpu.memory_space<vmem>>, vector<16xf32>,
        %mul3A_2390 = arith.mulf %get3A_2078, %get3A_2389 : vector<16xf32>
        %add3A_2391 = arith.addf %add3A_2386, %mul3A_2390 : vector<16xf32>
        %get3A_2392 = arith.index_cast %add3A_2372 : i32 to index
        %get3A_2393 = arith.constant 64 : index
        %get3A_2394 = tpu.vector_load %arg14[%get3A_2392, %get3A_2393] {strides = array<i32>} : memref<320x128xf32, #tpu.memory_space<vmem>>, vector<16xf32>,
        %mul3A_2395 = arith.mulf %get3A_2081, %get3A_2394 : vector<16xf32>
        %add3A_2396 = arith.addf %add3A_2391, %mul3A_2395 : vector<16xf32>
        %get3A_2397 = arith.index_cast %add3A_2372 : i32 to index
        %get3A_2398 = arith.constant 80 : index
        %get3A_2399 = tpu.vector_load %arg14[%get3A_2397, %get3A_2398] {strides = array<i32>} : memref<320x128xf32, #tpu.memory_space<vmem>>, vector<16xf32>,
        %mul3A_2400 = arith.mulf %get3A_2084, %get3A_2399 : vector<16xf32>
        %add3A_2401 = arith.addf %add3A_2396, %mul3A_2400 : vector<16xf32>
        %get3A_2402 = arith.index_cast %add3A_2372 : i32 to index
        %get3A_2403 = arith.constant 96 : index
        %get3A_2404 = tpu.vector_load %arg14[%get3A_2402, %get3A_2403] {strides = array<i32>} : memref<320x128xf32, #tpu.memory_space<vmem>>, vector<16xf32>,
        %mul3A_2405 = arith.mulf %get3A_2087, %get3A_2404 : vector<16xf32>
        %add3A_2406 = arith.addf %add3A_2401, %mul3A_2405 : vector<16xf32>
        %get3A_2407 = arith.index_cast %add3A_2372 : i32 to index
        %get3A_2408 = arith.constant 112 : index
        %get3A_2409 = tpu.vector_load %arg14[%get3A_2407, %get3A_2408] {strides = array<i32>} : memref<320x128xf32, #tpu.memory_space<vmem>>, vector<16xf32>,
        %mul3A_2410 = arith.mulf %get3A_2090, %get3A_2409 : vector<16xf32>
        %add3A_2411 = arith.addf %add3A_2406, %mul3A_2410 : vector<16xf32>
        %mul3A_2412 = arith.constant 16 : i32
        %mul3A_2413 = arith.muli %add3A_2372, %mul3A_2412 : i32
        %swap3A_2414 = arith.index_cast %mul3A_2413 : i32 to index
        %swap3A_2415 = tpu.vector_load %arg16[%swap3A_2414] {strides = array<i32>} : memref<5120xf32, #tpu.memory_space<vmem>>, vector<16xf32>,
        tpu.vector_store %arg16[%swap3A_2414], %add3A_2411 {strides = array<i32>} : memref<5120xf32, #tpu.memory_space<vmem>>, vector<16xf32>,
        %mul3A_2416 = arith.constant 20 : i32
        %mul3A_2417 = arith.muli %scan3A_2067, %mul3A_2416 : i32
        %add3A_2418 = arith.constant 6 : i32
        %add3A_2419 = arith.addi %mul3A_2417, %add3A_2418 : i32
        %get3A_2420 = arith.index_cast %add3A_2419 : i32 to index
        %get3A_2421 = arith.constant 0 : index
        %get3A_2422 = tpu.vector_load %arg14[%get3A_2420, %get3A_2421] {strides = array<i32>} : memref<320x128xf32, #tpu.memory_space<vmem>>, vector<16xf32>,
        %mul3A_2423 = arith.mulf %get3A_2069, %get3A_2422 : vector<16xf32>
        %get3A_2424 = arith.index_cast %add3A_2419 : i32 to index
        %get3A_2425 = arith.constant 16 : index
        %get3A_2426 = tpu.vector_load %arg14[%get3A_2424, %get3A_2425] {strides = array<i32>} : memref<320x128xf32, #tpu.memory_space<vmem>>, vector<16xf32>,
        %mul3A_2427 = arith.mulf %get3A_2072, %get3A_2426 : vector<16xf32>
        %add3A_2428 = arith.addf %mul3A_2423, %mul3A_2427 : vector<16xf32>
        %get3A_2429 = arith.index_cast %add3A_2419 : i32 to index
        %get3A_2430 = arith.constant 32 : index
        %get3A_2431 = tpu.vector_load %arg14[%get3A_2429, %get3A_2430] {strides = array<i32>} : memref<320x128xf32, #tpu.memory_space<vmem>>, vector<16xf32>,
        %mul3A_2432 = arith.mulf %get3A_2075, %get3A_2431 : vector<16xf32>
        %add3A_2433 = arith.addf %add3A_2428, %mul3A_2432 : vector<16xf32>
        %get3A_2434 = arith.index_cast %add3A_2419 : i32 to index
        %get3A_2435 = arith.constant 48 : index
        %get3A_2436 = tpu.vector_load %arg14[%get3A_2434, %get3A_2435] {strides = array<i32>} : memref<320x128xf32, #tpu.memory_space<vmem>>, vector<16xf32>,
        %mul3A_2437 = arith.mulf %get3A_2078, %get3A_2436 : vector<16xf32>
        %add3A_2438 = arith.addf %add3A_2433, %mul3A_2437 : vector<16xf32>
        %get3A_2439 = arith.index_cast %add3A_2419 : i32 to index
        %get3A_2440 = arith.constant 64 : index
        %get3A_2441 = tpu.vector_load %arg14[%get3A_2439, %get3A_2440] {strides = array<i32>} : memref<320x128xf32, #tpu.memory_space<vmem>>, vector<16xf32>,
        %mul3A_2442 = arith.mulf %get3A_2081, %get3A_2441 : vector<16xf32>
        %add3A_2443 = arith.addf %add3A_2438, %mul3A_2442 : vector<16xf32>
        %get3A_2444 = arith.index_cast %add3A_2419 : i32 to index
        %get3A_2445 = arith.constant 80 : index
        %get3A_2446 = tpu.vector_load %arg14[%get3A_2444, %get3A_2445] {strides = array<i32>} : memref<320x128xf32, #tpu.memory_space<vmem>>, vector<16xf32>,
        %mul3A_2447 = arith.mulf %get3A_2084, %get3A_2446 : vector<16xf32>
        %add3A_2448 = arith.addf %add3A_2443, %mul3A_2447 : vector<16xf32>
        %get3A_2449 = arith.index_cast %add3A_2419 : i32 to index
        %get3A_2450 = arith.constant 96 : index
        %get3A_2451 = tpu.vector_load %arg14[%get3A_2449, %get3A_2450] {strides = array<i32>} : memref<320x128xf32, #tpu.memory_space<vmem>>, vector<16xf32>,
        %mul3A_2452 = arith.mulf %get3A_2087, %get3A_2451 : vector<16xf32>
        %add3A_2453 = arith.addf %add3A_2448, %mul3A_2452 : vector<16xf32>
        %get3A_2454 = arith.index_cast %add3A_2419 : i32 to index
        %get3A_2455 = arith.constant 112 : index
        %get3A_2456 = tpu.vector_load %arg14[%get3A_2454, %get3A_2455] {strides = array<i32>} : memref<320x128xf32, #tpu.memory_space<vmem>>, vector<16xf32>,
        %mul3A_2457 = arith.mulf %get3A_2090, %get3A_2456 : vector<16xf32>
        %add3A_2458 = arith.addf %add3A_2453, %mul3A_2457 : vector<16xf32>
        %mul3A_2459 = arith.constant 16 : i32
        %mul3A_2460 = arith.muli %add3A_2419, %mul3A_2459 : i32
        %swap3A_2461 = arith.index_cast %mul3A_2460 : i32 to index
        %swap3A_2462 = tpu.vector_load %arg16[%swap3A_2461] {strides = array<i32>} : memref<5120xf32, #tpu.memory_space<vmem>>, vector<16xf32>,
        tpu.vector_store %arg16[%swap3A_2461], %add3A_2458 {strides = array<i32>} : memref<5120xf32, #tpu.memory_space<vmem>>, vector<16xf32>,
        %mul3A_2463 = arith.constant 20 : i32
        %mul3A_2464 = arith.muli %scan3A_2067, %mul3A_2463 : i32
        %add3A_2465 = arith.constant 7 : i32
        %add3A_2466 = arith.addi %mul3A_2464, %add3A_2465 : i32
        %get3A_2467 = arith.index_cast %add3A_2466 : i32 to index
        %get3A_2468 = arith.constant 0 : index
        %get3A_2469 = tpu.vector_load %arg14[%get3A_2467, %get3A_2468] {strides = array<i32>} : memref<320x128xf32, #tpu.memory_space<vmem>>, vector<16xf32>,
        %mul3A_2470 = arith.mulf %get3A_2069, %get3A_2469 : vector<16xf32>
        %get3A_2471 = arith.index_cast %add3A_2466 : i32 to index
        %get3A_2472 = arith.constant 16 : index
        %get3A_2473 = tpu.vector_load %arg14[%get3A_2471, %get3A_2472] {strides = array<i32>} : memref<320x128xf32, #tpu.memory_space<vmem>>, vector<16xf32>,
        %mul3A_2474 = arith.mulf %get3A_2072, %get3A_2473 : vector<16xf32>
        %add3A_2475 = arith.addf %mul3A_2470, %mul3A_2474 : vector<16xf32>
        %get3A_2476 = arith.index_cast %add3A_2466 : i32 to index
        %get3A_2477 = arith.constant 32 : index
        %get3A_2478 = tpu.vector_load %arg14[%get3A_2476, %get3A_2477] {strides = array<i32>} : memref<320x128xf32, #tpu.memory_space<vmem>>, vector<16xf32>,
        %mul3A_2479 = arith.mulf %get3A_2075, %get3A_2478 : vector<16xf32>
        %add3A_2480 = arith.addf %add3A_2475, %mul3A_2479 : vector<16xf32>
        %get3A_2481 = arith.index_cast %add3A_2466 : i32 to index
        %get3A_2482 = arith.constant 48 : index
        %get3A_2483 = tpu.vector_load %arg14[%get3A_2481, %get3A_2482] {strides = array<i32>} : memref<320x128xf32, #tpu.memory_space<vmem>>, vector<16xf32>,
        %mul3A_2484 = arith.mulf %get3A_2078, %get3A_2483 : vector<16xf32>
        %add3A_2485 = arith.addf %add3A_2480, %mul3A_2484 : vector<16xf32>
        %get3A_2486 = arith.index_cast %add3A_2466 : i32 to index
        %get3A_2487 = arith.constant 64 : index
        %get3A_2488 = tpu.vector_load %arg14[%get3A_2486, %get3A_2487] {strides = array<i32>} : memref<320x128xf32, #tpu.memory_space<vmem>>, vector<16xf32>,
        %mul3A_2489 = arith.mulf %get3A_2081, %get3A_2488 : vector<16xf32>
        %add3A_2490 = arith.addf %add3A_2485, %mul3A_2489 : vector<16xf32>
        %get3A_2491 = arith.index_cast %add3A_2466 : i32 to index
        %get3A_2492 = arith.constant 80 : index
        %get3A_2493 = tpu.vector_load %arg14[%get3A_2491, %get3A_2492] {strides = array<i32>} : memref<320x128xf32, #tpu.memory_space<vmem>>, vector<16xf32>,
        %mul3A_2494 = arith.mulf %get3A_2084, %get3A_2493 : vector<16xf32>
        %add3A_2495 = arith.addf %add3A_2490, %mul3A_2494 : vector<16xf32>
        %get3A_2496 = arith.index_cast %add3A_2466 : i32 to index
        %get3A_2497 = arith.constant 96 : index
        %get3A_2498 = tpu.vector_load %arg14[%get3A_2496, %get3A_2497] {strides = array<i32>} : memref<320x128xf32, #tpu.memory_space<vmem>>, vector<16xf32>,
        %mul3A_2499 = arith.mulf %get3A_2087, %get3A_2498 : vector<16xf32>
        %add3A_2500 = arith.addf %add3A_2495, %mul3A_2499 : vector<16xf32>
        %get3A_2501 = arith.index_cast %add3A_2466 : i32 to index
        %get3A_2502 = arith.constant 112 : index
        %get3A_2503 = tpu.vector_load %arg14[%get3A_2501, %get3A_2502] {strides = array<i32>} : memref<320x128xf32, #tpu.memory_space<vmem>>, vector<16xf32>,
        %mul3A_2504 = arith.mulf %get3A_2090, %get3A_2503 : vector<16xf32>
        %add3A_2505 = arith.addf %add3A_2500, %mul3A_2504 : vector<16xf32>
        %mul3A_2506 = arith.constant 16 : i32
        %mul3A_2507 = arith.muli %add3A_2466, %mul3A_2506 : i32
        %swap3A_2508 = arith.index_cast %mul3A_2507 : i32 to index
        %swap3A_2509 = tpu.vector_load %arg16[%swap3A_2508] {strides = array<i32>} : memref<5120xf32, #tpu.memory_space<vmem>>, vector<16xf32>,
        tpu.vector_store %arg16[%swap3A_2508], %add3A_2505 {strides = array<i32>} : memref<5120xf32, #tpu.memory_space<vmem>>, vector<16xf32>,
        %mul3A_2510 = arith.constant 20 : i32
        %mul3A_2511 = arith.muli %scan3A_2067, %mul3A_2510 : i32
        %add3A_2512 = arith.constant 8 : i32
        %add3A_2513 = arith.addi %mul3A_2511, %add3A_2512 : i32
        %get3A_2514 = arith.index_cast %add3A_2513 : i32 to index
        %get3A_2515 = arith.constant 0 : index
        %get3A_2516 = tpu.vector_load %arg14[%get3A_2514, %get3A_2515] {strides = array<i32>} : memref<320x128xf32, #tpu.memory_space<vmem>>, vector<16xf32>,
        %mul3A_2517 = arith.mulf %get3A_2069, %get3A_2516 : vector<16xf32>
        %get3A_2518 = arith.index_cast %add3A_2513 : i32 to index
        %get3A_2519 = arith.constant 16 : index
        %get3A_2520 = tpu.vector_load %arg14[%get3A_2518, %get3A_2519] {strides = array<i32>} : memref<320x128xf32, #tpu.memory_space<vmem>>, vector<16xf32>,
        %mul3A_2521 = arith.mulf %get3A_2072, %get3A_2520 : vector<16xf32>
        %add3A_2522 = arith.addf %mul3A_2517, %mul3A_2521 : vector<16xf32>
        %get3A_2523 = arith.index_cast %add3A_2513 : i32 to index
        %get3A_2524 = arith.constant 32 : index
        %get3A_2525 = tpu.vector_load %arg14[%get3A_2523, %get3A_2524] {strides = array<i32>} : memref<320x128xf32, #tpu.memory_space<vmem>>, vector<16xf32>,
        %mul3A_2526 = arith.mulf %get3A_2075, %get3A_2525 : vector<16xf32>
        %add3A_2527 = arith.addf %add3A_2522, %mul3A_2526 : vector<16xf32>
        %get3A_2528 = arith.index_cast %add3A_2513 : i32 to index
        %get3A_2529 = arith.constant 48 : index
        %get3A_2530 = tpu.vector_load %arg14[%get3A_2528, %get3A_2529] {strides = array<i32>} : memref<320x128xf32, #tpu.memory_space<vmem>>, vector<16xf32>,
        %mul3A_2531 = arith.mulf %get3A_2078, %get3A_2530 : vector<16xf32>
        %add3A_2532 = arith.addf %add3A_2527, %mul3A_2531 : vector<16xf32>
        %get3A_2533 = arith.index_cast %add3A_2513 : i32 to index
        %get3A_2534 = arith.constant 64 : index
        %get3A_2535 = tpu.vector_load %arg14[%get3A_2533, %get3A_2534] {strides = array<i32>} : memref<320x128xf32, #tpu.memory_space<vmem>>, vector<16xf32>,
        %mul3A_2536 = arith.mulf %get3A_2081, %get3A_2535 : vector<16xf32>
        %add3A_2537 = arith.addf %add3A_2532, %mul3A_2536 : vector<16xf32>
        %get3A_2538 = arith.index_cast %add3A_2513 : i32 to index
        %get3A_2539 = arith.constant 80 : index
        %get3A_2540 = tpu.vector_load %arg14[%get3A_2538, %get3A_2539] {strides = array<i32>} : memref<320x128xf32, #tpu.memory_space<vmem>>, vector<16xf32>,
        %mul3A_2541 = arith.mulf %get3A_2084, %get3A_2540 : vector<16xf32>
        %add3A_2542 = arith.addf %add3A_2537, %mul3A_2541 : vector<16xf32>
        %get3A_2543 = arith.index_cast %add3A_2513 : i32 to index
        %get3A_2544 = arith.constant 96 : index
        %get3A_2545 = tpu.vector_load %arg14[%get3A_2543, %get3A_2544] {strides = array<i32>} : memref<320x128xf32, #tpu.memory_space<vmem>>, vector<16xf32>,
        %mul3A_2546 = arith.mulf %get3A_2087, %get3A_2545 : vector<16xf32>
        %add3A_2547 = arith.addf %add3A_2542, %mul3A_2546 : vector<16xf32>
        %get3A_2548 = arith.index_cast %add3A_2513 : i32 to index
        %get3A_2549 = arith.constant 112 : index
        %get3A_2550 = tpu.vector_load %arg14[%get3A_2548, %get3A_2549] {strides = array<i32>} : memref<320x128xf32, #tpu.memory_space<vmem>>, vector<16xf32>,
        %mul3A_2551 = arith.mulf %get3A_2090, %get3A_2550 : vector<16xf32>
        %add3A_2552 = arith.addf %add3A_2547, %mul3A_2551 : vector<16xf32>
        %mul3A_2553 = arith.constant 16 : i32
        %mul3A_2554 = arith.muli %add3A_2513, %mul3A_2553 : i32
        %swap3A_2555 = arith.index_cast %mul3A_2554 : i32 to index
        %swap3A_2556 = tpu.vector_load %arg16[%swap3A_2555] {strides = array<i32>} : memref<5120xf32, #tpu.memory_space<vmem>>, vector<16xf32>,
        tpu.vector_store %arg16[%swap3A_2555], %add3A_2552 {strides = array<i32>} : memref<5120xf32, #tpu.memory_space<vmem>>, vector<16xf32>,
        %mul3A_2557 = arith.constant 20 : i32
        %mul3A_2558 = arith.muli %scan3A_2067, %mul3A_2557 : i32
        %add3A_2559 = arith.constant 9 : i32
        %add3A_2560 = arith.addi %mul3A_2558, %add3A_2559 : i32
        %get3A_2561 = arith.index_cast %add3A_2560 : i32 to index
        %get3A_2562 = arith.constant 0 : index
        %get3A_2563 = tpu.vector_load %arg14[%get3A_2561, %get3A_2562] {strides = array<i32>} : memref<320x128xf32, #tpu.memory_space<vmem>>, vector<16xf32>,
        %mul3A_2564 = arith.mulf %get3A_2069, %get3A_2563 : vector<16xf32>
        %get3A_2565 = arith.index_cast %add3A_2560 : i32 to index
        %get3A_2566 = arith.constant 16 : index
        %get3A_2567 = tpu.vector_load %arg14[%get3A_2565, %get3A_2566] {strides = array<i32>} : memref<320x128xf32, #tpu.memory_space<vmem>>, vector<16xf32>,
        %mul3A_2568 = arith.mulf %get3A_2072, %get3A_2567 : vector<16xf32>
        %add3A_2569 = arith.addf %mul3A_2564, %mul3A_2568 : vector<16xf32>
        %get3A_2570 = arith.index_cast %add3A_2560 : i32 to index
        %get3A_2571 = arith.constant 32 : index
        %get3A_2572 = tpu.vector_load %arg14[%get3A_2570, %get3A_2571] {strides = array<i32>} : memref<320x128xf32, #tpu.memory_space<vmem>>, vector<16xf32>,
        %mul3A_2573 = arith.mulf %get3A_2075, %get3A_2572 : vector<16xf32>
        %add3A_2574 = arith.addf %add3A_2569, %mul3A_2573 : vector<16xf32>
        %get3A_2575 = arith.index_cast %add3A_2560 : i32 to index
        %get3A_2576 = arith.constant 48 : index
        %get3A_2577 = tpu.vector_load %arg14[%get3A_2575, %get3A_2576] {strides = array<i32>} : memref<320x128xf32, #tpu.memory_space<vmem>>, vector<16xf32>,
        %mul3A_2578 = arith.mulf %get3A_2078, %get3A_2577 : vector<16xf32>
        %add3A_2579 = arith.addf %add3A_2574, %mul3A_2578 : vector<16xf32>
        %get3A_2580 = arith.index_cast %add3A_2560 : i32 to index
        %get3A_2581 = arith.constant 64 : index
        %get3A_2582 = tpu.vector_load %arg14[%get3A_2580, %get3A_2581] {strides = array<i32>} : memref<320x128xf32, #tpu.memory_space<vmem>>, vector<16xf32>,
        %mul3A_2583 = arith.mulf %get3A_2081, %get3A_2582 : vector<16xf32>
        %add3A_2584 = arith.addf %add3A_2579, %mul3A_2583 : vector<16xf32>
        %get3A_2585 = arith.index_cast %add3A_2560 : i32 to index
        %get3A_2586 = arith.constant 80 : index
        %get3A_2587 = tpu.vector_load %arg14[%get3A_2585, %get3A_2586] {strides = array<i32>} : memref<320x128xf32, #tpu.memory_space<vmem>>, vector<16xf32>,
        %mul3A_2588 = arith.mulf %get3A_2084, %get3A_2587 : vector<16xf32>
        %add3A_2589 = arith.addf %add3A_2584, %mul3A_2588 : vector<16xf32>
        %get3A_2590 = arith.index_cast %add3A_2560 : i32 to index
        %get3A_2591 = arith.constant 96 : index
        %get3A_2592 = tpu.vector_load %arg14[%get3A_2590, %get3A_2591] {strides = array<i32>} : memref<320x128xf32, #tpu.memory_space<vmem>>, vector<16xf32>,
        %mul3A_2593 = arith.mulf %get3A_2087, %get3A_2592 : vector<16xf32>
        %add3A_2594 = arith.addf %add3A_2589, %mul3A_2593 : vector<16xf32>
        %get3A_2595 = arith.index_cast %add3A_2560 : i32 to index
        %get3A_2596 = arith.constant 112 : index
        %get3A_2597 = tpu.vector_load %arg14[%get3A_2595, %get3A_2596] {strides = array<i32>} : memref<320x128xf32, #tpu.memory_space<vmem>>, vector<16xf32>,
        %mul3A_2598 = arith.mulf %get3A_2090, %get3A_2597 : vector<16xf32>
        %add3A_2599 = arith.addf %add3A_2594, %mul3A_2598 : vector<16xf32>
        %mul3A_2600 = arith.constant 16 : i32
        %mul3A_2601 = arith.muli %add3A_2560, %mul3A_2600 : i32
        %swap3A_2602 = arith.index_cast %mul3A_2601 : i32 to index
        %swap3A_2603 = tpu.vector_load %arg16[%swap3A_2602] {strides = array<i32>} : memref<5120xf32, #tpu.memory_space<vmem>>, vector<16xf32>,
        tpu.vector_store %arg16[%swap3A_2602], %add3A_2599 {strides = array<i32>} : memref<5120xf32, #tpu.memory_space<vmem>>, vector<16xf32>,
        %mul3A_2604 = arith.constant 20 : i32
        %mul3A_2605 = arith.muli %scan3A_2067, %mul3A_2604 : i32
        %add3A_2606 = arith.constant 10 : i32
        %add3A_2607 = arith.addi %mul3A_2605, %add3A_2606 : i32
        %get3A_2608 = arith.index_cast %add3A_2607 : i32 to index
        %get3A_2609 = arith.constant 0 : index
        %get3A_2610 = tpu.vector_load %arg14[%get3A_2608, %get3A_2609] {strides = array<i32>} : memref<320x128xf32, #tpu.memory_space<vmem>>, vector<16xf32>,
        %mul3A_2611 = arith.mulf %get3A_2069, %get3A_2610 : vector<16xf32>
        %get3A_2612 = arith.index_cast %add3A_2607 : i32 to index
        %get3A_2613 = arith.constant 16 : index
        %get3A_2614 = tpu.vector_load %arg14[%get3A_2612, %get3A_2613] {strides = array<i32>} : memref<320x128xf32, #tpu.memory_space<vmem>>, vector<16xf32>,
        %mul3A_2615 = arith.mulf %get3A_2072, %get3A_2614 : vector<16xf32>
        %add3A_2616 = arith.addf %mul3A_2611, %mul3A_2615 : vector<16xf32>
        %get3A_2617 = arith.index_cast %add3A_2607 : i32 to index
        %get3A_2618 = arith.constant 32 : index
        %get3A_2619 = tpu.vector_load %arg14[%get3A_2617, %get3A_2618] {strides = array<i32>} : memref<320x128xf32, #tpu.memory_space<vmem>>, vector<16xf32>,
        %mul3A_2620 = arith.mulf %get3A_2075, %get3A_2619 : vector<16xf32>
        %add3A_2621 = arith.addf %add3A_2616, %mul3A_2620 : vector<16xf32>
        %get3A_2622 = arith.index_cast %add3A_2607 : i32 to index
        %get3A_2623 = arith.constant 48 : index
        %get3A_2624 = tpu.vector_load %arg14[%get3A_2622, %get3A_2623] {strides = array<i32>} : memref<320x128xf32, #tpu.memory_space<vmem>>, vector<16xf32>,
        %mul3A_2625 = arith.mulf %get3A_2078, %get3A_2624 : vector<16xf32>
        %add3A_2626 = arith.addf %add3A_2621, %mul3A_2625 : vector<16xf32>
        %get3A_2627 = arith.index_cast %add3A_2607 : i32 to index
        %get3A_2628 = arith.constant 64 : index
        %get3A_2629 = tpu.vector_load %arg14[%get3A_2627, %get3A_2628] {strides = array<i32>} : memref<320x128xf32, #tpu.memory_space<vmem>>, vector<16xf32>,
        %mul3A_2630 = arith.mulf %get3A_2081, %get3A_2629 : vector<16xf32>
        %add3A_2631 = arith.addf %add3A_2626, %mul3A_2630 : vector<16xf32>
        %get3A_2632 = arith.index_cast %add3A_2607 : i32 to index
        %get3A_2633 = arith.constant 80 : index
        %get3A_2634 = tpu.vector_load %arg14[%get3A_2632, %get3A_2633] {strides = array<i32>} : memref<320x128xf32, #tpu.memory_space<vmem>>, vector<16xf32>,
        %mul3A_2635 = arith.mulf %get3A_2084, %get3A_2634 : vector<16xf32>
        %add3A_2636 = arith.addf %add3A_2631, %mul3A_2635 : vector<16xf32>
        %get3A_2637 = arith.index_cast %add3A_2607 : i32 to index
        %get3A_2638 = arith.constant 96 : index
        %get3A_2639 = tpu.vector_load %arg14[%get3A_2637, %get3A_2638] {strides = array<i32>} : memref<320x128xf32, #tpu.memory_space<vmem>>, vector<16xf32>,
        %mul3A_2640 = arith.mulf %get3A_2087, %get3A_2639 : vector<16xf32>
        %add3A_2641 = arith.addf %add3A_2636, %mul3A_2640 : vector<16xf32>
        %get3A_2642 = arith.index_cast %add3A_2607 : i32 to index
        %get3A_2643 = arith.constant 112 : index
        %get3A_2644 = tpu.vector_load %arg14[%get3A_2642, %get3A_2643] {strides = array<i32>} : memref<320x128xf32, #tpu.memory_space<vmem>>, vector<16xf32>,
        %mul3A_2645 = arith.mulf %get3A_2090, %get3A_2644 : vector<16xf32>
        %add3A_2646 = arith.addf %add3A_2641, %mul3A_2645 : vector<16xf32>
        %mul3A_2647 = arith.constant 16 : i32
        %mul3A_2648 = arith.muli %add3A_2607, %mul3A_2647 : i32
        %swap3A_2649 = arith.index_cast %mul3A_2648 : i32 to index
        %swap3A_2650 = tpu.vector_load %arg16[%swap3A_2649] {strides = array<i32>} : memref<5120xf32, #tpu.memory_space<vmem>>, vector<16xf32>,
        tpu.vector_store %arg16[%swap3A_2649], %add3A_2646 {strides = array<i32>} : memref<5120xf32, #tpu.memory_space<vmem>>, vector<16xf32>,
        %mul3A_2651 = arith.constant 20 : i32
        %mul3A_2652 = arith.muli %scan3A_2067, %mul3A_2651 : i32
        %add3A_2653 = arith.constant 11 : i32
        %add3A_2654 = arith.addi %mul3A_2652, %add3A_2653 : i32
        %get3A_2655 = arith.index_cast %add3A_2654 : i32 to index
        %get3A_2656 = arith.constant 0 : index
        %get3A_2657 = tpu.vector_load %arg14[%get3A_2655, %get3A_2656] {strides = array<i32>} : memref<320x128xf32, #tpu.memory_space<vmem>>, vector<16xf32>,
        %mul3A_2658 = arith.mulf %get3A_2069, %get3A_2657 : vector<16xf32>
        %get3A_2659 = arith.index_cast %add3A_2654 : i32 to index
        %get3A_2660 = arith.constant 16 : index
        %get3A_2661 = tpu.vector_load %arg14[%get3A_2659, %get3A_2660] {strides = array<i32>} : memref<320x128xf32, #tpu.memory_space<vmem>>, vector<16xf32>,
        %mul3A_2662 = arith.mulf %get3A_2072, %get3A_2661 : vector<16xf32>
        %add3A_2663 = arith.addf %mul3A_2658, %mul3A_2662 : vector<16xf32>
        %get3A_2664 = arith.index_cast %add3A_2654 : i32 to index
        %get3A_2665 = arith.constant 32 : index
        %get3A_2666 = tpu.vector_load %arg14[%get3A_2664, %get3A_2665] {strides = array<i32>} : memref<320x128xf32, #tpu.memory_space<vmem>>, vector<16xf32>,
        %mul3A_2667 = arith.mulf %get3A_2075, %get3A_2666 : vector<16xf32>
        %add3A_2668 = arith.addf %add3A_2663, %mul3A_2667 : vector<16xf32>
        %get3A_2669 = arith.index_cast %add3A_2654 : i32 to index
        %get3A_2670 = arith.constant 48 : index
        %get3A_2671 = tpu.vector_load %arg14[%get3A_2669, %get3A_2670] {strides = array<i32>} : memref<320x128xf32, #tpu.memory_space<vmem>>, vector<16xf32>,
        %mul3A_2672 = arith.mulf %get3A_2078, %get3A_2671 : vector<16xf32>
        %add3A_2673 = arith.addf %add3A_2668, %mul3A_2672 : vector<16xf32>
        %get3A_2674 = arith.index_cast %add3A_2654 : i32 to index
        %get3A_2675 = arith.constant 64 : index
        %get3A_2676 = tpu.vector_load %arg14[%get3A_2674, %get3A_2675] {strides = array<i32>} : memref<320x128xf32, #tpu.memory_space<vmem>>, vector<16xf32>,
        %mul3A_2677 = arith.mulf %get3A_2081, %get3A_2676 : vector<16xf32>
        %add3A_2678 = arith.addf %add3A_2673, %mul3A_2677 : vector<16xf32>
        %get3A_2679 = arith.index_cast %add3A_2654 : i32 to index
        %get3A_2680 = arith.constant 80 : index
        %get3A_2681 = tpu.vector_load %arg14[%get3A_2679, %get3A_2680] {strides = array<i32>} : memref<320x128xf32, #tpu.memory_space<vmem>>, vector<16xf32>,
        %mul3A_2682 = arith.mulf %get3A_2084, %get3A_2681 : vector<16xf32>
        %add3A_2683 = arith.addf %add3A_2678, %mul3A_2682 : vector<16xf32>
        %get3A_2684 = arith.index_cast %add3A_2654 : i32 to index
        %get3A_2685 = arith.constant 96 : index
        %get3A_2686 = tpu.vector_load %arg14[%get3A_2684, %get3A_2685] {strides = array<i32>} : memref<320x128xf32, #tpu.memory_space<vmem>>, vector<16xf32>,
        %mul3A_2687 = arith.mulf %get3A_2087, %get3A_2686 : vector<16xf32>
        %add3A_2688 = arith.addf %add3A_2683, %mul3A_2687 : vector<16xf32>
        %get3A_2689 = arith.index_cast %add3A_2654 : i32 to index
        %get3A_2690 = arith.constant 112 : index
        %get3A_2691 = tpu.vector_load %arg14[%get3A_2689, %get3A_2690] {strides = array<i32>} : memref<320x128xf32, #tpu.memory_space<vmem>>, vector<16xf32>,
        %mul3A_2692 = arith.mulf %get3A_2090, %get3A_2691 : vector<16xf32>
        %add3A_2693 = arith.addf %add3A_2688, %mul3A_2692 : vector<16xf32>
        %mul3A_2694 = arith.constant 16 : i32
        %mul3A_2695 = arith.muli %add3A_2654, %mul3A_2694 : i32
        %swap3A_2696 = arith.index_cast %mul3A_2695 : i32 to index
        %swap3A_2697 = tpu.vector_load %arg16[%swap3A_2696] {strides = array<i32>} : memref<5120xf32, #tpu.memory_space<vmem>>, vector<16xf32>,
        tpu.vector_store %arg16[%swap3A_2696], %add3A_2693 {strides = array<i32>} : memref<5120xf32, #tpu.memory_space<vmem>>, vector<16xf32>,
        %mul3A_2698 = arith.constant 20 : i32
        %mul3A_2699 = arith.muli %scan3A_2067, %mul3A_2698 : i32
        %add3A_2700 = arith.constant 12 : i32
        %add3A_2701 = arith.addi %mul3A_2699, %add3A_2700 : i32
        %get3A_2702 = arith.index_cast %add3A_2701 : i32 to index
        %get3A_2703 = arith.constant 0 : index
        %get3A_2704 = tpu.vector_load %arg14[%get3A_2702, %get3A_2703] {strides = array<i32>} : memref<320x128xf32, #tpu.memory_space<vmem>>, vector<16xf32>,
        %mul3A_2705 = arith.mulf %get3A_2069, %get3A_2704 : vector<16xf32>
        %get3A_2706 = arith.index_cast %add3A_2701 : i32 to index
        %get3A_2707 = arith.constant 16 : index
        %get3A_2708 = tpu.vector_load %arg14[%get3A_2706, %get3A_2707] {strides = array<i32>} : memref<320x128xf32, #tpu.memory_space<vmem>>, vector<16xf32>,
        %mul3A_2709 = arith.mulf %get3A_2072, %get3A_2708 : vector<16xf32>
        %add3A_2710 = arith.addf %mul3A_2705, %mul3A_2709 : vector<16xf32>
        %get3A_2711 = arith.index_cast %add3A_2701 : i32 to index
        %get3A_2712 = arith.constant 32 : index
        %get3A_2713 = tpu.vector_load %arg14[%get3A_2711, %get3A_2712] {strides = array<i32>} : memref<320x128xf32, #tpu.memory_space<vmem>>, vector<16xf32>,
        %mul3A_2714 = arith.mulf %get3A_2075, %get3A_2713 : vector<16xf32>
        %add3A_2715 = arith.addf %add3A_2710, %mul3A_2714 : vector<16xf32>
        %get3A_2716 = arith.index_cast %add3A_2701 : i32 to index
        %get3A_2717 = arith.constant 48 : index
        %get3A_2718 = tpu.vector_load %arg14[%get3A_2716, %get3A_2717] {strides = array<i32>} : memref<320x128xf32, #tpu.memory_space<vmem>>, vector<16xf32>,
        %mul3A_2719 = arith.mulf %get3A_2078, %get3A_2718 : vector<16xf32>
        %add3A_2720 = arith.addf %add3A_2715, %mul3A_2719 : vector<16xf32>
        %get3A_2721 = arith.index_cast %add3A_2701 : i32 to index
        %get3A_2722 = arith.constant 64 : index
        %get3A_2723 = tpu.vector_load %arg14[%get3A_2721, %get3A_2722] {strides = array<i32>} : memref<320x128xf32, #tpu.memory_space<vmem>>, vector<16xf32>,
        %mul3A_2724 = arith.mulf %get3A_2081, %get3A_2723 : vector<16xf32>
        %add3A_2725 = arith.addf %add3A_2720, %mul3A_2724 : vector<16xf32>
        %get3A_2726 = arith.index_cast %add3A_2701 : i32 to index
        %get3A_2727 = arith.constant 80 : index
        %get3A_2728 = tpu.vector_load %arg14[%get3A_2726, %get3A_2727] {strides = array<i32>} : memref<320x128xf32, #tpu.memory_space<vmem>>, vector<16xf32>,
        %mul3A_2729 = arith.mulf %get3A_2084, %get3A_2728 : vector<16xf32>
        %add3A_2730 = arith.addf %add3A_2725, %mul3A_2729 : vector<16xf32>
        %get3A_2731 = arith.index_cast %add3A_2701 : i32 to index
        %get3A_2732 = arith.constant 96 : index
        %get3A_2733 = tpu.vector_load %arg14[%get3A_2731, %get3A_2732] {strides = array<i32>} : memref<320x128xf32, #tpu.memory_space<vmem>>, vector<16xf32>,
        %mul3A_2734 = arith.mulf %get3A_2087, %get3A_2733 : vector<16xf32>
        %add3A_2735 = arith.addf %add3A_2730, %mul3A_2734 : vector<16xf32>
        %get3A_2736 = arith.index_cast %add3A_2701 : i32 to index
        %get3A_2737 = arith.constant 112 : index
        %get3A_2738 = tpu.vector_load %arg14[%get3A_2736, %get3A_2737] {strides = array<i32>} : memref<320x128xf32, #tpu.memory_space<vmem>>, vector<16xf32>,
        %mul3A_2739 = arith.mulf %get3A_2090, %get3A_2738 : vector<16xf32>
        %add3A_2740 = arith.addf %add3A_2735, %mul3A_2739 : vector<16xf32>
        %mul3A_2741 = arith.constant 16 : i32
        %mul3A_2742 = arith.muli %add3A_2701, %mul3A_2741 : i32
        %swap3A_2743 = arith.index_cast %mul3A_2742 : i32 to index
        %swap3A_2744 = tpu.vector_load %arg16[%swap3A_2743] {strides = array<i32>} : memref<5120xf32, #tpu.memory_space<vmem>>, vector<16xf32>,
        tpu.vector_store %arg16[%swap3A_2743], %add3A_2740 {strides = array<i32>} : memref<5120xf32, #tpu.memory_space<vmem>>, vector<16xf32>,
        %mul3A_2745 = arith.constant 20 : i32
        %mul3A_2746 = arith.muli %scan3A_2067, %mul3A_2745 : i32
        %add3A_2747 = arith.constant 13 : i32
        %add3A_2748 = arith.addi %mul3A_2746, %add3A_2747 : i32
        %get3A_2749 = arith.index_cast %add3A_2748 : i32 to index
        %get3A_2750 = arith.constant 0 : index
        %get3A_2751 = tpu.vector_load %arg14[%get3A_2749, %get3A_2750] {strides = array<i32>} : memref<320x128xf32, #tpu.memory_space<vmem>>, vector<16xf32>,
        %mul3A_2752 = arith.mulf %get3A_2069, %get3A_2751 : vector<16xf32>
        %get3A_2753 = arith.index_cast %add3A_2748 : i32 to index
        %get3A_2754 = arith.constant 16 : index
        %get3A_2755 = tpu.vector_load %arg14[%get3A_2753, %get3A_2754] {strides = array<i32>} : memref<320x128xf32, #tpu.memory_space<vmem>>, vector<16xf32>,
        %mul3A_2756 = arith.mulf %get3A_2072, %get3A_2755 : vector<16xf32>
        %add3A_2757 = arith.addf %mul3A_2752, %mul3A_2756 : vector<16xf32>
        %get3A_2758 = arith.index_cast %add3A_2748 : i32 to index
        %get3A_2759 = arith.constant 32 : index
        %get3A_2760 = tpu.vector_load %arg14[%get3A_2758, %get3A_2759] {strides = array<i32>} : memref<320x128xf32, #tpu.memory_space<vmem>>, vector<16xf32>,
        %mul3A_2761 = arith.mulf %get3A_2075, %get3A_2760 : vector<16xf32>
        %add3A_2762 = arith.addf %add3A_2757, %mul3A_2761 : vector<16xf32>
        %get3A_2763 = arith.index_cast %add3A_2748 : i32 to index
        %get3A_2764 = arith.constant 48 : index
        %get3A_2765 = tpu.vector_load %arg14[%get3A_2763, %get3A_2764] {strides = array<i32>} : memref<320x128xf32, #tpu.memory_space<vmem>>, vector<16xf32>,
        %mul3A_2766 = arith.mulf %get3A_2078, %get3A_2765 : vector<16xf32>
        %add3A_2767 = arith.addf %add3A_2762, %mul3A_2766 : vector<16xf32>
        %get3A_2768 = arith.index_cast %add3A_2748 : i32 to index
        %get3A_2769 = arith.constant 64 : index
        %get3A_2770 = tpu.vector_load %arg14[%get3A_2768, %get3A_2769] {strides = array<i32>} : memref<320x128xf32, #tpu.memory_space<vmem>>, vector<16xf32>,
        %mul3A_2771 = arith.mulf %get3A_2081, %get3A_2770 : vector<16xf32>
        %add3A_2772 = arith.addf %add3A_2767, %mul3A_2771 : vector<16xf32>
        %get3A_2773 = arith.index_cast %add3A_2748 : i32 to index
        %get3A_2774 = arith.constant 80 : index
        %get3A_2775 = tpu.vector_load %arg14[%get3A_2773, %get3A_2774] {strides = array<i32>} : memref<320x128xf32, #tpu.memory_space<vmem>>, vector<16xf32>,
        %mul3A_2776 = arith.mulf %get3A_2084, %get3A_2775 : vector<16xf32>
        %add3A_2777 = arith.addf %add3A_2772, %mul3A_2776 : vector<16xf32>
        %get3A_2778 = arith.index_cast %add3A_2748 : i32 to index
        %get3A_2779 = arith.constant 96 : index
        %get3A_2780 = tpu.vector_load %arg14[%get3A_2778, %get3A_2779] {strides = array<i32>} : memref<320x128xf32, #tpu.memory_space<vmem>>, vector<16xf32>,
        %mul3A_2781 = arith.mulf %get3A_2087, %get3A_2780 : vector<16xf32>
        %add3A_2782 = arith.addf %add3A_2777, %mul3A_2781 : vector<16xf32>
        %get3A_2783 = arith.index_cast %add3A_2748 : i32 to index
        %get3A_2784 = arith.constant 112 : index
        %get3A_2785 = tpu.vector_load %arg14[%get3A_2783, %get3A_2784] {strides = array<i32>} : memref<320x128xf32, #tpu.memory_space<vmem>>, vector<16xf32>,
        %mul3A_2786 = arith.mulf %get3A_2090, %get3A_2785 : vector<16xf32>
        %add3A_2787 = arith.addf %add3A_2782, %mul3A_2786 : vector<16xf32>
        %mul3A_2788 = arith.constant 16 : i32
        %mul3A_2789 = arith.muli %add3A_2748, %mul3A_2788 : i32
        %swap3A_2790 = arith.index_cast %mul3A_2789 : i32 to index
        %swap3A_2791 = tpu.vector_load %arg16[%swap3A_2790] {strides = array<i32>} : memref<5120xf32, #tpu.memory_space<vmem>>, vector<16xf32>,
        tpu.vector_store %arg16[%swap3A_2790], %add3A_2787 {strides = array<i32>} : memref<5120xf32, #tpu.memory_space<vmem>>, vector<16xf32>,
        %mul3A_2792 = arith.constant 20 : i32
        %mul3A_2793 = arith.muli %scan3A_2067, %mul3A_2792 : i32
        %add3A_2794 = arith.constant 14 : i32
        %add3A_2795 = arith.addi %mul3A_2793, %add3A_2794 : i32
        %get3A_2796 = arith.index_cast %add3A_2795 : i32 to index
        %get3A_2797 = arith.constant 0 : index
        %get3A_2798 = tpu.vector_load %arg14[%get3A_2796, %get3A_2797] {strides = array<i32>} : memref<320x128xf32, #tpu.memory_space<vmem>>, vector<16xf32>,
        %mul3A_2799 = arith.mulf %get3A_2069, %get3A_2798 : vector<16xf32>
        %get3A_2800 = arith.index_cast %add3A_2795 : i32 to index
        %get3A_2801 = arith.constant 16 : index
        %get3A_2802 = tpu.vector_load %arg14[%get3A_2800, %get3A_2801] {strides = array<i32>} : memref<320x128xf32, #tpu.memory_space<vmem>>, vector<16xf32>,
        %mul3A_2803 = arith.mulf %get3A_2072, %get3A_2802 : vector<16xf32>
        %add3A_2804 = arith.addf %mul3A_2799, %mul3A_2803 : vector<16xf32>
        %get3A_2805 = arith.index_cast %add3A_2795 : i32 to index
        %get3A_2806 = arith.constant 32 : index
        %get3A_2807 = tpu.vector_load %arg14[%get3A_2805, %get3A_2806] {strides = array<i32>} : memref<320x128xf32, #tpu.memory_space<vmem>>, vector<16xf32>,
        %mul3A_2808 = arith.mulf %get3A_2075, %get3A_2807 : vector<16xf32>
        %add3A_2809 = arith.addf %add3A_2804, %mul3A_2808 : vector<16xf32>
        %get3A_2810 = arith.index_cast %add3A_2795 : i32 to index
        %get3A_2811 = arith.constant 48 : index
        %get3A_2812 = tpu.vector_load %arg14[%get3A_2810, %get3A_2811] {strides = array<i32>} : memref<320x128xf32, #tpu.memory_space<vmem>>, vector<16xf32>,
        %mul3A_2813 = arith.mulf %get3A_2078, %get3A_2812 : vector<16xf32>
        %add3A_2814 = arith.addf %add3A_2809, %mul3A_2813 : vector<16xf32>
        %get3A_2815 = arith.index_cast %add3A_2795 : i32 to index
        %get3A_2816 = arith.constant 64 : index
        %get3A_2817 = tpu.vector_load %arg14[%get3A_2815, %get3A_2816] {strides = array<i32>} : memref<320x128xf32, #tpu.memory_space<vmem>>, vector<16xf32>,
        %mul3A_2818 = arith.mulf %get3A_2081, %get3A_2817 : vector<16xf32>
        %add3A_2819 = arith.addf %add3A_2814, %mul3A_2818 : vector<16xf32>
        %get3A_2820 = arith.index_cast %add3A_2795 : i32 to index
        %get3A_2821 = arith.constant 80 : index
        %get3A_2822 = tpu.vector_load %arg14[%get3A_2820, %get3A_2821] {strides = array<i32>} : memref<320x128xf32, #tpu.memory_space<vmem>>, vector<16xf32>,
        %mul3A_2823 = arith.mulf %get3A_2084, %get3A_2822 : vector<16xf32>
        %add3A_2824 = arith.addf %add3A_2819, %mul3A_2823 : vector<16xf32>
        %get3A_2825 = arith.index_cast %add3A_2795 : i32 to index
        %get3A_2826 = arith.constant 96 : index
        %get3A_2827 = tpu.vector_load %arg14[%get3A_2825, %get3A_2826] {strides = array<i32>} : memref<320x128xf32, #tpu.memory_space<vmem>>, vector<16xf32>,
        %mul3A_2828 = arith.mulf %get3A_2087, %get3A_2827 : vector<16xf32>
        %add3A_2829 = arith.addf %add3A_2824, %mul3A_2828 : vector<16xf32>
        %get3A_2830 = arith.index_cast %add3A_2795 : i32 to index
        %get3A_2831 = arith.constant 112 : index
        %get3A_2832 = tpu.vector_load %arg14[%get3A_2830, %get3A_2831] {strides = array<i32>} : memref<320x128xf32, #tpu.memory_space<vmem>>, vector<16xf32>,
        %mul3A_2833 = arith.mulf %get3A_2090, %get3A_2832 : vector<16xf32>
        %add3A_2834 = arith.addf %add3A_2829, %mul3A_2833 : vector<16xf32>
        %mul3A_2835 = arith.constant 16 : i32
        %mul3A_2836 = arith.muli %add3A_2795, %mul3A_2835 : i32
        %swap3A_2837 = arith.index_cast %mul3A_2836 : i32 to index
        %swap3A_2838 = tpu.vector_load %arg16[%swap3A_2837] {strides = array<i32>} : memref<5120xf32, #tpu.memory_space<vmem>>, vector<16xf32>,
        tpu.vector_store %arg16[%swap3A_2837], %add3A_2834 {strides = array<i32>} : memref<5120xf32, #tpu.memory_space<vmem>>, vector<16xf32>,
        %mul3A_2839 = arith.constant 20 : i32
        %mul3A_2840 = arith.muli %scan3A_2067, %mul3A_2839 : i32
        %add3A_2841 = arith.constant 15 : i32
        %add3A_2842 = arith.addi %mul3A_2840, %add3A_2841 : i32
        %get3A_2843 = arith.index_cast %add3A_2842 : i32 to index
        %get3A_2844 = arith.constant 0 : index
        %get3A_2845 = tpu.vector_load %arg14[%get3A_2843, %get3A_2844] {strides = array<i32>} : memref<320x128xf32, #tpu.memory_space<vmem>>, vector<16xf32>,
        %mul3A_2846 = arith.mulf %get3A_2069, %get3A_2845 : vector<16xf32>
        %get3A_2847 = arith.index_cast %add3A_2842 : i32 to index
        %get3A_2848 = arith.constant 16 : index
        %get3A_2849 = tpu.vector_load %arg14[%get3A_2847, %get3A_2848] {strides = array<i32>} : memref<320x128xf32, #tpu.memory_space<vmem>>, vector<16xf32>,
        %mul3A_2850 = arith.mulf %get3A_2072, %get3A_2849 : vector<16xf32>
        %add3A_2851 = arith.addf %mul3A_2846, %mul3A_2850 : vector<16xf32>
        %get3A_2852 = arith.index_cast %add3A_2842 : i32 to index
        %get3A_2853 = arith.constant 32 : index
        %get3A_2854 = tpu.vector_load %arg14[%get3A_2852, %get3A_2853] {strides = array<i32>} : memref<320x128xf32, #tpu.memory_space<vmem>>, vector<16xf32>,
        %mul3A_2855 = arith.mulf %get3A_2075, %get3A_2854 : vector<16xf32>
        %add3A_2856 = arith.addf %add3A_2851, %mul3A_2855 : vector<16xf32>
        %get3A_2857 = arith.index_cast %add3A_2842 : i32 to index
        %get3A_2858 = arith.constant 48 : index
        %get3A_2859 = tpu.vector_load %arg14[%get3A_2857, %get3A_2858] {strides = array<i32>} : memref<320x128xf32, #tpu.memory_space<vmem>>, vector<16xf32>,
        %mul3A_2860 = arith.mulf %get3A_2078, %get3A_2859 : vector<16xf32>
        %add3A_2861 = arith.addf %add3A_2856, %mul3A_2860 : vector<16xf32>
        %get3A_2862 = arith.index_cast %add3A_2842 : i32 to index
        %get3A_2863 = arith.constant 64 : index
        %get3A_2864 = tpu.vector_load %arg14[%get3A_2862, %get3A_2863] {strides = array<i32>} : memref<320x128xf32, #tpu.memory_space<vmem>>, vector<16xf32>,
        %mul3A_2865 = arith.mulf %get3A_2081, %get3A_2864 : vector<16xf32>
        %add3A_2866 = arith.addf %add3A_2861, %mul3A_2865 : vector<16xf32>
        %get3A_2867 = arith.index_cast %add3A_2842 : i32 to index
        %get3A_2868 = arith.constant 80 : index
        %get3A_2869 = tpu.vector_load %arg14[%get3A_2867, %get3A_2868] {strides = array<i32>} : memref<320x128xf32, #tpu.memory_space<vmem>>, vector<16xf32>,
        %mul3A_2870 = arith.mulf %get3A_2084, %get3A_2869 : vector<16xf32>
        %add3A_2871 = arith.addf %add3A_2866, %mul3A_2870 : vector<16xf32>
        %get3A_2872 = arith.index_cast %add3A_2842 : i32 to index
        %get3A_2873 = arith.constant 96 : index
        %get3A_2874 = tpu.vector_load %arg14[%get3A_2872, %get3A_2873] {strides = array<i32>} : memref<320x128xf32, #tpu.memory_space<vmem>>, vector<16xf32>,
        %mul3A_2875 = arith.mulf %get3A_2087, %get3A_2874 : vector<16xf32>
        %add3A_2876 = arith.addf %add3A_2871, %mul3A_2875 : vector<16xf32>
        %get3A_2877 = arith.index_cast %add3A_2842 : i32 to index
        %get3A_2878 = arith.constant 112 : index
        %get3A_2879 = tpu.vector_load %arg14[%get3A_2877, %get3A_2878] {strides = array<i32>} : memref<320x128xf32, #tpu.memory_space<vmem>>, vector<16xf32>,
        %mul3A_2880 = arith.mulf %get3A_2090, %get3A_2879 : vector<16xf32>
        %add3A_2881 = arith.addf %add3A_2876, %mul3A_2880 : vector<16xf32>
        %mul3A_2882 = arith.constant 16 : i32
        %mul3A_2883 = arith.muli %add3A_2842, %mul3A_2882 : i32
        %swap3A_2884 = arith.index_cast %mul3A_2883 : i32 to index
        %swap3A_2885 = tpu.vector_load %arg16[%swap3A_2884] {strides = array<i32>} : memref<5120xf32, #tpu.memory_space<vmem>>, vector<16xf32>,
        tpu.vector_store %arg16[%swap3A_2884], %add3A_2881 {strides = array<i32>} : memref<5120xf32, #tpu.memory_space<vmem>>, vector<16xf32>,
        %mul3A_2886 = arith.constant 20 : i32
        %mul3A_2887 = arith.muli %scan3A_2067, %mul3A_2886 : i32
        %add3A_2888 = arith.constant 16 : i32
        %add3A_2889 = arith.addi %mul3A_2887, %add3A_2888 : i32
        %get3A_2890 = arith.index_cast %add3A_2889 : i32 to index
        %get3A_2891 = arith.constant 0 : index
        %get3A_2892 = tpu.vector_load %arg14[%get3A_2890, %get3A_2891] {strides = array<i32>} : memref<320x128xf32, #tpu.memory_space<vmem>>, vector<16xf32>,
        %mul3A_2893 = arith.mulf %get3A_2069, %get3A_2892 : vector<16xf32>
        %get3A_2894 = arith.index_cast %add3A_2889 : i32 to index
        %get3A_2895 = arith.constant 16 : index
        %get3A_2896 = tpu.vector_load %arg14[%get3A_2894, %get3A_2895] {strides = array<i32>} : memref<320x128xf32, #tpu.memory_space<vmem>>, vector<16xf32>,
        %mul3A_2897 = arith.mulf %get3A_2072, %get3A_2896 : vector<16xf32>
        %add3A_2898 = arith.addf %mul3A_2893, %mul3A_2897 : vector<16xf32>
        %get3A_2899 = arith.index_cast %add3A_2889 : i32 to index
        %get3A_2900 = arith.constant 32 : index
        %get3A_2901 = tpu.vector_load %arg14[%get3A_2899, %get3A_2900] {strides = array<i32>} : memref<320x128xf32, #tpu.memory_space<vmem>>, vector<16xf32>,
        %mul3A_2902 = arith.mulf %get3A_2075, %get3A_2901 : vector<16xf32>
        %add3A_2903 = arith.addf %add3A_2898, %mul3A_2902 : vector<16xf32>
        %get3A_2904 = arith.index_cast %add3A_2889 : i32 to index
        %get3A_2905 = arith.constant 48 : index
        %get3A_2906 = tpu.vector_load %arg14[%get3A_2904, %get3A_2905] {strides = array<i32>} : memref<320x128xf32, #tpu.memory_space<vmem>>, vector<16xf32>,
        %mul3A_2907 = arith.mulf %get3A_2078, %get3A_2906 : vector<16xf32>
        %add3A_2908 = arith.addf %add3A_2903, %mul3A_2907 : vector<16xf32>
        %get3A_2909 = arith.index_cast %add3A_2889 : i32 to index
        %get3A_2910 = arith.constant 64 : index
        %get3A_2911 = tpu.vector_load %arg14[%get3A_2909, %get3A_2910] {strides = array<i32>} : memref<320x128xf32, #tpu.memory_space<vmem>>, vector<16xf32>,
        %mul3A_2912 = arith.mulf %get3A_2081, %get3A_2911 : vector<16xf32>
        %add3A_2913 = arith.addf %add3A_2908, %mul3A_2912 : vector<16xf32>
        %get3A_2914 = arith.index_cast %add3A_2889 : i32 to index
        %get3A_2915 = arith.constant 80 : index
        %get3A_2916 = tpu.vector_load %arg14[%get3A_2914, %get3A_2915] {strides = array<i32>} : memref<320x128xf32, #tpu.memory_space<vmem>>, vector<16xf32>,
        %mul3A_2917 = arith.mulf %get3A_2084, %get3A_2916 : vector<16xf32>
        %add3A_2918 = arith.addf %add3A_2913, %mul3A_2917 : vector<16xf32>
        %get3A_2919 = arith.index_cast %add3A_2889 : i32 to index
        %get3A_2920 = arith.constant 96 : index
        %get3A_2921 = tpu.vector_load %arg14[%get3A_2919, %get3A_2920] {strides = array<i32>} : memref<320x128xf32, #tpu.memory_space<vmem>>, vector<16xf32>,
        %mul3A_2922 = arith.mulf %get3A_2087, %get3A_2921 : vector<16xf32>
        %add3A_2923 = arith.addf %add3A_2918, %mul3A_2922 : vector<16xf32>
        %get3A_2924 = arith.index_cast %add3A_2889 : i32 to index
        %get3A_2925 = arith.constant 112 : index
        %get3A_2926 = tpu.vector_load %arg14[%get3A_2924, %get3A_2925] {strides = array<i32>} : memref<320x128xf32, #tpu.memory_space<vmem>>, vector<16xf32>,
        %mul3A_2927 = arith.mulf %get3A_2090, %get3A_2926 : vector<16xf32>
        %add3A_2928 = arith.addf %add3A_2923, %mul3A_2927 : vector<16xf32>
        %mul3A_2929 = arith.constant 16 : i32
        %mul3A_2930 = arith.muli %add3A_2889, %mul3A_2929 : i32
        %swap3A_2931 = arith.index_cast %mul3A_2930 : i32 to index
        %swap3A_2932 = tpu.vector_load %arg16[%swap3A_2931] {strides = array<i32>} : memref<5120xf32, #tpu.memory_space<vmem>>, vector<16xf32>,
        tpu.vector_store %arg16[%swap3A_2931], %add3A_2928 {strides = array<i32>} : memref<5120xf32, #tpu.memory_space<vmem>>, vector<16xf32>,
        %mul3A_2933 = arith.constant 20 : i32
        %mul3A_2934 = arith.muli %scan3A_2067, %mul3A_2933 : i32
        %add3A_2935 = arith.constant 17 : i32
        %add3A_2936 = arith.addi %mul3A_2934, %add3A_2935 : i32
        %get3A_2937 = arith.index_cast %add3A_2936 : i32 to index
        %get3A_2938 = arith.constant 0 : index
        %get3A_2939 = tpu.vector_load %arg14[%get3A_2937, %get3A_2938] {strides = array<i32>} : memref<320x128xf32, #tpu.memory_space<vmem>>, vector<16xf32>,
        %mul3A_2940 = arith.mulf %get3A_2069, %get3A_2939 : vector<16xf32>
        %get3A_2941 = arith.index_cast %add3A_2936 : i32 to index
        %get3A_2942 = arith.constant 16 : index
        %get3A_2943 = tpu.vector_load %arg14[%get3A_2941, %get3A_2942] {strides = array<i32>} : memref<320x128xf32, #tpu.memory_space<vmem>>, vector<16xf32>,
        %mul3A_2944 = arith.mulf %get3A_2072, %get3A_2943 : vector<16xf32>
        %add3A_2945 = arith.addf %mul3A_2940, %mul3A_2944 : vector<16xf32>
        %get3A_2946 = arith.index_cast %add3A_2936 : i32 to index
        %get3A_2947 = arith.constant 32 : index
        %get3A_2948 = tpu.vector_load %arg14[%get3A_2946, %get3A_2947] {strides = array<i32>} : memref<320x128xf32, #tpu.memory_space<vmem>>, vector<16xf32>,
        %mul3A_2949 = arith.mulf %get3A_2075, %get3A_2948 : vector<16xf32>
        %add3A_2950 = arith.addf %add3A_2945, %mul3A_2949 : vector<16xf32>
        %get3A_2951 = arith.index_cast %add3A_2936 : i32 to index
        %get3A_2952 = arith.constant 48 : index
        %get3A_2953 = tpu.vector_load %arg14[%get3A_2951, %get3A_2952] {strides = array<i32>} : memref<320x128xf32, #tpu.memory_space<vmem>>, vector<16xf32>,
        %mul3A_2954 = arith.mulf %get3A_2078, %get3A_2953 : vector<16xf32>
        %add3A_2955 = arith.addf %add3A_2950, %mul3A_2954 : vector<16xf32>
        %get3A_2956 = arith.index_cast %add3A_2936 : i32 to index
        %get3A_2957 = arith.constant 64 : index
        %get3A_2958 = tpu.vector_load %arg14[%get3A_2956, %get3A_2957] {strides = array<i32>} : memref<320x128xf32, #tpu.memory_space<vmem>>, vector<16xf32>,
        %mul3A_2959 = arith.mulf %get3A_2081, %get3A_2958 : vector<16xf32>
        %add3A_2960 = arith.addf %add3A_2955, %mul3A_2959 : vector<16xf32>
        %get3A_2961 = arith.index_cast %add3A_2936 : i32 to index
        %get3A_2962 = arith.constant 80 : index
        %get3A_2963 = tpu.vector_load %arg14[%get3A_2961, %get3A_2962] {strides = array<i32>} : memref<320x128xf32, #tpu.memory_space<vmem>>, vector<16xf32>,
        %mul3A_2964 = arith.mulf %get3A_2084, %get3A_2963 : vector<16xf32>
        %add3A_2965 = arith.addf %add3A_2960, %mul3A_2964 : vector<16xf32>
        %get3A_2966 = arith.index_cast %add3A_2936 : i32 to index
        %get3A_2967 = arith.constant 96 : index
        %get3A_2968 = tpu.vector_load %arg14[%get3A_2966, %get3A_2967] {strides = array<i32>} : memref<320x128xf32, #tpu.memory_space<vmem>>, vector<16xf32>,
        %mul3A_2969 = arith.mulf %get3A_2087, %get3A_2968 : vector<16xf32>
        %add3A_2970 = arith.addf %add3A_2965, %mul3A_2969 : vector<16xf32>
        %get3A_2971 = arith.index_cast %add3A_2936 : i32 to index
        %get3A_2972 = arith.constant 112 : index
        %get3A_2973 = tpu.vector_load %arg14[%get3A_2971, %get3A_2972] {strides = array<i32>} : memref<320x128xf32, #tpu.memory_space<vmem>>, vector<16xf32>,
        %mul3A_2974 = arith.mulf %get3A_2090, %get3A_2973 : vector<16xf32>
        %add3A_2975 = arith.addf %add3A_2970, %mul3A_2974 : vector<16xf32>
        %mul3A_2976 = arith.constant 16 : i32
        %mul3A_2977 = arith.muli %add3A_2936, %mul3A_2976 : i32
        %swap3A_2978 = arith.index_cast %mul3A_2977 : i32 to index
        %swap3A_2979 = tpu.vector_load %arg16[%swap3A_2978] {strides = array<i32>} : memref<5120xf32, #tpu.memory_space<vmem>>, vector<16xf32>,
        tpu.vector_store %arg16[%swap3A_2978], %add3A_2975 {strides = array<i32>} : memref<5120xf32, #tpu.memory_space<vmem>>, vector<16xf32>,
        %mul3A_2980 = arith.constant 20 : i32
        %mul3A_2981 = arith.muli %scan3A_2067, %mul3A_2980 : i32
        %add3A_2982 = arith.constant 18 : i32
        %add3A_2983 = arith.addi %mul3A_2981, %add3A_2982 : i32
        %get3A_2984 = arith.index_cast %add3A_2983 : i32 to index
        %get3A_2985 = arith.constant 0 : index
        %get3A_2986 = tpu.vector_load %arg14[%get3A_2984, %get3A_2985] {strides = array<i32>} : memref<320x128xf32, #tpu.memory_space<vmem>>, vector<16xf32>,
        %mul3A_2987 = arith.mulf %get3A_2069, %get3A_2986 : vector<16xf32>
        %get3A_2988 = arith.index_cast %add3A_2983 : i32 to index
        %get3A_2989 = arith.constant 16 : index
        %get3A_2990 = tpu.vector_load %arg14[%get3A_2988, %get3A_2989] {strides = array<i32>} : memref<320x128xf32, #tpu.memory_space<vmem>>, vector<16xf32>,
        %mul3A_2991 = arith.mulf %get3A_2072, %get3A_2990 : vector<16xf32>
        %add3A_2992 = arith.addf %mul3A_2987, %mul3A_2991 : vector<16xf32>
        %get3A_2993 = arith.index_cast %add3A_2983 : i32 to index
        %get3A_2994 = arith.constant 32 : index
        %get3A_2995 = tpu.vector_load %arg14[%get3A_2993, %get3A_2994] {strides = array<i32>} : memref<320x128xf32, #tpu.memory_space<vmem>>, vector<16xf32>,
        %mul3A_2996 = arith.mulf %get3A_2075, %get3A_2995 : vector<16xf32>
        %add3A_2997 = arith.addf %add3A_2992, %mul3A_2996 : vector<16xf32>
        %get3A_2998 = arith.index_cast %add3A_2983 : i32 to index
        %get3A_2999 = arith.constant 48 : index
        %get3A_3000 = tpu.vector_load %arg14[%get3A_2998, %get3A_2999] {strides = array<i32>} : memref<320x128xf32, #tpu.memory_space<vmem>>, vector<16xf32>,
        %mul3A_3001 = arith.mulf %get3A_2078, %get3A_3000 : vector<16xf32>
        %add3A_3002 = arith.addf %add3A_2997, %mul3A_3001 : vector<16xf32>
        %get3A_3003 = arith.index_cast %add3A_2983 : i32 to index
        %get3A_3004 = arith.constant 64 : index
        %get3A_3005 = tpu.vector_load %arg14[%get3A_3003, %get3A_3004] {strides = array<i32>} : memref<320x128xf32, #tpu.memory_space<vmem>>, vector<16xf32>,
        %mul3A_3006 = arith.mulf %get3A_2081, %get3A_3005 : vector<16xf32>
        %add3A_3007 = arith.addf %add3A_3002, %mul3A_3006 : vector<16xf32>
        %get3A_3008 = arith.index_cast %add3A_2983 : i32 to index
        %get3A_3009 = arith.constant 80 : index
        %get3A_3010 = tpu.vector_load %arg14[%get3A_3008, %get3A_3009] {strides = array<i32>} : memref<320x128xf32, #tpu.memory_space<vmem>>, vector<16xf32>,
        %mul3A_3011 = arith.mulf %get3A_2084, %get3A_3010 : vector<16xf32>
        %add3A_3012 = arith.addf %add3A_3007, %mul3A_3011 : vector<16xf32>
        %get3A_3013 = arith.index_cast %add3A_2983 : i32 to index
        %get3A_3014 = arith.constant 96 : index
        %get3A_3015 = tpu.vector_load %arg14[%get3A_3013, %get3A_3014] {strides = array<i32>} : memref<320x128xf32, #tpu.memory_space<vmem>>, vector<16xf32>,
        %mul3A_3016 = arith.mulf %get3A_2087, %get3A_3015 : vector<16xf32>
        %add3A_3017 = arith.addf %add3A_3012, %mul3A_3016 : vector<16xf32>
        %get3A_3018 = arith.index_cast %add3A_2983 : i32 to index
        %get3A_3019 = arith.constant 112 : index
        %get3A_3020 = tpu.vector_load %arg14[%get3A_3018, %get3A_3019] {strides = array<i32>} : memref<320x128xf32, #tpu.memory_space<vmem>>, vector<16xf32>,
        %mul3A_3021 = arith.mulf %get3A_2090, %get3A_3020 : vector<16xf32>
        %add3A_3022 = arith.addf %add3A_3017, %mul3A_3021 : vector<16xf32>
        %mul3A_3023 = arith.constant 16 : i32
        %mul3A_3024 = arith.muli %add3A_2983, %mul3A_3023 : i32
        %swap3A_3025 = arith.index_cast %mul3A_3024 : i32 to index
        %swap3A_3026 = tpu.vector_load %arg16[%swap3A_3025] {strides = array<i32>} : memref<5120xf32, #tpu.memory_space<vmem>>, vector<16xf32>,
        tpu.vector_store %arg16[%swap3A_3025], %add3A_3022 {strides = array<i32>} : memref<5120xf32, #tpu.memory_space<vmem>>, vector<16xf32>,
        %mul3A_3027 = arith.constant 20 : i32
        %mul3A_3028 = arith.muli %scan3A_2067, %mul3A_3027 : i32
        %add3A_3029 = arith.constant 19 : i32
        %add3A_3030 = arith.addi %mul3A_3028, %add3A_3029 : i32
        %get3A_3031 = arith.index_cast %add3A_3030 : i32 to index
        %get3A_3032 = arith.constant 0 : index
        %get3A_3033 = tpu.vector_load %arg14[%get3A_3031, %get3A_3032] {strides = array<i32>} : memref<320x128xf32, #tpu.memory_space<vmem>>, vector<16xf32>,
        %mul3A_3034 = arith.mulf %get3A_2069, %get3A_3033 : vector<16xf32>
        %get3A_3035 = arith.index_cast %add3A_3030 : i32 to index
        %get3A_3036 = arith.constant 16 : index
        %get3A_3037 = tpu.vector_load %arg14[%get3A_3035, %get3A_3036] {strides = array<i32>} : memref<320x128xf32, #tpu.memory_space<vmem>>, vector<16xf32>,
        %mul3A_3038 = arith.mulf %get3A_2072, %get3A_3037 : vector<16xf32>
        %add3A_3039 = arith.addf %mul3A_3034, %mul3A_3038 : vector<16xf32>
        %get3A_3040 = arith.index_cast %add3A_3030 : i32 to index
        %get3A_3041 = arith.constant 32 : index
        %get3A_3042 = tpu.vector_load %arg14[%get3A_3040, %get3A_3041] {strides = array<i32>} : memref<320x128xf32, #tpu.memory_space<vmem>>, vector<16xf32>,
        %mul3A_3043 = arith.mulf %get3A_2075, %get3A_3042 : vector<16xf32>
        %add3A_3044 = arith.addf %add3A_3039, %mul3A_3043 : vector<16xf32>
        %get3A_3045 = arith.index_cast %add3A_3030 : i32 to index
        %get3A_3046 = arith.constant 48 : index
        %get3A_3047 = tpu.vector_load %arg14[%get3A_3045, %get3A_3046] {strides = array<i32>} : memref<320x128xf32, #tpu.memory_space<vmem>>, vector<16xf32>,
        %mul3A_3048 = arith.mulf %get3A_2078, %get3A_3047 : vector<16xf32>
        %add3A_3049 = arith.addf %add3A_3044, %mul3A_3048 : vector<16xf32>
        %get3A_3050 = arith.index_cast %add3A_3030 : i32 to index
        %get3A_3051 = arith.constant 64 : index
        %get3A_3052 = tpu.vector_load %arg14[%get3A_3050, %get3A_3051] {strides = array<i32>} : memref<320x128xf32, #tpu.memory_space<vmem>>, vector<16xf32>,
        %mul3A_3053 = arith.mulf %get3A_2081, %get3A_3052 : vector<16xf32>
        %add3A_3054 = arith.addf %add3A_3049, %mul3A_3053 : vector<16xf32>
        %get3A_3055 = arith.index_cast %add3A_3030 : i32 to index
        %get3A_3056 = arith.constant 80 : index
        %get3A_3057 = tpu.vector_load %arg14[%get3A_3055, %get3A_3056] {strides = array<i32>} : memref<320x128xf32, #tpu.memory_space<vmem>>, vector<16xf32>,
        %mul3A_3058 = arith.mulf %get3A_2084, %get3A_3057 : vector<16xf32>
        %add3A_3059 = arith.addf %add3A_3054, %mul3A_3058 : vector<16xf32>
        %get3A_3060 = arith.index_cast %add3A_3030 : i32 to index
        %get3A_3061 = arith.constant 96 : index
        %get3A_3062 = tpu.vector_load %arg14[%get3A_3060, %get3A_3061] {strides = array<i32>} : memref<320x128xf32, #tpu.memory_space<vmem>>, vector<16xf32>,
        %mul3A_3063 = arith.mulf %get3A_2087, %get3A_3062 : vector<16xf32>
        %add3A_3064 = arith.addf %add3A_3059, %mul3A_3063 : vector<16xf32>
        %get3A_3065 = arith.index_cast %add3A_3030 : i32 to index
        %get3A_3066 = arith.constant 112 : index
        %get3A_3067 = tpu.vector_load %arg14[%get3A_3065, %get3A_3066] {strides = array<i32>} : memref<320x128xf32, #tpu.memory_space<vmem>>, vector<16xf32>,
        %mul3A_3068 = arith.mulf %get3A_2090, %get3A_3067 : vector<16xf32>
        %add3A_3069 = arith.addf %add3A_3064, %mul3A_3068 : vector<16xf32>
        %mul3A_3070 = arith.constant 16 : i32
        %mul3A_3071 = arith.muli %add3A_3030, %mul3A_3070 : i32
        %swap3A_3072 = arith.index_cast %mul3A_3071 : i32 to index
        %swap3A_3073 = tpu.vector_load %arg16[%swap3A_3072] {strides = array<i32>} : memref<5120xf32, #tpu.memory_space<vmem>>, vector<16xf32>,
        tpu.vector_store %arg16[%swap3A_3072], %add3A_3069 {strides = array<i32>} : memref<5120xf32, #tpu.memory_space<vmem>>, vector<16xf32>,
      }
      %scan3A_82 = arith.constant 16 : i32
      %mul3A_83 = arith.constant 16 : i32
      %mul3A_84 = vector.broadcast %mul3A_83 : i32 to vector<16xi32>
      %mul3A_85 = arith.muli %iota3A, %mul3A_84 : vector<16xi32>
      %gather3A = tpu.vector_load_idx %arg15[%mul3A_85] : memref<256xf32, #tpu.memory_space<vmem>>[vector<16xi32>], vector<16xf32>,
      %mul3A_86 = arith.constant 16 : i32
      %mul3A_87 = vector.broadcast %mul3A_86 : i32 to vector<16xi32>
      %mul3A_88 = arith.muli %iota3A, %mul3A_87 : vector<16xi32>
      %add3A_89 = arith.constant 1 : i32
      %add3A_90 = vector.broadcast %add3A_89 : i32 to vector<16xi32>
      %add3A_91 = arith.addi %mul3A_88, %add3A_90 : vector<16xi32>
      %gather3A_92 = tpu.vector_load_idx %arg15[%add3A_91] : memref<256xf32, #tpu.memory_space<vmem>>[vector<16xi32>], vector<16xf32>,
      %add3A_93 = arith.addf %gather3A, %gather3A_92 : vector<16xf32>
      %mul3A_94 = arith.constant 16 : i32
      %mul3A_95 = vector.broadcast %mul3A_94 : i32 to vector<16xi32>
      %mul3A_96 = arith.muli %iota3A, %mul3A_95 : vector<16xi32>
      %add3A_97 = arith.constant 2 : i32
      %add3A_98 = vector.broadcast %add3A_97 : i32 to vector<16xi32>
      %add3A_99 = arith.addi %mul3A_96, %add3A_98 : vector<16xi32>
      %gather3A_100 = tpu.vector_load_idx %arg15[%add3A_99] : memref<256xf32, #tpu.memory_space<vmem>>[vector<16xi32>], vector<16xf32>,
      %add3A_101 = arith.addf %add3A_93, %gather3A_100 : vector<16xf32>
      %mul3A_102 = arith.constant 16 : i32
      %mul3A_103 = vector.broadcast %mul3A_102 : i32 to vector<16xi32>
      %mul3A_104 = arith.muli %iota3A, %mul3A_103 : vector<16xi32>
      %add3A_105 = arith.constant 3 : i32
      %add3A_106 = vector.broadcast %add3A_105 : i32 to vector<16xi32>
      %add3A_107 = arith.addi %mul3A_104, %add3A_106 : vector<16xi32>
      %gather3A_108 = tpu.vector_load_idx %arg15[%add3A_107] : memref<256xf32, #tpu.memory_space<vmem>>[vector<16xi32>], vector<16xf32>,
      %add3A_109 = arith.addf %add3A_101, %gather3A_108 : vector<16xf32>
      %mul3A_110 = arith.constant 16 : i32
      %mul3A_111 = vector.broadcast %mul3A_110 : i32 to vector<16xi32>
      %mul3A_112 = arith.muli %iota3A, %mul3A_111 : vector<16xi32>
      %add3A_113 = arith.constant 4 : i32
      %add3A_114 = vector.broadcast %add3A_113 : i32 to vector<16xi32>
      %add3A_115 = arith.addi %mul3A_112, %add3A_114 : vector<16xi32>
      %gather3A_116 = tpu.vector_load_idx %arg15[%add3A_115] : memref<256xf32, #tpu.memory_space<vmem>>[vector<16xi32>], vector<16xf32>,
      %add3A_117 = arith.addf %add3A_109, %gather3A_116 : vector<16xf32>
      %mul3A_118 = arith.constant 16 : i32
      %mul3A_119 = vector.broadcast %mul3A_118 : i32 to vector<16xi32>
      %mul3A_120 = arith.muli %iota3A, %mul3A_119 : vector<16xi32>
      %add3A_121 = arith.constant 5 : i32
      %add3A_122 = vector.broadcast %add3A_121 : i32 to vector<16xi32>
      %add3A_123 = arith.addi %mul3A_120, %add3A_122 : vector<16xi32>
      %gather3A_124 = tpu.vector_load_idx %arg15[%add3A_123] : memref<256xf32, #tpu.memory_space<vmem>>[vector<16xi32>], vector<16xf32>,
      %add3A_125 = arith.addf %add3A_117, %gather3A_124 : vector<16xf32>
      %mul3A_126 = arith.constant 16 : i32
      %mul3A_127 = vector.broadcast %mul3A_126 : i32 to vector<16xi32>
      %mul3A_128 = arith.muli %iota3A, %mul3A_127 : vector<16xi32>
      %add3A_129 = arith.constant 6 : i32
      %add3A_130 = vector.broadcast %add3A_129 : i32 to vector<16xi32>
      %add3A_131 = arith.addi %mul3A_128, %add3A_130 : vector<16xi32>
      %gather3A_132 = tpu.vector_load_idx %arg15[%add3A_131] : memref<256xf32, #tpu.memory_space<vmem>>[vector<16xi32>], vector<16xf32>,
      %add3A_133 = arith.addf %add3A_125, %gather3A_132 : vector<16xf32>
      %mul3A_134 = arith.constant 16 : i32
      %mul3A_135 = vector.broadcast %mul3A_134 : i32 to vector<16xi32>
      %mul3A_136 = arith.muli %iota3A, %mul3A_135 : vector<16xi32>
      %add3A_137 = arith.constant 7 : i32
      %add3A_138 = vector.broadcast %add3A_137 : i32 to vector<16xi32>
      %add3A_139 = arith.addi %mul3A_136, %add3A_138 : vector<16xi32>
      %gather3A_140 = tpu.vector_load_idx %arg15[%add3A_139] : memref<256xf32, #tpu.memory_space<vmem>>[vector<16xi32>], vector<16xf32>,
      %add3A_141 = arith.addf %add3A_133, %gather3A_140 : vector<16xf32>
      %mul3A_142 = arith.constant 16 : i32
      %mul3A_143 = vector.broadcast %mul3A_142 : i32 to vector<16xi32>
      %mul3A_144 = arith.muli %iota3A, %mul3A_143 : vector<16xi32>
      %add3A_145 = arith.constant 8 : i32
      %add3A_146 = vector.broadcast %add3A_145 : i32 to vector<16xi32>
      %add3A_147 = arith.addi %mul3A_144, %add3A_146 : vector<16xi32>
      %gather3A_148 = tpu.vector_load_idx %arg15[%add3A_147] : memref<256xf32, #tpu.memory_space<vmem>>[vector<16xi32>], vector<16xf32>,
      %add3A_149 = arith.addf %add3A_141, %gather3A_148 : vector<16xf32>
      %mul3A_150 = arith.constant 16 : i32
      %mul3A_151 = vector.broadcast %mul3A_150 : i32 to vector<16xi32>
      %mul3A_152 = arith.muli %iota3A, %mul3A_151 : vector<16xi32>
      %add3A_153 = arith.constant 9 : i32
      %add3A_154 = vector.broadcast %add3A_153 : i32 to vector<16xi32>
      %add3A_155 = arith.addi %mul3A_152, %add3A_154 : vector<16xi32>
      %gather3A_156 = tpu.vector_load_idx %arg15[%add3A_155] : memref<256xf32, #tpu.memory_space<vmem>>[vector<16xi32>], vector<16xf32>,
      %add3A_157 = arith.addf %add3A_149, %gather3A_156 : vector<16xf32>
      %mul3A_158 = arith.constant 16 : i32
      %mul3A_159 = vector.broadcast %mul3A_158 : i32 to vector<16xi32>
      %mul3A_160 = arith.muli %iota3A, %mul3A_159 : vector<16xi32>
      %add3A_161 = arith.constant 10 : i32
      %add3A_162 = vector.broadcast %add3A_161 : i32 to vector<16xi32>
      %add3A_163 = arith.addi %mul3A_160, %add3A_162 : vector<16xi32>
      %gather3A_164 = tpu.vector_load_idx %arg15[%add3A_163] : memref<256xf32, #tpu.memory_space<vmem>>[vector<16xi32>], vector<16xf32>,
      %add3A_165 = arith.addf %add3A_157, %gather3A_164 : vector<16xf32>
      %mul3A_166 = arith.constant 16 : i32
      %mul3A_167 = vector.broadcast %mul3A_166 : i32 to vector<16xi32>
      %mul3A_168 = arith.muli %iota3A, %mul3A_167 : vector<16xi32>
      %add3A_169 = arith.constant 11 : i32
      %add3A_170 = vector.broadcast %add3A_169 : i32 to vector<16xi32>
      %add3A_171 = arith.addi %mul3A_168, %add3A_170 : vector<16xi32>
      %gather3A_172 = tpu.vector_load_idx %arg15[%add3A_171] : memref<256xf32, #tpu.memory_space<vmem>>[vector<16xi32>], vector<16xf32>,
      %add3A_173 = arith.addf %add3A_165, %gather3A_172 : vector<16xf32>
      %mul3A_174 = arith.constant 16 : i32
      %mul3A_175 = vector.broadcast %mul3A_174 : i32 to vector<16xi32>
      %mul3A_176 = arith.muli %iota3A, %mul3A_175 : vector<16xi32>
      %add3A_177 = arith.constant 12 : i32
      %add3A_178 = vector.broadcast %add3A_177 : i32 to vector<16xi32>
      %add3A_179 = arith.addi %mul3A_176, %add3A_178 : vector<16xi32>
      %gather3A_180 = tpu.vector_load_idx %arg15[%add3A_179] : memref<256xf32, #tpu.memory_space<vmem>>[vector<16xi32>], vector<16xf32>,
      %add3A_181 = arith.addf %add3A_173, %gather3A_180 : vector<16xf32>
      %mul3A_182 = arith.constant 16 : i32
      %mul3A_183 = vector.broadcast %mul3A_182 : i32 to vector<16xi32>
      %mul3A_184 = arith.muli %iota3A, %mul3A_183 : vector<16xi32>
      %add3A_185 = arith.constant 13 : i32
      %add3A_186 = vector.broadcast %add3A_185 : i32 to vector<16xi32>
      %add3A_187 = arith.addi %mul3A_184, %add3A_186 : vector<16xi32>
      %gather3A_188 = tpu.vector_load_idx %arg15[%add3A_187] : memref<256xf32, #tpu.memory_space<vmem>>[vector<16xi32>], vector<16xf32>,
      %add3A_189 = arith.addf %add3A_181, %gather3A_188 : vector<16xf32>
      %mul3A_190 = arith.constant 16 : i32
      %mul3A_191 = vector.broadcast %mul3A_190 : i32 to vector<16xi32>
      %mul3A_192 = arith.muli %iota3A, %mul3A_191 : vector<16xi32>
      %add3A_193 = arith.constant 14 : i32
      %add3A_194 = vector.broadcast %add3A_193 : i32 to vector<16xi32>
      %add3A_195 = arith.addi %mul3A_192, %add3A_194 : vector<16xi32>
      %gather3A_196 = tpu.vector_load_idx %arg15[%add3A_195] : memref<256xf32, #tpu.memory_space<vmem>>[vector<16xi32>], vector<16xf32>,
      %add3A_197 = arith.addf %add3A_189, %gather3A_196 : vector<16xf32>
      %mul3A_198 = arith.constant 16 : i32
      %mul3A_199 = vector.broadcast %mul3A_198 : i32 to vector<16xi32>
      %mul3A_200 = arith.muli %iota3A, %mul3A_199 : vector<16xi32>
      %add3A_201 = arith.constant 15 : i32
      %add3A_202 = vector.broadcast %add3A_201 : i32 to vector<16xi32>
      %add3A_203 = arith.addi %mul3A_200, %add3A_202 : vector<16xi32>
      %gather3A_204 = tpu.vector_load_idx %arg15[%add3A_203] : memref<256xf32, #tpu.memory_space<vmem>>[vector<16xi32>], vector<16xf32>,
      %add3A_205 = arith.addf %add3A_197, %gather3A_204 : vector<16xf32>
      %swap3A = arith.index_cast %mul3A_14 : i32 to index
      %swap3A_206 = tpu.vector_load %arg17[%swap3A] {strides = array<i32>} : memref<512xf32, #tpu.memory_space<vmem>>, vector<16xf32>,
      tpu.vector_store %arg17[%swap3A], %add3A_205 {strides = array<i32>} : memref<512xf32, #tpu.memory_space<vmem>>, vector<16xf32>,
      %mul3A_207 = arith.constant 20 : i32
      %mul3A_208 = vector.broadcast %mul3A_207 : i32 to vector<16xi32>
      %mul3A_209 = arith.muli %iota3A, %mul3A_208 : vector<16xi32>
      %add3A_210 = arith.constant 0 : i32
      %add3A_211 = vector.broadcast %add3A_210 : i32 to vector<16xi32>
      %add3A_212 = arith.addi %mul3A_209, %add3A_211 : vector<16xi32>
      %mul3A_213 = arith.constant 16 : i32
      %mul3A_214 = vector.broadcast %mul3A_213 : i32 to vector<16xi32>
      %mul3A_215 = arith.muli %add3A_212, %mul3A_214 : vector<16xi32>
      %gather3A_216 = tpu.vector_load_idx %arg16[%mul3A_215] : memref<5120xf32, #tpu.memory_space<vmem>>[vector<16xi32>], vector<16xf32>,
      %add3A_217 = arith.constant 1 : i32
      %add3A_218 = vector.broadcast %add3A_217 : i32 to vector<16xi32>
      %add3A_219 = arith.addi %mul3A_215, %add3A_218 : vector<16xi32>
      %gather3A_220 = tpu.vector_load_idx %arg16[%add3A_219] : memref<5120xf32, #tpu.memory_space<vmem>>[vector<16xi32>], vector<16xf32>,
      %add3A_221 = arith.addf %gather3A_216, %gather3A_220 : vector<16xf32>
      %add3A_222 = arith.constant 2 : i32
      %add3A_223 = vector.broadcast %add3A_222 : i32 to vector<16xi32>
      %add3A_224 = arith.addi %mul3A_215, %add3A_223 : vector<16xi32>
      %gather3A_225 = tpu.vector_load_idx %arg16[%add3A_224] : memref<5120xf32, #tpu.memory_space<vmem>>[vector<16xi32>], vector<16xf32>,
      %add3A_226 = arith.addf %add3A_221, %gather3A_225 : vector<16xf32>
      %add3A_227 = arith.constant 3 : i32
      %add3A_228 = vector.broadcast %add3A_227 : i32 to vector<16xi32>
      %add3A_229 = arith.addi %mul3A_215, %add3A_228 : vector<16xi32>
      %gather3A_230 = tpu.vector_load_idx %arg16[%add3A_229] : memref<5120xf32, #tpu.memory_space<vmem>>[vector<16xi32>], vector<16xf32>,
      %add3A_231 = arith.addf %add3A_226, %gather3A_230 : vector<16xf32>
      %add3A_232 = arith.constant 4 : i32
      %add3A_233 = vector.broadcast %add3A_232 : i32 to vector<16xi32>
      %add3A_234 = arith.addi %mul3A_215, %add3A_233 : vector<16xi32>
      %gather3A_235 = tpu.vector_load_idx %arg16[%add3A_234] : memref<5120xf32, #tpu.memory_space<vmem>>[vector<16xi32>], vector<16xf32>,
      %add3A_236 = arith.addf %add3A_231, %gather3A_235 : vector<16xf32>
      %add3A_237 = arith.constant 5 : i32
      %add3A_238 = vector.broadcast %add3A_237 : i32 to vector<16xi32>
      %add3A_239 = arith.addi %mul3A_215, %add3A_238 : vector<16xi32>
      %gather3A_240 = tpu.vector_load_idx %arg16[%add3A_239] : memref<5120xf32, #tpu.memory_space<vmem>>[vector<16xi32>], vector<16xf32>,
      %add3A_241 = arith.addf %add3A_236, %gather3A_240 : vector<16xf32>
      %add3A_242 = arith.constant 6 : i32
      %add3A_243 = vector.broadcast %add3A_242 : i32 to vector<16xi32>
      %add3A_244 = arith.addi %mul3A_215, %add3A_243 : vector<16xi32>
      %gather3A_245 = tpu.vector_load_idx %arg16[%add3A_244] : memref<5120xf32, #tpu.memory_space<vmem>>[vector<16xi32>], vector<16xf32>,
      %add3A_246 = arith.addf %add3A_241, %gather3A_245 : vector<16xf32>
      %add3A_247 = arith.constant 7 : i32
      %add3A_248 = vector.broadcast %add3A_247 : i32 to vector<16xi32>
      %add3A_249 = arith.addi %mul3A_215, %add3A_248 : vector<16xi32>
      %gather3A_250 = tpu.vector_load_idx %arg16[%add3A_249] : memref<5120xf32, #tpu.memory_space<vmem>>[vector<16xi32>], vector<16xf32>,
      %add3A_251 = arith.addf %add3A_246, %gather3A_250 : vector<16xf32>
      %add3A_252 = arith.constant 8 : i32
      %add3A_253 = vector.broadcast %add3A_252 : i32 to vector<16xi32>
      %add3A_254 = arith.addi %mul3A_215, %add3A_253 : vector<16xi32>
      %gather3A_255 = tpu.vector_load_idx %arg16[%add3A_254] : memref<5120xf32, #tpu.memory_space<vmem>>[vector<16xi32>], vector<16xf32>,
      %add3A_256 = arith.addf %add3A_251, %gather3A_255 : vector<16xf32>
      %add3A_257 = arith.constant 9 : i32
      %add3A_258 = vector.broadcast %add3A_257 : i32 to vector<16xi32>
      %add3A_259 = arith.addi %mul3A_215, %add3A_258 : vector<16xi32>
      %gather3A_260 = tpu.vector_load_idx %arg16[%add3A_259] : memref<5120xf32, #tpu.memory_space<vmem>>[vector<16xi32>], vector<16xf32>,
      %add3A_261 = arith.addf %add3A_256, %gather3A_260 : vector<16xf32>
      %add3A_262 = arith.constant 10 : i32
      %add3A_263 = vector.broadcast %add3A_262 : i32 to vector<16xi32>
      %add3A_264 = arith.addi %mul3A_215, %add3A_263 : vector<16xi32>
      %gather3A_265 = tpu.vector_load_idx %arg16[%add3A_264] : memref<5120xf32, #tpu.memory_space<vmem>>[vector<16xi32>], vector<16xf32>,
      %add3A_266 = arith.addf %add3A_261, %gather3A_265 : vector<16xf32>
      %add3A_267 = arith.constant 11 : i32
      %add3A_268 = vector.broadcast %add3A_267 : i32 to vector<16xi32>
      %add3A_269 = arith.addi %mul3A_215, %add3A_268 : vector<16xi32>
      %gather3A_270 = tpu.vector_load_idx %arg16[%add3A_269] : memref<5120xf32, #tpu.memory_space<vmem>>[vector<16xi32>], vector<16xf32>,
      %add3A_271 = arith.addf %add3A_266, %gather3A_270 : vector<16xf32>
      %add3A_272 = arith.constant 12 : i32
      %add3A_273 = vector.broadcast %add3A_272 : i32 to vector<16xi32>
      %add3A_274 = arith.addi %mul3A_215, %add3A_273 : vector<16xi32>
      %gather3A_275 = tpu.vector_load_idx %arg16[%add3A_274] : memref<5120xf32, #tpu.memory_space<vmem>>[vector<16xi32>], vector<16xf32>,
      %add3A_276 = arith.addf %add3A_271, %gather3A_275 : vector<16xf32>
      %add3A_277 = arith.constant 13 : i32
      %add3A_278 = vector.broadcast %add3A_277 : i32 to vector<16xi32>
      %add3A_279 = arith.addi %mul3A_215, %add3A_278 : vector<16xi32>
      %gather3A_280 = tpu.vector_load_idx %arg16[%add3A_279] : memref<5120xf32, #tpu.memory_space<vmem>>[vector<16xi32>], vector<16xf32>,
      %add3A_281 = arith.addf %add3A_276, %gather3A_280 : vector<16xf32>
      %add3A_282 = arith.constant 14 : i32
      %add3A_283 = vector.broadcast %add3A_282 : i32 to vector<16xi32>
      %add3A_284 = arith.addi %mul3A_215, %add3A_283 : vector<16xi32>
      %gather3A_285 = tpu.vector_load_idx %arg16[%add3A_284] : memref<5120xf32, #tpu.memory_space<vmem>>[vector<16xi32>], vector<16xf32>,
      %add3A_286 = arith.addf %add3A_281, %gather3A_285 : vector<16xf32>
      %add3A_287 = arith.constant 15 : i32
      %add3A_288 = vector.broadcast %add3A_287 : i32 to vector<16xi32>
      %add3A_289 = arith.addi %mul3A_215, %add3A_288 : vector<16xi32>
      %gather3A_290 = tpu.vector_load_idx %arg16[%add3A_289] : memref<5120xf32, #tpu.memory_space<vmem>>[vector<16xi32>], vector<16xf32>,
      %add3A_291 = arith.addf %add3A_286, %gather3A_290 : vector<16xf32>
      %mul3A_292 = arith.constant 20 : i32
      %mul3A_293 = vector.broadcast %mul3A_292 : i32 to vector<16xi32>
      %mul3A_294 = arith.muli %iota3A, %mul3A_293 : vector<16xi32>
      %add3A_295 = vector.broadcast %mul3A_23 : i32 to vector<16xi32>
      %add3A_296 = arith.addi %add3A_295, %mul3A_294 : vector<16xi32>
      %add3A_297 = arith.constant 0 : i32
      %add3A_298 = vector.broadcast %add3A_297 : i32 to vector<16xi32>
      %add3A_299 = arith.addi %add3A_296, %add3A_298 : vector<16xi32>
      tpu.vector_store_idx %arg18[%add3A_299], %add3A_291 : memref<10240xf32, #tpu.memory_space<vmem>>[vector<16xi32>], vector<16xf32>,
      %mul3A_300 = arith.constant 20 : i32
      %mul3A_301 = vector.broadcast %mul3A_300 : i32 to vector<16xi32>
      %mul3A_302 = arith.muli %iota3A, %mul3A_301 : vector<16xi32>
      %add3A_303 = arith.constant 1 : i32
      %add3A_304 = vector.broadcast %add3A_303 : i32 to vector<16xi32>
      %add3A_305 = arith.addi %mul3A_302, %add3A_304 : vector<16xi32>
      %mul3A_306 = arith.constant 16 : i32
      %mul3A_307 = vector.broadcast %mul3A_306 : i32 to vector<16xi32>
      %mul3A_308 = arith.muli %add3A_305, %mul3A_307 : vector<16xi32>
      %gather3A_309 = tpu.vector_load_idx %arg16[%mul3A_308] : memref<5120xf32, #tpu.memory_space<vmem>>[vector<16xi32>], vector<16xf32>,
      %add3A_310 = arith.constant 1 : i32
      %add3A_311 = vector.broadcast %add3A_310 : i32 to vector<16xi32>
      %add3A_312 = arith.addi %mul3A_308, %add3A_311 : vector<16xi32>
      %gather3A_313 = tpu.vector_load_idx %arg16[%add3A_312] : memref<5120xf32, #tpu.memory_space<vmem>>[vector<16xi32>], vector<16xf32>,
      %add3A_314 = arith.addf %gather3A_309, %gather3A_313 : vector<16xf32>
      %add3A_315 = arith.constant 2 : i32
      %add3A_316 = vector.broadcast %add3A_315 : i32 to vector<16xi32>
      %add3A_317 = arith.addi %mul3A_308, %add3A_316 : vector<16xi32>
      %gather3A_318 = tpu.vector_load_idx %arg16[%add3A_317] : memref<5120xf32, #tpu.memory_space<vmem>>[vector<16xi32>], vector<16xf32>,
      %add3A_319 = arith.addf %add3A_314, %gather3A_318 : vector<16xf32>
      %add3A_320 = arith.constant 3 : i32
      %add3A_321 = vector.broadcast %add3A_320 : i32 to vector<16xi32>
      %add3A_322 = arith.addi %mul3A_308, %add3A_321 : vector<16xi32>
      %gather3A_323 = tpu.vector_load_idx %arg16[%add3A_322] : memref<5120xf32, #tpu.memory_space<vmem>>[vector<16xi32>], vector<16xf32>,
      %add3A_324 = arith.addf %add3A_319, %gather3A_323 : vector<16xf32>
      %add3A_325 = arith.constant 4 : i32
      %add3A_326 = vector.broadcast %add3A_325 : i32 to vector<16xi32>
      %add3A_327 = arith.addi %mul3A_308, %add3A_326 : vector<16xi32>
      %gather3A_328 = tpu.vector_load_idx %arg16[%add3A_327] : memref<5120xf32, #tpu.memory_space<vmem>>[vector<16xi32>], vector<16xf32>,
      %add3A_329 = arith.addf %add3A_324, %gather3A_328 : vector<16xf32>
      %add3A_330 = arith.constant 5 : i32
      %add3A_331 = vector.broadcast %add3A_330 : i32 to vector<16xi32>
      %add3A_332 = arith.addi %mul3A_308, %add3A_331 : vector<16xi32>
      %gather3A_333 = tpu.vector_load_idx %arg16[%add3A_332] : memref<5120xf32, #tpu.memory_space<vmem>>[vector<16xi32>], vector<16xf32>,
      %add3A_334 = arith.addf %add3A_329, %gather3A_333 : vector<16xf32>
      %add3A_335 = arith.constant 6 : i32
      %add3A_336 = vector.broadcast %add3A_335 : i32 to vector<16xi32>
      %add3A_337 = arith.addi %mul3A_308, %add3A_336 : vector<16xi32>
      %gather3A_338 = tpu.vector_load_idx %arg16[%add3A_337] : memref<5120xf32, #tpu.memory_space<vmem>>[vector<16xi32>], vector<16xf32>,
      %add3A_339 = arith.addf %add3A_334, %gather3A_338 : vector<16xf32>
      %add3A_340 = arith.constant 7 : i32
      %add3A_341 = vector.broadcast %add3A_340 : i32 to vector<16xi32>
      %add3A_342 = arith.addi %mul3A_308, %add3A_341 : vector<16xi32>
      %gather3A_343 = tpu.vector_load_idx %arg16[%add3A_342] : memref<5120xf32, #tpu.memory_space<vmem>>[vector<16xi32>], vector<16xf32>,
      %add3A_344 = arith.addf %add3A_339, %gather3A_343 : vector<16xf32>
      %add3A_345 = arith.constant 8 : i32
      %add3A_346 = vector.broadcast %add3A_345 : i32 to vector<16xi32>
      %add3A_347 = arith.addi %mul3A_308, %add3A_346 : vector<16xi32>
      %gather3A_348 = tpu.vector_load_idx %arg16[%add3A_347] : memref<5120xf32, #tpu.memory_space<vmem>>[vector<16xi32>], vector<16xf32>,
      %add3A_349 = arith.addf %add3A_344, %gather3A_348 : vector<16xf32>
      %add3A_350 = arith.constant 9 : i32
      %add3A_351 = vector.broadcast %add3A_350 : i32 to vector<16xi32>
      %add3A_352 = arith.addi %mul3A_308, %add3A_351 : vector<16xi32>
      %gather3A_353 = tpu.vector_load_idx %arg16[%add3A_352] : memref<5120xf32, #tpu.memory_space<vmem>>[vector<16xi32>], vector<16xf32>,
      %add3A_354 = arith.addf %add3A_349, %gather3A_353 : vector<16xf32>
      %add3A_355 = arith.constant 10 : i32
      %add3A_356 = vector.broadcast %add3A_355 : i32 to vector<16xi32>
      %add3A_357 = arith.addi %mul3A_308, %add3A_356 : vector<16xi32>
      %gather3A_358 = tpu.vector_load_idx %arg16[%add3A_357] : memref<5120xf32, #tpu.memory_space<vmem>>[vector<16xi32>], vector<16xf32>,
      %add3A_359 = arith.addf %add3A_354, %gather3A_358 : vector<16xf32>
      %add3A_360 = arith.constant 11 : i32
      %add3A_361 = vector.broadcast %add3A_360 : i32 to vector<16xi32>
      %add3A_362 = arith.addi %mul3A_308, %add3A_361 : vector<16xi32>
      %gather3A_363 = tpu.vector_load_idx %arg16[%add3A_362] : memref<5120xf32, #tpu.memory_space<vmem>>[vector<16xi32>], vector<16xf32>,
      %add3A_364 = arith.addf %add3A_359, %gather3A_363 : vector<16xf32>
      %add3A_365 = arith.constant 12 : i32
      %add3A_366 = vector.broadcast %add3A_365 : i32 to vector<16xi32>
      %add3A_367 = arith.addi %mul3A_308, %add3A_366 : vector<16xi32>
      %gather3A_368 = tpu.vector_load_idx %arg16[%add3A_367] : memref<5120xf32, #tpu.memory_space<vmem>>[vector<16xi32>], vector<16xf32>,
      %add3A_369 = arith.addf %add3A_364, %gather3A_368 : vector<16xf32>
      %add3A_370 = arith.constant 13 : i32
      %add3A_371 = vector.broadcast %add3A_370 : i32 to vector<16xi32>
      %add3A_372 = arith.addi %mul3A_308, %add3A_371 : vector<16xi32>
      %gather3A_373 = tpu.vector_load_idx %arg16[%add3A_372] : memref<5120xf32, #tpu.memory_space<vmem>>[vector<16xi32>], vector<16xf32>,
      %add3A_374 = arith.addf %add3A_369, %gather3A_373 : vector<16xf32>
      %add3A_375 = arith.constant 14 : i32
      %add3A_376 = vector.broadcast %add3A_375 : i32 to vector<16xi32>
      %add3A_377 = arith.addi %mul3A_308, %add3A_376 : vector<16xi32>
      %gather3A_378 = tpu.vector_load_idx %arg16[%add3A_377] : memref<5120xf32, #tpu.memory_space<vmem>>[vector<16xi32>], vector<16xf32>,
      %add3A_379 = arith.addf %add3A_374, %gather3A_378 : vector<16xf32>
      %add3A_380 = arith.constant 15 : i32
      %add3A_381 = vector.broadcast %add3A_380 : i32 to vector<16xi32>
      %add3A_382 = arith.addi %mul3A_308, %add3A_381 : vector<16xi32>
      %gather3A_383 = tpu.vector_load_idx %arg16[%add3A_382] : memref<5120xf32, #tpu.memory_space<vmem>>[vector<16xi32>], vector<16xf32>,
      %add3A_384 = arith.addf %add3A_379, %gather3A_383 : vector<16xf32>
      %mul3A_385 = arith.constant 20 : i32
      %mul3A_386 = vector.broadcast %mul3A_385 : i32 to vector<16xi32>
      %mul3A_387 = arith.muli %iota3A, %mul3A_386 : vector<16xi32>
      %add3A_388 = vector.broadcast %mul3A_23 : i32 to vector<16xi32>
      %add3A_389 = arith.addi %add3A_388, %mul3A_387 : vector<16xi32>
      %add3A_390 = arith.constant 1 : i32
      %add3A_391 = vector.broadcast %add3A_390 : i32 to vector<16xi32>
      %add3A_392 = arith.addi %add3A_389, %add3A_391 : vector<16xi32>
      tpu.vector_store_idx %arg18[%add3A_392], %add3A_384 : memref<10240xf32, #tpu.memory_space<vmem>>[vector<16xi32>], vector<16xf32>,
      %mul3A_393 = arith.constant 20 : i32
      %mul3A_394 = vector.broadcast %mul3A_393 : i32 to vector<16xi32>
      %mul3A_395 = arith.muli %iota3A, %mul3A_394 : vector<16xi32>
      %add3A_396 = arith.constant 2 : i32
      %add3A_397 = vector.broadcast %add3A_396 : i32 to vector<16xi32>
      %add3A_398 = arith.addi %mul3A_395, %add3A_397 : vector<16xi32>
      %mul3A_399 = arith.constant 16 : i32
      %mul3A_400 = vector.broadcast %mul3A_399 : i32 to vector<16xi32>
      %mul3A_401 = arith.muli %add3A_398, %mul3A_400 : vector<16xi32>
      %gather3A_402 = tpu.vector_load_idx %arg16[%mul3A_401] : memref<5120xf32, #tpu.memory_space<vmem>>[vector<16xi32>], vector<16xf32>,
      %add3A_403 = arith.constant 1 : i32
      %add3A_404 = vector.broadcast %add3A_403 : i32 to vector<16xi32>
      %add3A_405 = arith.addi %mul3A_401, %add3A_404 : vector<16xi32>
      %gather3A_406 = tpu.vector_load_idx %arg16[%add3A_405] : memref<5120xf32, #tpu.memory_space<vmem>>[vector<16xi32>], vector<16xf32>,
      %add3A_407 = arith.addf %gather3A_402, %gather3A_406 : vector<16xf32>
      %add3A_408 = arith.constant 2 : i32
      %add3A_409 = vector.broadcast %add3A_408 : i32 to vector<16xi32>
      %add3A_410 = arith.addi %mul3A_401, %add3A_409 : vector<16xi32>
      %gather3A_411 = tpu.vector_load_idx %arg16[%add3A_410] : memref<5120xf32, #tpu.memory_space<vmem>>[vector<16xi32>], vector<16xf32>,
      %add3A_412 = arith.addf %add3A_407, %gather3A_411 : vector<16xf32>
      %add3A_413 = arith.constant 3 : i32
      %add3A_414 = vector.broadcast %add3A_413 : i32 to vector<16xi32>
      %add3A_415 = arith.addi %mul3A_401, %add3A_414 : vector<16xi32>
      %gather3A_416 = tpu.vector_load_idx %arg16[%add3A_415] : memref<5120xf32, #tpu.memory_space<vmem>>[vector<16xi32>], vector<16xf32>,
      %add3A_417 = arith.addf %add3A_412, %gather3A_416 : vector<16xf32>
      %add3A_418 = arith.constant 4 : i32
      %add3A_419 = vector.broadcast %add3A_418 : i32 to vector<16xi32>
      %add3A_420 = arith.addi %mul3A_401, %add3A_419 : vector<16xi32>
      %gather3A_421 = tpu.vector_load_idx %arg16[%add3A_420] : memref<5120xf32, #tpu.memory_space<vmem>>[vector<16xi32>], vector<16xf32>,
      %add3A_422 = arith.addf %add3A_417, %gather3A_421 : vector<16xf32>
      %add3A_423 = arith.constant 5 : i32
      %add3A_424 = vector.broadcast %add3A_423 : i32 to vector<16xi32>
      %add3A_425 = arith.addi %mul3A_401, %add3A_424 : vector<16xi32>
      %gather3A_426 = tpu.vector_load_idx %arg16[%add3A_425] : memref<5120xf32, #tpu.memory_space<vmem>>[vector<16xi32>], vector<16xf32>,
      %add3A_427 = arith.addf %add3A_422, %gather3A_426 : vector<16xf32>
      %add3A_428 = arith.constant 6 : i32
      %add3A_429 = vector.broadcast %add3A_428 : i32 to vector<16xi32>
      %add3A_430 = arith.addi %mul3A_401, %add3A_429 : vector<16xi32>
      %gather3A_431 = tpu.vector_load_idx %arg16[%add3A_430] : memref<5120xf32, #tpu.memory_space<vmem>>[vector<16xi32>], vector<16xf32>,
      %add3A_432 = arith.addf %add3A_427, %gather3A_431 : vector<16xf32>
      %add3A_433 = arith.constant 7 : i32
      %add3A_434 = vector.broadcast %add3A_433 : i32 to vector<16xi32>
      %add3A_435 = arith.addi %mul3A_401, %add3A_434 : vector<16xi32>
      %gather3A_436 = tpu.vector_load_idx %arg16[%add3A_435] : memref<5120xf32, #tpu.memory_space<vmem>>[vector<16xi32>], vector<16xf32>,
      %add3A_437 = arith.addf %add3A_432, %gather3A_436 : vector<16xf32>
      %add3A_438 = arith.constant 8 : i32
      %add3A_439 = vector.broadcast %add3A_438 : i32 to vector<16xi32>
      %add3A_440 = arith.addi %mul3A_401, %add3A_439 : vector<16xi32>
      %gather3A_441 = tpu.vector_load_idx %arg16[%add3A_440] : memref<5120xf32, #tpu.memory_space<vmem>>[vector<16xi32>], vector<16xf32>,
      %add3A_442 = arith.addf %add3A_437, %gather3A_441 : vector<16xf32>
      %add3A_443 = arith.constant 9 : i32
      %add3A_444 = vector.broadcast %add3A_443 : i32 to vector<16xi32>
      %add3A_445 = arith.addi %mul3A_401, %add3A_444 : vector<16xi32>
      %gather3A_446 = tpu.vector_load_idx %arg16[%add3A_445] : memref<5120xf32, #tpu.memory_space<vmem>>[vector<16xi32>], vector<16xf32>,
      %add3A_447 = arith.addf %add3A_442, %gather3A_446 : vector<16xf32>
      %add3A_448 = arith.constant 10 : i32
      %add3A_449 = vector.broadcast %add3A_448 : i32 to vector<16xi32>
      %add3A_450 = arith.addi %mul3A_401, %add3A_449 : vector<16xi32>
      %gather3A_451 = tpu.vector_load_idx %arg16[%add3A_450] : memref<5120xf32, #tpu.memory_space<vmem>>[vector<16xi32>], vector<16xf32>,
      %add3A_452 = arith.addf %add3A_447, %gather3A_451 : vector<16xf32>
      %add3A_453 = arith.constant 11 : i32
      %add3A_454 = vector.broadcast %add3A_453 : i32 to vector<16xi32>
      %add3A_455 = arith.addi %mul3A_401, %add3A_454 : vector<16xi32>
      %gather3A_456 = tpu.vector_load_idx %arg16[%add3A_455] : memref<5120xf32, #tpu.memory_space<vmem>>[vector<16xi32>], vector<16xf32>,
      %add3A_457 = arith.addf %add3A_452, %gather3A_456 : vector<16xf32>
      %add3A_458 = arith.constant 12 : i32
      %add3A_459 = vector.broadcast %add3A_458 : i32 to vector<16xi32>
      %add3A_460 = arith.addi %mul3A_401, %add3A_459 : vector<16xi32>
      %gather3A_461 = tpu.vector_load_idx %arg16[%add3A_460] : memref<5120xf32, #tpu.memory_space<vmem>>[vector<16xi32>], vector<16xf32>,
      %add3A_462 = arith.addf %add3A_457, %gather3A_461 : vector<16xf32>
      %add3A_463 = arith.constant 13 : i32
      %add3A_464 = vector.broadcast %add3A_463 : i32 to vector<16xi32>
      %add3A_465 = arith.addi %mul3A_401, %add3A_464 : vector<16xi32>
      %gather3A_466 = tpu.vector_load_idx %arg16[%add3A_465] : memref<5120xf32, #tpu.memory_space<vmem>>[vector<16xi32>], vector<16xf32>,
      %add3A_467 = arith.addf %add3A_462, %gather3A_466 : vector<16xf32>
      %add3A_468 = arith.constant 14 : i32
      %add3A_469 = vector.broadcast %add3A_468 : i32 to vector<16xi32>
      %add3A_470 = arith.addi %mul3A_401, %add3A_469 : vector<16xi32>
      %gather3A_471 = tpu.vector_load_idx %arg16[%add3A_470] : memref<5120xf32, #tpu.memory_space<vmem>>[vector<16xi32>], vector<16xf32>,
      %add3A_472 = arith.addf %add3A_467, %gather3A_471 : vector<16xf32>
      %add3A_473 = arith.constant 15 : i32
      %add3A_474 = vector.broadcast %add3A_473 : i32 to vector<16xi32>
      %add3A_475 = arith.addi %mul3A_401, %add3A_474 : vector<16xi32>
      %gather3A_476 = tpu.vector_load_idx %arg16[%add3A_475] : memref<5120xf32, #tpu.memory_space<vmem>>[vector<16xi32>], vector<16xf32>,
      %add3A_477 = arith.addf %add3A_472, %gather3A_476 : vector<16xf32>
      %mul3A_478 = arith.constant 20 : i32
      %mul3A_479 = vector.broadcast %mul3A_478 : i32 to vector<16xi32>
      %mul3A_480 = arith.muli %iota3A, %mul3A_479 : vector<16xi32>
      %add3A_481 = vector.broadcast %mul3A_23 : i32 to vector<16xi32>
      %add3A_482 = arith.addi %add3A_481, %mul3A_480 : vector<16xi32>
      %add3A_483 = arith.constant 2 : i32
      %add3A_484 = vector.broadcast %add3A_483 : i32 to vector<16xi32>
      %add3A_485 = arith.addi %add3A_482, %add3A_484 : vector<16xi32>
      tpu.vector_store_idx %arg18[%add3A_485], %add3A_477 : memref<10240xf32, #tpu.memory_space<vmem>>[vector<16xi32>], vector<16xf32>,
      %mul3A_486 = arith.constant 20 : i32
      %mul3A_487 = vector.broadcast %mul3A_486 : i32 to vector<16xi32>
      %mul3A_488 = arith.muli %iota3A, %mul3A_487 : vector<16xi32>
      %add3A_489 = arith.constant 3 : i32
      %add3A_490 = vector.broadcast %add3A_489 : i32 to vector<16xi32>
      %add3A_491 = arith.addi %mul3A_488, %add3A_490 : vector<16xi32>
      %mul3A_492 = arith.constant 16 : i32
      %mul3A_493 = vector.broadcast %mul3A_492 : i32 to vector<16xi32>
      %mul3A_494 = arith.muli %add3A_491, %mul3A_493 : vector<16xi32>
      %gather3A_495 = tpu.vector_load_idx %arg16[%mul3A_494] : memref<5120xf32, #tpu.memory_space<vmem>>[vector<16xi32>], vector<16xf32>,
      %add3A_496 = arith.constant 1 : i32
      %add3A_497 = vector.broadcast %add3A_496 : i32 to vector<16xi32>
      %add3A_498 = arith.addi %mul3A_494, %add3A_497 : vector<16xi32>
      %gather3A_499 = tpu.vector_load_idx %arg16[%add3A_498] : memref<5120xf32, #tpu.memory_space<vmem>>[vector<16xi32>], vector<16xf32>,
      %add3A_500 = arith.addf %gather3A_495, %gather3A_499 : vector<16xf32>
      %add3A_501 = arith.constant 2 : i32
      %add3A_502 = vector.broadcast %add3A_501 : i32 to vector<16xi32>
      %add3A_503 = arith.addi %mul3A_494, %add3A_502 : vector<16xi32>
      %gather3A_504 = tpu.vector_load_idx %arg16[%add3A_503] : memref<5120xf32, #tpu.memory_space<vmem>>[vector<16xi32>], vector<16xf32>,
      %add3A_505 = arith.addf %add3A_500, %gather3A_504 : vector<16xf32>
      %add3A_506 = arith.constant 3 : i32
      %add3A_507 = vector.broadcast %add3A_506 : i32 to vector<16xi32>
      %add3A_508 = arith.addi %mul3A_494, %add3A_507 : vector<16xi32>
      %gather3A_509 = tpu.vector_load_idx %arg16[%add3A_508] : memref<5120xf32, #tpu.memory_space<vmem>>[vector<16xi32>], vector<16xf32>,
      %add3A_510 = arith.addf %add3A_505, %gather3A_509 : vector<16xf32>
      %add3A_511 = arith.constant 4 : i32
      %add3A_512 = vector.broadcast %add3A_511 : i32 to vector<16xi32>
      %add3A_513 = arith.addi %mul3A_494, %add3A_512 : vector<16xi32>
      %gather3A_514 = tpu.vector_load_idx %arg16[%add3A_513] : memref<5120xf32, #tpu.memory_space<vmem>>[vector<16xi32>], vector<16xf32>,
      %add3A_515 = arith.addf %add3A_510, %gather3A_514 : vector<16xf32>
      %add3A_516 = arith.constant 5 : i32
      %add3A_517 = vector.broadcast %add3A_516 : i32 to vector<16xi32>
      %add3A_518 = arith.addi %mul3A_494, %add3A_517 : vector<16xi32>
      %gather3A_519 = tpu.vector_load_idx %arg16[%add3A_518] : memref<5120xf32, #tpu.memory_space<vmem>>[vector<16xi32>], vector<16xf32>,
      %add3A_520 = arith.addf %add3A_515, %gather3A_519 : vector<16xf32>
      %add3A_521 = arith.constant 6 : i32
      %add3A_522 = vector.broadcast %add3A_521 : i32 to vector<16xi32>
      %add3A_523 = arith.addi %mul3A_494, %add3A_522 : vector<16xi32>
      %gather3A_524 = tpu.vector_load_idx %arg16[%add3A_523] : memref<5120xf32, #tpu.memory_space<vmem>>[vector<16xi32>], vector<16xf32>,
      %add3A_525 = arith.addf %add3A_520, %gather3A_524 : vector<16xf32>
      %add3A_526 = arith.constant 7 : i32
      %add3A_527 = vector.broadcast %add3A_526 : i32 to vector<16xi32>
      %add3A_528 = arith.addi %mul3A_494, %add3A_527 : vector<16xi32>
      %gather3A_529 = tpu.vector_load_idx %arg16[%add3A_528] : memref<5120xf32, #tpu.memory_space<vmem>>[vector<16xi32>], vector<16xf32>,
      %add3A_530 = arith.addf %add3A_525, %gather3A_529 : vector<16xf32>
      %add3A_531 = arith.constant 8 : i32
      %add3A_532 = vector.broadcast %add3A_531 : i32 to vector<16xi32>
      %add3A_533 = arith.addi %mul3A_494, %add3A_532 : vector<16xi32>
      %gather3A_534 = tpu.vector_load_idx %arg16[%add3A_533] : memref<5120xf32, #tpu.memory_space<vmem>>[vector<16xi32>], vector<16xf32>,
      %add3A_535 = arith.addf %add3A_530, %gather3A_534 : vector<16xf32>
      %add3A_536 = arith.constant 9 : i32
      %add3A_537 = vector.broadcast %add3A_536 : i32 to vector<16xi32>
      %add3A_538 = arith.addi %mul3A_494, %add3A_537 : vector<16xi32>
      %gather3A_539 = tpu.vector_load_idx %arg16[%add3A_538] : memref<5120xf32, #tpu.memory_space<vmem>>[vector<16xi32>], vector<16xf32>,
      %add3A_540 = arith.addf %add3A_535, %gather3A_539 : vector<16xf32>
      %add3A_541 = arith.constant 10 : i32
      %add3A_542 = vector.broadcast %add3A_541 : i32 to vector<16xi32>
      %add3A_543 = arith.addi %mul3A_494, %add3A_542 : vector<16xi32>
      %gather3A_544 = tpu.vector_load_idx %arg16[%add3A_543] : memref<5120xf32, #tpu.memory_space<vmem>>[vector<16xi32>], vector<16xf32>,
      %add3A_545 = arith.addf %add3A_540, %gather3A_544 : vector<16xf32>
      %add3A_546 = arith.constant 11 : i32
      %add3A_547 = vector.broadcast %add3A_546 : i32 to vector<16xi32>
      %add3A_548 = arith.addi %mul3A_494, %add3A_547 : vector<16xi32>
      %gather3A_549 = tpu.vector_load_idx %arg16[%add3A_548] : memref<5120xf32, #tpu.memory_space<vmem>>[vector<16xi32>], vector<16xf32>,
      %add3A_550 = arith.addf %add3A_545, %gather3A_549 : vector<16xf32>
      %add3A_551 = arith.constant 12 : i32
      %add3A_552 = vector.broadcast %add3A_551 : i32 to vector<16xi32>
      %add3A_553 = arith.addi %mul3A_494, %add3A_552 : vector<16xi32>
      %gather3A_554 = tpu.vector_load_idx %arg16[%add3A_553] : memref<5120xf32, #tpu.memory_space<vmem>>[vector<16xi32>], vector<16xf32>,
      %add3A_555 = arith.addf %add3A_550, %gather3A_554 : vector<16xf32>
      %add3A_556 = arith.constant 13 : i32
      %add3A_557 = vector.broadcast %add3A_556 : i32 to vector<16xi32>
      %add3A_558 = arith.addi %mul3A_494, %add3A_557 : vector<16xi32>
      %gather3A_559 = tpu.vector_load_idx %arg16[%add3A_558] : memref<5120xf32, #tpu.memory_space<vmem>>[vector<16xi32>], vector<16xf32>,
      %add3A_560 = arith.addf %add3A_555, %gather3A_559 : vector<16xf32>
      %add3A_561 = arith.constant 14 : i32
      %add3A_562 = vector.broadcast %add3A_561 : i32 to vector<16xi32>
      %add3A_563 = arith.addi %mul3A_494, %add3A_562 : vector<16xi32>
      %gather3A_564 = tpu.vector_load_idx %arg16[%add3A_563] : memref<5120xf32, #tpu.memory_space<vmem>>[vector<16xi32>], vector<16xf32>,
      %add3A_565 = arith.addf %add3A_560, %gather3A_564 : vector<16xf32>
      %add3A_566 = arith.constant 15 : i32
      %add3A_567 = vector.broadcast %add3A_566 : i32 to vector<16xi32>
      %add3A_568 = arith.addi %mul3A_494, %add3A_567 : vector<16xi32>
      %gather3A_569 = tpu.vector_load_idx %arg16[%add3A_568] : memref<5120xf32, #tpu.memory_space<vmem>>[vector<16xi32>], vector<16xf32>,
      %add3A_570 = arith.addf %add3A_565, %gather3A_569 : vector<16xf32>
      %mul3A_571 = arith.constant 20 : i32
      %mul3A_572 = vector.broadcast %mul3A_571 : i32 to vector<16xi32>
      %mul3A_573 = arith.muli %iota3A, %mul3A_572 : vector<16xi32>
      %add3A_574 = vector.broadcast %mul3A_23 : i32 to vector<16xi32>
      %add3A_575 = arith.addi %add3A_574, %mul3A_573 : vector<16xi32>
      %add3A_576 = arith.constant 3 : i32
      %add3A_577 = vector.broadcast %add3A_576 : i32 to vector<16xi32>
      %add3A_578 = arith.addi %add3A_575, %add3A_577 : vector<16xi32>
      tpu.vector_store_idx %arg18[%add3A_578], %add3A_570 : memref<10240xf32, #tpu.memory_space<vmem>>[vector<16xi32>], vector<16xf32>,
      %mul3A_579 = arith.constant 20 : i32
      %mul3A_580 = vector.broadcast %mul3A_579 : i32 to vector<16xi32>
      %mul3A_581 = arith.muli %iota3A, %mul3A_580 : vector<16xi32>
      %add3A_582 = arith.constant 4 : i32
      %add3A_583 = vector.broadcast %add3A_582 : i32 to vector<16xi32>
      %add3A_584 = arith.addi %mul3A_581, %add3A_583 : vector<16xi32>
      %mul3A_585 = arith.constant 16 : i32
      %mul3A_586 = vector.broadcast %mul3A_585 : i32 to vector<16xi32>
      %mul3A_587 = arith.muli %add3A_584, %mul3A_586 : vector<16xi32>
      %gather3A_588 = tpu.vector_load_idx %arg16[%mul3A_587] : memref<5120xf32, #tpu.memory_space<vmem>>[vector<16xi32>], vector<16xf32>,
      %add3A_589 = arith.constant 1 : i32
      %add3A_590 = vector.broadcast %add3A_589 : i32 to vector<16xi32>
      %add3A_591 = arith.addi %mul3A_587, %add3A_590 : vector<16xi32>
      %gather3A_592 = tpu.vector_load_idx %arg16[%add3A_591] : memref<5120xf32, #tpu.memory_space<vmem>>[vector<16xi32>], vector<16xf32>,
      %add3A_593 = arith.addf %gather3A_588, %gather3A_592 : vector<16xf32>
      %add3A_594 = arith.constant 2 : i32
      %add3A_595 = vector.broadcast %add3A_594 : i32 to vector<16xi32>
      %add3A_596 = arith.addi %mul3A_587, %add3A_595 : vector<16xi32>
      %gather3A_597 = tpu.vector_load_idx %arg16[%add3A_596] : memref<5120xf32, #tpu.memory_space<vmem>>[vector<16xi32>], vector<16xf32>,
      %add3A_598 = arith.addf %add3A_593, %gather3A_597 : vector<16xf32>
      %add3A_599 = arith.constant 3 : i32
      %add3A_600 = vector.broadcast %add3A_599 : i32 to vector<16xi32>
      %add3A_601 = arith.addi %mul3A_587, %add3A_600 : vector<16xi32>
      %gather3A_602 = tpu.vector_load_idx %arg16[%add3A_601] : memref<5120xf32, #tpu.memory_space<vmem>>[vector<16xi32>], vector<16xf32>,
      %add3A_603 = arith.addf %add3A_598, %gather3A_602 : vector<16xf32>
      %add3A_604 = arith.constant 4 : i32
      %add3A_605 = vector.broadcast %add3A_604 : i32 to vector<16xi32>
      %add3A_606 = arith.addi %mul3A_587, %add3A_605 : vector<16xi32>
      %gather3A_607 = tpu.vector_load_idx %arg16[%add3A_606] : memref<5120xf32, #tpu.memory_space<vmem>>[vector<16xi32>], vector<16xf32>,
      %add3A_608 = arith.addf %add3A_603, %gather3A_607 : vector<16xf32>
      %add3A_609 = arith.constant 5 : i32
      %add3A_610 = vector.broadcast %add3A_609 : i32 to vector<16xi32>
      %add3A_611 = arith.addi %mul3A_587, %add3A_610 : vector<16xi32>
      %gather3A_612 = tpu.vector_load_idx %arg16[%add3A_611] : memref<5120xf32, #tpu.memory_space<vmem>>[vector<16xi32>], vector<16xf32>,
      %add3A_613 = arith.addf %add3A_608, %gather3A_612 : vector<16xf32>
      %add3A_614 = arith.constant 6 : i32
      %add3A_615 = vector.broadcast %add3A_614 : i32 to vector<16xi32>
      %add3A_616 = arith.addi %mul3A_587, %add3A_615 : vector<16xi32>
      %gather3A_617 = tpu.vector_load_idx %arg16[%add3A_616] : memref<5120xf32, #tpu.memory_space<vmem>>[vector<16xi32>], vector<16xf32>,
      %add3A_618 = arith.addf %add3A_613, %gather3A_617 : vector<16xf32>
      %add3A_619 = arith.constant 7 : i32
      %add3A_620 = vector.broadcast %add3A_619 : i32 to vector<16xi32>
      %add3A_621 = arith.addi %mul3A_587, %add3A_620 : vector<16xi32>
      %gather3A_622 = tpu.vector_load_idx %arg16[%add3A_621] : memref<5120xf32, #tpu.memory_space<vmem>>[vector<16xi32>], vector<16xf32>,
      %add3A_623 = arith.addf %add3A_618, %gather3A_622 : vector<16xf32>
      %add3A_624 = arith.constant 8 : i32
      %add3A_625 = vector.broadcast %add3A_624 : i32 to vector<16xi32>
      %add3A_626 = arith.addi %mul3A_587, %add3A_625 : vector<16xi32>
      %gather3A_627 = tpu.vector_load_idx %arg16[%add3A_626] : memref<5120xf32, #tpu.memory_space<vmem>>[vector<16xi32>], vector<16xf32>,
      %add3A_628 = arith.addf %add3A_623, %gather3A_627 : vector<16xf32>
      %add3A_629 = arith.constant 9 : i32
      %add3A_630 = vector.broadcast %add3A_629 : i32 to vector<16xi32>
      %add3A_631 = arith.addi %mul3A_587, %add3A_630 : vector<16xi32>
      %gather3A_632 = tpu.vector_load_idx %arg16[%add3A_631] : memref<5120xf32, #tpu.memory_space<vmem>>[vector<16xi32>], vector<16xf32>,
      %add3A_633 = arith.addf %add3A_628, %gather3A_632 : vector<16xf32>
      %add3A_634 = arith.constant 10 : i32
      %add3A_635 = vector.broadcast %add3A_634 : i32 to vector<16xi32>
      %add3A_636 = arith.addi %mul3A_587, %add3A_635 : vector<16xi32>
      %gather3A_637 = tpu.vector_load_idx %arg16[%add3A_636] : memref<5120xf32, #tpu.memory_space<vmem>>[vector<16xi32>], vector<16xf32>,
      %add3A_638 = arith.addf %add3A_633, %gather3A_637 : vector<16xf32>
      %add3A_639 = arith.constant 11 : i32
      %add3A_640 = vector.broadcast %add3A_639 : i32 to vector<16xi32>
      %add3A_641 = arith.addi %mul3A_587, %add3A_640 : vector<16xi32>
      %gather3A_642 = tpu.vector_load_idx %arg16[%add3A_641] : memref<5120xf32, #tpu.memory_space<vmem>>[vector<16xi32>], vector<16xf32>,
      %add3A_643 = arith.addf %add3A_638, %gather3A_642 : vector<16xf32>
      %add3A_644 = arith.constant 12 : i32
      %add3A_645 = vector.broadcast %add3A_644 : i32 to vector<16xi32>
      %add3A_646 = arith.addi %mul3A_587, %add3A_645 : vector<16xi32>
      %gather3A_647 = tpu.vector_load_idx %arg16[%add3A_646] : memref<5120xf32, #tpu.memory_space<vmem>>[vector<16xi32>], vector<16xf32>,
      %add3A_648 = arith.addf %add3A_643, %gather3A_647 : vector<16xf32>
      %add3A_649 = arith.constant 13 : i32
      %add3A_650 = vector.broadcast %add3A_649 : i32 to vector<16xi32>
      %add3A_651 = arith.addi %mul3A_587, %add3A_650 : vector<16xi32>
      %gather3A_652 = tpu.vector_load_idx %arg16[%add3A_651] : memref<5120xf32, #tpu.memory_space<vmem>>[vector<16xi32>], vector<16xf32>,
      %add3A_653 = arith.addf %add3A_648, %gather3A_652 : vector<16xf32>
      %add3A_654 = arith.constant 14 : i32
      %add3A_655 = vector.broadcast %add3A_654 : i32 to vector<16xi32>
      %add3A_656 = arith.addi %mul3A_587, %add3A_655 : vector<16xi32>
      %gather3A_657 = tpu.vector_load_idx %arg16[%add3A_656] : memref<5120xf32, #tpu.memory_space<vmem>>[vector<16xi32>], vector<16xf32>,
      %add3A_658 = arith.addf %add3A_653, %gather3A_657 : vector<16xf32>
      %add3A_659 = arith.constant 15 : i32
      %add3A_660 = vector.broadcast %add3A_659 : i32 to vector<16xi32>
      %add3A_661 = arith.addi %mul3A_587, %add3A_660 : vector<16xi32>
      %gather3A_662 = tpu.vector_load_idx %arg16[%add3A_661] : memref<5120xf32, #tpu.memory_space<vmem>>[vector<16xi32>], vector<16xf32>,
      %add3A_663 = arith.addf %add3A_658, %gather3A_662 : vector<16xf32>
      %mul3A_664 = arith.constant 20 : i32
      %mul3A_665 = vector.broadcast %mul3A_664 : i32 to vector<16xi32>
      %mul3A_666 = arith.muli %iota3A, %mul3A_665 : vector<16xi32>
      %add3A_667 = vector.broadcast %mul3A_23 : i32 to vector<16xi32>
      %add3A_668 = arith.addi %add3A_667, %mul3A_666 : vector<16xi32>
      %add3A_669 = arith.constant 4 : i32
      %add3A_670 = vector.broadcast %add3A_669 : i32 to vector<16xi32>
      %add3A_671 = arith.addi %add3A_668, %add3A_670 : vector<16xi32>
      tpu.vector_store_idx %arg18[%add3A_671], %add3A_663 : memref<10240xf32, #tpu.memory_space<vmem>>[vector<16xi32>], vector<16xf32>,
      %mul3A_672 = arith.constant 20 : i32
      %mul3A_673 = vector.broadcast %mul3A_672 : i32 to vector<16xi32>
      %mul3A_674 = arith.muli %iota3A, %mul3A_673 : vector<16xi32>
      %add3A_675 = arith.constant 5 : i32
      %add3A_676 = vector.broadcast %add3A_675 : i32 to vector<16xi32>
      %add3A_677 = arith.addi %mul3A_674, %add3A_676 : vector<16xi32>
      %mul3A_678 = arith.constant 16 : i32
      %mul3A_679 = vector.broadcast %mul3A_678 : i32 to vector<16xi32>
      %mul3A_680 = arith.muli %add3A_677, %mul3A_679 : vector<16xi32>
      %gather3A_681 = tpu.vector_load_idx %arg16[%mul3A_680] : memref<5120xf32, #tpu.memory_space<vmem>>[vector<16xi32>], vector<16xf32>,
      %add3A_682 = arith.constant 1 : i32
      %add3A_683 = vector.broadcast %add3A_682 : i32 to vector<16xi32>
      %add3A_684 = arith.addi %mul3A_680, %add3A_683 : vector<16xi32>
      %gather3A_685 = tpu.vector_load_idx %arg16[%add3A_684] : memref<5120xf32, #tpu.memory_space<vmem>>[vector<16xi32>], vector<16xf32>,
      %add3A_686 = arith.addf %gather3A_681, %gather3A_685 : vector<16xf32>
      %add3A_687 = arith.constant 2 : i32
      %add3A_688 = vector.broadcast %add3A_687 : i32 to vector<16xi32>
      %add3A_689 = arith.addi %mul3A_680, %add3A_688 : vector<16xi32>
      %gather3A_690 = tpu.vector_load_idx %arg16[%add3A_689] : memref<5120xf32, #tpu.memory_space<vmem>>[vector<16xi32>], vector<16xf32>,
      %add3A_691 = arith.addf %add3A_686, %gather3A_690 : vector<16xf32>
      %add3A_692 = arith.constant 3 : i32
      %add3A_693 = vector.broadcast %add3A_692 : i32 to vector<16xi32>
      %add3A_694 = arith.addi %mul3A_680, %add3A_693 : vector<16xi32>
      %gather3A_695 = tpu.vector_load_idx %arg16[%add3A_694] : memref<5120xf32, #tpu.memory_space<vmem>>[vector<16xi32>], vector<16xf32>,
      %add3A_696 = arith.addf %add3A_691, %gather3A_695 : vector<16xf32>
      %add3A_697 = arith.constant 4 : i32
      %add3A_698 = vector.broadcast %add3A_697 : i32 to vector<16xi32>
      %add3A_699 = arith.addi %mul3A_680, %add3A_698 : vector<16xi32>
      %gather3A_700 = tpu.vector_load_idx %arg16[%add3A_699] : memref<5120xf32, #tpu.memory_space<vmem>>[vector<16xi32>], vector<16xf32>,
      %add3A_701 = arith.addf %add3A_696, %gather3A_700 : vector<16xf32>
      %add3A_702 = arith.constant 5 : i32
      %add3A_703 = vector.broadcast %add3A_702 : i32 to vector<16xi32>
      %add3A_704 = arith.addi %mul3A_680, %add3A_703 : vector<16xi32>
      %gather3A_705 = tpu.vector_load_idx %arg16[%add3A_704] : memref<5120xf32, #tpu.memory_space<vmem>>[vector<16xi32>], vector<16xf32>,
      %add3A_706 = arith.addf %add3A_701, %gather3A_705 : vector<16xf32>
      %add3A_707 = arith.constant 6 : i32
      %add3A_708 = vector.broadcast %add3A_707 : i32 to vector<16xi32>
      %add3A_709 = arith.addi %mul3A_680, %add3A_708 : vector<16xi32>
      %gather3A_710 = tpu.vector_load_idx %arg16[%add3A_709] : memref<5120xf32, #tpu.memory_space<vmem>>[vector<16xi32>], vector<16xf32>,
      %add3A_711 = arith.addf %add3A_706, %gather3A_710 : vector<16xf32>
      %add3A_712 = arith.constant 7 : i32
      %add3A_713 = vector.broadcast %add3A_712 : i32 to vector<16xi32>
      %add3A_714 = arith.addi %mul3A_680, %add3A_713 : vector<16xi32>
      %gather3A_715 = tpu.vector_load_idx %arg16[%add3A_714] : memref<5120xf32, #tpu.memory_space<vmem>>[vector<16xi32>], vector<16xf32>,
      %add3A_716 = arith.addf %add3A_711, %gather3A_715 : vector<16xf32>
      %add3A_717 = arith.constant 8 : i32
      %add3A_718 = vector.broadcast %add3A_717 : i32 to vector<16xi32>
      %add3A_719 = arith.addi %mul3A_680, %add3A_718 : vector<16xi32>
      %gather3A_720 = tpu.vector_load_idx %arg16[%add3A_719] : memref<5120xf32, #tpu.memory_space<vmem>>[vector<16xi32>], vector<16xf32>,
      %add3A_721 = arith.addf %add3A_716, %gather3A_720 : vector<16xf32>
      %add3A_722 = arith.constant 9 : i32
      %add3A_723 = vector.broadcast %add3A_722 : i32 to vector<16xi32>
      %add3A_724 = arith.addi %mul3A_680, %add3A_723 : vector<16xi32>
      %gather3A_725 = tpu.vector_load_idx %arg16[%add3A_724] : memref<5120xf32, #tpu.memory_space<vmem>>[vector<16xi32>], vector<16xf32>,
      %add3A_726 = arith.addf %add3A_721, %gather3A_725 : vector<16xf32>
      %add3A_727 = arith.constant 10 : i32
      %add3A_728 = vector.broadcast %add3A_727 : i32 to vector<16xi32>
      %add3A_729 = arith.addi %mul3A_680, %add3A_728 : vector<16xi32>
      %gather3A_730 = tpu.vector_load_idx %arg16[%add3A_729] : memref<5120xf32, #tpu.memory_space<vmem>>[vector<16xi32>], vector<16xf32>,
      %add3A_731 = arith.addf %add3A_726, %gather3A_730 : vector<16xf32>
      %add3A_732 = arith.constant 11 : i32
      %add3A_733 = vector.broadcast %add3A_732 : i32 to vector<16xi32>
      %add3A_734 = arith.addi %mul3A_680, %add3A_733 : vector<16xi32>
      %gather3A_735 = tpu.vector_load_idx %arg16[%add3A_734] : memref<5120xf32, #tpu.memory_space<vmem>>[vector<16xi32>], vector<16xf32>,
      %add3A_736 = arith.addf %add3A_731, %gather3A_735 : vector<16xf32>
      %add3A_737 = arith.constant 12 : i32
      %add3A_738 = vector.broadcast %add3A_737 : i32 to vector<16xi32>
      %add3A_739 = arith.addi %mul3A_680, %add3A_738 : vector<16xi32>
      %gather3A_740 = tpu.vector_load_idx %arg16[%add3A_739] : memref<5120xf32, #tpu.memory_space<vmem>>[vector<16xi32>], vector<16xf32>,
      %add3A_741 = arith.addf %add3A_736, %gather3A_740 : vector<16xf32>
      %add3A_742 = arith.constant 13 : i32
      %add3A_743 = vector.broadcast %add3A_742 : i32 to vector<16xi32>
      %add3A_744 = arith.addi %mul3A_680, %add3A_743 : vector<16xi32>
      %gather3A_745 = tpu.vector_load_idx %arg16[%add3A_744] : memref<5120xf32, #tpu.memory_space<vmem>>[vector<16xi32>], vector<16xf32>,
      %add3A_746 = arith.addf %add3A_741, %gather3A_745 : vector<16xf32>
      %add3A_747 = arith.constant 14 : i32
      %add3A_748 = vector.broadcast %add3A_747 : i32 to vector<16xi32>
      %add3A_749 = arith.addi %mul3A_680, %add3A_748 : vector<16xi32>
      %gather3A_750 = tpu.vector_load_idx %arg16[%add3A_749] : memref<5120xf32, #tpu.memory_space<vmem>>[vector<16xi32>], vector<16xf32>,
      %add3A_751 = arith.addf %add3A_746, %gather3A_750 : vector<16xf32>
      %add3A_752 = arith.constant 15 : i32
      %add3A_753 = vector.broadcast %add3A_752 : i32 to vector<16xi32>
      %add3A_754 = arith.addi %mul3A_680, %add3A_753 : vector<16xi32>
      %gather3A_755 = tpu.vector_load_idx %arg16[%add3A_754] : memref<5120xf32, #tpu.memory_space<vmem>>[vector<16xi32>], vector<16xf32>,
      %add3A_756 = arith.addf %add3A_751, %gather3A_755 : vector<16xf32>
      %mul3A_757 = arith.constant 20 : i32
      %mul3A_758 = vector.broadcast %mul3A_757 : i32 to vector<16xi32>
      %mul3A_759 = arith.muli %iota3A, %mul3A_758 : vector<16xi32>
      %add3A_760 = vector.broadcast %mul3A_23 : i32 to vector<16xi32>
      %add3A_761 = arith.addi %add3A_760, %mul3A_759 : vector<16xi32>
      %add3A_762 = arith.constant 5 : i32
      %add3A_763 = vector.broadcast %add3A_762 : i32 to vector<16xi32>
      %add3A_764 = arith.addi %add3A_761, %add3A_763 : vector<16xi32>
      tpu.vector_store_idx %arg18[%add3A_764], %add3A_756 : memref<10240xf32, #tpu.memory_space<vmem>>[vector<16xi32>], vector<16xf32>,
      %mul3A_765 = arith.constant 20 : i32
      %mul3A_766 = vector.broadcast %mul3A_765 : i32 to vector<16xi32>
      %mul3A_767 = arith.muli %iota3A, %mul3A_766 : vector<16xi32>
      %add3A_768 = arith.constant 6 : i32
      %add3A_769 = vector.broadcast %add3A_768 : i32 to vector<16xi32>
      %add3A_770 = arith.addi %mul3A_767, %add3A_769 : vector<16xi32>
      %mul3A_771 = arith.constant 16 : i32
      %mul3A_772 = vector.broadcast %mul3A_771 : i32 to vector<16xi32>
      %mul3A_773 = arith.muli %add3A_770, %mul3A_772 : vector<16xi32>
      %gather3A_774 = tpu.vector_load_idx %arg16[%mul3A_773] : memref<5120xf32, #tpu.memory_space<vmem>>[vector<16xi32>], vector<16xf32>,
      %add3A_775 = arith.constant 1 : i32
      %add3A_776 = vector.broadcast %add3A_775 : i32 to vector<16xi32>
      %add3A_777 = arith.addi %mul3A_773, %add3A_776 : vector<16xi32>
      %gather3A_778 = tpu.vector_load_idx %arg16[%add3A_777] : memref<5120xf32, #tpu.memory_space<vmem>>[vector<16xi32>], vector<16xf32>,
      %add3A_779 = arith.addf %gather3A_774, %gather3A_778 : vector<16xf32>
      %add3A_780 = arith.constant 2 : i32
      %add3A_781 = vector.broadcast %add3A_780 : i32 to vector<16xi32>
      %add3A_782 = arith.addi %mul3A_773, %add3A_781 : vector<16xi32>
      %gather3A_783 = tpu.vector_load_idx %arg16[%add3A_782] : memref<5120xf32, #tpu.memory_space<vmem>>[vector<16xi32>], vector<16xf32>,
      %add3A_784 = arith.addf %add3A_779, %gather3A_783 : vector<16xf32>
      %add3A_785 = arith.constant 3 : i32
      %add3A_786 = vector.broadcast %add3A_785 : i32 to vector<16xi32>
      %add3A_787 = arith.addi %mul3A_773, %add3A_786 : vector<16xi32>
      %gather3A_788 = tpu.vector_load_idx %arg16[%add3A_787] : memref<5120xf32, #tpu.memory_space<vmem>>[vector<16xi32>], vector<16xf32>,
      %add3A_789 = arith.addf %add3A_784, %gather3A_788 : vector<16xf32>
      %add3A_790 = arith.constant 4 : i32
      %add3A_791 = vector.broadcast %add3A_790 : i32 to vector<16xi32>
      %add3A_792 = arith.addi %mul3A_773, %add3A_791 : vector<16xi32>
      %gather3A_793 = tpu.vector_load_idx %arg16[%add3A_792] : memref<5120xf32, #tpu.memory_space<vmem>>[vector<16xi32>], vector<16xf32>,
      %add3A_794 = arith.addf %add3A_789, %gather3A_793 : vector<16xf32>
      %add3A_795 = arith.constant 5 : i32
      %add3A_796 = vector.broadcast %add3A_795 : i32 to vector<16xi32>
      %add3A_797 = arith.addi %mul3A_773, %add3A_796 : vector<16xi32>
      %gather3A_798 = tpu.vector_load_idx %arg16[%add3A_797] : memref<5120xf32, #tpu.memory_space<vmem>>[vector<16xi32>], vector<16xf32>,
      %add3A_799 = arith.addf %add3A_794, %gather3A_798 : vector<16xf32>
      %add3A_800 = arith.constant 6 : i32
      %add3A_801 = vector.broadcast %add3A_800 : i32 to vector<16xi32>
      %add3A_802 = arith.addi %mul3A_773, %add3A_801 : vector<16xi32>
      %gather3A_803 = tpu.vector_load_idx %arg16[%add3A_802] : memref<5120xf32, #tpu.memory_space<vmem>>[vector<16xi32>], vector<16xf32>,
      %add3A_804 = arith.addf %add3A_799, %gather3A_803 : vector<16xf32>
      %add3A_805 = arith.constant 7 : i32
      %add3A_806 = vector.broadcast %add3A_805 : i32 to vector<16xi32>
      %add3A_807 = arith.addi %mul3A_773, %add3A_806 : vector<16xi32>
      %gather3A_808 = tpu.vector_load_idx %arg16[%add3A_807] : memref<5120xf32, #tpu.memory_space<vmem>>[vector<16xi32>], vector<16xf32>,
      %add3A_809 = arith.addf %add3A_804, %gather3A_808 : vector<16xf32>
      %add3A_810 = arith.constant 8 : i32
      %add3A_811 = vector.broadcast %add3A_810 : i32 to vector<16xi32>
      %add3A_812 = arith.addi %mul3A_773, %add3A_811 : vector<16xi32>
      %gather3A_813 = tpu.vector_load_idx %arg16[%add3A_812] : memref<5120xf32, #tpu.memory_space<vmem>>[vector<16xi32>], vector<16xf32>,
      %add3A_814 = arith.addf %add3A_809, %gather3A_813 : vector<16xf32>
      %add3A_815 = arith.constant 9 : i32
      %add3A_816 = vector.broadcast %add3A_815 : i32 to vector<16xi32>
      %add3A_817 = arith.addi %mul3A_773, %add3A_816 : vector<16xi32>
      %gather3A_818 = tpu.vector_load_idx %arg16[%add3A_817] : memref<5120xf32, #tpu.memory_space<vmem>>[vector<16xi32>], vector<16xf32>,
      %add3A_819 = arith.addf %add3A_814, %gather3A_818 : vector<16xf32>
      %add3A_820 = arith.constant 10 : i32
      %add3A_821 = vector.broadcast %add3A_820 : i32 to vector<16xi32>
      %add3A_822 = arith.addi %mul3A_773, %add3A_821 : vector<16xi32>
      %gather3A_823 = tpu.vector_load_idx %arg16[%add3A_822] : memref<5120xf32, #tpu.memory_space<vmem>>[vector<16xi32>], vector<16xf32>,
      %add3A_824 = arith.addf %add3A_819, %gather3A_823 : vector<16xf32>
      %add3A_825 = arith.constant 11 : i32
      %add3A_826 = vector.broadcast %add3A_825 : i32 to vector<16xi32>
      %add3A_827 = arith.addi %mul3A_773, %add3A_826 : vector<16xi32>
      %gather3A_828 = tpu.vector_load_idx %arg16[%add3A_827] : memref<5120xf32, #tpu.memory_space<vmem>>[vector<16xi32>], vector<16xf32>,
      %add3A_829 = arith.addf %add3A_824, %gather3A_828 : vector<16xf32>
      %add3A_830 = arith.constant 12 : i32
      %add3A_831 = vector.broadcast %add3A_830 : i32 to vector<16xi32>
      %add3A_832 = arith.addi %mul3A_773, %add3A_831 : vector<16xi32>
      %gather3A_833 = tpu.vector_load_idx %arg16[%add3A_832] : memref<5120xf32, #tpu.memory_space<vmem>>[vector<16xi32>], vector<16xf32>,
      %add3A_834 = arith.addf %add3A_829, %gather3A_833 : vector<16xf32>
      %add3A_835 = arith.constant 13 : i32
      %add3A_836 = vector.broadcast %add3A_835 : i32 to vector<16xi32>
      %add3A_837 = arith.addi %mul3A_773, %add3A_836 : vector<16xi32>
      %gather3A_838 = tpu.vector_load_idx %arg16[%add3A_837] : memref<5120xf32, #tpu.memory_space<vmem>>[vector<16xi32>], vector<16xf32>,
      %add3A_839 = arith.addf %add3A_834, %gather3A_838 : vector<16xf32>
      %add3A_840 = arith.constant 14 : i32
      %add3A_841 = vector.broadcast %add3A_840 : i32 to vector<16xi32>
      %add3A_842 = arith.addi %mul3A_773, %add3A_841 : vector<16xi32>
      %gather3A_843 = tpu.vector_load_idx %arg16[%add3A_842] : memref<5120xf32, #tpu.memory_space<vmem>>[vector<16xi32>], vector<16xf32>,
      %add3A_844 = arith.addf %add3A_839, %gather3A_843 : vector<16xf32>
      %add3A_845 = arith.constant 15 : i32
      %add3A_846 = vector.broadcast %add3A_845 : i32 to vector<16xi32>
      %add3A_847 = arith.addi %mul3A_773, %add3A_846 : vector<16xi32>
      %gather3A_848 = tpu.vector_load_idx %arg16[%add3A_847] : memref<5120xf32, #tpu.memory_space<vmem>>[vector<16xi32>], vector<16xf32>,
      %add3A_849 = arith.addf %add3A_844, %gather3A_848 : vector<16xf32>
      %mul3A_850 = arith.constant 20 : i32
      %mul3A_851 = vector.broadcast %mul3A_850 : i32 to vector<16xi32>
      %mul3A_852 = arith.muli %iota3A, %mul3A_851 : vector<16xi32>
      %add3A_853 = vector.broadcast %mul3A_23 : i32 to vector<16xi32>
      %add3A_854 = arith.addi %add3A_853, %mul3A_852 : vector<16xi32>
      %add3A_855 = arith.constant 6 : i32
      %add3A_856 = vector.broadcast %add3A_855 : i32 to vector<16xi32>
      %add3A_857 = arith.addi %add3A_854, %add3A_856 : vector<16xi32>
      tpu.vector_store_idx %arg18[%add3A_857], %add3A_849 : memref<10240xf32, #tpu.memory_space<vmem>>[vector<16xi32>], vector<16xf32>,
      %mul3A_858 = arith.constant 20 : i32
      %mul3A_859 = vector.broadcast %mul3A_858 : i32 to vector<16xi32>
      %mul3A_860 = arith.muli %iota3A, %mul3A_859 : vector<16xi32>
      %add3A_861 = arith.constant 7 : i32
      %add3A_862 = vector.broadcast %add3A_861 : i32 to vector<16xi32>
      %add3A_863 = arith.addi %mul3A_860, %add3A_862 : vector<16xi32>
      %mul3A_864 = arith.constant 16 : i32
      %mul3A_865 = vector.broadcast %mul3A_864 : i32 to vector<16xi32>
      %mul3A_866 = arith.muli %add3A_863, %mul3A_865 : vector<16xi32>
      %gather3A_867 = tpu.vector_load_idx %arg16[%mul3A_866] : memref<5120xf32, #tpu.memory_space<vmem>>[vector<16xi32>], vector<16xf32>,
      %add3A_868 = arith.constant 1 : i32
      %add3A_869 = vector.broadcast %add3A_868 : i32 to vector<16xi32>
      %add3A_870 = arith.addi %mul3A_866, %add3A_869 : vector<16xi32>
      %gather3A_871 = tpu.vector_load_idx %arg16[%add3A_870] : memref<5120xf32, #tpu.memory_space<vmem>>[vector<16xi32>], vector<16xf32>,
      %add3A_872 = arith.addf %gather3A_867, %gather3A_871 : vector<16xf32>
      %add3A_873 = arith.constant 2 : i32
      %add3A_874 = vector.broadcast %add3A_873 : i32 to vector<16xi32>
      %add3A_875 = arith.addi %mul3A_866, %add3A_874 : vector<16xi32>
      %gather3A_876 = tpu.vector_load_idx %arg16[%add3A_875] : memref<5120xf32, #tpu.memory_space<vmem>>[vector<16xi32>], vector<16xf32>,
      %add3A_877 = arith.addf %add3A_872, %gather3A_876 : vector<16xf32>
      %add3A_878 = arith.constant 3 : i32
      %add3A_879 = vector.broadcast %add3A_878 : i32 to vector<16xi32>
      %add3A_880 = arith.addi %mul3A_866, %add3A_879 : vector<16xi32>
      %gather3A_881 = tpu.vector_load_idx %arg16[%add3A_880] : memref<5120xf32, #tpu.memory_space<vmem>>[vector<16xi32>], vector<16xf32>,
      %add3A_882 = arith.addf %add3A_877, %gather3A_881 : vector<16xf32>
      %add3A_883 = arith.constant 4 : i32
      %add3A_884 = vector.broadcast %add3A_883 : i32 to vector<16xi32>
      %add3A_885 = arith.addi %mul3A_866, %add3A_884 : vector<16xi32>
      %gather3A_886 = tpu.vector_load_idx %arg16[%add3A_885] : memref<5120xf32, #tpu.memory_space<vmem>>[vector<16xi32>], vector<16xf32>,
      %add3A_887 = arith.addf %add3A_882, %gather3A_886 : vector<16xf32>
      %add3A_888 = arith.constant 5 : i32
      %add3A_889 = vector.broadcast %add3A_888 : i32 to vector<16xi32>
      %add3A_890 = arith.addi %mul3A_866, %add3A_889 : vector<16xi32>
      %gather3A_891 = tpu.vector_load_idx %arg16[%add3A_890] : memref<5120xf32, #tpu.memory_space<vmem>>[vector<16xi32>], vector<16xf32>,
      %add3A_892 = arith.addf %add3A_887, %gather3A_891 : vector<16xf32>
      %add3A_893 = arith.constant 6 : i32
      %add3A_894 = vector.broadcast %add3A_893 : i32 to vector<16xi32>
      %add3A_895 = arith.addi %mul3A_866, %add3A_894 : vector<16xi32>
      %gather3A_896 = tpu.vector_load_idx %arg16[%add3A_895] : memref<5120xf32, #tpu.memory_space<vmem>>[vector<16xi32>], vector<16xf32>,
      %add3A_897 = arith.addf %add3A_892, %gather3A_896 : vector<16xf32>
      %add3A_898 = arith.constant 7 : i32
      %add3A_899 = vector.broadcast %add3A_898 : i32 to vector<16xi32>
      %add3A_900 = arith.addi %mul3A_866, %add3A_899 : vector<16xi32>
      %gather3A_901 = tpu.vector_load_idx %arg16[%add3A_900] : memref<5120xf32, #tpu.memory_space<vmem>>[vector<16xi32>], vector<16xf32>,
      %add3A_902 = arith.addf %add3A_897, %gather3A_901 : vector<16xf32>
      %add3A_903 = arith.constant 8 : i32
      %add3A_904 = vector.broadcast %add3A_903 : i32 to vector<16xi32>
      %add3A_905 = arith.addi %mul3A_866, %add3A_904 : vector<16xi32>
      %gather3A_906 = tpu.vector_load_idx %arg16[%add3A_905] : memref<5120xf32, #tpu.memory_space<vmem>>[vector<16xi32>], vector<16xf32>,
      %add3A_907 = arith.addf %add3A_902, %gather3A_906 : vector<16xf32>
      %add3A_908 = arith.constant 9 : i32
      %add3A_909 = vector.broadcast %add3A_908 : i32 to vector<16xi32>
      %add3A_910 = arith.addi %mul3A_866, %add3A_909 : vector<16xi32>
      %gather3A_911 = tpu.vector_load_idx %arg16[%add3A_910] : memref<5120xf32, #tpu.memory_space<vmem>>[vector<16xi32>], vector<16xf32>,
      %add3A_912 = arith.addf %add3A_907, %gather3A_911 : vector<16xf32>
      %add3A_913 = arith.constant 10 : i32
      %add3A_914 = vector.broadcast %add3A_913 : i32 to vector<16xi32>
      %add3A_915 = arith.addi %mul3A_866, %add3A_914 : vector<16xi32>
      %gather3A_916 = tpu.vector_load_idx %arg16[%add3A_915] : memref<5120xf32, #tpu.memory_space<vmem>>[vector<16xi32>], vector<16xf32>,
      %add3A_917 = arith.addf %add3A_912, %gather3A_916 : vector<16xf32>
      %add3A_918 = arith.constant 11 : i32
      %add3A_919 = vector.broadcast %add3A_918 : i32 to vector<16xi32>
      %add3A_920 = arith.addi %mul3A_866, %add3A_919 : vector<16xi32>
      %gather3A_921 = tpu.vector_load_idx %arg16[%add3A_920] : memref<5120xf32, #tpu.memory_space<vmem>>[vector<16xi32>], vector<16xf32>,
      %add3A_922 = arith.addf %add3A_917, %gather3A_921 : vector<16xf32>
      %add3A_923 = arith.constant 12 : i32
      %add3A_924 = vector.broadcast %add3A_923 : i32 to vector<16xi32>
      %add3A_925 = arith.addi %mul3A_866, %add3A_924 : vector<16xi32>
      %gather3A_926 = tpu.vector_load_idx %arg16[%add3A_925] : memref<5120xf32, #tpu.memory_space<vmem>>[vector<16xi32>], vector<16xf32>,
      %add3A_927 = arith.addf %add3A_922, %gather3A_926 : vector<16xf32>
      %add3A_928 = arith.constant 13 : i32
      %add3A_929 = vector.broadcast %add3A_928 : i32 to vector<16xi32>
      %add3A_930 = arith.addi %mul3A_866, %add3A_929 : vector<16xi32>
      %gather3A_931 = tpu.vector_load_idx %arg16[%add3A_930] : memref<5120xf32, #tpu.memory_space<vmem>>[vector<16xi32>], vector<16xf32>,
      %add3A_932 = arith.addf %add3A_927, %gather3A_931 : vector<16xf32>
      %add3A_933 = arith.constant 14 : i32
      %add3A_934 = vector.broadcast %add3A_933 : i32 to vector<16xi32>
      %add3A_935 = arith.addi %mul3A_866, %add3A_934 : vector<16xi32>
      %gather3A_936 = tpu.vector_load_idx %arg16[%add3A_935] : memref<5120xf32, #tpu.memory_space<vmem>>[vector<16xi32>], vector<16xf32>,
      %add3A_937 = arith.addf %add3A_932, %gather3A_936 : vector<16xf32>
      %add3A_938 = arith.constant 15 : i32
      %add3A_939 = vector.broadcast %add3A_938 : i32 to vector<16xi32>
      %add3A_940 = arith.addi %mul3A_866, %add3A_939 : vector<16xi32>
      %gather3A_941 = tpu.vector_load_idx %arg16[%add3A_940] : memref<5120xf32, #tpu.memory_space<vmem>>[vector<16xi32>], vector<16xf32>,
      %add3A_942 = arith.addf %add3A_937, %gather3A_941 : vector<16xf32>
      %mul3A_943 = arith.constant 20 : i32
      %mul3A_944 = vector.broadcast %mul3A_943 : i32 to vector<16xi32>
      %mul3A_945 = arith.muli %iota3A, %mul3A_944 : vector<16xi32>
      %add3A_946 = vector.broadcast %mul3A_23 : i32 to vector<16xi32>
      %add3A_947 = arith.addi %add3A_946, %mul3A_945 : vector<16xi32>
      %add3A_948 = arith.constant 7 : i32
      %add3A_949 = vector.broadcast %add3A_948 : i32 to vector<16xi32>
      %add3A_950 = arith.addi %add3A_947, %add3A_949 : vector<16xi32>
      tpu.vector_store_idx %arg18[%add3A_950], %add3A_942 : memref<10240xf32, #tpu.memory_space<vmem>>[vector<16xi32>], vector<16xf32>,
      %mul3A_951 = arith.constant 20 : i32
      %mul3A_952 = vector.broadcast %mul3A_951 : i32 to vector<16xi32>
      %mul3A_953 = arith.muli %iota3A, %mul3A_952 : vector<16xi32>
      %add3A_954 = arith.constant 8 : i32
      %add3A_955 = vector.broadcast %add3A_954 : i32 to vector<16xi32>
      %add3A_956 = arith.addi %mul3A_953, %add3A_955 : vector<16xi32>
      %mul3A_957 = arith.constant 16 : i32
      %mul3A_958 = vector.broadcast %mul3A_957 : i32 to vector<16xi32>
      %mul3A_959 = arith.muli %add3A_956, %mul3A_958 : vector<16xi32>
      %gather3A_960 = tpu.vector_load_idx %arg16[%mul3A_959] : memref<5120xf32, #tpu.memory_space<vmem>>[vector<16xi32>], vector<16xf32>,
      %add3A_961 = arith.constant 1 : i32
      %add3A_962 = vector.broadcast %add3A_961 : i32 to vector<16xi32>
      %add3A_963 = arith.addi %mul3A_959, %add3A_962 : vector<16xi32>
      %gather3A_964 = tpu.vector_load_idx %arg16[%add3A_963] : memref<5120xf32, #tpu.memory_space<vmem>>[vector<16xi32>], vector<16xf32>,
      %add3A_965 = arith.addf %gather3A_960, %gather3A_964 : vector<16xf32>
      %add3A_966 = arith.constant 2 : i32
      %add3A_967 = vector.broadcast %add3A_966 : i32 to vector<16xi32>
      %add3A_968 = arith.addi %mul3A_959, %add3A_967 : vector<16xi32>
      %gather3A_969 = tpu.vector_load_idx %arg16[%add3A_968] : memref<5120xf32, #tpu.memory_space<vmem>>[vector<16xi32>], vector<16xf32>,
      %add3A_970 = arith.addf %add3A_965, %gather3A_969 : vector<16xf32>
      %add3A_971 = arith.constant 3 : i32
      %add3A_972 = vector.broadcast %add3A_971 : i32 to vector<16xi32>
      %add3A_973 = arith.addi %mul3A_959, %add3A_972 : vector<16xi32>
      %gather3A_974 = tpu.vector_load_idx %arg16[%add3A_973] : memref<5120xf32, #tpu.memory_space<vmem>>[vector<16xi32>], vector<16xf32>,
      %add3A_975 = arith.addf %add3A_970, %gather3A_974 : vector<16xf32>
      %add3A_976 = arith.constant 4 : i32
      %add3A_977 = vector.broadcast %add3A_976 : i32 to vector<16xi32>
      %add3A_978 = arith.addi %mul3A_959, %add3A_977 : vector<16xi32>
      %gather3A_979 = tpu.vector_load_idx %arg16[%add3A_978] : memref<5120xf32, #tpu.memory_space<vmem>>[vector<16xi32>], vector<16xf32>,
      %add3A_980 = arith.addf %add3A_975, %gather3A_979 : vector<16xf32>
      %add3A_981 = arith.constant 5 : i32
      %add3A_982 = vector.broadcast %add3A_981 : i32 to vector<16xi32>
      %add3A_983 = arith.addi %mul3A_959, %add3A_982 : vector<16xi32>
      %gather3A_984 = tpu.vector_load_idx %arg16[%add3A_983] : memref<5120xf32, #tpu.memory_space<vmem>>[vector<16xi32>], vector<16xf32>,
      %add3A_985 = arith.addf %add3A_980, %gather3A_984 : vector<16xf32>
      %add3A_986 = arith.constant 6 : i32
      %add3A_987 = vector.broadcast %add3A_986 : i32 to vector<16xi32>
      %add3A_988 = arith.addi %mul3A_959, %add3A_987 : vector<16xi32>
      %gather3A_989 = tpu.vector_load_idx %arg16[%add3A_988] : memref<5120xf32, #tpu.memory_space<vmem>>[vector<16xi32>], vector<16xf32>,
      %add3A_990 = arith.addf %add3A_985, %gather3A_989 : vector<16xf32>
      %add3A_991 = arith.constant 7 : i32
      %add3A_992 = vector.broadcast %add3A_991 : i32 to vector<16xi32>
      %add3A_993 = arith.addi %mul3A_959, %add3A_992 : vector<16xi32>
      %gather3A_994 = tpu.vector_load_idx %arg16[%add3A_993] : memref<5120xf32, #tpu.memory_space<vmem>>[vector<16xi32>], vector<16xf32>,
      %add3A_995 = arith.addf %add3A_990, %gather3A_994 : vector<16xf32>
      %add3A_996 = arith.constant 8 : i32
      %add3A_997 = vector.broadcast %add3A_996 : i32 to vector<16xi32>
      %add3A_998 = arith.addi %mul3A_959, %add3A_997 : vector<16xi32>
      %gather3A_999 = tpu.vector_load_idx %arg16[%add3A_998] : memref<5120xf32, #tpu.memory_space<vmem>>[vector<16xi32>], vector<16xf32>,
      %add3A_1000 = arith.addf %add3A_995, %gather3A_999 : vector<16xf32>
      %add3A_1001 = arith.constant 9 : i32
      %add3A_1002 = vector.broadcast %add3A_1001 : i32 to vector<16xi32>
      %add3A_1003 = arith.addi %mul3A_959, %add3A_1002 : vector<16xi32>
      %gather3A_1004 = tpu.vector_load_idx %arg16[%add3A_1003] : memref<5120xf32, #tpu.memory_space<vmem>>[vector<16xi32>], vector<16xf32>,
      %add3A_1005 = arith.addf %add3A_1000, %gather3A_1004 : vector<16xf32>
      %add3A_1006 = arith.constant 10 : i32
      %add3A_1007 = vector.broadcast %add3A_1006 : i32 to vector<16xi32>
      %add3A_1008 = arith.addi %mul3A_959, %add3A_1007 : vector<16xi32>
      %gather3A_1009 = tpu.vector_load_idx %arg16[%add3A_1008] : memref<5120xf32, #tpu.memory_space<vmem>>[vector<16xi32>], vector<16xf32>,
      %add3A_1010 = arith.addf %add3A_1005, %gather3A_1009 : vector<16xf32>
      %add3A_1011 = arith.constant 11 : i32
      %add3A_1012 = vector.broadcast %add3A_1011 : i32 to vector<16xi32>
      %add3A_1013 = arith.addi %mul3A_959, %add3A_1012 : vector<16xi32>
      %gather3A_1014 = tpu.vector_load_idx %arg16[%add3A_1013] : memref<5120xf32, #tpu.memory_space<vmem>>[vector<16xi32>], vector<16xf32>,
      %add3A_1015 = arith.addf %add3A_1010, %gather3A_1014 : vector<16xf32>
      %add3A_1016 = arith.constant 12 : i32
      %add3A_1017 = vector.broadcast %add3A_1016 : i32 to vector<16xi32>
      %add3A_1018 = arith.addi %mul3A_959, %add3A_1017 : vector<16xi32>
      %gather3A_1019 = tpu.vector_load_idx %arg16[%add3A_1018] : memref<5120xf32, #tpu.memory_space<vmem>>[vector<16xi32>], vector<16xf32>,
      %add3A_1020 = arith.addf %add3A_1015, %gather3A_1019 : vector<16xf32>
      %add3A_1021 = arith.constant 13 : i32
      %add3A_1022 = vector.broadcast %add3A_1021 : i32 to vector<16xi32>
      %add3A_1023 = arith.addi %mul3A_959, %add3A_1022 : vector<16xi32>
      %gather3A_1024 = tpu.vector_load_idx %arg16[%add3A_1023] : memref<5120xf32, #tpu.memory_space<vmem>>[vector<16xi32>], vector<16xf32>,
      %add3A_1025 = arith.addf %add3A_1020, %gather3A_1024 : vector<16xf32>
      %add3A_1026 = arith.constant 14 : i32
      %add3A_1027 = vector.broadcast %add3A_1026 : i32 to vector<16xi32>
      %add3A_1028 = arith.addi %mul3A_959, %add3A_1027 : vector<16xi32>
      %gather3A_1029 = tpu.vector_load_idx %arg16[%add3A_1028] : memref<5120xf32, #tpu.memory_space<vmem>>[vector<16xi32>], vector<16xf32>,
      %add3A_1030 = arith.addf %add3A_1025, %gather3A_1029 : vector<16xf32>
      %add3A_1031 = arith.constant 15 : i32
      %add3A_1032 = vector.broadcast %add3A_1031 : i32 to vector<16xi32>
      %add3A_1033 = arith.addi %mul3A_959, %add3A_1032 : vector<16xi32>
      %gather3A_1034 = tpu.vector_load_idx %arg16[%add3A_1033] : memref<5120xf32, #tpu.memory_space<vmem>>[vector<16xi32>], vector<16xf32>,
      %add3A_1035 = arith.addf %add3A_1030, %gather3A_1034 : vector<16xf32>
      %mul3A_1036 = arith.constant 20 : i32
      %mul3A_1037 = vector.broadcast %mul3A_1036 : i32 to vector<16xi32>
      %mul3A_1038 = arith.muli %iota3A, %mul3A_1037 : vector<16xi32>
      %add3A_1039 = vector.broadcast %mul3A_23 : i32 to vector<16xi32>
      %add3A_1040 = arith.addi %add3A_1039, %mul3A_1038 : vector<16xi32>
      %add3A_1041 = arith.constant 8 : i32
      %add3A_1042 = vector.broadcast %add3A_1041 : i32 to vector<16xi32>
      %add3A_1043 = arith.addi %add3A_1040, %add3A_1042 : vector<16xi32>
      tpu.vector_store_idx %arg18[%add3A_1043], %add3A_1035 : memref<10240xf32, #tpu.memory_space<vmem>>[vector<16xi32>], vector<16xf32>,
      %mul3A_1044 = arith.constant 20 : i32
      %mul3A_1045 = vector.broadcast %mul3A_1044 : i32 to vector<16xi32>
      %mul3A_1046 = arith.muli %iota3A, %mul3A_1045 : vector<16xi32>
      %add3A_1047 = arith.constant 9 : i32
      %add3A_1048 = vector.broadcast %add3A_1047 : i32 to vector<16xi32>
      %add3A_1049 = arith.addi %mul3A_1046, %add3A_1048 : vector<16xi32>
      %mul3A_1050 = arith.constant 16 : i32
      %mul3A_1051 = vector.broadcast %mul3A_1050 : i32 to vector<16xi32>
      %mul3A_1052 = arith.muli %add3A_1049, %mul3A_1051 : vector<16xi32>
      %gather3A_1053 = tpu.vector_load_idx %arg16[%mul3A_1052] : memref<5120xf32, #tpu.memory_space<vmem>>[vector<16xi32>], vector<16xf32>,
      %add3A_1054 = arith.constant 1 : i32
      %add3A_1055 = vector.broadcast %add3A_1054 : i32 to vector<16xi32>
      %add3A_1056 = arith.addi %mul3A_1052, %add3A_1055 : vector<16xi32>
      %gather3A_1057 = tpu.vector_load_idx %arg16[%add3A_1056] : memref<5120xf32, #tpu.memory_space<vmem>>[vector<16xi32>], vector<16xf32>,
      %add3A_1058 = arith.addf %gather3A_1053, %gather3A_1057 : vector<16xf32>
      %add3A_1059 = arith.constant 2 : i32
      %add3A_1060 = vector.broadcast %add3A_1059 : i32 to vector<16xi32>
      %add3A_1061 = arith.addi %mul3A_1052, %add3A_1060 : vector<16xi32>
      %gather3A_1062 = tpu.vector_load_idx %arg16[%add3A_1061] : memref<5120xf32, #tpu.memory_space<vmem>>[vector<16xi32>], vector<16xf32>,
      %add3A_1063 = arith.addf %add3A_1058, %gather3A_1062 : vector<16xf32>
      %add3A_1064 = arith.constant 3 : i32
      %add3A_1065 = vector.broadcast %add3A_1064 : i32 to vector<16xi32>
      %add3A_1066 = arith.addi %mul3A_1052, %add3A_1065 : vector<16xi32>
      %gather3A_1067 = tpu.vector_load_idx %arg16[%add3A_1066] : memref<5120xf32, #tpu.memory_space<vmem>>[vector<16xi32>], vector<16xf32>,
      %add3A_1068 = arith.addf %add3A_1063, %gather3A_1067 : vector<16xf32>
      %add3A_1069 = arith.constant 4 : i32
      %add3A_1070 = vector.broadcast %add3A_1069 : i32 to vector<16xi32>
      %add3A_1071 = arith.addi %mul3A_1052, %add3A_1070 : vector<16xi32>
      %gather3A_1072 = tpu.vector_load_idx %arg16[%add3A_1071] : memref<5120xf32, #tpu.memory_space<vmem>>[vector<16xi32>], vector<16xf32>,
      %add3A_1073 = arith.addf %add3A_1068, %gather3A_1072 : vector<16xf32>
      %add3A_1074 = arith.constant 5 : i32
      %add3A_1075 = vector.broadcast %add3A_1074 : i32 to vector<16xi32>
      %add3A_1076 = arith.addi %mul3A_1052, %add3A_1075 : vector<16xi32>
      %gather3A_1077 = tpu.vector_load_idx %arg16[%add3A_1076] : memref<5120xf32, #tpu.memory_space<vmem>>[vector<16xi32>], vector<16xf32>,
      %add3A_1078 = arith.addf %add3A_1073, %gather3A_1077 : vector<16xf32>
      %add3A_1079 = arith.constant 6 : i32
      %add3A_1080 = vector.broadcast %add3A_1079 : i32 to vector<16xi32>
      %add3A_1081 = arith.addi %mul3A_1052, %add3A_1080 : vector<16xi32>
      %gather3A_1082 = tpu.vector_load_idx %arg16[%add3A_1081] : memref<5120xf32, #tpu.memory_space<vmem>>[vector<16xi32>], vector<16xf32>,
      %add3A_1083 = arith.addf %add3A_1078, %gather3A_1082 : vector<16xf32>
      %add3A_1084 = arith.constant 7 : i32
      %add3A_1085 = vector.broadcast %add3A_1084 : i32 to vector<16xi32>
      %add3A_1086 = arith.addi %mul3A_1052, %add3A_1085 : vector<16xi32>
      %gather3A_1087 = tpu.vector_load_idx %arg16[%add3A_1086] : memref<5120xf32, #tpu.memory_space<vmem>>[vector<16xi32>], vector<16xf32>,
      %add3A_1088 = arith.addf %add3A_1083, %gather3A_1087 : vector<16xf32>
      %add3A_1089 = arith.constant 8 : i32
      %add3A_1090 = vector.broadcast %add3A_1089 : i32 to vector<16xi32>
      %add3A_1091 = arith.addi %mul3A_1052, %add3A_1090 : vector<16xi32>
      %gather3A_1092 = tpu.vector_load_idx %arg16[%add3A_1091] : memref<5120xf32, #tpu.memory_space<vmem>>[vector<16xi32>], vector<16xf32>,
      %add3A_1093 = arith.addf %add3A_1088, %gather3A_1092 : vector<16xf32>
      %add3A_1094 = arith.constant 9 : i32
      %add3A_1095 = vector.broadcast %add3A_1094 : i32 to vector<16xi32>
      %add3A_1096 = arith.addi %mul3A_1052, %add3A_1095 : vector<16xi32>
      %gather3A_1097 = tpu.vector_load_idx %arg16[%add3A_1096] : memref<5120xf32, #tpu.memory_space<vmem>>[vector<16xi32>], vector<16xf32>,
      %add3A_1098 = arith.addf %add3A_1093, %gather3A_1097 : vector<16xf32>
      %add3A_1099 = arith.constant 10 : i32
      %add3A_1100 = vector.broadcast %add3A_1099 : i32 to vector<16xi32>
      %add3A_1101 = arith.addi %mul3A_1052, %add3A_1100 : vector<16xi32>
      %gather3A_1102 = tpu.vector_load_idx %arg16[%add3A_1101] : memref<5120xf32, #tpu.memory_space<vmem>>[vector<16xi32>], vector<16xf32>,
      %add3A_1103 = arith.addf %add3A_1098, %gather3A_1102 : vector<16xf32>
      %add3A_1104 = arith.constant 11 : i32
      %add3A_1105 = vector.broadcast %add3A_1104 : i32 to vector<16xi32>
      %add3A_1106 = arith.addi %mul3A_1052, %add3A_1105 : vector<16xi32>
      %gather3A_1107 = tpu.vector_load_idx %arg16[%add3A_1106] : memref<5120xf32, #tpu.memory_space<vmem>>[vector<16xi32>], vector<16xf32>,
      %add3A_1108 = arith.addf %add3A_1103, %gather3A_1107 : vector<16xf32>
      %add3A_1109 = arith.constant 12 : i32
      %add3A_1110 = vector.broadcast %add3A_1109 : i32 to vector<16xi32>
      %add3A_1111 = arith.addi %mul3A_1052, %add3A_1110 : vector<16xi32>
      %gather3A_1112 = tpu.vector_load_idx %arg16[%add3A_1111] : memref<5120xf32, #tpu.memory_space<vmem>>[vector<16xi32>], vector<16xf32>,
      %add3A_1113 = arith.addf %add3A_1108, %gather3A_1112 : vector<16xf32>
      %add3A_1114 = arith.constant 13 : i32
      %add3A_1115 = vector.broadcast %add3A_1114 : i32 to vector<16xi32>
      %add3A_1116 = arith.addi %mul3A_1052, %add3A_1115 : vector<16xi32>
      %gather3A_1117 = tpu.vector_load_idx %arg16[%add3A_1116] : memref<5120xf32, #tpu.memory_space<vmem>>[vector<16xi32>], vector<16xf32>,
      %add3A_1118 = arith.addf %add3A_1113, %gather3A_1117 : vector<16xf32>
      %add3A_1119 = arith.constant 14 : i32
      %add3A_1120 = vector.broadcast %add3A_1119 : i32 to vector<16xi32>
      %add3A_1121 = arith.addi %mul3A_1052, %add3A_1120 : vector<16xi32>
      %gather3A_1122 = tpu.vector_load_idx %arg16[%add3A_1121] : memref<5120xf32, #tpu.memory_space<vmem>>[vector<16xi32>], vector<16xf32>,
      %add3A_1123 = arith.addf %add3A_1118, %gather3A_1122 : vector<16xf32>
      %add3A_1124 = arith.constant 15 : i32
      %add3A_1125 = vector.broadcast %add3A_1124 : i32 to vector<16xi32>
      %add3A_1126 = arith.addi %mul3A_1052, %add3A_1125 : vector<16xi32>
      %gather3A_1127 = tpu.vector_load_idx %arg16[%add3A_1126] : memref<5120xf32, #tpu.memory_space<vmem>>[vector<16xi32>], vector<16xf32>,
      %add3A_1128 = arith.addf %add3A_1123, %gather3A_1127 : vector<16xf32>
      %mul3A_1129 = arith.constant 20 : i32
      %mul3A_1130 = vector.broadcast %mul3A_1129 : i32 to vector<16xi32>
      %mul3A_1131 = arith.muli %iota3A, %mul3A_1130 : vector<16xi32>
      %add3A_1132 = vector.broadcast %mul3A_23 : i32 to vector<16xi32>
      %add3A_1133 = arith.addi %add3A_1132, %mul3A_1131 : vector<16xi32>
      %add3A_1134 = arith.constant 9 : i32
      %add3A_1135 = vector.broadcast %add3A_1134 : i32 to vector<16xi32>
      %add3A_1136 = arith.addi %add3A_1133, %add3A_1135 : vector<16xi32>
      tpu.vector_store_idx %arg18[%add3A_1136], %add3A_1128 : memref<10240xf32, #tpu.memory_space<vmem>>[vector<16xi32>], vector<16xf32>,
      %mul3A_1137 = arith.constant 20 : i32
      %mul3A_1138 = vector.broadcast %mul3A_1137 : i32 to vector<16xi32>
      %mul3A_1139 = arith.muli %iota3A, %mul3A_1138 : vector<16xi32>
      %add3A_1140 = arith.constant 10 : i32
      %add3A_1141 = vector.broadcast %add3A_1140 : i32 to vector<16xi32>
      %add3A_1142 = arith.addi %mul3A_1139, %add3A_1141 : vector<16xi32>
      %mul3A_1143 = arith.constant 16 : i32
      %mul3A_1144 = vector.broadcast %mul3A_1143 : i32 to vector<16xi32>
      %mul3A_1145 = arith.muli %add3A_1142, %mul3A_1144 : vector<16xi32>
      %gather3A_1146 = tpu.vector_load_idx %arg16[%mul3A_1145] : memref<5120xf32, #tpu.memory_space<vmem>>[vector<16xi32>], vector<16xf32>,
      %add3A_1147 = arith.constant 1 : i32
      %add3A_1148 = vector.broadcast %add3A_1147 : i32 to vector<16xi32>
      %add3A_1149 = arith.addi %mul3A_1145, %add3A_1148 : vector<16xi32>
      %gather3A_1150 = tpu.vector_load_idx %arg16[%add3A_1149] : memref<5120xf32, #tpu.memory_space<vmem>>[vector<16xi32>], vector<16xf32>,
      %add3A_1151 = arith.addf %gather3A_1146, %gather3A_1150 : vector<16xf32>
      %add3A_1152 = arith.constant 2 : i32
      %add3A_1153 = vector.broadcast %add3A_1152 : i32 to vector<16xi32>
      %add3A_1154 = arith.addi %mul3A_1145, %add3A_1153 : vector<16xi32>
      %gather3A_1155 = tpu.vector_load_idx %arg16[%add3A_1154] : memref<5120xf32, #tpu.memory_space<vmem>>[vector<16xi32>], vector<16xf32>,
      %add3A_1156 = arith.addf %add3A_1151, %gather3A_1155 : vector<16xf32>
      %add3A_1157 = arith.constant 3 : i32
      %add3A_1158 = vector.broadcast %add3A_1157 : i32 to vector<16xi32>
      %add3A_1159 = arith.addi %mul3A_1145, %add3A_1158 : vector<16xi32>
      %gather3A_1160 = tpu.vector_load_idx %arg16[%add3A_1159] : memref<5120xf32, #tpu.memory_space<vmem>>[vector<16xi32>], vector<16xf32>,
      %add3A_1161 = arith.addf %add3A_1156, %gather3A_1160 : vector<16xf32>
      %add3A_1162 = arith.constant 4 : i32
      %add3A_1163 = vector.broadcast %add3A_1162 : i32 to vector<16xi32>
      %add3A_1164 = arith.addi %mul3A_1145, %add3A_1163 : vector<16xi32>
      %gather3A_1165 = tpu.vector_load_idx %arg16[%add3A_1164] : memref<5120xf32, #tpu.memory_space<vmem>>[vector<16xi32>], vector<16xf32>,
      %add3A_1166 = arith.addf %add3A_1161, %gather3A_1165 : vector<16xf32>
      %add3A_1167 = arith.constant 5 : i32
      %add3A_1168 = vector.broadcast %add3A_1167 : i32 to vector<16xi32>
      %add3A_1169 = arith.addi %mul3A_1145, %add3A_1168 : vector<16xi32>
      %gather3A_1170 = tpu.vector_load_idx %arg16[%add3A_1169] : memref<5120xf32, #tpu.memory_space<vmem>>[vector<16xi32>], vector<16xf32>,
      %add3A_1171 = arith.addf %add3A_1166, %gather3A_1170 : vector<16xf32>
      %add3A_1172 = arith.constant 6 : i32
      %add3A_1173 = vector.broadcast %add3A_1172 : i32 to vector<16xi32>
      %add3A_1174 = arith.addi %mul3A_1145, %add3A_1173 : vector<16xi32>
      %gather3A_1175 = tpu.vector_load_idx %arg16[%add3A_1174] : memref<5120xf32, #tpu.memory_space<vmem>>[vector<16xi32>], vector<16xf32>,
      %add3A_1176 = arith.addf %add3A_1171, %gather3A_1175 : vector<16xf32>
      %add3A_1177 = arith.constant 7 : i32
      %add3A_1178 = vector.broadcast %add3A_1177 : i32 to vector<16xi32>
      %add3A_1179 = arith.addi %mul3A_1145, %add3A_1178 : vector<16xi32>
      %gather3A_1180 = tpu.vector_load_idx %arg16[%add3A_1179] : memref<5120xf32, #tpu.memory_space<vmem>>[vector<16xi32>], vector<16xf32>,
      %add3A_1181 = arith.addf %add3A_1176, %gather3A_1180 : vector<16xf32>
      %add3A_1182 = arith.constant 8 : i32
      %add3A_1183 = vector.broadcast %add3A_1182 : i32 to vector<16xi32>
      %add3A_1184 = arith.addi %mul3A_1145, %add3A_1183 : vector<16xi32>
      %gather3A_1185 = tpu.vector_load_idx %arg16[%add3A_1184] : memref<5120xf32, #tpu.memory_space<vmem>>[vector<16xi32>], vector<16xf32>,
      %add3A_1186 = arith.addf %add3A_1181, %gather3A_1185 : vector<16xf32>
      %add3A_1187 = arith.constant 9 : i32
      %add3A_1188 = vector.broadcast %add3A_1187 : i32 to vector<16xi32>
      %add3A_1189 = arith.addi %mul3A_1145, %add3A_1188 : vector<16xi32>
      %gather3A_1190 = tpu.vector_load_idx %arg16[%add3A_1189] : memref<5120xf32, #tpu.memory_space<vmem>>[vector<16xi32>], vector<16xf32>,
      %add3A_1191 = arith.addf %add3A_1186, %gather3A_1190 : vector<16xf32>
      %add3A_1192 = arith.constant 10 : i32
      %add3A_1193 = vector.broadcast %add3A_1192 : i32 to vector<16xi32>
      %add3A_1194 = arith.addi %mul3A_1145, %add3A_1193 : vector<16xi32>
      %gather3A_1195 = tpu.vector_load_idx %arg16[%add3A_1194] : memref<5120xf32, #tpu.memory_space<vmem>>[vector<16xi32>], vector<16xf32>,
      %add3A_1196 = arith.addf %add3A_1191, %gather3A_1195 : vector<16xf32>
      %add3A_1197 = arith.constant 11 : i32
      %add3A_1198 = vector.broadcast %add3A_1197 : i32 to vector<16xi32>
      %add3A_1199 = arith.addi %mul3A_1145, %add3A_1198 : vector<16xi32>
      %gather3A_1200 = tpu.vector_load_idx %arg16[%add3A_1199] : memref<5120xf32, #tpu.memory_space<vmem>>[vector<16xi32>], vector<16xf32>,
      %add3A_1201 = arith.addf %add3A_1196, %gather3A_1200 : vector<16xf32>
      %add3A_1202 = arith.constant 12 : i32
      %add3A_1203 = vector.broadcast %add3A_1202 : i32 to vector<16xi32>
      %add3A_1204 = arith.addi %mul3A_1145, %add3A_1203 : vector<16xi32>
      %gather3A_1205 = tpu.vector_load_idx %arg16[%add3A_1204] : memref<5120xf32, #tpu.memory_space<vmem>>[vector<16xi32>], vector<16xf32>,
      %add3A_1206 = arith.addf %add3A_1201, %gather3A_1205 : vector<16xf32>
      %add3A_1207 = arith.constant 13 : i32
      %add3A_1208 = vector.broadcast %add3A_1207 : i32 to vector<16xi32>
      %add3A_1209 = arith.addi %mul3A_1145, %add3A_1208 : vector<16xi32>
      %gather3A_1210 = tpu.vector_load_idx %arg16[%add3A_1209] : memref<5120xf32, #tpu.memory_space<vmem>>[vector<16xi32>], vector<16xf32>,
      %add3A_1211 = arith.addf %add3A_1206, %gather3A_1210 : vector<16xf32>
      %add3A_1212 = arith.constant 14 : i32
      %add3A_1213 = vector.broadcast %add3A_1212 : i32 to vector<16xi32>
      %add3A_1214 = arith.addi %mul3A_1145, %add3A_1213 : vector<16xi32>
      %gather3A_1215 = tpu.vector_load_idx %arg16[%add3A_1214] : memref<5120xf32, #tpu.memory_space<vmem>>[vector<16xi32>], vector<16xf32>,
      %add3A_1216 = arith.addf %add3A_1211, %gather3A_1215 : vector<16xf32>
      %add3A_1217 = arith.constant 15 : i32
      %add3A_1218 = vector.broadcast %add3A_1217 : i32 to vector<16xi32>
      %add3A_1219 = arith.addi %mul3A_1145, %add3A_1218 : vector<16xi32>
      %gather3A_1220 = tpu.vector_load_idx %arg16[%add3A_1219] : memref<5120xf32, #tpu.memory_space<vmem>>[vector<16xi32>], vector<16xf32>,
      %add3A_1221 = arith.addf %add3A_1216, %gather3A_1220 : vector<16xf32>
      %mul3A_1222 = arith.constant 20 : i32
      %mul3A_1223 = vector.broadcast %mul3A_1222 : i32 to vector<16xi32>
      %mul3A_1224 = arith.muli %iota3A, %mul3A_1223 : vector<16xi32>
      %add3A_1225 = vector.broadcast %mul3A_23 : i32 to vector<16xi32>
      %add3A_1226 = arith.addi %add3A_1225, %mul3A_1224 : vector<16xi32>
      %add3A_1227 = arith.constant 10 : i32
      %add3A_1228 = vector.broadcast %add3A_1227 : i32 to vector<16xi32>
      %add3A_1229 = arith.addi %add3A_1226, %add3A_1228 : vector<16xi32>
      tpu.vector_store_idx %arg18[%add3A_1229], %add3A_1221 : memref<10240xf32, #tpu.memory_space<vmem>>[vector<16xi32>], vector<16xf32>,
      %mul3A_1230 = arith.constant 20 : i32
      %mul3A_1231 = vector.broadcast %mul3A_1230 : i32 to vector<16xi32>
      %mul3A_1232 = arith.muli %iota3A, %mul3A_1231 : vector<16xi32>
      %add3A_1233 = arith.constant 11 : i32
      %add3A_1234 = vector.broadcast %add3A_1233 : i32 to vector<16xi32>
      %add3A_1235 = arith.addi %mul3A_1232, %add3A_1234 : vector<16xi32>
      %mul3A_1236 = arith.constant 16 : i32
      %mul3A_1237 = vector.broadcast %mul3A_1236 : i32 to vector<16xi32>
      %mul3A_1238 = arith.muli %add3A_1235, %mul3A_1237 : vector<16xi32>
      %gather3A_1239 = tpu.vector_load_idx %arg16[%mul3A_1238] : memref<5120xf32, #tpu.memory_space<vmem>>[vector<16xi32>], vector<16xf32>,
      %add3A_1240 = arith.constant 1 : i32
      %add3A_1241 = vector.broadcast %add3A_1240 : i32 to vector<16xi32>
      %add3A_1242 = arith.addi %mul3A_1238, %add3A_1241 : vector<16xi32>
      %gather3A_1243 = tpu.vector_load_idx %arg16[%add3A_1242] : memref<5120xf32, #tpu.memory_space<vmem>>[vector<16xi32>], vector<16xf32>,
      %add3A_1244 = arith.addf %gather3A_1239, %gather3A_1243 : vector<16xf32>
      %add3A_1245 = arith.constant 2 : i32
      %add3A_1246 = vector.broadcast %add3A_1245 : i32 to vector<16xi32>
      %add3A_1247 = arith.addi %mul3A_1238, %add3A_1246 : vector<16xi32>
      %gather3A_1248 = tpu.vector_load_idx %arg16[%add3A_1247] : memref<5120xf32, #tpu.memory_space<vmem>>[vector<16xi32>], vector<16xf32>,
      %add3A_1249 = arith.addf %add3A_1244, %gather3A_1248 : vector<16xf32>
      %add3A_1250 = arith.constant 3 : i32
      %add3A_1251 = vector.broadcast %add3A_1250 : i32 to vector<16xi32>
      %add3A_1252 = arith.addi %mul3A_1238, %add3A_1251 : vector<16xi32>
      %gather3A_1253 = tpu.vector_load_idx %arg16[%add3A_1252] : memref<5120xf32, #tpu.memory_space<vmem>>[vector<16xi32>], vector<16xf32>,
      %add3A_1254 = arith.addf %add3A_1249, %gather3A_1253 : vector<16xf32>
      %add3A_1255 = arith.constant 4 : i32
      %add3A_1256 = vector.broadcast %add3A_1255 : i32 to vector<16xi32>
      %add3A_1257 = arith.addi %mul3A_1238, %add3A_1256 : vector<16xi32>
      %gather3A_1258 = tpu.vector_load_idx %arg16[%add3A_1257] : memref<5120xf32, #tpu.memory_space<vmem>>[vector<16xi32>], vector<16xf32>,
      %add3A_1259 = arith.addf %add3A_1254, %gather3A_1258 : vector<16xf32>
      %add3A_1260 = arith.constant 5 : i32
      %add3A_1261 = vector.broadcast %add3A_1260 : i32 to vector<16xi32>
      %add3A_1262 = arith.addi %mul3A_1238, %add3A_1261 : vector<16xi32>
      %gather3A_1263 = tpu.vector_load_idx %arg16[%add3A_1262] : memref<5120xf32, #tpu.memory_space<vmem>>[vector<16xi32>], vector<16xf32>,
      %add3A_1264 = arith.addf %add3A_1259, %gather3A_1263 : vector<16xf32>
      %add3A_1265 = arith.constant 6 : i32
      %add3A_1266 = vector.broadcast %add3A_1265 : i32 to vector<16xi32>
      %add3A_1267 = arith.addi %mul3A_1238, %add3A_1266 : vector<16xi32>
      %gather3A_1268 = tpu.vector_load_idx %arg16[%add3A_1267] : memref<5120xf32, #tpu.memory_space<vmem>>[vector<16xi32>], vector<16xf32>,
      %add3A_1269 = arith.addf %add3A_1264, %gather3A_1268 : vector<16xf32>
      %add3A_1270 = arith.constant 7 : i32
      %add3A_1271 = vector.broadcast %add3A_1270 : i32 to vector<16xi32>
      %add3A_1272 = arith.addi %mul3A_1238, %add3A_1271 : vector<16xi32>
      %gather3A_1273 = tpu.vector_load_idx %arg16[%add3A_1272] : memref<5120xf32, #tpu.memory_space<vmem>>[vector<16xi32>], vector<16xf32>,
      %add3A_1274 = arith.addf %add3A_1269, %gather3A_1273 : vector<16xf32>
      %add3A_1275 = arith.constant 8 : i32
      %add3A_1276 = vector.broadcast %add3A_1275 : i32 to vector<16xi32>
      %add3A_1277 = arith.addi %mul3A_1238, %add3A_1276 : vector<16xi32>
      %gather3A_1278 = tpu.vector_load_idx %arg16[%add3A_1277] : memref<5120xf32, #tpu.memory_space<vmem>>[vector<16xi32>], vector<16xf32>,
      %add3A_1279 = arith.addf %add3A_1274, %gather3A_1278 : vector<16xf32>
      %add3A_1280 = arith.constant 9 : i32
      %add3A_1281 = vector.broadcast %add3A_1280 : i32 to vector<16xi32>
      %add3A_1282 = arith.addi %mul3A_1238, %add3A_1281 : vector<16xi32>
      %gather3A_1283 = tpu.vector_load_idx %arg16[%add3A_1282] : memref<5120xf32, #tpu.memory_space<vmem>>[vector<16xi32>], vector<16xf32>,
      %add3A_1284 = arith.addf %add3A_1279, %gather3A_1283 : vector<16xf32>
      %add3A_1285 = arith.constant 10 : i32
      %add3A_1286 = vector.broadcast %add3A_1285 : i32 to vector<16xi32>
      %add3A_1287 = arith.addi %mul3A_1238, %add3A_1286 : vector<16xi32>
      %gather3A_1288 = tpu.vector_load_idx %arg16[%add3A_1287] : memref<5120xf32, #tpu.memory_space<vmem>>[vector<16xi32>], vector<16xf32>,
      %add3A_1289 = arith.addf %add3A_1284, %gather3A_1288 : vector<16xf32>
      %add3A_1290 = arith.constant 11 : i32
      %add3A_1291 = vector.broadcast %add3A_1290 : i32 to vector<16xi32>
      %add3A_1292 = arith.addi %mul3A_1238, %add3A_1291 : vector<16xi32>
      %gather3A_1293 = tpu.vector_load_idx %arg16[%add3A_1292] : memref<5120xf32, #tpu.memory_space<vmem>>[vector<16xi32>], vector<16xf32>,
      %add3A_1294 = arith.addf %add3A_1289, %gather3A_1293 : vector<16xf32>
      %add3A_1295 = arith.constant 12 : i32
      %add3A_1296 = vector.broadcast %add3A_1295 : i32 to vector<16xi32>
      %add3A_1297 = arith.addi %mul3A_1238, %add3A_1296 : vector<16xi32>
      %gather3A_1298 = tpu.vector_load_idx %arg16[%add3A_1297] : memref<5120xf32, #tpu.memory_space<vmem>>[vector<16xi32>], vector<16xf32>,
      %add3A_1299 = arith.addf %add3A_1294, %gather3A_1298 : vector<16xf32>
      %add3A_1300 = arith.constant 13 : i32
      %add3A_1301 = vector.broadcast %add3A_1300 : i32 to vector<16xi32>
      %add3A_1302 = arith.addi %mul3A_1238, %add3A_1301 : vector<16xi32>
      %gather3A_1303 = tpu.vector_load_idx %arg16[%add3A_1302] : memref<5120xf32, #tpu.memory_space<vmem>>[vector<16xi32>], vector<16xf32>,
      %add3A_1304 = arith.addf %add3A_1299, %gather3A_1303 : vector<16xf32>
      %add3A_1305 = arith.constant 14 : i32
      %add3A_1306 = vector.broadcast %add3A_1305 : i32 to vector<16xi32>
      %add3A_1307 = arith.addi %mul3A_1238, %add3A_1306 : vector<16xi32>
      %gather3A_1308 = tpu.vector_load_idx %arg16[%add3A_1307] : memref<5120xf32, #tpu.memory_space<vmem>>[vector<16xi32>], vector<16xf32>,
      %add3A_1309 = arith.addf %add3A_1304, %gather3A_1308 : vector<16xf32>
      %add3A_1310 = arith.constant 15 : i32
      %add3A_1311 = vector.broadcast %add3A_1310 : i32 to vector<16xi32>
      %add3A_1312 = arith.addi %mul3A_1238, %add3A_1311 : vector<16xi32>
      %gather3A_1313 = tpu.vector_load_idx %arg16[%add3A_1312] : memref<5120xf32, #tpu.memory_space<vmem>>[vector<16xi32>], vector<16xf32>,
      %add3A_1314 = arith.addf %add3A_1309, %gather3A_1313 : vector<16xf32>
      %mul3A_1315 = arith.constant 20 : i32
      %mul3A_1316 = vector.broadcast %mul3A_1315 : i32 to vector<16xi32>
      %mul3A_1317 = arith.muli %iota3A, %mul3A_1316 : vector<16xi32>
      %add3A_1318 = vector.broadcast %mul3A_23 : i32 to vector<16xi32>
      %add3A_1319 = arith.addi %add3A_1318, %mul3A_1317 : vector<16xi32>
      %add3A_1320 = arith.constant 11 : i32
      %add3A_1321 = vector.broadcast %add3A_1320 : i32 to vector<16xi32>
      %add3A_1322 = arith.addi %add3A_1319, %add3A_1321 : vector<16xi32>
      tpu.vector_store_idx %arg18[%add3A_1322], %add3A_1314 : memref<10240xf32, #tpu.memory_space<vmem>>[vector<16xi32>], vector<16xf32>,
      %mul3A_1323 = arith.constant 20 : i32
      %mul3A_1324 = vector.broadcast %mul3A_1323 : i32 to vector<16xi32>
      %mul3A_1325 = arith.muli %iota3A, %mul3A_1324 : vector<16xi32>
      %add3A_1326 = arith.constant 12 : i32
      %add3A_1327 = vector.broadcast %add3A_1326 : i32 to vector<16xi32>
      %add3A_1328 = arith.addi %mul3A_1325, %add3A_1327 : vector<16xi32>
      %mul3A_1329 = arith.constant 16 : i32
      %mul3A_1330 = vector.broadcast %mul3A_1329 : i32 to vector<16xi32>
      %mul3A_1331 = arith.muli %add3A_1328, %mul3A_1330 : vector<16xi32>
      %gather3A_1332 = tpu.vector_load_idx %arg16[%mul3A_1331] : memref<5120xf32, #tpu.memory_space<vmem>>[vector<16xi32>], vector<16xf32>,
      %add3A_1333 = arith.constant 1 : i32
      %add3A_1334 = vector.broadcast %add3A_1333 : i32 to vector<16xi32>
      %add3A_1335 = arith.addi %mul3A_1331, %add3A_1334 : vector<16xi32>
      %gather3A_1336 = tpu.vector_load_idx %arg16[%add3A_1335] : memref<5120xf32, #tpu.memory_space<vmem>>[vector<16xi32>], vector<16xf32>,
      %add3A_1337 = arith.addf %gather3A_1332, %gather3A_1336 : vector<16xf32>
      %add3A_1338 = arith.constant 2 : i32
      %add3A_1339 = vector.broadcast %add3A_1338 : i32 to vector<16xi32>
      %add3A_1340 = arith.addi %mul3A_1331, %add3A_1339 : vector<16xi32>
      %gather3A_1341 = tpu.vector_load_idx %arg16[%add3A_1340] : memref<5120xf32, #tpu.memory_space<vmem>>[vector<16xi32>], vector<16xf32>,
      %add3A_1342 = arith.addf %add3A_1337, %gather3A_1341 : vector<16xf32>
      %add3A_1343 = arith.constant 3 : i32
      %add3A_1344 = vector.broadcast %add3A_1343 : i32 to vector<16xi32>
      %add3A_1345 = arith.addi %mul3A_1331, %add3A_1344 : vector<16xi32>
      %gather3A_1346 = tpu.vector_load_idx %arg16[%add3A_1345] : memref<5120xf32, #tpu.memory_space<vmem>>[vector<16xi32>], vector<16xf32>,
      %add3A_1347 = arith.addf %add3A_1342, %gather3A_1346 : vector<16xf32>
      %add3A_1348 = arith.constant 4 : i32
      %add3A_1349 = vector.broadcast %add3A_1348 : i32 to vector<16xi32>
      %add3A_1350 = arith.addi %mul3A_1331, %add3A_1349 : vector<16xi32>
      %gather3A_1351 = tpu.vector_load_idx %arg16[%add3A_1350] : memref<5120xf32, #tpu.memory_space<vmem>>[vector<16xi32>], vector<16xf32>,
      %add3A_1352 = arith.addf %add3A_1347, %gather3A_1351 : vector<16xf32>
      %add3A_1353 = arith.constant 5 : i32
      %add3A_1354 = vector.broadcast %add3A_1353 : i32 to vector<16xi32>
      %add3A_1355 = arith.addi %mul3A_1331, %add3A_1354 : vector<16xi32>
      %gather3A_1356 = tpu.vector_load_idx %arg16[%add3A_1355] : memref<5120xf32, #tpu.memory_space<vmem>>[vector<16xi32>], vector<16xf32>,
      %add3A_1357 = arith.addf %add3A_1352, %gather3A_1356 : vector<16xf32>
      %add3A_1358 = arith.constant 6 : i32
      %add3A_1359 = vector.broadcast %add3A_1358 : i32 to vector<16xi32>
      %add3A_1360 = arith.addi %mul3A_1331, %add3A_1359 : vector<16xi32>
      %gather3A_1361 = tpu.vector_load_idx %arg16[%add3A_1360] : memref<5120xf32, #tpu.memory_space<vmem>>[vector<16xi32>], vector<16xf32>,
      %add3A_1362 = arith.addf %add3A_1357, %gather3A_1361 : vector<16xf32>
      %add3A_1363 = arith.constant 7 : i32
      %add3A_1364 = vector.broadcast %add3A_1363 : i32 to vector<16xi32>
      %add3A_1365 = arith.addi %mul3A_1331, %add3A_1364 : vector<16xi32>
      %gather3A_1366 = tpu.vector_load_idx %arg16[%add3A_1365] : memref<5120xf32, #tpu.memory_space<vmem>>[vector<16xi32>], vector<16xf32>,
      %add3A_1367 = arith.addf %add3A_1362, %gather3A_1366 : vector<16xf32>
      %add3A_1368 = arith.constant 8 : i32
      %add3A_1369 = vector.broadcast %add3A_1368 : i32 to vector<16xi32>
      %add3A_1370 = arith.addi %mul3A_1331, %add3A_1369 : vector<16xi32>
      %gather3A_1371 = tpu.vector_load_idx %arg16[%add3A_1370] : memref<5120xf32, #tpu.memory_space<vmem>>[vector<16xi32>], vector<16xf32>,
      %add3A_1372 = arith.addf %add3A_1367, %gather3A_1371 : vector<16xf32>
      %add3A_1373 = arith.constant 9 : i32
      %add3A_1374 = vector.broadcast %add3A_1373 : i32 to vector<16xi32>
      %add3A_1375 = arith.addi %mul3A_1331, %add3A_1374 : vector<16xi32>
      %gather3A_1376 = tpu.vector_load_idx %arg16[%add3A_1375] : memref<5120xf32, #tpu.memory_space<vmem>>[vector<16xi32>], vector<16xf32>,
      %add3A_1377 = arith.addf %add3A_1372, %gather3A_1376 : vector<16xf32>
      %add3A_1378 = arith.constant 10 : i32
      %add3A_1379 = vector.broadcast %add3A_1378 : i32 to vector<16xi32>
      %add3A_1380 = arith.addi %mul3A_1331, %add3A_1379 : vector<16xi32>
      %gather3A_1381 = tpu.vector_load_idx %arg16[%add3A_1380] : memref<5120xf32, #tpu.memory_space<vmem>>[vector<16xi32>], vector<16xf32>,
      %add3A_1382 = arith.addf %add3A_1377, %gather3A_1381 : vector<16xf32>
      %add3A_1383 = arith.constant 11 : i32
      %add3A_1384 = vector.broadcast %add3A_1383 : i32 to vector<16xi32>
      %add3A_1385 = arith.addi %mul3A_1331, %add3A_1384 : vector<16xi32>
      %gather3A_1386 = tpu.vector_load_idx %arg16[%add3A_1385] : memref<5120xf32, #tpu.memory_space<vmem>>[vector<16xi32>], vector<16xf32>,
      %add3A_1387 = arith.addf %add3A_1382, %gather3A_1386 : vector<16xf32>
      %add3A_1388 = arith.constant 12 : i32
      %add3A_1389 = vector.broadcast %add3A_1388 : i32 to vector<16xi32>
      %add3A_1390 = arith.addi %mul3A_1331, %add3A_1389 : vector<16xi32>
      %gather3A_1391 = tpu.vector_load_idx %arg16[%add3A_1390] : memref<5120xf32, #tpu.memory_space<vmem>>[vector<16xi32>], vector<16xf32>,
      %add3A_1392 = arith.addf %add3A_1387, %gather3A_1391 : vector<16xf32>
      %add3A_1393 = arith.constant 13 : i32
      %add3A_1394 = vector.broadcast %add3A_1393 : i32 to vector<16xi32>
      %add3A_1395 = arith.addi %mul3A_1331, %add3A_1394 : vector<16xi32>
      %gather3A_1396 = tpu.vector_load_idx %arg16[%add3A_1395] : memref<5120xf32, #tpu.memory_space<vmem>>[vector<16xi32>], vector<16xf32>,
      %add3A_1397 = arith.addf %add3A_1392, %gather3A_1396 : vector<16xf32>
      %add3A_1398 = arith.constant 14 : i32
      %add3A_1399 = vector.broadcast %add3A_1398 : i32 to vector<16xi32>
      %add3A_1400 = arith.addi %mul3A_1331, %add3A_1399 : vector<16xi32>
      %gather3A_1401 = tpu.vector_load_idx %arg16[%add3A_1400] : memref<5120xf32, #tpu.memory_space<vmem>>[vector<16xi32>], vector<16xf32>,
      %add3A_1402 = arith.addf %add3A_1397, %gather3A_1401 : vector<16xf32>
      %add3A_1403 = arith.constant 15 : i32
      %add3A_1404 = vector.broadcast %add3A_1403 : i32 to vector<16xi32>
      %add3A_1405 = arith.addi %mul3A_1331, %add3A_1404 : vector<16xi32>
      %gather3A_1406 = tpu.vector_load_idx %arg16[%add3A_1405] : memref<5120xf32, #tpu.memory_space<vmem>>[vector<16xi32>], vector<16xf32>,
      %add3A_1407 = arith.addf %add3A_1402, %gather3A_1406 : vector<16xf32>
      %mul3A_1408 = arith.constant 20 : i32
      %mul3A_1409 = vector.broadcast %mul3A_1408 : i32 to vector<16xi32>
      %mul3A_1410 = arith.muli %iota3A, %mul3A_1409 : vector<16xi32>
      %add3A_1411 = vector.broadcast %mul3A_23 : i32 to vector<16xi32>
      %add3A_1412 = arith.addi %add3A_1411, %mul3A_1410 : vector<16xi32>
      %add3A_1413 = arith.constant 12 : i32
      %add3A_1414 = vector.broadcast %add3A_1413 : i32 to vector<16xi32>
      %add3A_1415 = arith.addi %add3A_1412, %add3A_1414 : vector<16xi32>
      tpu.vector_store_idx %arg18[%add3A_1415], %add3A_1407 : memref<10240xf32, #tpu.memory_space<vmem>>[vector<16xi32>], vector<16xf32>,
      %mul3A_1416 = arith.constant 20 : i32
      %mul3A_1417 = vector.broadcast %mul3A_1416 : i32 to vector<16xi32>
      %mul3A_1418 = arith.muli %iota3A, %mul3A_1417 : vector<16xi32>
      %add3A_1419 = arith.constant 13 : i32
      %add3A_1420 = vector.broadcast %add3A_1419 : i32 to vector<16xi32>
      %add3A_1421 = arith.addi %mul3A_1418, %add3A_1420 : vector<16xi32>
      %mul3A_1422 = arith.constant 16 : i32
      %mul3A_1423 = vector.broadcast %mul3A_1422 : i32 to vector<16xi32>
      %mul3A_1424 = arith.muli %add3A_1421, %mul3A_1423 : vector<16xi32>
      %gather3A_1425 = tpu.vector_load_idx %arg16[%mul3A_1424] : memref<5120xf32, #tpu.memory_space<vmem>>[vector<16xi32>], vector<16xf32>,
      %add3A_1426 = arith.constant 1 : i32
      %add3A_1427 = vector.broadcast %add3A_1426 : i32 to vector<16xi32>
      %add3A_1428 = arith.addi %mul3A_1424, %add3A_1427 : vector<16xi32>
      %gather3A_1429 = tpu.vector_load_idx %arg16[%add3A_1428] : memref<5120xf32, #tpu.memory_space<vmem>>[vector<16xi32>], vector<16xf32>,
      %add3A_1430 = arith.addf %gather3A_1425, %gather3A_1429 : vector<16xf32>
      %add3A_1431 = arith.constant 2 : i32
      %add3A_1432 = vector.broadcast %add3A_1431 : i32 to vector<16xi32>
      %add3A_1433 = arith.addi %mul3A_1424, %add3A_1432 : vector<16xi32>
      %gather3A_1434 = tpu.vector_load_idx %arg16[%add3A_1433] : memref<5120xf32, #tpu.memory_space<vmem>>[vector<16xi32>], vector<16xf32>,
      %add3A_1435 = arith.addf %add3A_1430, %gather3A_1434 : vector<16xf32>
      %add3A_1436 = arith.constant 3 : i32
      %add3A_1437 = vector.broadcast %add3A_1436 : i32 to vector<16xi32>
      %add3A_1438 = arith.addi %mul3A_1424, %add3A_1437 : vector<16xi32>
      %gather3A_1439 = tpu.vector_load_idx %arg16[%add3A_1438] : memref<5120xf32, #tpu.memory_space<vmem>>[vector<16xi32>], vector<16xf32>,
      %add3A_1440 = arith.addf %add3A_1435, %gather3A_1439 : vector<16xf32>
      %add3A_1441 = arith.constant 4 : i32
      %add3A_1442 = vector.broadcast %add3A_1441 : i32 to vector<16xi32>
      %add3A_1443 = arith.addi %mul3A_1424, %add3A_1442 : vector<16xi32>
      %gather3A_1444 = tpu.vector_load_idx %arg16[%add3A_1443] : memref<5120xf32, #tpu.memory_space<vmem>>[vector<16xi32>], vector<16xf32>,
      %add3A_1445 = arith.addf %add3A_1440, %gather3A_1444 : vector<16xf32>
      %add3A_1446 = arith.constant 5 : i32
      %add3A_1447 = vector.broadcast %add3A_1446 : i32 to vector<16xi32>
      %add3A_1448 = arith.addi %mul3A_1424, %add3A_1447 : vector<16xi32>
      %gather3A_1449 = tpu.vector_load_idx %arg16[%add3A_1448] : memref<5120xf32, #tpu.memory_space<vmem>>[vector<16xi32>], vector<16xf32>,
      %add3A_1450 = arith.addf %add3A_1445, %gather3A_1449 : vector<16xf32>
      %add3A_1451 = arith.constant 6 : i32
      %add3A_1452 = vector.broadcast %add3A_1451 : i32 to vector<16xi32>
      %add3A_1453 = arith.addi %mul3A_1424, %add3A_1452 : vector<16xi32>
      %gather3A_1454 = tpu.vector_load_idx %arg16[%add3A_1453] : memref<5120xf32, #tpu.memory_space<vmem>>[vector<16xi32>], vector<16xf32>,
      %add3A_1455 = arith.addf %add3A_1450, %gather3A_1454 : vector<16xf32>
      %add3A_1456 = arith.constant 7 : i32
      %add3A_1457 = vector.broadcast %add3A_1456 : i32 to vector<16xi32>
      %add3A_1458 = arith.addi %mul3A_1424, %add3A_1457 : vector<16xi32>
      %gather3A_1459 = tpu.vector_load_idx %arg16[%add3A_1458] : memref<5120xf32, #tpu.memory_space<vmem>>[vector<16xi32>], vector<16xf32>,
      %add3A_1460 = arith.addf %add3A_1455, %gather3A_1459 : vector<16xf32>
      %add3A_1461 = arith.constant 8 : i32
      %add3A_1462 = vector.broadcast %add3A_1461 : i32 to vector<16xi32>
      %add3A_1463 = arith.addi %mul3A_1424, %add3A_1462 : vector<16xi32>
      %gather3A_1464 = tpu.vector_load_idx %arg16[%add3A_1463] : memref<5120xf32, #tpu.memory_space<vmem>>[vector<16xi32>], vector<16xf32>,
      %add3A_1465 = arith.addf %add3A_1460, %gather3A_1464 : vector<16xf32>
      %add3A_1466 = arith.constant 9 : i32
      %add3A_1467 = vector.broadcast %add3A_1466 : i32 to vector<16xi32>
      %add3A_1468 = arith.addi %mul3A_1424, %add3A_1467 : vector<16xi32>
      %gather3A_1469 = tpu.vector_load_idx %arg16[%add3A_1468] : memref<5120xf32, #tpu.memory_space<vmem>>[vector<16xi32>], vector<16xf32>,
      %add3A_1470 = arith.addf %add3A_1465, %gather3A_1469 : vector<16xf32>
      %add3A_1471 = arith.constant 10 : i32
      %add3A_1472 = vector.broadcast %add3A_1471 : i32 to vector<16xi32>
      %add3A_1473 = arith.addi %mul3A_1424, %add3A_1472 : vector<16xi32>
      %gather3A_1474 = tpu.vector_load_idx %arg16[%add3A_1473] : memref<5120xf32, #tpu.memory_space<vmem>>[vector<16xi32>], vector<16xf32>,
      %add3A_1475 = arith.addf %add3A_1470, %gather3A_1474 : vector<16xf32>
      %add3A_1476 = arith.constant 11 : i32
      %add3A_1477 = vector.broadcast %add3A_1476 : i32 to vector<16xi32>
      %add3A_1478 = arith.addi %mul3A_1424, %add3A_1477 : vector<16xi32>
      %gather3A_1479 = tpu.vector_load_idx %arg16[%add3A_1478] : memref<5120xf32, #tpu.memory_space<vmem>>[vector<16xi32>], vector<16xf32>,
      %add3A_1480 = arith.addf %add3A_1475, %gather3A_1479 : vector<16xf32>
      %add3A_1481 = arith.constant 12 : i32
      %add3A_1482 = vector.broadcast %add3A_1481 : i32 to vector<16xi32>
      %add3A_1483 = arith.addi %mul3A_1424, %add3A_1482 : vector<16xi32>
      %gather3A_1484 = tpu.vector_load_idx %arg16[%add3A_1483] : memref<5120xf32, #tpu.memory_space<vmem>>[vector<16xi32>], vector<16xf32>,
      %add3A_1485 = arith.addf %add3A_1480, %gather3A_1484 : vector<16xf32>
      %add3A_1486 = arith.constant 13 : i32
      %add3A_1487 = vector.broadcast %add3A_1486 : i32 to vector<16xi32>
      %add3A_1488 = arith.addi %mul3A_1424, %add3A_1487 : vector<16xi32>
      %gather3A_1489 = tpu.vector_load_idx %arg16[%add3A_1488] : memref<5120xf32, #tpu.memory_space<vmem>>[vector<16xi32>], vector<16xf32>,
      %add3A_1490 = arith.addf %add3A_1485, %gather3A_1489 : vector<16xf32>
      %add3A_1491 = arith.constant 14 : i32
      %add3A_1492 = vector.broadcast %add3A_1491 : i32 to vector<16xi32>
      %add3A_1493 = arith.addi %mul3A_1424, %add3A_1492 : vector<16xi32>
      %gather3A_1494 = tpu.vector_load_idx %arg16[%add3A_1493] : memref<5120xf32, #tpu.memory_space<vmem>>[vector<16xi32>], vector<16xf32>,
      %add3A_1495 = arith.addf %add3A_1490, %gather3A_1494 : vector<16xf32>
      %add3A_1496 = arith.constant 15 : i32
      %add3A_1497 = vector.broadcast %add3A_1496 : i32 to vector<16xi32>
      %add3A_1498 = arith.addi %mul3A_1424, %add3A_1497 : vector<16xi32>
      %gather3A_1499 = tpu.vector_load_idx %arg16[%add3A_1498] : memref<5120xf32, #tpu.memory_space<vmem>>[vector<16xi32>], vector<16xf32>,
      %add3A_1500 = arith.addf %add3A_1495, %gather3A_1499 : vector<16xf32>
      %mul3A_1501 = arith.constant 20 : i32
      %mul3A_1502 = vector.broadcast %mul3A_1501 : i32 to vector<16xi32>
      %mul3A_1503 = arith.muli %iota3A, %mul3A_1502 : vector<16xi32>
      %add3A_1504 = vector.broadcast %mul3A_23 : i32 to vector<16xi32>
      %add3A_1505 = arith.addi %add3A_1504, %mul3A_1503 : vector<16xi32>
      %add3A_1506 = arith.constant 13 : i32
      %add3A_1507 = vector.broadcast %add3A_1506 : i32 to vector<16xi32>
      %add3A_1508 = arith.addi %add3A_1505, %add3A_1507 : vector<16xi32>
      tpu.vector_store_idx %arg18[%add3A_1508], %add3A_1500 : memref<10240xf32, #tpu.memory_space<vmem>>[vector<16xi32>], vector<16xf32>,
      %mul3A_1509 = arith.constant 20 : i32
      %mul3A_1510 = vector.broadcast %mul3A_1509 : i32 to vector<16xi32>
      %mul3A_1511 = arith.muli %iota3A, %mul3A_1510 : vector<16xi32>
      %add3A_1512 = arith.constant 14 : i32
      %add3A_1513 = vector.broadcast %add3A_1512 : i32 to vector<16xi32>
      %add3A_1514 = arith.addi %mul3A_1511, %add3A_1513 : vector<16xi32>
      %mul3A_1515 = arith.constant 16 : i32
      %mul3A_1516 = vector.broadcast %mul3A_1515 : i32 to vector<16xi32>
      %mul3A_1517 = arith.muli %add3A_1514, %mul3A_1516 : vector<16xi32>
      %gather3A_1518 = tpu.vector_load_idx %arg16[%mul3A_1517] : memref<5120xf32, #tpu.memory_space<vmem>>[vector<16xi32>], vector<16xf32>,
      %add3A_1519 = arith.constant 1 : i32
      %add3A_1520 = vector.broadcast %add3A_1519 : i32 to vector<16xi32>
      %add3A_1521 = arith.addi %mul3A_1517, %add3A_1520 : vector<16xi32>
      %gather3A_1522 = tpu.vector_load_idx %arg16[%add3A_1521] : memref<5120xf32, #tpu.memory_space<vmem>>[vector<16xi32>], vector<16xf32>,
      %add3A_1523 = arith.addf %gather3A_1518, %gather3A_1522 : vector<16xf32>
      %add3A_1524 = arith.constant 2 : i32
      %add3A_1525 = vector.broadcast %add3A_1524 : i32 to vector<16xi32>
      %add3A_1526 = arith.addi %mul3A_1517, %add3A_1525 : vector<16xi32>
      %gather3A_1527 = tpu.vector_load_idx %arg16[%add3A_1526] : memref<5120xf32, #tpu.memory_space<vmem>>[vector<16xi32>], vector<16xf32>,
      %add3A_1528 = arith.addf %add3A_1523, %gather3A_1527 : vector<16xf32>
      %add3A_1529 = arith.constant 3 : i32
      %add3A_1530 = vector.broadcast %add3A_1529 : i32 to vector<16xi32>
      %add3A_1531 = arith.addi %mul3A_1517, %add3A_1530 : vector<16xi32>
      %gather3A_1532 = tpu.vector_load_idx %arg16[%add3A_1531] : memref<5120xf32, #tpu.memory_space<vmem>>[vector<16xi32>], vector<16xf32>,
      %add3A_1533 = arith.addf %add3A_1528, %gather3A_1532 : vector<16xf32>
      %add3A_1534 = arith.constant 4 : i32
      %add3A_1535 = vector.broadcast %add3A_1534 : i32 to vector<16xi32>
      %add3A_1536 = arith.addi %mul3A_1517, %add3A_1535 : vector<16xi32>
      %gather3A_1537 = tpu.vector_load_idx %arg16[%add3A_1536] : memref<5120xf32, #tpu.memory_space<vmem>>[vector<16xi32>], vector<16xf32>,
      %add3A_1538 = arith.addf %add3A_1533, %gather3A_1537 : vector<16xf32>
      %add3A_1539 = arith.constant 5 : i32
      %add3A_1540 = vector.broadcast %add3A_1539 : i32 to vector<16xi32>
      %add3A_1541 = arith.addi %mul3A_1517, %add3A_1540 : vector<16xi32>
      %gather3A_1542 = tpu.vector_load_idx %arg16[%add3A_1541] : memref<5120xf32, #tpu.memory_space<vmem>>[vector<16xi32>], vector<16xf32>,
      %add3A_1543 = arith.addf %add3A_1538, %gather3A_1542 : vector<16xf32>
      %add3A_1544 = arith.constant 6 : i32
      %add3A_1545 = vector.broadcast %add3A_1544 : i32 to vector<16xi32>
      %add3A_1546 = arith.addi %mul3A_1517, %add3A_1545 : vector<16xi32>
      %gather3A_1547 = tpu.vector_load_idx %arg16[%add3A_1546] : memref<5120xf32, #tpu.memory_space<vmem>>[vector<16xi32>], vector<16xf32>,
      %add3A_1548 = arith.addf %add3A_1543, %gather3A_1547 : vector<16xf32>
      %add3A_1549 = arith.constant 7 : i32
      %add3A_1550 = vector.broadcast %add3A_1549 : i32 to vector<16xi32>
      %add3A_1551 = arith.addi %mul3A_1517, %add3A_1550 : vector<16xi32>
      %gather3A_1552 = tpu.vector_load_idx %arg16[%add3A_1551] : memref<5120xf32, #tpu.memory_space<vmem>>[vector<16xi32>], vector<16xf32>,
      %add3A_1553 = arith.addf %add3A_1548, %gather3A_1552 : vector<16xf32>
      %add3A_1554 = arith.constant 8 : i32
      %add3A_1555 = vector.broadcast %add3A_1554 : i32 to vector<16xi32>
      %add3A_1556 = arith.addi %mul3A_1517, %add3A_1555 : vector<16xi32>
      %gather3A_1557 = tpu.vector_load_idx %arg16[%add3A_1556] : memref<5120xf32, #tpu.memory_space<vmem>>[vector<16xi32>], vector<16xf32>,
      %add3A_1558 = arith.addf %add3A_1553, %gather3A_1557 : vector<16xf32>
      %add3A_1559 = arith.constant 9 : i32
      %add3A_1560 = vector.broadcast %add3A_1559 : i32 to vector<16xi32>
      %add3A_1561 = arith.addi %mul3A_1517, %add3A_1560 : vector<16xi32>
      %gather3A_1562 = tpu.vector_load_idx %arg16[%add3A_1561] : memref<5120xf32, #tpu.memory_space<vmem>>[vector<16xi32>], vector<16xf32>,
      %add3A_1563 = arith.addf %add3A_1558, %gather3A_1562 : vector<16xf32>
      %add3A_1564 = arith.constant 10 : i32
      %add3A_1565 = vector.broadcast %add3A_1564 : i32 to vector<16xi32>
      %add3A_1566 = arith.addi %mul3A_1517, %add3A_1565 : vector<16xi32>
      %gather3A_1567 = tpu.vector_load_idx %arg16[%add3A_1566] : memref<5120xf32, #tpu.memory_space<vmem>>[vector<16xi32>], vector<16xf32>,
      %add3A_1568 = arith.addf %add3A_1563, %gather3A_1567 : vector<16xf32>
      %add3A_1569 = arith.constant 11 : i32
      %add3A_1570 = vector.broadcast %add3A_1569 : i32 to vector<16xi32>
      %add3A_1571 = arith.addi %mul3A_1517, %add3A_1570 : vector<16xi32>
      %gather3A_1572 = tpu.vector_load_idx %arg16[%add3A_1571] : memref<5120xf32, #tpu.memory_space<vmem>>[vector<16xi32>], vector<16xf32>,
      %add3A_1573 = arith.addf %add3A_1568, %gather3A_1572 : vector<16xf32>
      %add3A_1574 = arith.constant 12 : i32
      %add3A_1575 = vector.broadcast %add3A_1574 : i32 to vector<16xi32>
      %add3A_1576 = arith.addi %mul3A_1517, %add3A_1575 : vector<16xi32>
      %gather3A_1577 = tpu.vector_load_idx %arg16[%add3A_1576] : memref<5120xf32, #tpu.memory_space<vmem>>[vector<16xi32>], vector<16xf32>,
      %add3A_1578 = arith.addf %add3A_1573, %gather3A_1577 : vector<16xf32>
      %add3A_1579 = arith.constant 13 : i32
      %add3A_1580 = vector.broadcast %add3A_1579 : i32 to vector<16xi32>
      %add3A_1581 = arith.addi %mul3A_1517, %add3A_1580 : vector<16xi32>
      %gather3A_1582 = tpu.vector_load_idx %arg16[%add3A_1581] : memref<5120xf32, #tpu.memory_space<vmem>>[vector<16xi32>], vector<16xf32>,
      %add3A_1583 = arith.addf %add3A_1578, %gather3A_1582 : vector<16xf32>
      %add3A_1584 = arith.constant 14 : i32
      %add3A_1585 = vector.broadcast %add3A_1584 : i32 to vector<16xi32>
      %add3A_1586 = arith.addi %mul3A_1517, %add3A_1585 : vector<16xi32>
      %gather3A_1587 = tpu.vector_load_idx %arg16[%add3A_1586] : memref<5120xf32, #tpu.memory_space<vmem>>[vector<16xi32>], vector<16xf32>,
      %add3A_1588 = arith.addf %add3A_1583, %gather3A_1587 : vector<16xf32>
      %add3A_1589 = arith.constant 15 : i32
      %add3A_1590 = vector.broadcast %add3A_1589 : i32 to vector<16xi32>
      %add3A_1591 = arith.addi %mul3A_1517, %add3A_1590 : vector<16xi32>
      %gather3A_1592 = tpu.vector_load_idx %arg16[%add3A_1591] : memref<5120xf32, #tpu.memory_space<vmem>>[vector<16xi32>], vector<16xf32>,
      %add3A_1593 = arith.addf %add3A_1588, %gather3A_1592 : vector<16xf32>
      %mul3A_1594 = arith.constant 20 : i32
      %mul3A_1595 = vector.broadcast %mul3A_1594 : i32 to vector<16xi32>
      %mul3A_1596 = arith.muli %iota3A, %mul3A_1595 : vector<16xi32>
      %add3A_1597 = vector.broadcast %mul3A_23 : i32 to vector<16xi32>
      %add3A_1598 = arith.addi %add3A_1597, %mul3A_1596 : vector<16xi32>
      %add3A_1599 = arith.constant 14 : i32
      %add3A_1600 = vector.broadcast %add3A_1599 : i32 to vector<16xi32>
      %add3A_1601 = arith.addi %add3A_1598, %add3A_1600 : vector<16xi32>
      tpu.vector_store_idx %arg18[%add3A_1601], %add3A_1593 : memref<10240xf32, #tpu.memory_space<vmem>>[vector<16xi32>], vector<16xf32>,
      %mul3A_1602 = arith.constant 20 : i32
      %mul3A_1603 = vector.broadcast %mul3A_1602 : i32 to vector<16xi32>
      %mul3A_1604 = arith.muli %iota3A, %mul3A_1603 : vector<16xi32>
      %add3A_1605 = arith.constant 15 : i32
      %add3A_1606 = vector.broadcast %add3A_1605 : i32 to vector<16xi32>
      %add3A_1607 = arith.addi %mul3A_1604, %add3A_1606 : vector<16xi32>
      %mul3A_1608 = arith.constant 16 : i32
      %mul3A_1609 = vector.broadcast %mul3A_1608 : i32 to vector<16xi32>
      %mul3A_1610 = arith.muli %add3A_1607, %mul3A_1609 : vector<16xi32>
      %gather3A_1611 = tpu.vector_load_idx %arg16[%mul3A_1610] : memref<5120xf32, #tpu.memory_space<vmem>>[vector<16xi32>], vector<16xf32>,
      %add3A_1612 = arith.constant 1 : i32
      %add3A_1613 = vector.broadcast %add3A_1612 : i32 to vector<16xi32>
      %add3A_1614 = arith.addi %mul3A_1610, %add3A_1613 : vector<16xi32>
      %gather3A_1615 = tpu.vector_load_idx %arg16[%add3A_1614] : memref<5120xf32, #tpu.memory_space<vmem>>[vector<16xi32>], vector<16xf32>,
      %add3A_1616 = arith.addf %gather3A_1611, %gather3A_1615 : vector<16xf32>
      %add3A_1617 = arith.constant 2 : i32
      %add3A_1618 = vector.broadcast %add3A_1617 : i32 to vector<16xi32>
      %add3A_1619 = arith.addi %mul3A_1610, %add3A_1618 : vector<16xi32>
      %gather3A_1620 = tpu.vector_load_idx %arg16[%add3A_1619] : memref<5120xf32, #tpu.memory_space<vmem>>[vector<16xi32>], vector<16xf32>,
      %add3A_1621 = arith.addf %add3A_1616, %gather3A_1620 : vector<16xf32>
      %add3A_1622 = arith.constant 3 : i32
      %add3A_1623 = vector.broadcast %add3A_1622 : i32 to vector<16xi32>
      %add3A_1624 = arith.addi %mul3A_1610, %add3A_1623 : vector<16xi32>
      %gather3A_1625 = tpu.vector_load_idx %arg16[%add3A_1624] : memref<5120xf32, #tpu.memory_space<vmem>>[vector<16xi32>], vector<16xf32>,
      %add3A_1626 = arith.addf %add3A_1621, %gather3A_1625 : vector<16xf32>
      %add3A_1627 = arith.constant 4 : i32
      %add3A_1628 = vector.broadcast %add3A_1627 : i32 to vector<16xi32>
      %add3A_1629 = arith.addi %mul3A_1610, %add3A_1628 : vector<16xi32>
      %gather3A_1630 = tpu.vector_load_idx %arg16[%add3A_1629] : memref<5120xf32, #tpu.memory_space<vmem>>[vector<16xi32>], vector<16xf32>,
      %add3A_1631 = arith.addf %add3A_1626, %gather3A_1630 : vector<16xf32>
      %add3A_1632 = arith.constant 5 : i32
      %add3A_1633 = vector.broadcast %add3A_1632 : i32 to vector<16xi32>
      %add3A_1634 = arith.addi %mul3A_1610, %add3A_1633 : vector<16xi32>
      %gather3A_1635 = tpu.vector_load_idx %arg16[%add3A_1634] : memref<5120xf32, #tpu.memory_space<vmem>>[vector<16xi32>], vector<16xf32>,
      %add3A_1636 = arith.addf %add3A_1631, %gather3A_1635 : vector<16xf32>
      %add3A_1637 = arith.constant 6 : i32
      %add3A_1638 = vector.broadcast %add3A_1637 : i32 to vector<16xi32>
      %add3A_1639 = arith.addi %mul3A_1610, %add3A_1638 : vector<16xi32>
      %gather3A_1640 = tpu.vector_load_idx %arg16[%add3A_1639] : memref<5120xf32, #tpu.memory_space<vmem>>[vector<16xi32>], vector<16xf32>,
      %add3A_1641 = arith.addf %add3A_1636, %gather3A_1640 : vector<16xf32>
      %add3A_1642 = arith.constant 7 : i32
      %add3A_1643 = vector.broadcast %add3A_1642 : i32 to vector<16xi32>
      %add3A_1644 = arith.addi %mul3A_1610, %add3A_1643 : vector<16xi32>
      %gather3A_1645 = tpu.vector_load_idx %arg16[%add3A_1644] : memref<5120xf32, #tpu.memory_space<vmem>>[vector<16xi32>], vector<16xf32>,
      %add3A_1646 = arith.addf %add3A_1641, %gather3A_1645 : vector<16xf32>
      %add3A_1647 = arith.constant 8 : i32
      %add3A_1648 = vector.broadcast %add3A_1647 : i32 to vector<16xi32>
      %add3A_1649 = arith.addi %mul3A_1610, %add3A_1648 : vector<16xi32>
      %gather3A_1650 = tpu.vector_load_idx %arg16[%add3A_1649] : memref<5120xf32, #tpu.memory_space<vmem>>[vector<16xi32>], vector<16xf32>,
      %add3A_1651 = arith.addf %add3A_1646, %gather3A_1650 : vector<16xf32>
      %add3A_1652 = arith.constant 9 : i32
      %add3A_1653 = vector.broadcast %add3A_1652 : i32 to vector<16xi32>
      %add3A_1654 = arith.addi %mul3A_1610, %add3A_1653 : vector<16xi32>
      %gather3A_1655 = tpu.vector_load_idx %arg16[%add3A_1654] : memref<5120xf32, #tpu.memory_space<vmem>>[vector<16xi32>], vector<16xf32>,
      %add3A_1656 = arith.addf %add3A_1651, %gather3A_1655 : vector<16xf32>
      %add3A_1657 = arith.constant 10 : i32
      %add3A_1658 = vector.broadcast %add3A_1657 : i32 to vector<16xi32>
      %add3A_1659 = arith.addi %mul3A_1610, %add3A_1658 : vector<16xi32>
      %gather3A_1660 = tpu.vector_load_idx %arg16[%add3A_1659] : memref<5120xf32, #tpu.memory_space<vmem>>[vector<16xi32>], vector<16xf32>,
      %add3A_1661 = arith.addf %add3A_1656, %gather3A_1660 : vector<16xf32>
      %add3A_1662 = arith.constant 11 : i32
      %add3A_1663 = vector.broadcast %add3A_1662 : i32 to vector<16xi32>
      %add3A_1664 = arith.addi %mul3A_1610, %add3A_1663 : vector<16xi32>
      %gather3A_1665 = tpu.vector_load_idx %arg16[%add3A_1664] : memref<5120xf32, #tpu.memory_space<vmem>>[vector<16xi32>], vector<16xf32>,
      %add3A_1666 = arith.addf %add3A_1661, %gather3A_1665 : vector<16xf32>
      %add3A_1667 = arith.constant 12 : i32
      %add3A_1668 = vector.broadcast %add3A_1667 : i32 to vector<16xi32>
      %add3A_1669 = arith.addi %mul3A_1610, %add3A_1668 : vector<16xi32>
      %gather3A_1670 = tpu.vector_load_idx %arg16[%add3A_1669] : memref<5120xf32, #tpu.memory_space<vmem>>[vector<16xi32>], vector<16xf32>,
      %add3A_1671 = arith.addf %add3A_1666, %gather3A_1670 : vector<16xf32>
      %add3A_1672 = arith.constant 13 : i32
      %add3A_1673 = vector.broadcast %add3A_1672 : i32 to vector<16xi32>
      %add3A_1674 = arith.addi %mul3A_1610, %add3A_1673 : vector<16xi32>
      %gather3A_1675 = tpu.vector_load_idx %arg16[%add3A_1674] : memref<5120xf32, #tpu.memory_space<vmem>>[vector<16xi32>], vector<16xf32>,
      %add3A_1676 = arith.addf %add3A_1671, %gather3A_1675 : vector<16xf32>
      %add3A_1677 = arith.constant 14 : i32
      %add3A_1678 = vector.broadcast %add3A_1677 : i32 to vector<16xi32>
      %add3A_1679 = arith.addi %mul3A_1610, %add3A_1678 : vector<16xi32>
      %gather3A_1680 = tpu.vector_load_idx %arg16[%add3A_1679] : memref<5120xf32, #tpu.memory_space<vmem>>[vector<16xi32>], vector<16xf32>,
      %add3A_1681 = arith.addf %add3A_1676, %gather3A_1680 : vector<16xf32>
      %add3A_1682 = arith.constant 15 : i32
      %add3A_1683 = vector.broadcast %add3A_1682 : i32 to vector<16xi32>
      %add3A_1684 = arith.addi %mul3A_1610, %add3A_1683 : vector<16xi32>
      %gather3A_1685 = tpu.vector_load_idx %arg16[%add3A_1684] : memref<5120xf32, #tpu.memory_space<vmem>>[vector<16xi32>], vector<16xf32>,
      %add3A_1686 = arith.addf %add3A_1681, %gather3A_1685 : vector<16xf32>
      %mul3A_1687 = arith.constant 20 : i32
      %mul3A_1688 = vector.broadcast %mul3A_1687 : i32 to vector<16xi32>
      %mul3A_1689 = arith.muli %iota3A, %mul3A_1688 : vector<16xi32>
      %add3A_1690 = vector.broadcast %mul3A_23 : i32 to vector<16xi32>
      %add3A_1691 = arith.addi %add3A_1690, %mul3A_1689 : vector<16xi32>
      %add3A_1692 = arith.constant 15 : i32
      %add3A_1693 = vector.broadcast %add3A_1692 : i32 to vector<16xi32>
      %add3A_1694 = arith.addi %add3A_1691, %add3A_1693 : vector<16xi32>
      tpu.vector_store_idx %arg18[%add3A_1694], %add3A_1686 : memref<10240xf32, #tpu.memory_space<vmem>>[vector<16xi32>], vector<16xf32>,
      %mul3A_1695 = arith.constant 20 : i32
      %mul3A_1696 = vector.broadcast %mul3A_1695 : i32 to vector<16xi32>
      %mul3A_1697 = arith.muli %iota3A, %mul3A_1696 : vector<16xi32>
      %add3A_1698 = arith.constant 16 : i32
      %add3A_1699 = vector.broadcast %add3A_1698 : i32 to vector<16xi32>
      %add3A_1700 = arith.addi %mul3A_1697, %add3A_1699 : vector<16xi32>
      %mul3A_1701 = arith.constant 16 : i32
      %mul3A_1702 = vector.broadcast %mul3A_1701 : i32 to vector<16xi32>
      %mul3A_1703 = arith.muli %add3A_1700, %mul3A_1702 : vector<16xi32>
      %gather3A_1704 = tpu.vector_load_idx %arg16[%mul3A_1703] : memref<5120xf32, #tpu.memory_space<vmem>>[vector<16xi32>], vector<16xf32>,
      %add3A_1705 = arith.constant 1 : i32
      %add3A_1706 = vector.broadcast %add3A_1705 : i32 to vector<16xi32>
      %add3A_1707 = arith.addi %mul3A_1703, %add3A_1706 : vector<16xi32>
      %gather3A_1708 = tpu.vector_load_idx %arg16[%add3A_1707] : memref<5120xf32, #tpu.memory_space<vmem>>[vector<16xi32>], vector<16xf32>,
      %add3A_1709 = arith.addf %gather3A_1704, %gather3A_1708 : vector<16xf32>
      %add3A_1710 = arith.constant 2 : i32
      %add3A_1711 = vector.broadcast %add3A_1710 : i32 to vector<16xi32>
      %add3A_1712 = arith.addi %mul3A_1703, %add3A_1711 : vector<16xi32>
      %gather3A_1713 = tpu.vector_load_idx %arg16[%add3A_1712] : memref<5120xf32, #tpu.memory_space<vmem>>[vector<16xi32>], vector<16xf32>,
      %add3A_1714 = arith.addf %add3A_1709, %gather3A_1713 : vector<16xf32>
      %add3A_1715 = arith.constant 3 : i32
      %add3A_1716 = vector.broadcast %add3A_1715 : i32 to vector<16xi32>
      %add3A_1717 = arith.addi %mul3A_1703, %add3A_1716 : vector<16xi32>
      %gather3A_1718 = tpu.vector_load_idx %arg16[%add3A_1717] : memref<5120xf32, #tpu.memory_space<vmem>>[vector<16xi32>], vector<16xf32>,
      %add3A_1719 = arith.addf %add3A_1714, %gather3A_1718 : vector<16xf32>
      %add3A_1720 = arith.constant 4 : i32
      %add3A_1721 = vector.broadcast %add3A_1720 : i32 to vector<16xi32>
      %add3A_1722 = arith.addi %mul3A_1703, %add3A_1721 : vector<16xi32>
      %gather3A_1723 = tpu.vector_load_idx %arg16[%add3A_1722] : memref<5120xf32, #tpu.memory_space<vmem>>[vector<16xi32>], vector<16xf32>,
      %add3A_1724 = arith.addf %add3A_1719, %gather3A_1723 : vector<16xf32>
      %add3A_1725 = arith.constant 5 : i32
      %add3A_1726 = vector.broadcast %add3A_1725 : i32 to vector<16xi32>
      %add3A_1727 = arith.addi %mul3A_1703, %add3A_1726 : vector<16xi32>
      %gather3A_1728 = tpu.vector_load_idx %arg16[%add3A_1727] : memref<5120xf32, #tpu.memory_space<vmem>>[vector<16xi32>], vector<16xf32>,
      %add3A_1729 = arith.addf %add3A_1724, %gather3A_1728 : vector<16xf32>
      %add3A_1730 = arith.constant 6 : i32
      %add3A_1731 = vector.broadcast %add3A_1730 : i32 to vector<16xi32>
      %add3A_1732 = arith.addi %mul3A_1703, %add3A_1731 : vector<16xi32>
      %gather3A_1733 = tpu.vector_load_idx %arg16[%add3A_1732] : memref<5120xf32, #tpu.memory_space<vmem>>[vector<16xi32>], vector<16xf32>,
      %add3A_1734 = arith.addf %add3A_1729, %gather3A_1733 : vector<16xf32>
      %add3A_1735 = arith.constant 7 : i32
      %add3A_1736 = vector.broadcast %add3A_1735 : i32 to vector<16xi32>
      %add3A_1737 = arith.addi %mul3A_1703, %add3A_1736 : vector<16xi32>
      %gather3A_1738 = tpu.vector_load_idx %arg16[%add3A_1737] : memref<5120xf32, #tpu.memory_space<vmem>>[vector<16xi32>], vector<16xf32>,
      %add3A_1739 = arith.addf %add3A_1734, %gather3A_1738 : vector<16xf32>
      %add3A_1740 = arith.constant 8 : i32
      %add3A_1741 = vector.broadcast %add3A_1740 : i32 to vector<16xi32>
      %add3A_1742 = arith.addi %mul3A_1703, %add3A_1741 : vector<16xi32>
      %gather3A_1743 = tpu.vector_load_idx %arg16[%add3A_1742] : memref<5120xf32, #tpu.memory_space<vmem>>[vector<16xi32>], vector<16xf32>,
      %add3A_1744 = arith.addf %add3A_1739, %gather3A_1743 : vector<16xf32>
      %add3A_1745 = arith.constant 9 : i32
      %add3A_1746 = vector.broadcast %add3A_1745 : i32 to vector<16xi32>
      %add3A_1747 = arith.addi %mul3A_1703, %add3A_1746 : vector<16xi32>
      %gather3A_1748 = tpu.vector_load_idx %arg16[%add3A_1747] : memref<5120xf32, #tpu.memory_space<vmem>>[vector<16xi32>], vector<16xf32>,
      %add3A_1749 = arith.addf %add3A_1744, %gather3A_1748 : vector<16xf32>
      %add3A_1750 = arith.constant 10 : i32
      %add3A_1751 = vector.broadcast %add3A_1750 : i32 to vector<16xi32>
      %add3A_1752 = arith.addi %mul3A_1703, %add3A_1751 : vector<16xi32>
      %gather3A_1753 = tpu.vector_load_idx %arg16[%add3A_1752] : memref<5120xf32, #tpu.memory_space<vmem>>[vector<16xi32>], vector<16xf32>,
      %add3A_1754 = arith.addf %add3A_1749, %gather3A_1753 : vector<16xf32>
      %add3A_1755 = arith.constant 11 : i32
      %add3A_1756 = vector.broadcast %add3A_1755 : i32 to vector<16xi32>
      %add3A_1757 = arith.addi %mul3A_1703, %add3A_1756 : vector<16xi32>
      %gather3A_1758 = tpu.vector_load_idx %arg16[%add3A_1757] : memref<5120xf32, #tpu.memory_space<vmem>>[vector<16xi32>], vector<16xf32>,
      %add3A_1759 = arith.addf %add3A_1754, %gather3A_1758 : vector<16xf32>
      %add3A_1760 = arith.constant 12 : i32
      %add3A_1761 = vector.broadcast %add3A_1760 : i32 to vector<16xi32>
      %add3A_1762 = arith.addi %mul3A_1703, %add3A_1761 : vector<16xi32>
      %gather3A_1763 = tpu.vector_load_idx %arg16[%add3A_1762] : memref<5120xf32, #tpu.memory_space<vmem>>[vector<16xi32>], vector<16xf32>,
      %add3A_1764 = arith.addf %add3A_1759, %gather3A_1763 : vector<16xf32>
      %add3A_1765 = arith.constant 13 : i32
      %add3A_1766 = vector.broadcast %add3A_1765 : i32 to vector<16xi32>
      %add3A_1767 = arith.addi %mul3A_1703, %add3A_1766 : vector<16xi32>
      %gather3A_1768 = tpu.vector_load_idx %arg16[%add3A_1767] : memref<5120xf32, #tpu.memory_space<vmem>>[vector<16xi32>], vector<16xf32>,
      %add3A_1769 = arith.addf %add3A_1764, %gather3A_1768 : vector<16xf32>
      %add3A_1770 = arith.constant 14 : i32
      %add3A_1771 = vector.broadcast %add3A_1770 : i32 to vector<16xi32>
      %add3A_1772 = arith.addi %mul3A_1703, %add3A_1771 : vector<16xi32>
      %gather3A_1773 = tpu.vector_load_idx %arg16[%add3A_1772] : memref<5120xf32, #tpu.memory_space<vmem>>[vector<16xi32>], vector<16xf32>,
      %add3A_1774 = arith.addf %add3A_1769, %gather3A_1773 : vector<16xf32>
      %add3A_1775 = arith.constant 15 : i32
      %add3A_1776 = vector.broadcast %add3A_1775 : i32 to vector<16xi32>
      %add3A_1777 = arith.addi %mul3A_1703, %add3A_1776 : vector<16xi32>
      %gather3A_1778 = tpu.vector_load_idx %arg16[%add3A_1777] : memref<5120xf32, #tpu.memory_space<vmem>>[vector<16xi32>], vector<16xf32>,
      %add3A_1779 = arith.addf %add3A_1774, %gather3A_1778 : vector<16xf32>
      %mul3A_1780 = arith.constant 20 : i32
      %mul3A_1781 = vector.broadcast %mul3A_1780 : i32 to vector<16xi32>
      %mul3A_1782 = arith.muli %iota3A, %mul3A_1781 : vector<16xi32>
      %add3A_1783 = vector.broadcast %mul3A_23 : i32 to vector<16xi32>
      %add3A_1784 = arith.addi %add3A_1783, %mul3A_1782 : vector<16xi32>
      %add3A_1785 = arith.constant 16 : i32
      %add3A_1786 = vector.broadcast %add3A_1785 : i32 to vector<16xi32>
      %add3A_1787 = arith.addi %add3A_1784, %add3A_1786 : vector<16xi32>
      tpu.vector_store_idx %arg18[%add3A_1787], %add3A_1779 : memref<10240xf32, #tpu.memory_space<vmem>>[vector<16xi32>], vector<16xf32>,
      %mul3A_1788 = arith.constant 20 : i32
      %mul3A_1789 = vector.broadcast %mul3A_1788 : i32 to vector<16xi32>
      %mul3A_1790 = arith.muli %iota3A, %mul3A_1789 : vector<16xi32>
      %add3A_1791 = arith.constant 17 : i32
      %add3A_1792 = vector.broadcast %add3A_1791 : i32 to vector<16xi32>
      %add3A_1793 = arith.addi %mul3A_1790, %add3A_1792 : vector<16xi32>
      %mul3A_1794 = arith.constant 16 : i32
      %mul3A_1795 = vector.broadcast %mul3A_1794 : i32 to vector<16xi32>
      %mul3A_1796 = arith.muli %add3A_1793, %mul3A_1795 : vector<16xi32>
      %gather3A_1797 = tpu.vector_load_idx %arg16[%mul3A_1796] : memref<5120xf32, #tpu.memory_space<vmem>>[vector<16xi32>], vector<16xf32>,
      %add3A_1798 = arith.constant 1 : i32
      %add3A_1799 = vector.broadcast %add3A_1798 : i32 to vector<16xi32>
      %add3A_1800 = arith.addi %mul3A_1796, %add3A_1799 : vector<16xi32>
      %gather3A_1801 = tpu.vector_load_idx %arg16[%add3A_1800] : memref<5120xf32, #tpu.memory_space<vmem>>[vector<16xi32>], vector<16xf32>,
      %add3A_1802 = arith.addf %gather3A_1797, %gather3A_1801 : vector<16xf32>
      %add3A_1803 = arith.constant 2 : i32
      %add3A_1804 = vector.broadcast %add3A_1803 : i32 to vector<16xi32>
      %add3A_1805 = arith.addi %mul3A_1796, %add3A_1804 : vector<16xi32>
      %gather3A_1806 = tpu.vector_load_idx %arg16[%add3A_1805] : memref<5120xf32, #tpu.memory_space<vmem>>[vector<16xi32>], vector<16xf32>,
      %add3A_1807 = arith.addf %add3A_1802, %gather3A_1806 : vector<16xf32>
      %add3A_1808 = arith.constant 3 : i32
      %add3A_1809 = vector.broadcast %add3A_1808 : i32 to vector<16xi32>
      %add3A_1810 = arith.addi %mul3A_1796, %add3A_1809 : vector<16xi32>
      %gather3A_1811 = tpu.vector_load_idx %arg16[%add3A_1810] : memref<5120xf32, #tpu.memory_space<vmem>>[vector<16xi32>], vector<16xf32>,
      %add3A_1812 = arith.addf %add3A_1807, %gather3A_1811 : vector<16xf32>
      %add3A_1813 = arith.constant 4 : i32
      %add3A_1814 = vector.broadcast %add3A_1813 : i32 to vector<16xi32>
      %add3A_1815 = arith.addi %mul3A_1796, %add3A_1814 : vector<16xi32>
      %gather3A_1816 = tpu.vector_load_idx %arg16[%add3A_1815] : memref<5120xf32, #tpu.memory_space<vmem>>[vector<16xi32>], vector<16xf32>,
      %add3A_1817 = arith.addf %add3A_1812, %gather3A_1816 : vector<16xf32>
      %add3A_1818 = arith.constant 5 : i32
      %add3A_1819 = vector.broadcast %add3A_1818 : i32 to vector<16xi32>
      %add3A_1820 = arith.addi %mul3A_1796, %add3A_1819 : vector<16xi32>
      %gather3A_1821 = tpu.vector_load_idx %arg16[%add3A_1820] : memref<5120xf32, #tpu.memory_space<vmem>>[vector<16xi32>], vector<16xf32>,
      %add3A_1822 = arith.addf %add3A_1817, %gather3A_1821 : vector<16xf32>
      %add3A_1823 = arith.constant 6 : i32
      %add3A_1824 = vector.broadcast %add3A_1823 : i32 to vector<16xi32>
      %add3A_1825 = arith.addi %mul3A_1796, %add3A_1824 : vector<16xi32>
      %gather3A_1826 = tpu.vector_load_idx %arg16[%add3A_1825] : memref<5120xf32, #tpu.memory_space<vmem>>[vector<16xi32>], vector<16xf32>,
      %add3A_1827 = arith.addf %add3A_1822, %gather3A_1826 : vector<16xf32>
      %add3A_1828 = arith.constant 7 : i32
      %add3A_1829 = vector.broadcast %add3A_1828 : i32 to vector<16xi32>
      %add3A_1830 = arith.addi %mul3A_1796, %add3A_1829 : vector<16xi32>
      %gather3A_1831 = tpu.vector_load_idx %arg16[%add3A_1830] : memref<5120xf32, #tpu.memory_space<vmem>>[vector<16xi32>], vector<16xf32>,
      %add3A_1832 = arith.addf %add3A_1827, %gather3A_1831 : vector<16xf32>
      %add3A_1833 = arith.constant 8 : i32
      %add3A_1834 = vector.broadcast %add3A_1833 : i32 to vector<16xi32>
      %add3A_1835 = arith.addi %mul3A_1796, %add3A_1834 : vector<16xi32>
      %gather3A_1836 = tpu.vector_load_idx %arg16[%add3A_1835] : memref<5120xf32, #tpu.memory_space<vmem>>[vector<16xi32>], vector<16xf32>,
      %add3A_1837 = arith.addf %add3A_1832, %gather3A_1836 : vector<16xf32>
      %add3A_1838 = arith.constant 9 : i32
      %add3A_1839 = vector.broadcast %add3A_1838 : i32 to vector<16xi32>
      %add3A_1840 = arith.addi %mul3A_1796, %add3A_1839 : vector<16xi32>
      %gather3A_1841 = tpu.vector_load_idx %arg16[%add3A_1840] : memref<5120xf32, #tpu.memory_space<vmem>>[vector<16xi32>], vector<16xf32>,
      %add3A_1842 = arith.addf %add3A_1837, %gather3A_1841 : vector<16xf32>
      %add3A_1843 = arith.constant 10 : i32
      %add3A_1844 = vector.broadcast %add3A_1843 : i32 to vector<16xi32>
      %add3A_1845 = arith.addi %mul3A_1796, %add3A_1844 : vector<16xi32>
      %gather3A_1846 = tpu.vector_load_idx %arg16[%add3A_1845] : memref<5120xf32, #tpu.memory_space<vmem>>[vector<16xi32>], vector<16xf32>,
      %add3A_1847 = arith.addf %add3A_1842, %gather3A_1846 : vector<16xf32>
      %add3A_1848 = arith.constant 11 : i32
      %add3A_1849 = vector.broadcast %add3A_1848 : i32 to vector<16xi32>
      %add3A_1850 = arith.addi %mul3A_1796, %add3A_1849 : vector<16xi32>
      %gather3A_1851 = tpu.vector_load_idx %arg16[%add3A_1850] : memref<5120xf32, #tpu.memory_space<vmem>>[vector<16xi32>], vector<16xf32>,
      %add3A_1852 = arith.addf %add3A_1847, %gather3A_1851 : vector<16xf32>
      %add3A_1853 = arith.constant 12 : i32
      %add3A_1854 = vector.broadcast %add3A_1853 : i32 to vector<16xi32>
      %add3A_1855 = arith.addi %mul3A_1796, %add3A_1854 : vector<16xi32>
      %gather3A_1856 = tpu.vector_load_idx %arg16[%add3A_1855] : memref<5120xf32, #tpu.memory_space<vmem>>[vector<16xi32>], vector<16xf32>,
      %add3A_1857 = arith.addf %add3A_1852, %gather3A_1856 : vector<16xf32>
      %add3A_1858 = arith.constant 13 : i32
      %add3A_1859 = vector.broadcast %add3A_1858 : i32 to vector<16xi32>
      %add3A_1860 = arith.addi %mul3A_1796, %add3A_1859 : vector<16xi32>
      %gather3A_1861 = tpu.vector_load_idx %arg16[%add3A_1860] : memref<5120xf32, #tpu.memory_space<vmem>>[vector<16xi32>], vector<16xf32>,
      %add3A_1862 = arith.addf %add3A_1857, %gather3A_1861 : vector<16xf32>
      %add3A_1863 = arith.constant 14 : i32
      %add3A_1864 = vector.broadcast %add3A_1863 : i32 to vector<16xi32>
      %add3A_1865 = arith.addi %mul3A_1796, %add3A_1864 : vector<16xi32>
      %gather3A_1866 = tpu.vector_load_idx %arg16[%add3A_1865] : memref<5120xf32, #tpu.memory_space<vmem>>[vector<16xi32>], vector<16xf32>,
      %add3A_1867 = arith.addf %add3A_1862, %gather3A_1866 : vector<16xf32>
      %add3A_1868 = arith.constant 15 : i32
      %add3A_1869 = vector.broadcast %add3A_1868 : i32 to vector<16xi32>
      %add3A_1870 = arith.addi %mul3A_1796, %add3A_1869 : vector<16xi32>
      %gather3A_1871 = tpu.vector_load_idx %arg16[%add3A_1870] : memref<5120xf32, #tpu.memory_space<vmem>>[vector<16xi32>], vector<16xf32>,
      %add3A_1872 = arith.addf %add3A_1867, %gather3A_1871 : vector<16xf32>
      %mul3A_1873 = arith.constant 20 : i32
      %mul3A_1874 = vector.broadcast %mul3A_1873 : i32 to vector<16xi32>
      %mul3A_1875 = arith.muli %iota3A, %mul3A_1874 : vector<16xi32>
      %add3A_1876 = vector.broadcast %mul3A_23 : i32 to vector<16xi32>
      %add3A_1877 = arith.addi %add3A_1876, %mul3A_1875 : vector<16xi32>
      %add3A_1878 = arith.constant 17 : i32
      %add3A_1879 = vector.broadcast %add3A_1878 : i32 to vector<16xi32>
      %add3A_1880 = arith.addi %add3A_1877, %add3A_1879 : vector<16xi32>
      tpu.vector_store_idx %arg18[%add3A_1880], %add3A_1872 : memref<10240xf32, #tpu.memory_space<vmem>>[vector<16xi32>], vector<16xf32>,
      %mul3A_1881 = arith.constant 20 : i32
      %mul3A_1882 = vector.broadcast %mul3A_1881 : i32 to vector<16xi32>
      %mul3A_1883 = arith.muli %iota3A, %mul3A_1882 : vector<16xi32>
      %add3A_1884 = arith.constant 18 : i32
      %add3A_1885 = vector.broadcast %add3A_1884 : i32 to vector<16xi32>
      %add3A_1886 = arith.addi %mul3A_1883, %add3A_1885 : vector<16xi32>
      %mul3A_1887 = arith.constant 16 : i32
      %mul3A_1888 = vector.broadcast %mul3A_1887 : i32 to vector<16xi32>
      %mul3A_1889 = arith.muli %add3A_1886, %mul3A_1888 : vector<16xi32>
      %gather3A_1890 = tpu.vector_load_idx %arg16[%mul3A_1889] : memref<5120xf32, #tpu.memory_space<vmem>>[vector<16xi32>], vector<16xf32>,
      %add3A_1891 = arith.constant 1 : i32
      %add3A_1892 = vector.broadcast %add3A_1891 : i32 to vector<16xi32>
      %add3A_1893 = arith.addi %mul3A_1889, %add3A_1892 : vector<16xi32>
      %gather3A_1894 = tpu.vector_load_idx %arg16[%add3A_1893] : memref<5120xf32, #tpu.memory_space<vmem>>[vector<16xi32>], vector<16xf32>,
      %add3A_1895 = arith.addf %gather3A_1890, %gather3A_1894 : vector<16xf32>
      %add3A_1896 = arith.constant 2 : i32
      %add3A_1897 = vector.broadcast %add3A_1896 : i32 to vector<16xi32>
      %add3A_1898 = arith.addi %mul3A_1889, %add3A_1897 : vector<16xi32>
      %gather3A_1899 = tpu.vector_load_idx %arg16[%add3A_1898] : memref<5120xf32, #tpu.memory_space<vmem>>[vector<16xi32>], vector<16xf32>,
      %add3A_1900 = arith.addf %add3A_1895, %gather3A_1899 : vector<16xf32>
      %add3A_1901 = arith.constant 3 : i32
      %add3A_1902 = vector.broadcast %add3A_1901 : i32 to vector<16xi32>
      %add3A_1903 = arith.addi %mul3A_1889, %add3A_1902 : vector<16xi32>
      %gather3A_1904 = tpu.vector_load_idx %arg16[%add3A_1903] : memref<5120xf32, #tpu.memory_space<vmem>>[vector<16xi32>], vector<16xf32>,
      %add3A_1905 = arith.addf %add3A_1900, %gather3A_1904 : vector<16xf32>
      %add3A_1906 = arith.constant 4 : i32
      %add3A_1907 = vector.broadcast %add3A_1906 : i32 to vector<16xi32>
      %add3A_1908 = arith.addi %mul3A_1889, %add3A_1907 : vector<16xi32>
      %gather3A_1909 = tpu.vector_load_idx %arg16[%add3A_1908] : memref<5120xf32, #tpu.memory_space<vmem>>[vector<16xi32>], vector<16xf32>,
      %add3A_1910 = arith.addf %add3A_1905, %gather3A_1909 : vector<16xf32>
      %add3A_1911 = arith.constant 5 : i32
      %add3A_1912 = vector.broadcast %add3A_1911 : i32 to vector<16xi32>
      %add3A_1913 = arith.addi %mul3A_1889, %add3A_1912 : vector<16xi32>
      %gather3A_1914 = tpu.vector_load_idx %arg16[%add3A_1913] : memref<5120xf32, #tpu.memory_space<vmem>>[vector<16xi32>], vector<16xf32>,
      %add3A_1915 = arith.addf %add3A_1910, %gather3A_1914 : vector<16xf32>
      %add3A_1916 = arith.constant 6 : i32
      %add3A_1917 = vector.broadcast %add3A_1916 : i32 to vector<16xi32>
      %add3A_1918 = arith.addi %mul3A_1889, %add3A_1917 : vector<16xi32>
      %gather3A_1919 = tpu.vector_load_idx %arg16[%add3A_1918] : memref<5120xf32, #tpu.memory_space<vmem>>[vector<16xi32>], vector<16xf32>,
      %add3A_1920 = arith.addf %add3A_1915, %gather3A_1919 : vector<16xf32>
      %add3A_1921 = arith.constant 7 : i32
      %add3A_1922 = vector.broadcast %add3A_1921 : i32 to vector<16xi32>
      %add3A_1923 = arith.addi %mul3A_1889, %add3A_1922 : vector<16xi32>
      %gather3A_1924 = tpu.vector_load_idx %arg16[%add3A_1923] : memref<5120xf32, #tpu.memory_space<vmem>>[vector<16xi32>], vector<16xf32>,
      %add3A_1925 = arith.addf %add3A_1920, %gather3A_1924 : vector<16xf32>
      %add3A_1926 = arith.constant 8 : i32
      %add3A_1927 = vector.broadcast %add3A_1926 : i32 to vector<16xi32>
      %add3A_1928 = arith.addi %mul3A_1889, %add3A_1927 : vector<16xi32>
      %gather3A_1929 = tpu.vector_load_idx %arg16[%add3A_1928] : memref<5120xf32, #tpu.memory_space<vmem>>[vector<16xi32>], vector<16xf32>,
      %add3A_1930 = arith.addf %add3A_1925, %gather3A_1929 : vector<16xf32>
      %add3A_1931 = arith.constant 9 : i32
      %add3A_1932 = vector.broadcast %add3A_1931 : i32 to vector<16xi32>
      %add3A_1933 = arith.addi %mul3A_1889, %add3A_1932 : vector<16xi32>
      %gather3A_1934 = tpu.vector_load_idx %arg16[%add3A_1933] : memref<5120xf32, #tpu.memory_space<vmem>>[vector<16xi32>], vector<16xf32>,
      %add3A_1935 = arith.addf %add3A_1930, %gather3A_1934 : vector<16xf32>
      %add3A_1936 = arith.constant 10 : i32
      %add3A_1937 = vector.broadcast %add3A_1936 : i32 to vector<16xi32>
      %add3A_1938 = arith.addi %mul3A_1889, %add3A_1937 : vector<16xi32>
      %gather3A_1939 = tpu.vector_load_idx %arg16[%add3A_1938] : memref<5120xf32, #tpu.memory_space<vmem>>[vector<16xi32>], vector<16xf32>,
      %add3A_1940 = arith.addf %add3A_1935, %gather3A_1939 : vector<16xf32>
      %add3A_1941 = arith.constant 11 : i32
      %add3A_1942 = vector.broadcast %add3A_1941 : i32 to vector<16xi32>
      %add3A_1943 = arith.addi %mul3A_1889, %add3A_1942 : vector<16xi32>
      %gather3A_1944 = tpu.vector_load_idx %arg16[%add3A_1943] : memref<5120xf32, #tpu.memory_space<vmem>>[vector<16xi32>], vector<16xf32>,
      %add3A_1945 = arith.addf %add3A_1940, %gather3A_1944 : vector<16xf32>
      %add3A_1946 = arith.constant 12 : i32
      %add3A_1947 = vector.broadcast %add3A_1946 : i32 to vector<16xi32>
      %add3A_1948 = arith.addi %mul3A_1889, %add3A_1947 : vector<16xi32>
      %gather3A_1949 = tpu.vector_load_idx %arg16[%add3A_1948] : memref<5120xf32, #tpu.memory_space<vmem>>[vector<16xi32>], vector<16xf32>,
      %add3A_1950 = arith.addf %add3A_1945, %gather3A_1949 : vector<16xf32>
      %add3A_1951 = arith.constant 13 : i32
      %add3A_1952 = vector.broadcast %add3A_1951 : i32 to vector<16xi32>
      %add3A_1953 = arith.addi %mul3A_1889, %add3A_1952 : vector<16xi32>
      %gather3A_1954 = tpu.vector_load_idx %arg16[%add3A_1953] : memref<5120xf32, #tpu.memory_space<vmem>>[vector<16xi32>], vector<16xf32>,
      %add3A_1955 = arith.addf %add3A_1950, %gather3A_1954 : vector<16xf32>
      %add3A_1956 = arith.constant 14 : i32
      %add3A_1957 = vector.broadcast %add3A_1956 : i32 to vector<16xi32>
      %add3A_1958 = arith.addi %mul3A_1889, %add3A_1957 : vector<16xi32>
      %gather3A_1959 = tpu.vector_load_idx %arg16[%add3A_1958] : memref<5120xf32, #tpu.memory_space<vmem>>[vector<16xi32>], vector<16xf32>,
      %add3A_1960 = arith.addf %add3A_1955, %gather3A_1959 : vector<16xf32>
      %add3A_1961 = arith.constant 15 : i32
      %add3A_1962 = vector.broadcast %add3A_1961 : i32 to vector<16xi32>
      %add3A_1963 = arith.addi %mul3A_1889, %add3A_1962 : vector<16xi32>
      %gather3A_1964 = tpu.vector_load_idx %arg16[%add3A_1963] : memref<5120xf32, #tpu.memory_space<vmem>>[vector<16xi32>], vector<16xf32>,
      %add3A_1965 = arith.addf %add3A_1960, %gather3A_1964 : vector<16xf32>
      %mul3A_1966 = arith.constant 20 : i32
      %mul3A_1967 = vector.broadcast %mul3A_1966 : i32 to vector<16xi32>
      %mul3A_1968 = arith.muli %iota3A, %mul3A_1967 : vector<16xi32>
      %add3A_1969 = vector.broadcast %mul3A_23 : i32 to vector<16xi32>
      %add3A_1970 = arith.addi %add3A_1969, %mul3A_1968 : vector<16xi32>
      %add3A_1971 = arith.constant 18 : i32
      %add3A_1972 = vector.broadcast %add3A_1971 : i32 to vector<16xi32>
      %add3A_1973 = arith.addi %add3A_1970, %add3A_1972 : vector<16xi32>
      tpu.vector_store_idx %arg18[%add3A_1973], %add3A_1965 : memref<10240xf32, #tpu.memory_space<vmem>>[vector<16xi32>], vector<16xf32>,
      %mul3A_1974 = arith.constant 20 : i32
      %mul3A_1975 = vector.broadcast %mul3A_1974 : i32 to vector<16xi32>
      %mul3A_1976 = arith.muli %iota3A, %mul3A_1975 : vector<16xi32>
      %add3A_1977 = arith.constant 19 : i32
      %add3A_1978 = vector.broadcast %add3A_1977 : i32 to vector<16xi32>
      %add3A_1979 = arith.addi %mul3A_1976, %add3A_1978 : vector<16xi32>
      %mul3A_1980 = arith.constant 16 : i32
      %mul3A_1981 = vector.broadcast %mul3A_1980 : i32 to vector<16xi32>
      %mul3A_1982 = arith.muli %add3A_1979, %mul3A_1981 : vector<16xi32>
      %gather3A_1983 = tpu.vector_load_idx %arg16[%mul3A_1982] : memref<5120xf32, #tpu.memory_space<vmem>>[vector<16xi32>], vector<16xf32>,
      %add3A_1984 = arith.constant 1 : i32
      %add3A_1985 = vector.broadcast %add3A_1984 : i32 to vector<16xi32>
      %add3A_1986 = arith.addi %mul3A_1982, %add3A_1985 : vector<16xi32>
      %gather3A_1987 = tpu.vector_load_idx %arg16[%add3A_1986] : memref<5120xf32, #tpu.memory_space<vmem>>[vector<16xi32>], vector<16xf32>,
      %add3A_1988 = arith.addf %gather3A_1983, %gather3A_1987 : vector<16xf32>
      %add3A_1989 = arith.constant 2 : i32
      %add3A_1990 = vector.broadcast %add3A_1989 : i32 to vector<16xi32>
      %add3A_1991 = arith.addi %mul3A_1982, %add3A_1990 : vector<16xi32>
      %gather3A_1992 = tpu.vector_load_idx %arg16[%add3A_1991] : memref<5120xf32, #tpu.memory_space<vmem>>[vector<16xi32>], vector<16xf32>,
      %add3A_1993 = arith.addf %add3A_1988, %gather3A_1992 : vector<16xf32>
      %add3A_1994 = arith.constant 3 : i32
      %add3A_1995 = vector.broadcast %add3A_1994 : i32 to vector<16xi32>
      %add3A_1996 = arith.addi %mul3A_1982, %add3A_1995 : vector<16xi32>
      %gather3A_1997 = tpu.vector_load_idx %arg16[%add3A_1996] : memref<5120xf32, #tpu.memory_space<vmem>>[vector<16xi32>], vector<16xf32>,
      %add3A_1998 = arith.addf %add3A_1993, %gather3A_1997 : vector<16xf32>
      %add3A_1999 = arith.constant 4 : i32
      %add3A_2000 = vector.broadcast %add3A_1999 : i32 to vector<16xi32>
      %add3A_2001 = arith.addi %mul3A_1982, %add3A_2000 : vector<16xi32>
      %gather3A_2002 = tpu.vector_load_idx %arg16[%add3A_2001] : memref<5120xf32, #tpu.memory_space<vmem>>[vector<16xi32>], vector<16xf32>,
      %add3A_2003 = arith.addf %add3A_1998, %gather3A_2002 : vector<16xf32>
      %add3A_2004 = arith.constant 5 : i32
      %add3A_2005 = vector.broadcast %add3A_2004 : i32 to vector<16xi32>
      %add3A_2006 = arith.addi %mul3A_1982, %add3A_2005 : vector<16xi32>
      %gather3A_2007 = tpu.vector_load_idx %arg16[%add3A_2006] : memref<5120xf32, #tpu.memory_space<vmem>>[vector<16xi32>], vector<16xf32>,
      %add3A_2008 = arith.addf %add3A_2003, %gather3A_2007 : vector<16xf32>
      %add3A_2009 = arith.constant 6 : i32
      %add3A_2010 = vector.broadcast %add3A_2009 : i32 to vector<16xi32>
      %add3A_2011 = arith.addi %mul3A_1982, %add3A_2010 : vector<16xi32>
      %gather3A_2012 = tpu.vector_load_idx %arg16[%add3A_2011] : memref<5120xf32, #tpu.memory_space<vmem>>[vector<16xi32>], vector<16xf32>,
      %add3A_2013 = arith.addf %add3A_2008, %gather3A_2012 : vector<16xf32>
      %add3A_2014 = arith.constant 7 : i32
      %add3A_2015 = vector.broadcast %add3A_2014 : i32 to vector<16xi32>
      %add3A_2016 = arith.addi %mul3A_1982, %add3A_2015 : vector<16xi32>
      %gather3A_2017 = tpu.vector_load_idx %arg16[%add3A_2016] : memref<5120xf32, #tpu.memory_space<vmem>>[vector<16xi32>], vector<16xf32>,
      %add3A_2018 = arith.addf %add3A_2013, %gather3A_2017 : vector<16xf32>
      %add3A_2019 = arith.constant 8 : i32
      %add3A_2020 = vector.broadcast %add3A_2019 : i32 to vector<16xi32>
      %add3A_2021 = arith.addi %mul3A_1982, %add3A_2020 : vector<16xi32>
      %gather3A_2022 = tpu.vector_load_idx %arg16[%add3A_2021] : memref<5120xf32, #tpu.memory_space<vmem>>[vector<16xi32>], vector<16xf32>,
      %add3A_2023 = arith.addf %add3A_2018, %gather3A_2022 : vector<16xf32>
      %add3A_2024 = arith.constant 9 : i32
      %add3A_2025 = vector.broadcast %add3A_2024 : i32 to vector<16xi32>
      %add3A_2026 = arith.addi %mul3A_1982, %add3A_2025 : vector<16xi32>
      %gather3A_2027 = tpu.vector_load_idx %arg16[%add3A_2026] : memref<5120xf32, #tpu.memory_space<vmem>>[vector<16xi32>], vector<16xf32>,
      %add3A_2028 = arith.addf %add3A_2023, %gather3A_2027 : vector<16xf32>
      %add3A_2029 = arith.constant 10 : i32
      %add3A_2030 = vector.broadcast %add3A_2029 : i32 to vector<16xi32>
      %add3A_2031 = arith.addi %mul3A_1982, %add3A_2030 : vector<16xi32>
      %gather3A_2032 = tpu.vector_load_idx %arg16[%add3A_2031] : memref<5120xf32, #tpu.memory_space<vmem>>[vector<16xi32>], vector<16xf32>,
      %add3A_2033 = arith.addf %add3A_2028, %gather3A_2032 : vector<16xf32>
      %add3A_2034 = arith.constant 11 : i32
      %add3A_2035 = vector.broadcast %add3A_2034 : i32 to vector<16xi32>
      %add3A_2036 = arith.addi %mul3A_1982, %add3A_2035 : vector<16xi32>
      %gather3A_2037 = tpu.vector_load_idx %arg16[%add3A_2036] : memref<5120xf32, #tpu.memory_space<vmem>>[vector<16xi32>], vector<16xf32>,
      %add3A_2038 = arith.addf %add3A_2033, %gather3A_2037 : vector<16xf32>
      %add3A_2039 = arith.constant 12 : i32
      %add3A_2040 = vector.broadcast %add3A_2039 : i32 to vector<16xi32>
      %add3A_2041 = arith.addi %mul3A_1982, %add3A_2040 : vector<16xi32>
      %gather3A_2042 = tpu.vector_load_idx %arg16[%add3A_2041] : memref<5120xf32, #tpu.memory_space<vmem>>[vector<16xi32>], vector<16xf32>,
      %add3A_2043 = arith.addf %add3A_2038, %gather3A_2042 : vector<16xf32>
      %add3A_2044 = arith.constant 13 : i32
      %add3A_2045 = vector.broadcast %add3A_2044 : i32 to vector<16xi32>
      %add3A_2046 = arith.addi %mul3A_1982, %add3A_2045 : vector<16xi32>
      %gather3A_2047 = tpu.vector_load_idx %arg16[%add3A_2046] : memref<5120xf32, #tpu.memory_space<vmem>>[vector<16xi32>], vector<16xf32>,
      %add3A_2048 = arith.addf %add3A_2043, %gather3A_2047 : vector<16xf32>
      %add3A_2049 = arith.constant 14 : i32
      %add3A_2050 = vector.broadcast %add3A_2049 : i32 to vector<16xi32>
      %add3A_2051 = arith.addi %mul3A_1982, %add3A_2050 : vector<16xi32>
      %gather3A_2052 = tpu.vector_load_idx %arg16[%add3A_2051] : memref<5120xf32, #tpu.memory_space<vmem>>[vector<16xi32>], vector<16xf32>,
      %add3A_2053 = arith.addf %add3A_2048, %gather3A_2052 : vector<16xf32>
      %add3A_2054 = arith.constant 15 : i32
      %add3A_2055 = vector.broadcast %add3A_2054 : i32 to vector<16xi32>
      %add3A_2056 = arith.addi %mul3A_1982, %add3A_2055 : vector<16xi32>
      %gather3A_2057 = tpu.vector_load_idx %arg16[%add3A_2056] : memref<5120xf32, #tpu.memory_space<vmem>>[vector<16xi32>], vector<16xf32>,
      %add3A_2058 = arith.addf %add3A_2053, %gather3A_2057 : vector<16xf32>
      %mul3A_2059 = arith.constant 20 : i32
      %mul3A_2060 = vector.broadcast %mul3A_2059 : i32 to vector<16xi32>
      %mul3A_2061 = arith.muli %iota3A, %mul3A_2060 : vector<16xi32>
      %add3A_2062 = vector.broadcast %mul3A_23 : i32 to vector<16xi32>
      %add3A_2063 = arith.addi %add3A_2062, %mul3A_2061 : vector<16xi32>
      %add3A_2064 = arith.constant 19 : i32
      %add3A_2065 = vector.broadcast %add3A_2064 : i32 to vector<16xi32>
      %add3A_2066 = arith.addi %add3A_2063, %add3A_2065 : vector<16xi32>
      tpu.vector_store_idx %arg18[%add3A_2066], %add3A_2058 : memref<10240xf32, #tpu.memory_space<vmem>>[vector<16xi32>], vector<16xf32>,
    }
    %scan3A_9 = arith.constant 32 : i32
    "tpu.region"() ({
      %run_scoped3A = tpu.sem_alloc : memref<!tpu.dma_semaphore, #tpu.memory_space<semaphore_mem>>
      %dma_start3A = tpu.memref_slice %arg7[%mul3A_2] : memref<16384xf32, #tpu.memory_space<hbm>> -> memref<512xf32, #tpu.memory_space<hbm>>
      %dma_start3A_12 = tpu.memref_slice %arg7[%mul3A_2] : memref<16384xf32, #tpu.memory_space<hbm>> -> memref<512xf32, #tpu.memory_space<hbm>>
      tpu.enqueue_dma source(%arg17 : memref<512xf32, #tpu.memory_space<vmem>>) target(%dma_start3A_12 : memref<512xf32, #tpu.memory_space<hbm>>) target_semaphore(%run_scoped3A : memref<!tpu.dma_semaphore, #tpu.memory_space<semaphore_mem>>)
      %dma_wait3A = tpu.memref_slice %arg7[%mul3A_2] : memref<16384xf32, #tpu.memory_space<hbm>> -> memref<512xf32, #tpu.memory_space<hbm>>
      %dma_wait3A_13 = tpu.memref_slice %arg7[%mul3A_2] : memref<16384xf32, #tpu.memory_space<hbm>> -> memref<512xf32, #tpu.memory_space<hbm>>
      tpu.wait_dma2 semaphore(%run_scoped3A : memref<!tpu.dma_semaphore, #tpu.memory_space<semaphore_mem>>) src(%arg17 : memref<512xf32, #tpu.memory_space<vmem>>) dst(%dma_wait3A_13 : memref<512xf32, #tpu.memory_space<hbm>>)
      tpu.yield
    }) : () -> ()
    %mul3A_10 = arith.constant 20 : i32
    %mul3A_11 = arith.muli %mul3A_2, %mul3A_10 : i32
    "tpu.region"() ({
      %run_scoped3A = tpu.sem_alloc : memref<!tpu.dma_semaphore, #tpu.memory_space<semaphore_mem>>
      %dma_start3A = tpu.memref_slice %arg8[%mul3A_11] : memref<327680xf32, #tpu.memory_space<hbm>> -> memref<10240xf32, #tpu.memory_space<hbm>>
      %dma_start3A_12 = tpu.memref_slice %arg8[%mul3A_11] : memref<327680xf32, #tpu.memory_space<hbm>> -> memref<10240xf32, #tpu.memory_space<hbm>>
      tpu.enqueue_dma source(%arg18 : memref<10240xf32, #tpu.memory_space<vmem>>) target(%dma_start3A_12 : memref<10240xf32, #tpu.memory_space<hbm>>) target_semaphore(%run_scoped3A : memref<!tpu.dma_semaphore, #tpu.memory_space<semaphore_mem>>)
      %dma_wait3A = tpu.memref_slice %arg8[%mul3A_11] : memref<327680xf32, #tpu.memory_space<hbm>> -> memref<10240xf32, #tpu.memory_space<hbm>>
      %dma_wait3A_13 = tpu.memref_slice %arg8[%mul3A_11] : memref<327680xf32, #tpu.memory_space<hbm>> -> memref<10240xf32, #tpu.memory_space<hbm>>
      tpu.wait_dma2 semaphore(%run_scoped3A : memref<!tpu.dma_semaphore, #tpu.memory_space<semaphore_mem>>) src(%arg18 : memref<10240xf32, #tpu.memory_space<vmem>>) dst(%dma_wait3A_13 : memref<10240xf32, #tpu.memory_space<hbm>>)
      tpu.yield
    }) : () -> ()
    return
  }
}

module attributes {stable_mosaic.version = 14 : i64} {
  func.func @body(%arg0: memref<128x128xf32, #tpu.memory_space<vmem>>, %arg1: memref<2560x128xf32, #tpu.memory_space<vmem>>, %arg2: memref<1x1xf32, #tpu.memory_space<smem>>) attributes {dimension_semantics = [], scalar_prefetch = 0 : i64, scratch_operands = 0 : i64, tpu.core_type = #tpu.core_type<tc>} {
    %get3A = arith.constant 0 : index
    %get3A_0 = arith.constant 0 : index
    %get3A_1 = vector.load %arg0[%get3A, %get3A_0] : memref<128x128xf32, #tpu.memory_space<vmem>>, vector<128x128xf32>
    %jit3A = arith.constant -1.000000e+01 : f32
    %jit3A_2 = arith.constant 1.000000e+01 : f32
    %max3A = vector.broadcast %jit3A : f32 to vector<128x128xf32>
    %max3A_3 = arith.maximumf %max3A, %get3A_1 : vector<128x128xf32>
    %min3A = vector.broadcast %jit3A_2 : f32 to vector<128x128xf32>
    %min3A_4 = arith.minimumf %min3A, %max3A_3 : vector<128x128xf32>
    %get3A_5 = arith.constant 0 : index
    %get3A_6 = arith.constant 0 : index
    %get3A_7 = vector.load %arg1[%get3A_5, %get3A_6] : memref<2560x128xf32, #tpu.memory_space<vmem>>, vector<2560x128xf32>
    %jit3A_8 = arith.constant -1.000000e+01 : f32
    %jit3A_9 = arith.constant 1.000000e+01 : f32
    %max3A_10 = vector.broadcast %jit3A_8 : f32 to vector<2560x128xf32>
    %max3A_11 = arith.maximumf %max3A_10, %get3A_7 : vector<2560x128xf32>
    %min3A_12 = vector.broadcast %jit3A_9 : f32 to vector<2560x128xf32>
    %min3A_13 = arith.minimumf %min3A_12, %max3A_11 : vector<2560x128xf32>
    %neg3A = arith.constant 0.000000e+00 : f32
    %neg3A_14 = vector.broadcast %neg3A : f32 to vector<128x128xf32>
    %neg3A_15 = arith.subf %neg3A_14, %min3A_4 : vector<128x128xf32>
    %exp3A = math.exp %neg3A_15 : vector<128x128xf32>
    %add3A = arith.constant 1.000000e+00 : f32
    %add3A_16 = vector.broadcast %add3A : f32 to vector<128x128xf32>
    %add3A_17 = arith.addf %add3A_16, %exp3A : vector<128x128xf32>
    %log3A = math.log %add3A_17 : vector<128x128xf32>
    %reduce_sum3A = vector.shape_cast %log3A : vector<128x128xf32> to vector<1x128x128xf32>
    %reduce_sum3A_18 = arith.constant dense<0.000000e+00> : vector<1xf32>
    %reduce_sum3A_19 = vector.multi_reduction <add>, %reduce_sum3A, %reduce_sum3A_18 [1, 2] : vector<1x128x128xf32> to vector<1xf32>
    %reduce_sum3A_20 = vector.shape_cast %reduce_sum3A_19 : vector<1xf32> to vector<1x1x1xf32>
    %reduce_sum3A_21 = vector.extract %reduce_sum3A_20[0, 0, 0] : f32 from vector<1x1x1xf32>
    %exp3A_22 = math.exp %min3A_13 : vector<2560x128xf32>
    %add3A_23 = arith.constant 1.000000e+00 : f32
    %add3A_24 = vector.broadcast %add3A_23 : f32 to vector<2560x128xf32>
    %add3A_25 = arith.addf %add3A_24, %exp3A_22 : vector<2560x128xf32>
    %log3A_26 = math.log %add3A_25 : vector<2560x128xf32>
    %reduce_sum3A_27 = vector.shape_cast %log3A_26 : vector<2560x128xf32> to vector<1x2560x128xf32>
    %reduce_sum3A_28 = arith.constant dense<0.000000e+00> : vector<1xf32>
    %reduce_sum3A_29 = vector.multi_reduction <add>, %reduce_sum3A_27, %reduce_sum3A_28 [1, 2] : vector<1x2560x128xf32> to vector<1xf32>
    %reduce_sum3A_30 = vector.shape_cast %reduce_sum3A_29 : vector<1xf32> to vector<1x1x1xf32>
    %reduce_sum3A_31 = vector.extract %reduce_sum3A_30[0, 0, 0] : f32 from vector<1x1x1xf32>
    %add3A_32 = arith.addf %reduce_sum3A_21, %reduce_sum3A_31 : f32
    %div3A = arith.constant 1.638400e+04 : f32
    %div3A_33 = arith.divf %add3A_32, %div3A : f32
    %swap3A = arith.constant 0 : index
    %swap3A_34 = arith.constant 0 : index
    %swap3A_35 = memref.load %arg2[%swap3A, %swap3A_34] : memref<1x1xf32, #tpu.memory_space<smem>>
    memref.store %div3A_33, %arg2[%swap3A, %swap3A_34] : memref<1x1xf32, #tpu.memory_space<smem>>
    return
  }
}

</mosaic_0001>

<sc_bundles>
// kernel: kernel.4.cloned.1.call-start
scs
__scs_entry_jumppad:
0x0: {  	(pc) =	sbr.rel $0x88, $3  }
0x1: {  	(tag) =	ssettag $0x0;
	lr =	simm.s32 $0x1  }
0x2: {  	[smem:$0x3F9C] =	sst lr;
	_ =	strace $0xD0000000  }
0x3: {  	_ = 	snop  }
0x4: {  	_ = 	snop  }
0x5: {  	_ = 	snop  }
0x6: {  	_ = 	snop  }
0x7: {  	_ = 	snop  }
__scs_overlays_trampoline_lowered:
0x8: {  	[smem:$0x3FAB] =	sst s0  }
0x9: {  	[smem:$0x3FAC] =	sst s1  }
0xa: {  	[smem:$0x3FAD] =	sst s2  }
0xb: {  	[smem:$0x3FAE] =	sst s3  }
0xc: {  	[smem:$0x3FAF] =	sst s4  }
0xd: {  	[smem:$0x3FB0] =	sst s5  }
0xe: {  	[smem:$0x3FB1] =	sst s6  }
0xf: {  	[smem:$0x3FB2] =	sst s7  }
0x10: {  	[smem:$0x3FB3] =	sst s8  }
0x11: {  	[smem:$0x3FB4] =	sst s9;
	s0 =	simm.s32 @!p0 $0x0  }
0x12: {  	s1 =	sld [smem:$0x3F9A];
	s0 =	simm.s32 @p0 $0x1  }
0x13: {  	[smem:$0x3FB5] =	sst s0;
	s0 =	simm.s32 @!p1 $0x0  }
0x14: {  	s2 =	sld [smem:$0x3F99];
	s0 =	simm.s32 @p1 $0x1  }
0x15: {  	[smem:$0x3FB6] =	sst s0;
	s0 =	simm.s32 @!p2 $0x0  }
0x16: {  	s3 =	sld [smem:$0x3FDB];
	s0 =	simm.s32 @p2 $0x1  }
0x17: {  	s4 =	simm.s32 $0x1BF5;
	[smem:$0x3FB8] =	sst s0  }
0x18: {  	s0 =	sld [smem:$0x3F9B];
	_ =	swait.ge [sflag:s4], $0x0  }
0x19: {  	s7 =	sld [smem:$0x3F9C]  }
0x1a: {  	s8 =	sadd.s32 $0xFFFFE003, lr  }
0x1b: {  	s9 =	sadd.s32 $0xFFFFFEF7, lr;
	s5 =	simm.s32 $0xFFFFFFFF;
	p2 =	slt.u32 s8, $0xFFFFF086  }
0x1c: {  	p1 =	slt.u32 s9, $0xF7A;
	s5 =	simm.s32 @!p2 $0x0  }
0x1d: {  	s5 =	simm.s32 @p1 $0x1;
	p0 =	seq.s32 s7, s2  }
0x1e: {  	s7 =	smul.u32 @!p0 $0xF7A, s2;
	p2 =	seq.s32 @!p0 s5, $0x0  }
0x1f: {  	s9 =	smul.u32 $0xF7A, s1;
	s8 =	simm.s32 @!p0 $0x1BF5;
	p2 =	por !p2, p0  }
0x20: {  	[sflag:s8] =	ssyncset.s32 @!p0 $0xFFFFF086;
	s6 =	sadd.s32 @!p0 s3, s7;
	s7 =	simm.s32 @!p0 $0x108  }
0x21: {  	s3 =	sadd.s32 s3, s9;
	s6 =	sadd.s32 @!p0 $0x88, s6;
	s7 =	simm.s32 @p2 $0x1082  }
0x22: {  	[simem:s7], [sflag:s8] =	dma.local @!p0 [hbm:s6], $0xF7A  }
0x23: {  	s9 =	sor.u32 $0xD0000000, s2;
	s6 =	simm.s32 $0x108;
	_ =	swait.ge @!p0 [sflag:s8], $0x0  }
0x24: {  	s3 =	sadd.s32 $0x88, s3;
	s6 =	simm.s32 @!p1 $0x1082;
	[sflag:s4] =	ssyncset.s32 $0xFFFFF086  }
0x25: {  	[simem:s6], [sflag:s4] =	dma.local [hbm:s3], $0xF7A  }
0x26: {  	[smem:$0x3F9C] =	sst s1;
	(tag) =	ssettag s2;
	_ =	strace s9  }
0x27: {  	s1 =	sld [smem:$0x3FAC]  }
0x28: {  	s2 =	sld [smem:$0x3FAD]  }
0x29: {  	s4 =	sld [smem:$0x3FAF]  }
0x2a: {  	p0 =	seq.s32 s5, $0x0;
	s5 =	sld [smem:$0x3FB0]  }
0x2b: {  	s6 =	sld [smem:$0x3FB1]  }
0x2c: {  	s7 =	sld [smem:$0x3FB2]  }
0x2d: {  	s3 =	simm.s32 $0x108;
	s8 =	sld [smem:$0x3FB3]  }
0x2e: {  	s3 =	simm.s32 @!p0 $0x1082;
	s9 =	sld [smem:$0x3FB4]  }
0x2f: {  	lr =	sadd.s32 s0, s3;
	s0 =	sld [smem:$0x3FAB]  }
0x30: {  	s3 =	sld [smem:$0x3FAE]  }
0x31: {  	[smem:$0x3FB7] =	sst s10  }
0x32: {  	s10 =	sld [smem:$0x3FB5];
	_ =	sdelay $0x3  }
0x33: {  	p0 =	seq.s32 s10, $0x1;
	s10 =	sld [smem:$0x3FB7];
	_ =	sdelay $0x3  }
0x34: {  	[smem:$0x3FB7] =	sst s10  }
0x35: {  	s10 =	sld [smem:$0x3FB6];
	_ =	sdelay $0x3  }
0x36: {  	p1 =	seq.s32 s10, $0x1;
	s10 =	sld [smem:$0x3FB7];
	_ =	sdelay $0x3  }
0x37: {  	[smem:$0x3FB7] =	sst s10  }
0x38: {  	s10 =	sld [smem:$0x3FB8]  }
0x39: {  	_ = 	snop;
	(pc) =	sbr.ind lr, $3  }
0x3a: {  	_ = 	snop  }
0x3b: {  	_ = 	snop  }
0x3c: {  	p2 =	seq.s32 s10, $0x1;
	s10 =	sld [smem:$0x3FB7]  }
0x3d: {  	_ =	shalt  }
0x3e: {  	_ =	shalt  }
0x3f: {  	_ =	shalt  }
0x40: {  	_ =	shalt  }
0x41: {  	_ =	shalt  }
0x42: {  	_ =	shalt  }
0x43: {  	_ =	shalt  }
0x44: {  	_ =	shalt  }
0x45: {  	_ =	shalt  }
0x46: {  	_ =	shalt  }
0x47: {  	_ =	shalt  }
0x48: {  	_ =	shalt  }
0x49: {  	_ =	shalt  }
0x4a: {  	_ =	shalt  }
0x4b: {  	_ =	shalt  }
0x4c: {  	_ =	shalt  }
0x4d: {  	_ =	shalt  }
0x4e: {  	_ =	shalt  }
0x4f: {  	_ =	shalt  }
0x50: {  	_ =	shalt  }
0x51: {  	_ =	shalt  }
0x52: {  	_ =	shalt  }
0x53: {  	_ =	shalt  }
0x54: {  	_ =	shalt  }
0x55: {  	_ =	shalt  }
0x56: {  	_ =	shalt  }
0x57: {  	_ =	shalt  }
0x58: {  	_ =	shalt  }
0x59: {  	_ =	shalt  }
0x5a: {  	_ =	shalt  }
0x5b: {  	_ =	shalt  }
0x5c: {  	_ =	shalt  }
0x5d: {  	_ =	shalt  }
0x5e: {  	_ =	shalt  }
0x5f: {  	_ =	shalt  }
0x60: {  	_ =	shalt  }
0x61: {  	_ =	shalt  }
0x62: {  	_ =	shalt  }
0x63: {  	_ =	shalt  }
0x64: {  	_ =	shalt  }
0x65: {  	_ =	shalt  }
0x66: {  	_ =	shalt  }
0x67: {  	_ =	shalt  }
0x68: {  	_ =	shalt  }
0x69: {  	_ =	shalt  }
0x6a: {  	_ =	shalt  }
0x6b: {  	_ =	shalt  }
0x6c: {  	_ =	shalt  }
0x6d: {  	_ =	shalt  }
0x6e: {  	_ =	shalt  }
0x6f: {  	_ =	shalt  }
0x70: {  	_ =	shalt  }
0x71: {  	_ =	shalt  }
0x72: {  	_ =	shalt  }
0x73: {  	_ =	shalt  }
0x74: {  	_ =	shalt  }
0x75: {  	_ =	shalt  }
0x76: {  	_ =	shalt  }
0x77: {  	_ =	shalt  }
0x78: {  	_ =	shalt  }
0x79: {  	_ =	shalt  }
0x7a: {  	_ =	shalt  }
0x7b: {  	_ =	shalt  }
0x7c: {  	_ =	shalt  }
0x7d: {  	_ =	shalt  }
0x7e: {  	_ =	shalt  }
0x7f: {  	_ =	shalt  }
0x80: {  	_ =	shalt  }
0x81: {  	_ =	shalt  }
0x82: {  	_ =	shalt  }
0x83: {  	_ =	shalt  }
0x84: {  	_ =	shalt  }
0x85: {  	_ =	shalt  }
0x86: {  	_ =	shalt  }
0x87: {  	_ =	shalt  }
.Lfunc_end0:
.L_simem_size_0:
called_computation_lowered:
.L_overlay_start_0:
0x88: {  	s2 =	sld [smem:$0x3FD9]  }
0x89: {  	s3 =	sld [smem:$0x3FFE];
	_ =	sdelay $0x1  }
0x8a: {  	s1 =	srdreg.scid  }
0x8b: {  	s0 =	sand.u32 $0x1, s1  }
0x8c: {  	s17 =	sshll.u32 s0, $0xA;
	s2 =	sadd.s32 s3, s2  }
0x8d: {  	s2 =	sadd.s32 s2, s17  }
0x8e: {  	[smem:$0x3FC3] =	sst s2  }
0x8f: {  	_ = 	snop  }
0x90: {  	s2 =	sld [smem:$0x3FC9]  }
0x91: {  	s18 =	sld [smem:$0x3FC8]  }
0x92: {  	s4 =	sld [smem:$0x3FC7]  }
0x93: {  	s5 =	sld [smem:$0x3FC6];
	(tm) =	ssettm $0x1  }
0x94: {  	s6 =	sld [smem:$0x3FFB];
	_ =	sdelay $0x3  }
0x95: {  	_ =	strace s6  }
0x96: {  	s6 =	sld [smem:$0x3FFC];
	_ =	sdelay $0x3  }
0x97: {  	_ =	strace s6  }
0x98: {  	s6 =	sld [smem:$0x3FFD];
	_ =	sdelay $0x3  }
0x99: {  	_ =	strace s6  }
0x9a: {  	_ =	strace $0x8FFFFFFF  }
0x9b: {  	s19 =	sld [smem:$0x3FDB];
	_ =	sdelay $0x1  }
0x9c: {  	s7 =	simm.s32 $_scs_section_size  }
0x9d: {  	s8 =	simm.s32 $_size__tile_overlayer_lowered;
	s9 =	simm.s32 $_tile_overlayer_lowered  }
0x9e: {  	s22 =	simm.s32 $0x1BFF;
	s21 =	sshll.u32 s9, $0x1;
	s6 =	sadd.s32 s7, s19  }
0x9f: {  	s10 =	simm.s32 $0x0;
	s20 =	sshll.u32 s8, $0x1;
	s8 =	sadd.s32 s21, s6  }
0xa0: {  	[timem:s10], [sflag:s22] =	dma.local [hbm:s8], s20  }
0xa1: {  	_ =	swait.ge [sflag:s22], s20  }
0xa2: {  	s7 =	ssub.s32 $0x0, s20;
	[sflag:s22] =	ssyncset.done $0x0  }
0xa3: {  	[sflag:s22] =	ssyncadd.s32 s7;
	_ =	sdelay $0x1  }
0xa4: {  	s23 =	simm.s32 $0x1B8B  }
0xa5: {  	_ =	swait.ge [sflag:s23], $0x1  }
0xa6: {  	[sflag:s23] =	ssyncset.done $0x0  }
0xa7: {  	s25 =	simm.s32 $0x1B8E;
	s24 =	sld [smem:$0x3FFE];
	[sflag:s23] =	ssyncadd.s32 $0xFFFFFFFF  }
0xa8: {  	s26 =	simm.s32 $execute0_lowered;
	[smem:$0x3FD2] =	sst s25  }
0xa9: {  	s8 =	sshll.u32 s26, $0x1;
	_ =	strace $0x80000046;
	[dreg:$0x1] =	wrdreg $0xFFFFFFFF  }
0xaa: {  	s28 =	simm.s32 $_size_execute0_lowered;
	s6 =	sadd.s32 s6, s8;
	[dreg:$0x0] =	wrdreg $0x0  }
0xab: {  	s8 =	sshll.u32 s28, $0x1;
	[dreg:$0x2] =	wrdreg s6  }
0xac: {  	[dreg:$0x3] =	wrdreg s8  }
0xad: {  	[dreg:$0x4] =	wrdreg $0xC0  }
0xae: {  	_ =	task [dreg:s10], $0x5FFFF  }
0xaf: {  	[dreg:$0x1] =	wrdreg $0xFFFFFFFF  }
0xb0: {  	[dreg:$0x0] =	wrdreg $0x60  }
0xb1: {  	[dreg:$0x2] =	wrdreg s2  }
0xb2: {  	[dreg:$0x3] =	wrdreg s18  }
0xb3: {  	[dreg:$0x4] =	wrdreg s4  }
0xb4: {  	[dreg:$0x5] =	wrdreg s5  }
0xb5: {  	[dreg:$0x6] =	wrdreg s24  }
0xb6: {  	[dreg:$0x7] =	wrdreg $0x9  }
0xb7: {  	_ =	task.clear_ibuf [dreg:s10], $0x8FFFF;
	_ =	strace $0x90000046  }
0xb8: {  	s29 =	simm.s32 $0x9;
	_ =	strace $0x80000048  }
0xb9: {  	_ =	swait.ge [sflag:s29], $0x1  }
0xba: {  	[sflag:s29] =	ssyncadd.s32 $0xFFFFFFFF  }
0xbb: {  	_ =	strace $0x90000048  }
0xbc: {  	_ =	sfence  }
0xbd: {  	s30 =	sld [smem:$0x0];
	_ =	sdelay $0x2  }
0xbe: {  	s31 =	sshll.u32 s1, $0xD;
	s1 =	sshrl.u32 s1, $0x2  }
0xbf: {  	s3 =	sand.u32 $0x4000, s31;
	s1 =	sadd.s32 s1, s30  }
0xc0: {  	s0 =	sor.u32 s3, s0;
	s1 =	sshll.u32 s1, $0x11  }
0xc1: {  	s0 =	sor.u32 s1, s0  }
0xc2: {  	s0 =	sadd.s32 $0x8F2B, s0  }
0xc3: {  	[sflag:s0] =	ssyncadd.remote.s32 $0x1  }
0xc4: {  	_ =	sfence.sel $0xFFFF  }
0xc5: {  	[dreg:$0x0] =	wrdreg $0xFFFFFFFF;
	(pc) =	sbr.abs _section_cstart, $3  }
0xc6: {  	[dreg:$0x1] =	wrdreg $0xFFFFFFFF  }
0xc7: {  	_ =	task.clear_ibuf [dreg:s10], $0x2FFFF;
	_ =	strace $0x9FFFFFFF  }
0xc8: {  	(tm) =	ssettm $0x7FFFFFFF  }
0xc9: {  	_ =	shalt  }
tec
execute0_lowered:
.L_overlay_start_1:
0x0: {  	(tag) =	ssettag $0x1  }
0x1: {  	v32 =	vlaneseq.u32  }
0x2: {  	v0 =	vmul.u32 $0x10, v32;
	_ =	sdelay $0x1  }
0x3: {  	v12 =	vmul.u32 $0x140, v32;
	v32 =	vmul.u32 $0x14, v32;
	v1 =	vor.u32 $0x1, v0  }
0x4: {  	v5 =	vor.u32 $0x5, v0;
	v6 =	vor.u32 $0x6, v0;
	v7 =	vor.u32 $0x7, v0  }
0x5: {  	s0 =	rddreg [dreg:$0x0];
	v8 =	vor.u32 $0x8, v0;
	v9 =	vor.u32 $0x9, v0;
	v10 =	vor.u32 $0xA, v0  }
0x6: {  	s1 =	rddreg [dreg:$0x1];
	v11 =	vor.u32 $0xB, v0;
	v13 =	vor.u32 $0xC, v0;
	v14 =	vor.u32 $0xD, v0  }
0x7: {  	s2 =	rddreg [dreg:$0x2];
	v15 =	vor.u32 $0xE, v0;
	v16 =	vor.u32 $0xF, v0;
	v17 =	vor.u32 $0x1, v12  }
0x8: {  	s3 =	rddreg [dreg:$0x3];
	s4 =	srdreg.scid;
	v18 =	vor.u32 $0x2, v12;
	v19 =	vor.u32 $0x3, v12;
	v20 =	vor.u32 $0x4, v12  }
0x9: {  	s7 =	stileid.u32;
	s5 =	rddreg [dreg:$0x4];
	v21 =	vor.u32 $0x5, v12;
	v22 =	vor.u32 $0x6, v12;
	v23 =	vor.u32 $0x7, v12  }
0xa: {  	s14 =	simm.s32 $0x10;
	s15 =	simm.s32 $0x2C00;
	s16 =	simm.s32 $0x3400;
	v24 =	vor.u32 $0x8, v12;
	v25 =	vor.u32 $0x9, v12;
	v26 =	vor.u32 $0xA, v12  }
0xb: {  	s17 =	simm.s32 $0x80;
	s18 =	simm.s32 $0x3C00;
	s19 =	simm.s32 $0x7C00;
	v27 =	vor.u32 $0xB, v12;
	v28 =	vor.u32 $0xC, v12;
	v29 =	vor.u32 $0xD, v12  }
0xc: {  	s20 =	simm.s32 $0x40;
	s21 =	simm.s32 $0xBC00;
	s22 =	simm.s32 $0x1;
	v30 =	vor.u32 $0xE, v12;
	v31 =	vor.u32 $0xF, v12;
	v33 =	vor.u32 $0x10, v12  }
0xd: {  	s23 =	simm.s32 $0xDC00;
	s24 =	simm.s32 $0xDD00;
	s25 =	simm.s32 $0xF300;
	v34 =	vor.u32 $0x11, v12;
	v35 =	vor.u32 $0x12, v12;
	v36 =	vor.u32 $0x13, v12  }
0xe: {  	s28 =	simm.s32 $0x0;
	s6 =	sand.u32 $0x1, s4;
	s7 =	sshll.u32 s7, $0x1;
	v37 =	vor.u32 $0x14, v12;
	v38 =	vor.u32 $0x15, v12;
	v39 =	vor.u32 $0x16, v12  }
0xf: {  	s4 =	simm.s32 $0x0;
	s7 =	sor.u32 s6, s7;
	s6 =	ssub.s32 $0x2, s6;
	v40 =	vor.u32 $0x17, v12;
	v41 =	vor.u32 $0x18, v12;
	v42 =	vor.u32 $0x19, v12  }
0x10: {  	s8 =	smul.u32 $0x500, s7;
	s7 =	sshll.u32 s7, $0x6;
	s31 =	sshrl.u32 s6, $0x1;
	v43 =	vor.u32 $0x1A, v12;
	v44 =	vor.u32 $0x1B, v12;
	[tilespmem:$0x1FFC0] =	vst v1;
	v1 =	vor.u32 $0x2, v0  }
0x11: {  	[smem:$0x7FF] =	sst s4;
	v45 =	vor.u32 $0x1C, v12;
	v46 =	vor.u32 $0x1D, v12;
	s9 =	sadd.s32 s7, s5;
	s11 =	ssub.s32 s6, s31;
	[tilespmem:$0x1FFD0] =	vst v1;
	v1 =	vor.u32 $0x3, v0  }
0x12: {  	v47 =	vor.u32 $0x1E, v12;
	v48 =	vor.u32 $0x1F, v12;
	s6 =	sadd.s32 s3, s7;
	s10 =	sadd.s32 s8, s5;
	s5 =	sadd.s32 s2, s7;
	[tilespmem:$0x1FFE0] =	vst v1;
	v1 =	vor.u32 $0x4, v0  }
0x13: {  	v49 =	vor.u32 $0x1, v32;
	v50 =	vor.u32 $0x20, v12;
	v51 =	vor.u32 $0x21, v12;
	s8 =	sadd.s32 $0x14C00, s9;
	s7 =	sadd.s32 $0xC00, s10;
	s9 =	sadd.s32 $0xAC00, s10;
	[tilespmem:$0x1FFF0] =	vst v1  }
0x14: {  	v52 =	vor.u32 $0x22, v12;
	v53 =	vor.u32 $0x23, v12;
	v54 =	vor.u32 $0x24, v12;
	s10 =	smax.u32 s11, $0x1;
	s11 =	simm.s32 $0x2;
	_ =	strace $0x80000047  }
.LBB2_1:
0x15: {  	[tilespmem:s4], [sflag:$0x2] =	stream.linear.gather [hbm4b:s5+s4], $0x200, $0x38;
	[tilespmem:$0x11B00] =	vst v63  }
0x16: {  	_ =	swait.ge [sflag:s11], $0x200  }
0x17: {  	[sflag:s11] =	ssyncset.done $0x0  }
0x18: {  	s2 =	simm.s32 $0x200;
	[sflag:s11] =	ssyncadd.s32 $0xFFFFFE00  }
0x19: {  	[tilespmem:s2], [sflag:$0x2] =	stream.linear.gather [hbm4b:s6+s4], $0x200, $0x38;
	[tilespmem:$0x11B00] =	vst v63  }
0x1a: {  	_ =	swait.ge [sflag:s11], $0x200  }
0x1b: {  	[sflag:s11] =	ssyncset.done $0x0  }
0x1c: {  	s31 =	simm.s32 $0x400;
	[sflag:s11] =	ssyncadd.s32 $0xFFFFFE00  }
0x1d: {  	[tilespmem:s31], [sflag:$0x2] =	stream.linear.gather [hbm4b:s7+s4], $0x2800, $0x38;
	[tilespmem:$0x11B00] =	vst v63  }
0x1e: {  	_ =	swait.ge [sflag:s11], $0x2800  }
0x1f: {  	[sflag:s11] =	ssyncset.done $0x0  }
0x20: {  	s29 =	simm.s32 $0x0;
	[sflag:s11] =	ssyncadd.s32 $0xFFFFD800  }
.LBB2_2:
0x21: {  	s31 =	sshll.u32 s29, $0x4  }
0x22: {  	[tilespmem:s15], [sflag:$0x1] =	stream.indirect.gather [hbm4b:s0+s14], $0x80, s31, s14, $0xb8;
	[tilespmem:$0x11B00] =	vst v63  }
0x23: {  	s30 =	smul.u32 $0x140, s29;
	s2 =	sadd.s32 $0x200, s31  }
0x24: {  	[tilespmem:s16], [sflag:$0x1] =	stream.indirect.gather [hbm4b:s1+s14], $0x80, s2, s14, $0xb8;
	[tilespmem:$0x11B00] =	vst v63  }
0x25: {  	s12 =	sadd.s32 $0x400, s30  }
0x26: {  	[tilespmem:s18], [sflag:$0x1] =	stream.indirect.gather [hbm4b:s1+s17], $0x80, s12, s17, $0xb8;
	[tilespmem:$0x11B00] =	vst v63  }
0x27: {  	s13 =	sadd.s32 $0x480, s30  }
0x28: {  	[tilespmem:s19], [sflag:$0x1] =	stream.indirect.gather [hbm4b:s1+s17], $0x80, s13, s17, $0xb8;
	[tilespmem:$0x11B00] =	vst v63  }
0x29: {  	s26 =	sadd.s32 $0x500, s30  }
0x2a: {  	[tilespmem:s21], [sflag:$0x1] =	stream.indirect.gather [hbm4b:s1+s20], $0x80, s26, s20, $0xb8;
	[tilespmem:$0x11B00] =	vst v63  }
0x2b: {  	_ =	swait.ge [sflag:s22], $0x800  }
0x2c: {  	[sflag:s22] =	ssyncset.done $0x0  }
0x2d: {  	[sflag:s22] =	ssyncadd.s32 $0xFFFFF800  }
0x2e: {  	_ =	swait.ge [sflag:s22], $0x800  }
0x2f: {  	[sflag:s22] =	ssyncset.done $0x0  }
0x30: {  	[sflag:s22] =	ssyncadd.s32 $0xFFFFF800  }
0x31: {  	_ =	swait.ge [sflag:s22], $0x4000  }
0x32: {  	[sflag:s22] =	ssyncset.done $0x0  }
0x33: {  	[sflag:s22] =	ssyncadd.s32 $0xFFFFC000  }
0x34: {  	_ =	swait.ge [sflag:s22], $0x4000  }
0x35: {  	[sflag:s22] =	ssyncset.done $0x0  }
0x36: {  	[sflag:s22] =	ssyncadd.s32 $0xFFFFC000  }
0x37: {  	_ =	swait.ge [sflag:s22], $0x2000  }
0x38: {  	s3 =	simm.s32 $0x0;
	s2 =	simm.s32 $0xDC00;
	[sflag:s22] =	ssyncset.done $0x0  }
0x39: {  	s12 =	simm.s32 $0xDDA0;
	s13 =	simm.s32 $0x4100;
	[sflag:s22] =	ssyncadd.s32 $0xFFFFE000  }
.LBB2_3:
0x3a: {  	s26 =	sshra.s32 s3, $0x2  }
0x3b: {  	v58 =	vld [tilespmem:s26+$0x2C00]  }
0x3c: {  	v59 =	vld [tilespmem:s26+$0x2C10]  }
0x3d: {  	v57 =	vld [tilespmem:s26+$0x3400]  }
0x3e: {  	v61 =	vld [tilespmem:s26+$0x3410]  }
0x3f: {  	v60 =	vld [tilespmem:s26+$0x2C20]  }
0x40: {  	v62 =	vld [tilespmem:s26+$0x3420]  }
0x41: {  	v56 =	vld [tilespmem:s26+$0x2C30]  }
0x42: {  	v63 =	vld [tilespmem:s26+$0x3430]  }
0x43: {  	v55 =	vld [tilespmem:s26+$0x2C40];
	v1 =	vmul.f32 v57, v58;
	v61 =	vmul.f32 v61, v59  }
0x44: {  	v2 =	vld [tilespmem:s26+$0x3440]  }
0x45: {  	v3 =	vld [tilespmem:s26+$0x3450];
	v62 =	vmul.f32 v62, v60;
	v1 =	vadd.f32 v61, v1  }
0x46: {  	v57 =	vld [tilespmem:s26+$0x2C50]  }
0x47: {  	v4 =	vld [tilespmem:s26+$0x3460];
	v63 =	vmul.f32 v63, v56;
	v1 =	vadd.f32 v62, v1  }
0x48: {  	v61 =	vld [tilespmem:s26+$0x2C60]  }
0x49: {  	v2 =	vmul.f32 v2, v55;
	v62 =	vld [tilespmem:s26+$0x2C70];
	v1 =	vadd.f32 v63, v1  }
0x4a: {  	v63 =	vld [tilespmem:s26+$0x3470]  }
0x4b: {  	v1 =	vadd.f32 v2, v1;
	v2 =	vmul.f32 v3, v57;
	_ =	sdelay $0x1  }
0x4c: {  	v1 =	vadd.f32 v2, v1;
	v2 =	vmul.f32 v4, v61;
	_ =	sdelay $0x1  }
0x4d: {  	v1 =	vadd.f32 v2, v1;
	v2 =	vmul.f32 v63, v62;
	_ =	sdelay $0x1  }
0x4e: {  	v1 =	vadd.f32 v2, v1;
	_ =	sdelay $0x1  }
0x4f: {  	[tilespmem:s2+$0x0] =	vst v1  }
0x50: {  	v1 =	vld [tilespmem:s13+$0xFFFFFB00]  }
0x51: {  	v2 =	vld [tilespmem:s13+$0xFFFFFB10];
	_ =	sdelay $0x1  }
0x52: {  	v3 =	vld [tilespmem:s13+$0xFFFFFB20];
	_ =	sdelay $0x1  }
0x53: {  	v4 =	vld [tilespmem:s13+$0xFFFFFB30]  }
0x54: {  	v1 =	vmul.f32 v1, v58;
	v2 =	vmul.f32 v2, v59  }
0x55: {  	v63 =	vld [tilespmem:s13+$0xFFFFFB40]  }
0x56: {  	v1 =	vadd.f32 v2, v1;
	v2 =	vmul.f32 v3, v60  }
0x57: {  	v3 =	vld [tilespmem:s13+$0xFFFFFB50]  }
0x58: {  	v1 =	vadd.f32 v2, v1;
	v2 =	vmul.f32 v4, v56  }
0x59: {  	v4 =	vld [tilespmem:s13+$0xFFFFFB60]  }
0x5a: {  	v1 =	vadd.f32 v2, v1;
	v2 =	vmul.f32 v63, v55  }
0x5b: {  	v63 =	vld [tilespmem:s13+$0xFFFFFB70]  }
0x5c: {  	v1 =	vadd.f32 v2, v1;
	v2 =	vmul.f32 v3, v57;
	_ =	sdelay $0x1  }
0x5d: {  	v1 =	vadd.f32 v2, v1;
	v2 =	vmul.f32 v4, v61;
	_ =	sdelay $0x1  }
0x5e: {  	v1 =	vadd.f32 v2, v1;
	v2 =	vmul.f32 v63, v62;
	_ =	sdelay $0x1  }
0x5f: {  	v1 =	vadd.f32 v2, v1;
	_ =	sdelay $0x1  }
0x60: {  	[tilespmem:s12+$0xFFFFFF60] =	vst v1  }
0x61: {  	v1 =	vld [tilespmem:s13+$0xFFFFFB80]  }
0x62: {  	v2 =	vld [tilespmem:s13+$0xFFFFFB90];
	_ =	sdelay $0x1  }
0x63: {  	v3 =	vld [tilespmem:s13+$0xFFFFFBA0];
	_ =	sdelay $0x1  }
0x64: {  	v4 =	vld [tilespmem:s13+$0xFFFFFBB0]  }
0x65: {  	v1 =	vmul.f32 v1, v58;
	v2 =	vmul.f32 v2, v59  }
0x66: {  	v63 =	vld [tilespmem:s13+$0xFFFFFBC0]  }
0x67: {  	v1 =	vadd.f32 v2, v1;
	v2 =	vmul.f32 v3, v60  }
0x68: {  	v3 =	vld [tilespmem:s13+$0xFFFFFBD0]  }
0x69: {  	v1 =	vadd.f32 v2, v1;
	v2 =	vmul.f32 v4, v56  }
0x6a: {  	v4 =	vld [tilespmem:s13+$0xFFFFFBE0]  }
0x6b: {  	v1 =	vadd.f32 v2, v1;
	v2 =	vmul.f32 v63, v55  }
0x6c: {  	v63 =	vld [tilespmem:s13+$0xFFFFFBF0]  }
0x6d: {  	v1 =	vadd.f32 v2, v1;
	v2 =	vmul.f32 v3, v57;
	_ =	sdelay $0x1  }
0x6e: {  	v1 =	vadd.f32 v2, v1;
	v2 =	vmul.f32 v4, v61;
	_ =	sdelay $0x1  }
0x6f: {  	v1 =	vadd.f32 v2, v1;
	v2 =	vmul.f32 v63, v62;
	_ =	sdelay $0x1  }
0x70: {  	v1 =	vadd.f32 v2, v1;
	_ =	sdelay $0x1  }
0x71: {  	[tilespmem:s12+$0xFFFFFF70] =	vst v1  }
0x72: {  	v1 =	vld [tilespmem:s13+$0xFFFFFC00]  }
0x73: {  	v2 =	vld [tilespmem:s13+$0xFFFFFC10];
	_ =	sdelay $0x1  }
0x74: {  	v3 =	vld [tilespmem:s13+$0xFFFFFC20];
	_ =	sdelay $0x1  }
0x75: {  	v4 =	vld [tilespmem:s13+$0xFFFFFC30]  }
0x76: {  	v1 =	vmul.f32 v1, v58;
	v2 =	vmul.f32 v2, v59  }
0x77: {  	v63 =	vld [tilespmem:s13+$0xFFFFFC40]  }
0x78: {  	v1 =	vadd.f32 v2, v1;
	v2 =	vmul.f32 v3, v60  }
0x79: {  	v3 =	vld [tilespmem:s13+$0xFFFFFC50]  }
0x7a: {  	v1 =	vadd.f32 v2, v1;
	v2 =	vmul.f32 v4, v56  }
0x7b: {  	v4 =	vld [tilespmem:s13+$0xFFFFFC60]  }
0x7c: {  	v1 =	vadd.f32 v2, v1;
	v2 =	vmul.f32 v63, v55  }
0x7d: {  	v63 =	vld [tilespmem:s13+$0xFFFFFC70]  }
0x7e: {  	v1 =	vadd.f32 v2, v1;
	v2 =	vmul.f32 v3, v57;
	_ =	sdelay $0x1  }
0x7f: {  	v1 =	vadd.f32 v2, v1;
	v2 =	vmul.f32 v4, v61;
	_ =	sdelay $0x1  }
0x80: {  	v1 =	vadd.f32 v2, v1;
	v2 =	vmul.f32 v63, v62;
	_ =	sdelay $0x1  }
0x81: {  	v1 =	vadd.f32 v2, v1;
	_ =	sdelay $0x1  }
0x82: {  	[tilespmem:s12+$0xFFFFFF80] =	vst v1  }
0x83: {  	v1 =	vld [tilespmem:s13+$0xFFFFFC80]  }
0x84: {  	v2 =	vld [tilespmem:s13+$0xFFFFFC90];
	_ =	sdelay $0x1  }
0x85: {  	v3 =	vld [tilespmem:s13+$0xFFFFFCA0];
	_ =	sdelay $0x1  }
0x86: {  	v4 =	vld [tilespmem:s13+$0xFFFFFCB0]  }
0x87: {  	v1 =	vmul.f32 v1, v58;
	v2 =	vmul.f32 v2, v59  }
0x88: {  	v63 =	vld [tilespmem:s13+$0xFFFFFCC0]  }
0x89: {  	v1 =	vadd.f32 v2, v1;
	v2 =	vmul.f32 v3, v60  }
0x8a: {  	v3 =	vld [tilespmem:s13+$0xFFFFFCD0]  }
0x8b: {  	v1 =	vadd.f32 v2, v1;
	v2 =	vmul.f32 v4, v56  }
0x8c: {  	v4 =	vld [tilespmem:s13+$0xFFFFFCE0]  }
0x8d: {  	v1 =	vadd.f32 v2, v1;
	v2 =	vmul.f32 v63, v55  }
0x8e: {  	v63 =	vld [tilespmem:s13+$0xFFFFFCF0]  }
0x8f: {  	v1 =	vadd.f32 v2, v1;
	v2 =	vmul.f32 v3, v57;
	_ =	sdelay $0x1  }
0x90: {  	v1 =	vadd.f32 v2, v1;
	v2 =	vmul.f32 v4, v61;
	_ =	sdelay $0x1  }
0x91: {  	v1 =	vadd.f32 v2, v1;
	v2 =	vmul.f32 v63, v62;
	_ =	sdelay $0x1  }
0x92: {  	v1 =	vadd.f32 v2, v1;
	_ =	sdelay $0x1  }
0x93: {  	[tilespmem:s12+$0xFFFFFF90] =	vst v1  }
0x94: {  	v1 =	vld [tilespmem:s13+$0xFFFFFD00]  }
0x95: {  	v2 =	vld [tilespmem:s13+$0xFFFFFD10];
	_ =	sdelay $0x1  }
0x96: {  	v3 =	vld [tilespmem:s13+$0xFFFFFD20];
	_ =	sdelay $0x1  }
0x97: {  	v4 =	vld [tilespmem:s13+$0xFFFFFD30]  }
0x98: {  	v1 =	vmul.f32 v1, v58;
	v2 =	vmul.f32 v2, v59  }
0x99: {  	v63 =	vld [tilespmem:s13+$0xFFFFFD40]  }
0x9a: {  	v1 =	vadd.f32 v2, v1;
	v2 =	vmul.f32 v3, v60  }
0x9b: {  	v3 =	vld [tilespmem:s13+$0xFFFFFD50]  }
0x9c: {  	v1 =	vadd.f32 v2, v1;
	v2 =	vmul.f32 v4, v56  }
0x9d: {  	v4 =	vld [tilespmem:s13+$0xFFFFFD60]  }
0x9e: {  	v1 =	vadd.f32 v2, v1;
	v2 =	vmul.f32 v63, v55  }
0x9f: {  	v63 =	vld [tilespmem:s13+$0xFFFFFD70]  }
0xa0: {  	v1 =	vadd.f32 v2, v1;
	v2 =	vmul.f32 v3, v57;
	_ =	sdelay $0x1  }
0xa1: {  	v1 =	vadd.f32 v2, v1;
	v2 =	vmul.f32 v4, v61;
	_ =	sdelay $0x1  }
0xa2: {  	v1 =	vadd.f32 v2, v1;
	v2 =	vmul.f32 v63, v62;
	_ =	sdelay $0x1  }
0xa3: {  	v1 =	vadd.f32 v2, v1;
	_ =	sdelay $0x1  }
0xa4: {  	[tilespmem:s12+$0xFFFFFFA0] =	vst v1  }
0xa5: {  	v1 =	vld [tilespmem:s13+$0xFFFFFD80]  }
0xa6: {  	v2 =	vld [tilespmem:s13+$0xFFFFFD90];
	_ =	sdelay $0x1  }
0xa7: {  	v3 =	vld [tilespmem:s13+$0xFFFFFDA0];
	_ =	sdelay $0x1  }
0xa8: {  	v4 =	vld [tilespmem:s13+$0xFFFFFDB0]  }
0xa9: {  	v1 =	vmul.f32 v1, v58;
	v2 =	vmul.f32 v2, v59  }
0xaa: {  	v63 =	vld [tilespmem:s13+$0xFFFFFDC0]  }
0xab: {  	v1 =	vadd.f32 v2, v1;
	v2 =	vmul.f32 v3, v60  }
0xac: {  	v3 =	vld [tilespmem:s13+$0xFFFFFDD0]  }
0xad: {  	v1 =	vadd.f32 v2, v1;
	v2 =	vmul.f32 v4, v56  }
0xae: {  	v4 =	vld [tilespmem:s13+$0xFFFFFDE0]  }
0xaf: {  	v1 =	vadd.f32 v2, v1;
	v2 =	vmul.f32 v63, v55  }
0xb0: {  	v63 =	vld [tilespmem:s13+$0xFFFFFDF0]  }
0xb1: {  	v1 =	vadd.f32 v2, v1;
	v2 =	vmul.f32 v3, v57;
	_ =	sdelay $0x1  }
0xb2: {  	v1 =	vadd.f32 v2, v1;
	v2 =	vmul.f32 v4, v61;
	_ =	sdelay $0x1  }
0xb3: {  	v1 =	vadd.f32 v2, v1;
	v2 =	vmul.f32 v63, v62;
	_ =	sdelay $0x1  }
0xb4: {  	v1 =	vadd.f32 v2, v1;
	_ =	sdelay $0x1  }
0xb5: {  	[tilespmem:s12+$0xFFFFFFB0] =	vst v1  }
0xb6: {  	v1 =	vld [tilespmem:s13+$0xFFFFFE00]  }
0xb7: {  	v2 =	vld [tilespmem:s13+$0xFFFFFE10];
	_ =	sdelay $0x1  }
0xb8: {  	v3 =	vld [tilespmem:s13+$0xFFFFFE20];
	_ =	sdelay $0x1  }
0xb9: {  	v4 =	vld [tilespmem:s13+$0xFFFFFE30]  }
0xba: {  	v1 =	vmul.f32 v1, v58;
	v2 =	vmul.f32 v2, v59  }
0xbb: {  	v63 =	vld [tilespmem:s13+$0xFFFFFE40]  }
0xbc: {  	v1 =	vadd.f32 v2, v1;
	v2 =	vmul.f32 v3, v60  }
0xbd: {  	v3 =	vld [tilespmem:s13+$0xFFFFFE50]  }
0xbe: {  	v1 =	vadd.f32 v2, v1;
	v2 =	vmul.f32 v4, v56  }
0xbf: {  	v4 =	vld [tilespmem:s13+$0xFFFFFE60]  }
0xc0: {  	v1 =	vadd.f32 v2, v1;
	v2 =	vmul.f32 v63, v55  }
0xc1: {  	v63 =	vld [tilespmem:s13+$0xFFFFFE70]  }
0xc2: {  	v1 =	vadd.f32 v2, v1;
	v2 =	vmul.f32 v3, v57;
	_ =	sdelay $0x1  }
0xc3: {  	v1 =	vadd.f32 v2, v1;
	v2 =	vmul.f32 v4, v61;
	_ =	sdelay $0x1  }
0xc4: {  	v1 =	vadd.f32 v2, v1;
	v2 =	vmul.f32 v63, v62;
	_ =	sdelay $0x1  }
0xc5: {  	v1 =	vadd.f32 v2, v1;
	_ =	sdelay $0x1  }
0xc6: {  	[tilespmem:s12+$0xFFFFFFC0] =	vst v1  }
0xc7: {  	v1 =	vld [tilespmem:s13+$0xFFFFFE80]  }
0xc8: {  	v2 =	vld [tilespmem:s13+$0xFFFFFE90];
	_ =	sdelay $0x1  }
0xc9: {  	v3 =	vld [tilespmem:s13+$0xFFFFFEA0];
	_ =	sdelay $0x1  }
0xca: {  	v4 =	vld [tilespmem:s13+$0xFFFFFEB0]  }
0xcb: {  	v1 =	vmul.f32 v1, v58;
	v2 =	vmul.f32 v2, v59  }
0xcc: {  	v63 =	vld [tilespmem:s13+$0xFFFFFEC0]  }
0xcd: {  	v1 =	vadd.f32 v2, v1;
	v2 =	vmul.f32 v3, v60  }
0xce: {  	v3 =	vld [tilespmem:s13+$0xFFFFFED0]  }
0xcf: {  	v1 =	vadd.f32 v2, v1;
	v2 =	vmul.f32 v4, v56  }
0xd0: {  	v4 =	vld [tilespmem:s13+$0xFFFFFEE0]  }
0xd1: {  	v1 =	vadd.f32 v2, v1;
	v2 =	vmul.f32 v63, v55  }
0xd2: {  	v63 =	vld [tilespmem:s13+$0xFFFFFEF0]  }
0xd3: {  	v1 =	vadd.f32 v2, v1;
	v2 =	vmul.f32 v3, v57;
	_ =	sdelay $0x1  }
0xd4: {  	v1 =	vadd.f32 v2, v1;
	v2 =	vmul.f32 v4, v61;
	_ =	sdelay $0x1  }
0xd5: {  	v1 =	vadd.f32 v2, v1;
	v2 =	vmul.f32 v63, v62;
	_ =	sdelay $0x1  }
0xd6: {  	v1 =	vadd.f32 v2, v1;
	_ =	sdelay $0x1  }
0xd7: {  	[tilespmem:s12+$0xFFFFFFD0] =	vst v1  }
0xd8: {  	v1 =	vld [tilespmem:s13+$0xFFFFFF00]  }
0xd9: {  	v2 =	vld [tilespmem:s13+$0xFFFFFF10];
	_ =	sdelay $0x1  }
0xda: {  	v3 =	vld [tilespmem:s13+$0xFFFFFF20];
	_ =	sdelay $0x1  }
0xdb: {  	v4 =	vld [tilespmem:s13+$0xFFFFFF30]  }
0xdc: {  	v1 =	vmul.f32 v1, v58;
	v2 =	vmul.f32 v2, v59  }
0xdd: {  	v63 =	vld [tilespmem:s13+$0xFFFFFF40]  }
0xde: {  	v1 =	vadd.f32 v2, v1;
	v2 =	vmul.f32 v3, v60  }
0xdf: {  	v3 =	vld [tilespmem:s13+$0xFFFFFF50]  }
0xe0: {  	v1 =	vadd.f32 v2, v1;
	v2 =	vmul.f32 v4, v56  }
0xe1: {  	v4 =	vld [tilespmem:s13+$0xFFFFFF60]  }
0xe2: {  	v1 =	vadd.f32 v2, v1;
	v2 =	vmul.f32 v63, v55  }
0xe3: {  	v63 =	vld [tilespmem:s13+$0xFFFFFF70]  }
0xe4: {  	v1 =	vadd.f32 v2, v1;
	v2 =	vmul.f32 v3, v57;
	_ =	sdelay $0x1  }
0xe5: {  	v1 =	vadd.f32 v2, v1;
	v2 =	vmul.f32 v4, v61;
	_ =	sdelay $0x1  }
0xe6: {  	v1 =	vadd.f32 v2, v1;
	v2 =	vmul.f32 v63, v62;
	_ =	sdelay $0x1  }
0xe7: {  	v1 =	vadd.f32 v2, v1;
	_ =	sdelay $0x1  }
0xe8: {  	[tilespmem:s12+$0xFFFFFFE0] =	vst v1  }
0xe9: {  	v1 =	vld [tilespmem:s13+$0xFFFFFF80]  }
0xea: {  	v2 =	vld [tilespmem:s13+$0xFFFFFF90];
	_ =	sdelay $0x1  }
0xeb: {  	v3 =	vld [tilespmem:s13+$0xFFFFFFA0];
	_ =	sdelay $0x1  }
0xec: {  	v4 =	vld [tilespmem:s13+$0xFFFFFFB0]  }
0xed: {  	v1 =	vmul.f32 v1, v58;
	v2 =	vmul.f32 v2, v59  }
0xee: {  	v63 =	vld [tilespmem:s13+$0xFFFFFFC0]  }
0xef: {  	v1 =	vadd.f32 v2, v1;
	v2 =	vmul.f32 v3, v60  }
0xf0: {  	v3 =	vld [tilespmem:s13+$0xFFFFFFD0]  }
0xf1: {  	v1 =	vadd.f32 v2, v1;
	v2 =	vmul.f32 v4, v56  }
0xf2: {  	v4 =	vld [tilespmem:s13+$0xFFFFFFE0]  }
0xf3: {  	v1 =	vadd.f32 v2, v1;
	v2 =	vmul.f32 v63, v55  }
0xf4: {  	v63 =	vld [tilespmem:s13+$0xFFFFFFF0]  }
0xf5: {  	v1 =	vadd.f32 v2, v1;
	v2 =	vmul.f32 v3, v57;
	_ =	sdelay $0x1  }
0xf6: {  	v1 =	vadd.f32 v2, v1;
	v2 =	vmul.f32 v4, v61;
	_ =	sdelay $0x1  }
0xf7: {  	v1 =	vadd.f32 v2, v1;
	v2 =	vmul.f32 v63, v62;
	_ =	sdelay $0x1  }
0xf8: {  	v1 =	vadd.f32 v2, v1;
	_ =	sdelay $0x1  }
0xf9: {  	[tilespmem:s12+$0xFFFFFFF0] =	vst v1  }
0xfa: {  	v1 =	vld [tilespmem:s13+$0x0]  }
0xfb: {  	v2 =	vld [tilespmem:s13+$0x10];
	_ =	sdelay $0x1  }
0xfc: {  	v3 =	vld [tilespmem:s13+$0x20];
	_ =	sdelay $0x1  }
0xfd: {  	v4 =	vld [tilespmem:s13+$0x30]  }
0xfe: {  	v1 =	vmul.f32 v1, v58;
	v2 =	vmul.f32 v2, v59  }
0xff: {  	v63 =	vld [tilespmem:s13+$0x40]  }
0x100: {  	v1 =	vadd.f32 v2, v1;
	v2 =	vmul.f32 v3, v60  }
0x101: {  	v3 =	vld [tilespmem:s13+$0x50]  }
0x102: {  	v1 =	vadd.f32 v2, v1;
	v2 =	vmul.f32 v4, v56  }
0x103: {  	v4 =	vld [tilespmem:s13+$0x60]  }
0x104: {  	v1 =	vadd.f32 v2, v1;
	v2 =	vmul.f32 v63, v55  }
0x105: {  	v63 =	vld [tilespmem:s13+$0x70]  }
0x106: {  	v1 =	vadd.f32 v2, v1;
	v2 =	vmul.f32 v3, v57;
	_ =	sdelay $0x1  }
0x107: {  	v1 =	vadd.f32 v2, v1;
	v2 =	vmul.f32 v4, v61;
	_ =	sdelay $0x1  }
0x108: {  	v1 =	vadd.f32 v2, v1;
	v2 =	vmul.f32 v63, v62;
	_ =	sdelay $0x1  }
0x109: {  	v1 =	vadd.f32 v2, v1;
	_ =	sdelay $0x1  }
0x10a: {  	[tilespmem:s12+$0x0] =	vst v1  }
0x10b: {  	v1 =	vld [tilespmem:s13+$0x80]  }
0x10c: {  	v2 =	vld [tilespmem:s13+$0x90];
	_ =	sdelay $0x1  }
0x10d: {  	v3 =	vld [tilespmem:s13+$0xA0];
	_ =	sdelay $0x1  }
0x10e: {  	v4 =	vld [tilespmem:s13+$0xB0]  }
0x10f: {  	v1 =	vmul.f32 v1, v58;
	v2 =	vmul.f32 v2, v59  }
0x110: {  	v63 =	vld [tilespmem:s13+$0xC0]  }
0x111: {  	v1 =	vadd.f32 v2, v1;
	v2 =	vmul.f32 v3, v60  }
0x112: {  	v3 =	vld [tilespmem:s13+$0xD0]  }
0x113: {  	v1 =	vadd.f32 v2, v1;
	v2 =	vmul.f32 v4, v56  }
0x114: {  	v4 =	vld [tilespmem:s13+$0xE0]  }
0x115: {  	v1 =	vadd.f32 v2, v1;
	v2 =	vmul.f32 v63, v55  }
0x116: {  	v63 =	vld [tilespmem:s13+$0xF0]  }
0x117: {  	v1 =	vadd.f32 v2, v1;
	v2 =	vmul.f32 v3, v57;
	_ =	sdelay $0x1  }
0x118: {  	v1 =	vadd.f32 v2, v1;
	v2 =	vmul.f32 v4, v61;
	_ =	sdelay $0x1  }
0x119: {  	v1 =	vadd.f32 v2, v1;
	v2 =	vmul.f32 v63, v62;
	_ =	sdelay $0x1  }
0x11a: {  	v1 =	vadd.f32 v2, v1;
	_ =	sdelay $0x1  }
0x11b: {  	[tilespmem:s12+$0x10] =	vst v1  }
0x11c: {  	v1 =	vld [tilespmem:s13+$0x100]  }
0x11d: {  	v2 =	vld [tilespmem:s13+$0x110];
	_ =	sdelay $0x1  }
0x11e: {  	v3 =	vld [tilespmem:s13+$0x120];
	_ =	sdelay $0x1  }
0x11f: {  	v4 =	vld [tilespmem:s13+$0x130]  }
0x120: {  	v1 =	vmul.f32 v1, v58;
	v2 =	vmul.f32 v2, v59  }
0x121: {  	v63 =	vld [tilespmem:s13+$0x140]  }
0x122: {  	v1 =	vadd.f32 v2, v1;
	v2 =	vmul.f32 v3, v60  }
0x123: {  	v3 =	vld [tilespmem:s13+$0x150]  }
0x124: {  	v1 =	vadd.f32 v2, v1;
	v2 =	vmul.f32 v4, v56  }
0x125: {  	v4 =	vld [tilespmem:s13+$0x160]  }
0x126: {  	v1 =	vadd.f32 v2, v1;
	v2 =	vmul.f32 v63, v55  }
0x127: {  	v63 =	vld [tilespmem:s13+$0x170]  }
0x128: {  	v1 =	vadd.f32 v2, v1;
	v2 =	vmul.f32 v3, v57;
	_ =	sdelay $0x1  }
0x129: {  	v1 =	vadd.f32 v2, v1;
	v2 =	vmul.f32 v4, v61;
	_ =	sdelay $0x1  }
0x12a: {  	v1 =	vadd.f32 v2, v1;
	v2 =	vmul.f32 v63, v62;
	_ =	sdelay $0x1  }
0x12b: {  	v1 =	vadd.f32 v2, v1;
	_ =	sdelay $0x1  }
0x12c: {  	[tilespmem:s12+$0x20] =	vst v1  }
0x12d: {  	v1 =	vld [tilespmem:s13+$0x180]  }
0x12e: {  	v2 =	vld [tilespmem:s13+$0x190];
	_ =	sdelay $0x1  }
0x12f: {  	v3 =	vld [tilespmem:s13+$0x1A0];
	_ =	sdelay $0x1  }
0x130: {  	v4 =	vld [tilespmem:s13+$0x1B0]  }
0x131: {  	v1 =	vmul.f32 v1, v58;
	v2 =	vmul.f32 v2, v59  }
0x132: {  	v63 =	vld [tilespmem:s13+$0x1C0]  }
0x133: {  	v1 =	vadd.f32 v2, v1;
	v2 =	vmul.f32 v3, v60  }
0x134: {  	v3 =	vld [tilespmem:s13+$0x1D0]  }
0x135: {  	v1 =	vadd.f32 v2, v1;
	v2 =	vmul.f32 v4, v56  }
0x136: {  	v4 =	vld [tilespmem:s13+$0x1E0]  }
0x137: {  	v1 =	vadd.f32 v2, v1;
	v2 =	vmul.f32 v63, v55  }
0x138: {  	v63 =	vld [tilespmem:s13+$0x1F0]  }
0x139: {  	v1 =	vadd.f32 v2, v1;
	v2 =	vmul.f32 v3, v57;
	_ =	sdelay $0x1  }
0x13a: {  	v1 =	vadd.f32 v2, v1;
	v2 =	vmul.f32 v4, v61;
	_ =	sdelay $0x1  }
0x13b: {  	v1 =	vadd.f32 v2, v1;
	v2 =	vmul.f32 v63, v62;
	_ =	sdelay $0x1  }
0x13c: {  	v1 =	vadd.f32 v2, v1;
	_ =	sdelay $0x1  }
0x13d: {  	[tilespmem:s12+$0x30] =	vst v1  }
0x13e: {  	v1 =	vld [tilespmem:s13+$0x200]  }
0x13f: {  	v2 =	vld [tilespmem:s13+$0x210];
	_ =	sdelay $0x1  }
0x140: {  	v3 =	vld [tilespmem:s13+$0x220];
	_ =	sdelay $0x1  }
0x141: {  	v4 =	vld [tilespmem:s13+$0x230]  }
0x142: {  	v1 =	vmul.f32 v1, v58;
	v2 =	vmul.f32 v2, v59  }
0x143: {  	v63 =	vld [tilespmem:s13+$0x240]  }
0x144: {  	v1 =	vadd.f32 v2, v1;
	v2 =	vmul.f32 v3, v60  }
0x145: {  	v3 =	vld [tilespmem:s13+$0x250]  }
0x146: {  	v1 =	vadd.f32 v2, v1;
	v2 =	vmul.f32 v4, v56  }
0x147: {  	v4 =	vld [tilespmem:s13+$0x260]  }
0x148: {  	v1 =	vadd.f32 v2, v1;
	v2 =	vmul.f32 v63, v55  }
0x149: {  	v63 =	vld [tilespmem:s13+$0x270]  }
0x14a: {  	v1 =	vadd.f32 v2, v1;
	v2 =	vmul.f32 v3, v57;
	_ =	sdelay $0x1  }
0x14b: {  	v1 =	vadd.f32 v2, v1;
	v2 =	vmul.f32 v4, v61;
	_ =	sdelay $0x1  }
0x14c: {  	v1 =	vadd.f32 v2, v1;
	v2 =	vmul.f32 v63, v62;
	_ =	sdelay $0x1  }
0x14d: {  	v1 =	vadd.f32 v2, v1;
	_ =	sdelay $0x1  }
0x14e: {  	[tilespmem:s12+$0x40] =	vst v1  }
0x14f: {  	v1 =	vld [tilespmem:s13+$0x280]  }
0x150: {  	v2 =	vld [tilespmem:s13+$0x290];
	_ =	sdelay $0x1  }
0x151: {  	v3 =	vld [tilespmem:s13+$0x2A0];
	_ =	sdelay $0x1  }
0x152: {  	v4 =	vld [tilespmem:s13+$0x2B0]  }
0x153: {  	v1 =	vmul.f32 v1, v58;
	v2 =	vmul.f32 v2, v59  }
0x154: {  	v63 =	vld [tilespmem:s13+$0x2C0]  }
0x155: {  	v1 =	vadd.f32 v2, v1;
	v2 =	vmul.f32 v3, v60  }
0x156: {  	v3 =	vld [tilespmem:s13+$0x2D0]  }
0x157: {  	v1 =	vadd.f32 v2, v1;
	v2 =	vmul.f32 v4, v56  }
0x158: {  	v4 =	vld [tilespmem:s13+$0x2E0]  }
0x159: {  	v1 =	vadd.f32 v2, v1;
	v2 =	vmul.f32 v63, v55  }
0x15a: {  	v63 =	vld [tilespmem:s13+$0x2F0]  }
0x15b: {  	v1 =	vadd.f32 v2, v1;
	v2 =	vmul.f32 v3, v57;
	_ =	sdelay $0x1  }
0x15c: {  	v1 =	vadd.f32 v2, v1;
	v2 =	vmul.f32 v4, v61;
	_ =	sdelay $0x1  }
0x15d: {  	v1 =	vadd.f32 v2, v1;
	v2 =	vmul.f32 v63, v62;
	_ =	sdelay $0x1  }
0x15e: {  	v1 =	vadd.f32 v2, v1;
	_ =	sdelay $0x1  }
0x15f: {  	[tilespmem:s12+$0x50] =	vst v1  }
0x160: {  	v1 =	vld [tilespmem:s13+$0x300]  }
0x161: {  	v2 =	vld [tilespmem:s13+$0x310];
	_ =	sdelay $0x1  }
0x162: {  	v3 =	vld [tilespmem:s13+$0x320];
	_ =	sdelay $0x1  }
0x163: {  	v4 =	vld [tilespmem:s13+$0x330]  }
0x164: {  	v1 =	vmul.f32 v1, v58;
	v2 =	vmul.f32 v2, v59  }
0x165: {  	v63 =	vld [tilespmem:s13+$0x340]  }
0x166: {  	v1 =	vadd.f32 v2, v1;
	v2 =	vmul.f32 v3, v60  }
0x167: {  	v3 =	vld [tilespmem:s13+$0x350]  }
0x168: {  	v1 =	vadd.f32 v2, v1;
	v2 =	vmul.f32 v4, v56  }
0x169: {  	v4 =	vld [tilespmem:s13+$0x360]  }
0x16a: {  	v1 =	vadd.f32 v2, v1;
	v2 =	vmul.f32 v63, v55  }
0x16b: {  	v63 =	vld [tilespmem:s13+$0x370]  }
0x16c: {  	v1 =	vadd.f32 v2, v1;
	v2 =	vmul.f32 v3, v57;
	_ =	sdelay $0x1  }
0x16d: {  	v1 =	vadd.f32 v2, v1;
	v2 =	vmul.f32 v4, v61;
	_ =	sdelay $0x1  }
0x16e: {  	v1 =	vadd.f32 v2, v1;
	v2 =	vmul.f32 v63, v62;
	_ =	sdelay $0x1  }
0x16f: {  	v1 =	vadd.f32 v2, v1;
	_ =	sdelay $0x1  }
0x170: {  	[tilespmem:s12+$0x60] =	vst v1  }
0x171: {  	v1 =	vld [tilespmem:s13+$0x380]  }
0x172: {  	v2 =	vld [tilespmem:s13+$0x390];
	_ =	sdelay $0x1  }
0x173: {  	v3 =	vld [tilespmem:s13+$0x3A0];
	_ =	sdelay $0x1  }
0x174: {  	v4 =	vld [tilespmem:s13+$0x3B0]  }
0x175: {  	v1 =	vmul.f32 v1, v58;
	v2 =	vmul.f32 v2, v59  }
0x176: {  	v63 =	vld [tilespmem:s13+$0x3C0]  }
0x177: {  	v1 =	vadd.f32 v2, v1;
	v2 =	vmul.f32 v3, v60  }
0x178: {  	v3 =	vld [tilespmem:s13+$0x3D0]  }
0x179: {  	v1 =	vadd.f32 v2, v1;
	v2 =	vmul.f32 v4, v56  }
0x17a: {  	v4 =	vld [tilespmem:s13+$0x3E0]  }
0x17b: {  	v1 =	vadd.f32 v2, v1;
	v2 =	vmul.f32 v63, v55  }
0x17c: {  	v63 =	vld [tilespmem:s13+$0x3F0]  }
0x17d: {  	v1 =	vadd.f32 v2, v1;
	v2 =	vmul.f32 v3, v57;
	_ =	sdelay $0x1  }
0x17e: {  	v1 =	vadd.f32 v2, v1;
	v2 =	vmul.f32 v4, v61;
	_ =	sdelay $0x1  }
0x17f: {  	v1 =	vadd.f32 v2, v1;
	v2 =	vmul.f32 v63, v62;
	_ =	sdelay $0x1  }
0x180: {  	v1 =	vadd.f32 v2, v1;
	_ =	sdelay $0x1  }
0x181: {  	[tilespmem:s12+$0x70] =	vst v1  }
0x182: {  	v1 =	vld [tilespmem:s13+$0x400]  }
0x183: {  	v2 =	vld [tilespmem:s13+$0x410];
	_ =	sdelay $0x1  }
0x184: {  	v3 =	vld [tilespmem:s13+$0x420];
	_ =	sdelay $0x1  }
0x185: {  	v4 =	vld [tilespmem:s13+$0x430]  }
0x186: {  	v1 =	vmul.f32 v1, v58;
	v2 =	vmul.f32 v2, v59  }
0x187: {  	v63 =	vld [tilespmem:s13+$0x440]  }
0x188: {  	v1 =	vadd.f32 v2, v1;
	v2 =	vmul.f32 v3, v60  }
0x189: {  	v3 =	vld [tilespmem:s13+$0x450]  }
0x18a: {  	v1 =	vadd.f32 v2, v1;
	v2 =	vmul.f32 v4, v56  }
0x18b: {  	v4 =	vld [tilespmem:s13+$0x460]  }
0x18c: {  	v1 =	vadd.f32 v2, v1;
	v2 =	vmul.f32 v63, v55  }
0x18d: {  	v63 =	vld [tilespmem:s13+$0x470]  }
0x18e: {  	v1 =	vadd.f32 v2, v1;
	v2 =	vmul.f32 v3, v57;
	_ =	sdelay $0x1  }
0x18f: {  	v1 =	vadd.f32 v2, v1;
	v2 =	vmul.f32 v4, v61;
	_ =	sdelay $0x1  }
0x190: {  	v1 =	vadd.f32 v2, v1;
	v2 =	vmul.f32 v63, v62;
	_ =	sdelay $0x1  }
0x191: {  	v1 =	vadd.f32 v2, v1;
	_ =	sdelay $0x1  }
0x192: {  	[tilespmem:s12+$0x80] =	vst v1  }
0x193: {  	v1 =	vld [tilespmem:s13+$0x480]  }
0x194: {  	v2 =	vld [tilespmem:s13+$0x490];
	_ =	sdelay $0x1  }
0x195: {  	v3 =	vld [tilespmem:s13+$0x4A0];
	_ =	sdelay $0x1  }
0x196: {  	v4 =	vld [tilespmem:s13+$0x4B0]  }
0x197: {  	v1 =	vmul.f32 v1, v58;
	v2 =	vmul.f32 v2, v59  }
0x198: {  	v63 =	vld [tilespmem:s13+$0x4C0]  }
0x199: {  	v1 =	vadd.f32 v2, v1;
	v2 =	vmul.f32 v3, v60  }
0x19a: {  	v3 =	vld [tilespmem:s13+$0x4D0]  }
0x19b: {  	v1 =	vadd.f32 v2, v1;
	v2 =	vmul.f32 v4, v56  }
0x19c: {  	v4 =	vld [tilespmem:s13+$0x4E0]  }
0x19d: {  	v1 =	vadd.f32 v2, v1;
	v2 =	vmul.f32 v63, v55  }
0x19e: {  	v63 =	vld [tilespmem:s13+$0x4F0]  }
0x19f: {  	v1 =	vadd.f32 v2, v1;
	v2 =	vmul.f32 v3, v57;
	_ =	sdelay $0x1  }
0x1a0: {  	v1 =	vadd.f32 v2, v1;
	v2 =	vmul.f32 v4, v61  }
0x1a1: {  	p0 =	sne.s32 s3, $0x1E00  }
.Ltmp0:
0x1a2: {  	v1 =	vadd.f32 v2, v1;
	v2 =	vmul.f32 v63, v62;
	(pc) =	sbr.rel @p0 .LBB2_3-.Ltmp0, $4  }
0x1a3: {  	_ = 	snop  }
0x1a4: {  	v1 =	vadd.f32 v2, v1  }
0x1a5: {  	s3 =	sadd.s32 $0x200, s3  }
0x1a6: {  	s2 =	sadd.s32 $0x10, s2;
	s13 =	sadd.s32 $0xA00, s13;
	[tilespmem:s12+$0x90] =	vst v1;
	s12 =	sadd.s32 $0x140, s12  }
0x1a7: {  	v2 =	vld [tilespmem:$0x1FFC0];
	_ =	sdelay $0x6  }
0x1a8: {  	v1 =	vld.idx.msk [tilespmem:v0+s23+$0x0], $0xffff  }
0x1a9: {  	v2 =	vld.idx.msk [tilespmem:v2+s23+$0x0], $0xffff  }
0x1aa: {  	v3 =	vld [tilespmem:$0x1FFD0];
	_ =	sdelay $0x1  }
0x1ab: {  	v4 =	vld [tilespmem:$0x1FFE0];
	_ =	sdelay $0x1  }
0x1ac: {  	v1 =	vadd.f32 v2, v1;
	v2 =	vld [tilespmem:$0x1FFF0];
	_ =	sdelay $0x3  }
0x1ad: {  	v3 =	vld.idx.msk [tilespmem:v3+s23+$0x0], $0xffff;
	_ =	sdelay $0x1  }
0x1ae: {  	v4 =	vld.idx.msk [tilespmem:v4+s23+$0x0], $0xffff;
	_ =	sdelay $0x1  }
0x1af: {  	v2 =	vld.idx.msk [tilespmem:v2+s23+$0x0], $0xffff  }
0x1b0: {  	v1 =	vadd.f32 v3, v1  }
0x1b1: {  	v3 =	vld.idx.msk [tilespmem:v5+s23+$0x0], $0xffff  }
0x1b2: {  	v1 =	vadd.f32 v4, v1  }
0x1b3: {  	v4 =	vld.idx.msk [tilespmem:v6+s23+$0x0], $0xffff  }
0x1b4: {  	v1 =	vadd.f32 v2, v1  }
0x1b5: {  	v2 =	vld.idx.msk [tilespmem:v7+s23+$0x0], $0xffff  }
0x1b6: {  	v1 =	vadd.f32 v3, v1  }
0x1b7: {  	v3 =	vld.idx.msk [tilespmem:v8+s23+$0x0], $0xffff  }
0x1b8: {  	v1 =	vadd.f32 v4, v1  }
0x1b9: {  	v4 =	vld.idx.msk [tilespmem:v9+s23+$0x0], $0xffff  }
0x1ba: {  	v1 =	vadd.f32 v2, v1  }
0x1bb: {  	v2 =	vld.idx.msk [tilespmem:v10+s23+$0x0], $0xffff  }
0x1bc: {  	v1 =	vadd.f32 v3, v1  }
0x1bd: {  	v3 =	vld.idx.msk [tilespmem:v11+s23+$0x0], $0xffff  }
0x1be: {  	v1 =	vadd.f32 v4, v1  }
0x1bf: {  	v4 =	vld.idx.msk [tilespmem:v13+s23+$0x0], $0xffff  }
0x1c0: {  	v1 =	vadd.f32 v2, v1  }
0x1c1: {  	v2 =	vld.idx.msk [tilespmem:v14+s23+$0x0], $0xffff  }
0x1c2: {  	v1 =	vadd.f32 v3, v1  }
0x1c3: {  	v3 =	vld.idx.msk [tilespmem:v15+s23+$0x0], $0xffff  }
0x1c4: {  	v1 =	vadd.f32 v4, v1  }
0x1c5: {  	v4 =	vld.idx.msk [tilespmem:v16+s23+$0x0], $0xffff  }
0x1c6: {  	v1 =	vadd.f32 v2, v1;
	_ =	sdelay $0x1  }
0x1c7: {  	v1 =	vadd.f32 v3, v1;
	_ =	sdelay $0x1  }
0x1c8: {  	v1 =	vadd.f32 v4, v1;
	_ =	sdelay $0x1  }
0x1c9: {  	[tilespmem:s31+$0xF100] =	vst v1  }
0x1ca: {  	v1 =	vld.idx.msk [tilespmem:v12+s24+$0x0], $0xffff  }
0x1cb: {  	v2 =	vld.idx.msk [tilespmem:v17+s24+$0x0], $0xffff;
	_ =	sdelay $0x1  }
0x1cc: {  	v3 =	vld.idx.msk [tilespmem:v18+s24+$0x0], $0xffff;
	_ =	sdelay $0x1  }
0x1cd: {  	v4 =	vld.idx.msk [tilespmem:v19+s24+$0x0], $0xffff  }
0x1ce: {  	v1 =	vadd.f32 v2, v1  }
0x1cf: {  	v2 =	vld.idx.msk [tilespmem:v20+s24+$0x0], $0xffff  }
0x1d0: {  	v1 =	vadd.f32 v3, v1  }
0x1d1: {  	v3 =	vld.idx.msk [tilespmem:v21+s24+$0x0], $0xffff  }
0x1d2: {  	v1 =	vadd.f32 v4, v1  }
0x1d3: {  	v4 =	vld.idx.msk [tilespmem:v22+s24+$0x0], $0xffff  }
0x1d4: {  	v1 =	vadd.f32 v2, v1  }
0x1d5: {  	v2 =	vld.idx.msk [tilespmem:v23+s24+$0x0], $0xffff  }
0x1d6: {  	v1 =	vadd.f32 v3, v1  }
0x1d7: {  	v3 =	vld.idx.msk [tilespmem:v24+s24+$0x0], $0xffff  }
0x1d8: {  	v1 =	vadd.f32 v4, v1  }
0x1d9: {  	v4 =	vld.idx.msk [tilespmem:v25+s24+$0x0], $0xffff  }
0x1da: {  	v1 =	vadd.f32 v2, v1  }
0x1db: {  	v2 =	vld.idx.msk [tilespmem:v26+s24+$0x0], $0xffff  }
0x1dc: {  	v1 =	vadd.f32 v3, v1  }
0x1dd: {  	v3 =	vld.idx.msk [tilespmem:v27+s24+$0x0], $0xffff  }
0x1de: {  	v1 =	vadd.f32 v4, v1  }
0x1df: {  	v4 =	vld.idx.msk [tilespmem:v28+s24+$0x0], $0xffff  }
0x1e0: {  	v1 =	vadd.f32 v2, v1  }
0x1e1: {  	v2 =	vld.idx.msk [tilespmem:v29+s24+$0x0], $0xffff  }
0x1e2: {  	v1 =	vadd.f32 v3, v1  }
0x1e3: {  	v3 =	vld.idx.msk [tilespmem:v30+s24+$0x0], $0xffff  }
0x1e4: {  	v1 =	vadd.f32 v4, v1  }
0x1e5: {  	v4 =	vld.idx.msk [tilespmem:v31+s24+$0x0], $0xffff  }
0x1e6: {  	v1 =	vadd.f32 v2, v1  }
0x1e7: {  	v2 =	vadd.s32 s30, v32  }
0x1e8: {  	v1 =	vadd.f32 v3, v1;
	_ =	sdelay $0x1  }
0x1e9: {  	v1 =	vadd.f32 v4, v1;
	_ =	sdelay $0x1  }
0x1ea: {  	[tilespmem:v2+s25+$0x0] =	vst.idx.msk $0xffff, v1  }
0x1eb: {  	v1 =	vld.idx.msk [tilespmem:v33+s24+$0x0], $0xffff  }
0x1ec: {  	v2 =	vld.idx.msk [tilespmem:v34+s24+$0x0], $0xffff;
	_ =	sdelay $0x1  }
0x1ed: {  	v3 =	vld.idx.msk [tilespmem:v35+s24+$0x0], $0xffff;
	_ =	sdelay $0x1  }
0x1ee: {  	v4 =	vld.idx.msk [tilespmem:v36+s24+$0x0], $0xffff  }
0x1ef: {  	v1 =	vadd.f32 v2, v1  }
0x1f0: {  	v2 =	vld.idx.msk [tilespmem:v37+s24+$0x0], $0xffff  }
0x1f1: {  	v1 =	vadd.f32 v3, v1  }
0x1f2: {  	v3 =	vld.idx.msk [tilespmem:v38+s24+$0x0], $0xffff  }
0x1f3: {  	v1 =	vadd.f32 v4, v1  }
0x1f4: {  	v4 =	vld.idx.msk [tilespmem:v39+s24+$0x0], $0xffff  }
0x1f5: {  	v1 =	vadd.f32 v2, v1  }
0x1f6: {  	v2 =	vld.idx.msk [tilespmem:v40+s24+$0x0], $0xffff  }
0x1f7: {  	v1 =	vadd.f32 v3, v1  }
0x1f8: {  	v3 =	vld.idx.msk [tilespmem:v41+s24+$0x0], $0xffff  }
0x1f9: {  	v1 =	vadd.f32 v4, v1  }
0x1fa: {  	v4 =	vld.idx.msk [tilespmem:v42+s24+$0x0], $0xffff  }
0x1fb: {  	v1 =	vadd.f32 v2, v1  }
0x1fc: {  	v2 =	vld.idx.msk [tilespmem:v43+s24+$0x0], $0xffff  }
0x1fd: {  	v1 =	vadd.f32 v3, v1  }
0x1fe: {  	v3 =	vld.idx.msk [tilespmem:v44+s24+$0x0], $0xffff  }
0x1ff: {  	v1 =	vadd.f32 v4, v1  }
0x200: {  	v4 =	vld.idx.msk [tilespmem:v45+s24+$0x0], $0xffff  }
0x201: {  	v1 =	vadd.f32 v2, v1  }
0x202: {  	v2 =	vld.idx.msk [tilespmem:v46+s24+$0x0], $0xffff  }
0x203: {  	v1 =	vadd.f32 v3, v1  }
0x204: {  	v3 =	vld.idx.msk [tilespmem:v47+s24+$0x0], $0xffff  }
0x205: {  	v1 =	vadd.f32 v4, v1  }
0x206: {  	v4 =	vld.idx.msk [tilespmem:v48+s24+$0x0], $0xffff  }
0x207: {  	v1 =	vadd.f32 v2, v1  }
0x208: {  	v2 =	vadd.s32 s30, v49  }
0x209: {  	v1 =	vadd.f32 v3, v1;
	_ =	sdelay $0x1  }
0x20a: {  	v1 =	vadd.f32 v4, v1;
	_ =	sdelay $0x1  }
0x20b: {  	[tilespmem:v2+s25+$0x0] =	vst.idx.msk $0xffff, v1  }
0x20c: {  	v1 =	vld.idx.msk [tilespmem:v50+s24+$0x0], $0xffff  }
0x20d: {  	v2 =	vld.idx.msk [tilespmem:v51+s24+$0x0], $0xffff;
	_ =	sdelay $0x1  }
0x20e: {  	v3 =	vld.idx.msk [tilespmem:v52+s24+$0x0], $0xffff  }
0x20f: {  	v4 =	vor.u32 $0x25, v12  }
0x210: {  	v55 =	vld.idx.msk [tilespmem:v53+s24+$0x0], $0xffff  }
0x211: {  	v1 =	vadd.f32 v2, v1;
	v2 =	vor.u32 $0x26, v12  }
0x212: {  	v56 =	vld.idx.msk [tilespmem:v54+s24+$0x0], $0xffff  }
0x213: {  	v1 =	vadd.f32 v3, v1;
	v3 =	vor.u32 $0x27, v12  }
0x214: {  	v4 =	vld.idx.msk [tilespmem:v4+s24+$0x0], $0xffff  }
0x215: {  	v62 =	vor.u32 $0x28, v12;
	v1 =	vadd.f32 v55, v1  }
0x216: {  	v2 =	vld.idx.msk [tilespmem:v2+s24+$0x0], $0xffff  }
0x217: {  	v63 =	vor.u32 $0x29, v12;
	v1 =	vadd.f32 v56, v1  }
0x218: {  	v3 =	vld.idx.msk [tilespmem:v3+s24+$0x0], $0xffff  }
0x219: {  	v1 =	vadd.f32 v4, v1;
	v4 =	vor.u32 $0x2A, v12  }
0x21a: {  	v55 =	vld.idx.msk [tilespmem:v62+s24+$0x0], $0xffff  }
0x21b: {  	v1 =	vadd.f32 v2, v1;
	v2 =	vor.u32 $0x2B, v12  }
0x21c: {  	v56 =	vld.idx.msk [tilespmem:v63+s24+$0x0], $0xffff  }
0x21d: {  	v1 =	vadd.f32 v3, v1;
	v3 =	vor.u32 $0x2C, v12  }
0x21e: {  	v4 =	vld.idx.msk [tilespmem:v4+s24+$0x0], $0xffff  }
0x21f: {  	v60 =	vor.u32 $0x2D, v12;
	v1 =	vadd.f32 v55, v1  }
0x220: {  	v2 =	vld.idx.msk [tilespmem:v2+s24+$0x0], $0xffff  }
0x221: {  	v61 =	vor.u32 $0x2E, v12;
	v1 =	vadd.f32 v56, v1  }
0x222: {  	v3 =	vld.idx.msk [tilespmem:v3+s24+$0x0], $0xffff  }
0x223: {  	v1 =	vadd.f32 v4, v1;
	v4 =	vor.u32 $0x2F, v12  }
0x224: {  	v55 =	vld.idx.msk [tilespmem:v60+s24+$0x0], $0xffff  }
0x225: {  	v1 =	vadd.f32 v2, v1  }
0x226: {  	v2 =	vld.idx.msk [tilespmem:v61+s24+$0x0], $0xffff  }
0x227: {  	v1 =	vadd.f32 v3, v1  }
0x228: {  	v3 =	vld.idx.msk [tilespmem:v4+s24+$0x0], $0xffff  }
0x229: {  	v4 =	vor.u32 $0x2, v32;
	v1 =	vadd.f32 v55, v1  }
0x22a: {  	v4 =	vadd.s32 s30, v4  }
0x22b: {  	v1 =	vadd.f32 v2, v1;
	v2 =	vor.u32 $0x30, v12  }
0x22c: {  	v62 =	vor.u32 $0x31, v12  }
0x22d: {  	v1 =	vadd.f32 v3, v1  }
0x22e: {  	v3 =	vor.u32 $0x32, v12  }
0x22f: {  	[tilespmem:v4+s25+$0x0] =	vst.idx.msk $0xffff, v1  }
0x230: {  	v1 =	vld.idx.msk [tilespmem:v2+s24+$0x0], $0xffff;
	v2 =	vor.u32 $0x33, v12  }
0x231: {  	v4 =	vld.idx.msk [tilespmem:v62+s24+$0x0], $0xffff  }
0x232: {  	v63 =	vor.u32 $0x34, v12  }
0x233: {  	v3 =	vld.idx.msk [tilespmem:v3+s24+$0x0], $0xffff  }
0x234: {  	v60 =	vor.u32 $0x35, v12  }
0x235: {  	v2 =	vld.idx.msk [tilespmem:v2+s24+$0x0], $0xffff  }
0x236: {  	v1 =	vadd.f32 v4, v1;
	v4 =	vor.u32 $0x36, v12  }
0x237: {  	v55 =	vld.idx.msk [tilespmem:v63+s24+$0x0], $0xffff  }
0x238: {  	v1 =	vadd.f32 v3, v1;
	v3 =	vor.u32 $0x37, v12  }
0x239: {  	v56 =	vld.idx.msk [tilespmem:v60+s24+$0x0], $0xffff  }
0x23a: {  	v1 =	vadd.f32 v2, v1;
	v2 =	vor.u32 $0x38, v12  }
0x23b: {  	v4 =	vld.idx.msk [tilespmem:v4+s24+$0x0], $0xffff  }
0x23c: {  	v61 =	vor.u32 $0x39, v12;
	v1 =	vadd.f32 v55, v1  }
0x23d: {  	v3 =	vld.idx.msk [tilespmem:v3+s24+$0x0], $0xffff  }
0x23e: {  	v62 =	vor.u32 $0x3A, v12;
	v1 =	vadd.f32 v56, v1  }
0x23f: {  	v2 =	vld.idx.msk [tilespmem:v2+s24+$0x0], $0xffff  }
0x240: {  	v1 =	vadd.f32 v4, v1;
	v4 =	vor.u32 $0x3B, v12  }
0x241: {  	v55 =	vld.idx.msk [tilespmem:v61+s24+$0x0], $0xffff  }
0x242: {  	v1 =	vadd.f32 v3, v1;
	v3 =	vor.u32 $0x3C, v12  }
0x243: {  	v56 =	vld.idx.msk [tilespmem:v62+s24+$0x0], $0xffff  }
0x244: {  	v1 =	vadd.f32 v2, v1;
	v2 =	vor.u32 $0x3D, v12  }
0x245: {  	v4 =	vld.idx.msk [tilespmem:v4+s24+$0x0], $0xffff  }
0x246: {  	v63 =	vor.u32 $0x3E, v12;
	v1 =	vadd.f32 v55, v1  }
0x247: {  	v3 =	vld.idx.msk [tilespmem:v3+s24+$0x0], $0xffff  }
0x248: {  	v60 =	vor.u32 $0x3F, v12;
	v1 =	vadd.f32 v56, v1  }
0x249: {  	v2 =	vld.idx.msk [tilespmem:v2+s24+$0x0], $0xffff  }
0x24a: {  	v1 =	vadd.f32 v4, v1  }
0x24b: {  	v4 =	vld.idx.msk [tilespmem:v63+s24+$0x0], $0xffff  }
0x24c: {  	v1 =	vadd.f32 v3, v1  }
0x24d: {  	v3 =	vld.idx.msk [tilespmem:v60+s24+$0x0], $0xffff  }
0x24e: {  	v1 =	vadd.f32 v2, v1;
	v2 =	vor.u32 $0x3, v32  }
0x24f: {  	v2 =	vadd.s32 s30, v2  }
0x250: {  	v1 =	vadd.f32 v4, v1;
	v4 =	vadd.s32 $0x40, v12  }
0x251: {  	v61 =	vadd.s32 $0x41, v12  }
0x252: {  	v1 =	vadd.f32 v3, v1  }
0x253: {  	v3 =	vadd.s32 $0x42, v12  }
0x254: {  	[tilespmem:v2+s25+$0x0] =	vst.idx.msk $0xffff, v1  }
0x255: {  	v2 =	vadd.s32 $0x43, v12;
	v1 =	vld.idx.msk [tilespmem:v4+s24+$0x0], $0xffff  }
0x256: {  	v4 =	vld.idx.msk [tilespmem:v61+s24+$0x0], $0xffff  }
0x257: {  	v62 =	vadd.s32 $0x44, v12  }
0x258: {  	v3 =	vld.idx.msk [tilespmem:v3+s24+$0x0], $0xffff  }
0x259: {  	v63 =	vadd.s32 $0x45, v12  }
0x25a: {  	v2 =	vld.idx.msk [tilespmem:v2+s24+$0x0], $0xffff  }
0x25b: {  	v1 =	vadd.f32 v4, v1;
	v4 =	vadd.s32 $0x46, v12  }
0x25c: {  	v55 =	vld.idx.msk [tilespmem:v62+s24+$0x0], $0xffff  }
0x25d: {  	v1 =	vadd.f32 v3, v1;
	v3 =	vadd.s32 $0x47, v12  }
0x25e: {  	v56 =	vld.idx.msk [tilespmem:v63+s24+$0x0], $0xffff  }
0x25f: {  	v1 =	vadd.f32 v2, v1;
	v2 =	vadd.s32 $0x48, v12  }
0x260: {  	v4 =	vld.idx.msk [tilespmem:v4+s24+$0x0], $0xffff  }
0x261: {  	v60 =	vadd.s32 $0x49, v12;
	v1 =	vadd.f32 v55, v1  }
0x262: {  	v3 =	vld.idx.msk [tilespmem:v3+s24+$0x0], $0xffff  }
0x263: {  	v61 =	vadd.s32 $0x4A, v12;
	v1 =	vadd.f32 v56, v1  }
0x264: {  	v2 =	vld.idx.msk [tilespmem:v2+s24+$0x0], $0xffff  }
0x265: {  	v1 =	vadd.f32 v4, v1;
	v4 =	vadd.s32 $0x4B, v12  }
0x266: {  	v55 =	vld.idx.msk [tilespmem:v60+s24+$0x0], $0xffff  }
0x267: {  	v1 =	vadd.f32 v3, v1;
	v3 =	vadd.s32 $0x4C, v12  }
0x268: {  	v56 =	vld.idx.msk [tilespmem:v61+s24+$0x0], $0xffff  }
0x269: {  	v1 =	vadd.f32 v2, v1;
	v2 =	vadd.s32 $0x4D, v12  }
0x26a: {  	v4 =	vld.idx.msk [tilespmem:v4+s24+$0x0], $0xffff  }
0x26b: {  	v62 =	vadd.s32 $0x4E, v12;
	v1 =	vadd.f32 v55, v1  }
0x26c: {  	v3 =	vld.idx.msk [tilespmem:v3+s24+$0x0], $0xffff  }
0x26d: {  	v63 =	vadd.s32 $0x4F, v12;
	v1 =	vadd.f32 v56, v1  }
0x26e: {  	v2 =	vld.idx.msk [tilespmem:v2+s24+$0x0], $0xffff  }
0x26f: {  	v1 =	vadd.f32 v4, v1  }
0x270: {  	v4 =	vld.idx.msk [tilespmem:v62+s24+$0x0], $0xffff  }
0x271: {  	v1 =	vadd.f32 v3, v1  }
0x272: {  	v3 =	vld.idx.msk [tilespmem:v63+s24+$0x0], $0xffff  }
0x273: {  	v1 =	vadd.f32 v2, v1;
	v2 =	vadd.s32 $0x4, v32  }
0x274: {  	v2 =	vadd.s32 s30, v2  }
0x275: {  	v1 =	vadd.f32 v4, v1;
	v4 =	vadd.s32 $0x50, v12  }
0x276: {  	v59 =	vadd.s32 $0x51, v12  }
0x277: {  	v1 =	vadd.f32 v3, v1  }
0x278: {  	v3 =	vadd.s32 $0x52, v12  }
0x279: {  	[tilespmem:v2+s25+$0x0] =	vst.idx.msk $0xffff, v1  }
0x27a: {  	v2 =	vadd.s32 $0x53, v12;
	v1 =	vld.idx.msk [tilespmem:v4+s24+$0x0], $0xffff  }
0x27b: {  	v4 =	vld.idx.msk [tilespmem:v59+s24+$0x0], $0xffff  }
0x27c: {  	v60 =	vadd.s32 $0x54, v12  }
0x27d: {  	v3 =	vld.idx.msk [tilespmem:v3+s24+$0x0], $0xffff  }
0x27e: {  	v61 =	vadd.s32 $0x55, v12  }
0x27f: {  	v2 =	vld.idx.msk [tilespmem:v2+s24+$0x0], $0xffff  }
0x280: {  	v1 =	vadd.f32 v4, v1;
	v4 =	vadd.s32 $0x56, v12  }
0x281: {  	v55 =	vld.idx.msk [tilespmem:v60+s24+$0x0], $0xffff  }
0x282: {  	v1 =	vadd.f32 v3, v1;
	v3 =	vadd.s32 $0x57, v12  }
0x283: {  	v56 =	vld.idx.msk [tilespmem:v61+s24+$0x0], $0xffff  }
0x284: {  	v1 =	vadd.f32 v2, v1;
	v2 =	vadd.s32 $0x58, v12  }
0x285: {  	v4 =	vld.idx.msk [tilespmem:v4+s24+$0x0], $0xffff  }
0x286: {  	v62 =	vadd.s32 $0x59, v12;
	v1 =	vadd.f32 v55, v1  }
0x287: {  	v3 =	vld.idx.msk [tilespmem:v3+s24+$0x0], $0xffff  }
0x288: {  	v63 =	vadd.s32 $0x5A, v12;
	v1 =	vadd.f32 v56, v1  }
0x289: {  	v2 =	vld.idx.msk [tilespmem:v2+s24+$0x0], $0xffff  }
0x28a: {  	v1 =	vadd.f32 v4, v1;
	v4 =	vadd.s32 $0x5B, v12  }
0x28b: {  	v55 =	vld.idx.msk [tilespmem:v62+s24+$0x0], $0xffff  }
0x28c: {  	v1 =	vadd.f32 v3, v1;
	v3 =	vadd.s32 $0x5C, v12  }
0x28d: {  	v56 =	vld.idx.msk [tilespmem:v63+s24+$0x0], $0xffff  }
0x28e: {  	v1 =	vadd.f32 v2, v1;
	v2 =	vadd.s32 $0x5D, v12  }
0x28f: {  	v4 =	vld.idx.msk [tilespmem:v4+s24+$0x0], $0xffff  }
0x290: {  	v60 =	vadd.s32 $0x5E, v12;
	v1 =	vadd.f32 v55, v1  }
0x291: {  	v3 =	vld.idx.msk [tilespmem:v3+s24+$0x0], $0xffff  }
0x292: {  	v61 =	vadd.s32 $0x5F, v12;
	v1 =	vadd.f32 v56, v1  }
0x293: {  	v2 =	vld.idx.msk [tilespmem:v2+s24+$0x0], $0xffff  }
0x294: {  	v1 =	vadd.f32 v4, v1  }
0x295: {  	v4 =	vld.idx.msk [tilespmem:v60+s24+$0x0], $0xffff  }
0x296: {  	v1 =	vadd.f32 v3, v1  }
0x297: {  	v3 =	vld.idx.msk [tilespmem:v61+s24+$0x0], $0xffff  }
0x298: {  	v1 =	vadd.f32 v2, v1;
	v2 =	vadd.s32 $0x5, v32  }
0x299: {  	v2 =	vadd.s32 s30, v2  }
0x29a: {  	v1 =	vadd.f32 v4, v1;
	v4 =	vadd.s32 $0x60, v12  }
0x29b: {  	v62 =	vadd.s32 $0x61, v12  }
0x29c: {  	v1 =	vadd.f32 v3, v1  }
0x29d: {  	v3 =	vadd.s32 $0x62, v12  }
0x29e: {  	[tilespmem:v2+s25+$0x0] =	vst.idx.msk $0xffff, v1  }
0x29f: {  	v2 =	vadd.s32 $0x63, v12;
	v1 =	vld.idx.msk [tilespmem:v4+s24+$0x0], $0xffff  }
0x2a0: {  	v4 =	vld.idx.msk [tilespmem:v62+s24+$0x0], $0xffff  }
0x2a1: {  	v63 =	vadd.s32 $0x64, v12  }
0x2a2: {  	v3 =	vld.idx.msk [tilespmem:v3+s24+$0x0], $0xffff  }
0x2a3: {  	v60 =	vadd.s32 $0x65, v12  }
0x2a4: {  	v2 =	vld.idx.msk [tilespmem:v2+s24+$0x0], $0xffff  }
0x2a5: {  	v1 =	vadd.f32 v4, v1;
	v4 =	vadd.s32 $0x66, v12  }
0x2a6: {  	v55 =	vld.idx.msk [tilespmem:v63+s24+$0x0], $0xffff  }
0x2a7: {  	v1 =	vadd.f32 v3, v1;
	v3 =	vadd.s32 $0x67, v12  }
0x2a8: {  	v56 =	vld.idx.msk [tilespmem:v60+s24+$0x0], $0xffff  }
0x2a9: {  	v1 =	vadd.f32 v2, v1;
	v2 =	vadd.s32 $0x68, v12  }
0x2aa: {  	v4 =	vld.idx.msk [tilespmem:v4+s24+$0x0], $0xffff  }
0x2ab: {  	v61 =	vadd.s32 $0x69, v12;
	v1 =	vadd.f32 v55, v1  }
0x2ac: {  	v3 =	vld.idx.msk [tilespmem:v3+s24+$0x0], $0xffff  }
0x2ad: {  	v62 =	vadd.s32 $0x6A, v12;
	v1 =	vadd.f32 v56, v1  }
0x2ae: {  	v2 =	vld.idx.msk [tilespmem:v2+s24+$0x0], $0xffff  }
0x2af: {  	v1 =	vadd.f32 v4, v1;
	v4 =	vadd.s32 $0x6B, v12  }
0x2b0: {  	v55 =	vld.idx.msk [tilespmem:v61+s24+$0x0], $0xffff  }
0x2b1: {  	v1 =	vadd.f32 v3, v1;
	v3 =	vadd.s32 $0x6C, v12  }
0x2b2: {  	v56 =	vld.idx.msk [tilespmem:v62+s24+$0x0], $0xffff  }
0x2b3: {  	v1 =	vadd.f32 v2, v1;
	v2 =	vadd.s32 $0x6D, v12  }
0x2b4: {  	v4 =	vld.idx.msk [tilespmem:v4+s24+$0x0], $0xffff  }
0x2b5: {  	v63 =	vadd.s32 $0x6E, v12;
	v1 =	vadd.f32 v55, v1  }
0x2b6: {  	v3 =	vld.idx.msk [tilespmem:v3+s24+$0x0], $0xffff  }
0x2b7: {  	v60 =	vadd.s32 $0x6F, v12;
	v1 =	vadd.f32 v56, v1  }
0x2b8: {  	v2 =	vld.idx.msk [tilespmem:v2+s24+$0x0], $0xffff  }
0x2b9: {  	v1 =	vadd.f32 v4, v1  }
0x2ba: {  	v4 =	vld.idx.msk [tilespmem:v63+s24+$0x0], $0xffff  }
0x2bb: {  	v1 =	vadd.f32 v3, v1  }
0x2bc: {  	v3 =	vld.idx.msk [tilespmem:v60+s24+$0x0], $0xffff  }
0x2bd: {  	v1 =	vadd.f32 v2, v1;
	v2 =	vadd.s32 $0x6, v32  }
0x2be: {  	v2 =	vadd.s32 s30, v2  }
0x2bf: {  	v1 =	vadd.f32 v4, v1;
	v4 =	vadd.s32 $0x70, v12  }
0x2c0: {  	v61 =	vadd.s32 $0x71, v12  }
0x2c1: {  	v1 =	vadd.f32 v3, v1  }
0x2c2: {  	v3 =	vadd.s32 $0x72, v12  }
0x2c3: {  	[tilespmem:v2+s25+$0x0] =	vst.idx.msk $0xffff, v1  }
0x2c4: {  	v2 =	vadd.s32 $0x73, v12;
	v1 =	vld.idx.msk [tilespmem:v4+s24+$0x0], $0xffff  }
0x2c5: {  	v4 =	vld.idx.msk [tilespmem:v61+s24+$0x0], $0xffff  }
0x2c6: {  	v62 =	vadd.s32 $0x74, v12  }
0x2c7: {  	v3 =	vld.idx.msk [tilespmem:v3+s24+$0x0], $0xffff  }
0x2c8: {  	v63 =	vadd.s32 $0x75, v12  }
0x2c9: {  	v2 =	vld.idx.msk [tilespmem:v2+s24+$0x0], $0xffff  }
0x2ca: {  	v1 =	vadd.f32 v4, v1;
	v4 =	vadd.s32 $0x76, v12  }
0x2cb: {  	v55 =	vld.idx.msk [tilespmem:v62+s24+$0x0], $0xffff  }
0x2cc: {  	v1 =	vadd.f32 v3, v1;
	v3 =	vadd.s32 $0x77, v12  }
0x2cd: {  	v56 =	vld.idx.msk [tilespmem:v63+s24+$0x0], $0xffff  }
0x2ce: {  	v1 =	vadd.f32 v2, v1;
	v2 =	vadd.s32 $0x78, v12  }
0x2cf: {  	v4 =	vld.idx.msk [tilespmem:v4+s24+$0x0], $0xffff  }
0x2d0: {  	v60 =	vadd.s32 $0x79, v12;
	v1 =	vadd.f32 v55, v1  }
0x2d1: {  	v3 =	vld.idx.msk [tilespmem:v3+s24+$0x0], $0xffff  }
0x2d2: {  	v61 =	vadd.s32 $0x7A, v12;
	v1 =	vadd.f32 v56, v1  }
0x2d3: {  	v2 =	vld.idx.msk [tilespmem:v2+s24+$0x0], $0xffff  }
0x2d4: {  	v1 =	vadd.f32 v4, v1;
	v4 =	vadd.s32 $0x7B, v12  }
0x2d5: {  	v55 =	vld.idx.msk [tilespmem:v60+s24+$0x0], $0xffff  }
0x2d6: {  	v1 =	vadd.f32 v3, v1;
	v3 =	vadd.s32 $0x7C, v12  }
0x2d7: {  	v56 =	vld.idx.msk [tilespmem:v61+s24+$0x0], $0xffff  }
0x2d8: {  	v1 =	vadd.f32 v2, v1;
	v2 =	vadd.s32 $0x7D, v12  }
0x2d9: {  	v4 =	vld.idx.msk [tilespmem:v4+s24+$0x0], $0xffff  }
0x2da: {  	v62 =	vadd.s32 $0x7E, v12;
	v1 =	vadd.f32 v55, v1  }
0x2db: {  	v3 =	vld.idx.msk [tilespmem:v3+s24+$0x0], $0xffff  }
0x2dc: {  	v63 =	vadd.s32 $0x7F, v12;
	v1 =	vadd.f32 v56, v1  }
0x2dd: {  	v2 =	vld.idx.msk [tilespmem:v2+s24+$0x0], $0xffff  }
0x2de: {  	v1 =	vadd.f32 v4, v1  }
0x2df: {  	v4 =	vld.idx.msk [tilespmem:v62+s24+$0x0], $0xffff  }
0x2e0: {  	v1 =	vadd.f32 v3, v1  }
0x2e1: {  	v3 =	vld.idx.msk [tilespmem:v63+s24+$0x0], $0xffff  }
0x2e2: {  	v1 =	vadd.f32 v2, v1;
	v2 =	vadd.s32 $0x7, v32  }
0x2e3: {  	v2 =	vadd.s32 s30, v2  }
0x2e4: {  	v1 =	vadd.f32 v4, v1;
	v4 =	vadd.s32 $0x80, v12  }
0x2e5: {  	v59 =	vadd.s32 $0x81, v12  }
0x2e6: {  	v1 =	vadd.f32 v3, v1  }
0x2e7: {  	v3 =	vadd.s32 $0x82, v12  }
0x2e8: {  	[tilespmem:v2+s25+$0x0] =	vst.idx.msk $0xffff, v1  }
0x2e9: {  	v2 =	vadd.s32 $0x83, v12;
	v1 =	vld.idx.msk [tilespmem:v4+s24+$0x0], $0xffff  }
0x2ea: {  	v4 =	vld.idx.msk [tilespmem:v59+s24+$0x0], $0xffff  }
0x2eb: {  	v60 =	vadd.s32 $0x84, v12  }
0x2ec: {  	v3 =	vld.idx.msk [tilespmem:v3+s24+$0x0], $0xffff  }
0x2ed: {  	v61 =	vadd.s32 $0x85, v12  }
0x2ee: {  	v2 =	vld.idx.msk [tilespmem:v2+s24+$0x0], $0xffff  }
0x2ef: {  	v1 =	vadd.f32 v4, v1;
	v4 =	vadd.s32 $0x86, v12  }
0x2f0: {  	v55 =	vld.idx.msk [tilespmem:v60+s24+$0x0], $0xffff  }
0x2f1: {  	v1 =	vadd.f32 v3, v1;
	v3 =	vadd.s32 $0x87, v12  }
0x2f2: {  	v56 =	vld.idx.msk [tilespmem:v61+s24+$0x0], $0xffff  }
0x2f3: {  	v1 =	vadd.f32 v2, v1;
	v2 =	vadd.s32 $0x88, v12  }
0x2f4: {  	v4 =	vld.idx.msk [tilespmem:v4+s24+$0x0], $0xffff  }
0x2f5: {  	v62 =	vadd.s32 $0x89, v12;
	v1 =	vadd.f32 v55, v1  }
0x2f6: {  	v3 =	vld.idx.msk [tilespmem:v3+s24+$0x0], $0xffff  }
0x2f7: {  	v63 =	vadd.s32 $0x8A, v12;
	v1 =	vadd.f32 v56, v1  }
0x2f8: {  	v2 =	vld.idx.msk [tilespmem:v2+s24+$0x0], $0xffff  }
0x2f9: {  	v1 =	vadd.f32 v4, v1;
	v4 =	vadd.s32 $0x8B, v12  }
0x2fa: {  	v55 =	vld.idx.msk [tilespmem:v62+s24+$0x0], $0xffff  }
0x2fb: {  	v1 =	vadd.f32 v3, v1;
	v3 =	vadd.s32 $0x8C, v12  }
0x2fc: {  	v56 =	vld.idx.msk [tilespmem:v63+s24+$0x0], $0xffff  }
0x2fd: {  	v1 =	vadd.f32 v2, v1;
	v2 =	vadd.s32 $0x8D, v12  }
0x2fe: {  	v4 =	vld.idx.msk [tilespmem:v4+s24+$0x0], $0xffff  }
0x2ff: {  	v60 =	vadd.s32 $0x8E, v12;
	v1 =	vadd.f32 v55, v1  }
0x300: {  	v3 =	vld.idx.msk [tilespmem:v3+s24+$0x0], $0xffff  }
0x301: {  	v61 =	vadd.s32 $0x8F, v12;
	v1 =	vadd.f32 v56, v1  }
0x302: {  	v2 =	vld.idx.msk [tilespmem:v2+s24+$0x0], $0xffff  }
0x303: {  	v1 =	vadd.f32 v4, v1  }
0x304: {  	v4 =	vld.idx.msk [tilespmem:v60+s24+$0x0], $0xffff  }
0x305: {  	v1 =	vadd.f32 v3, v1  }
0x306: {  	v3 =	vld.idx.msk [tilespmem:v61+s24+$0x0], $0xffff  }
0x307: {  	v1 =	vadd.f32 v2, v1;
	v2 =	vadd.s32 $0x8, v32  }
0x308: {  	v2 =	vadd.s32 s30, v2  }
0x309: {  	v1 =	vadd.f32 v4, v1;
	v4 =	vadd.s32 $0x90, v12  }
0x30a: {  	v62 =	vadd.s32 $0x91, v12  }
0x30b: {  	v1 =	vadd.f32 v3, v1  }
0x30c: {  	v3 =	vadd.s32 $0x92, v12  }
0x30d: {  	[tilespmem:v2+s25+$0x0] =	vst.idx.msk $0xffff, v1  }
0x30e: {  	v2 =	vadd.s32 $0x93, v12;
	v1 =	vld.idx.msk [tilespmem:v4+s24+$0x0], $0xffff  }
0x30f: {  	v4 =	vld.idx.msk [tilespmem:v62+s24+$0x0], $0xffff  }
0x310: {  	v63 =	vadd.s32 $0x94, v12  }
0x311: {  	v3 =	vld.idx.msk [tilespmem:v3+s24+$0x0], $0xffff  }
0x312: {  	v60 =	vadd.s32 $0x95, v12  }
0x313: {  	v2 =	vld.idx.msk [tilespmem:v2+s24+$0x0], $0xffff  }
0x314: {  	v1 =	vadd.f32 v4, v1;
	v4 =	vadd.s32 $0x96, v12  }
0x315: {  	v55 =	vld.idx.msk [tilespmem:v63+s24+$0x0], $0xffff  }
0x316: {  	v1 =	vadd.f32 v3, v1;
	v3 =	vadd.s32 $0x97, v12  }
0x317: {  	v56 =	vld.idx.msk [tilespmem:v60+s24+$0x0], $0xffff  }
0x318: {  	v1 =	vadd.f32 v2, v1;
	v2 =	vadd.s32 $0x98, v12  }
0x319: {  	v4 =	vld.idx.msk [tilespmem:v4+s24+$0x0], $0xffff  }
0x31a: {  	v61 =	vadd.s32 $0x99, v12;
	v1 =	vadd.f32 v55, v1  }
0x31b: {  	v3 =	vld.idx.msk [tilespmem:v3+s24+$0x0], $0xffff  }
0x31c: {  	v62 =	vadd.s32 $0x9A, v12;
	v1 =	vadd.f32 v56, v1  }
0x31d: {  	v2 =	vld.idx.msk [tilespmem:v2+s24+$0x0], $0xffff  }
0x31e: {  	v1 =	vadd.f32 v4, v1;
	v4 =	vadd.s32 $0x9B, v12  }
0x31f: {  	v55 =	vld.idx.msk [tilespmem:v61+s24+$0x0], $0xffff  }
0x320: {  	v1 =	vadd.f32 v3, v1;
	v3 =	vadd.s32 $0x9C, v12  }
0x321: {  	v56 =	vld.idx.msk [tilespmem:v62+s24+$0x0], $0xffff  }
0x322: {  	v1 =	vadd.f32 v2, v1;
	v2 =	vadd.s32 $0x9D, v12  }
0x323: {  	v4 =	vld.idx.msk [tilespmem:v4+s24+$0x0], $0xffff  }
0x324: {  	v63 =	vadd.s32 $0x9E, v12;
	v1 =	vadd.f32 v55, v1  }
0x325: {  	v3 =	vld.idx.msk [tilespmem:v3+s24+$0x0], $0xffff  }
0x326: {  	v60 =	vadd.s32 $0x9F, v12;
	v1 =	vadd.f32 v56, v1  }
0x327: {  	v2 =	vld.idx.msk [tilespmem:v2+s24+$0x0], $0xffff  }
0x328: {  	v1 =	vadd.f32 v4, v1  }
0x329: {  	v4 =	vld.idx.msk [tilespmem:v63+s24+$0x0], $0xffff  }
0x32a: {  	v1 =	vadd.f32 v3, v1  }
0x32b: {  	v3 =	vld.idx.msk [tilespmem:v60+s24+$0x0], $0xffff  }
0x32c: {  	v1 =	vadd.f32 v2, v1;
	v2 =	vadd.s32 $0x9, v32  }
0x32d: {  	v2 =	vadd.s32 s30, v2  }
0x32e: {  	v1 =	vadd.f32 v4, v1;
	v4 =	vadd.s32 $0xA0, v12  }
0x32f: {  	v61 =	vadd.s32 $0xA1, v12  }
0x330: {  	v1 =	vadd.f32 v3, v1  }
0x331: {  	v3 =	vadd.s32 $0xA2, v12  }
0x332: {  	[tilespmem:v2+s25+$0x0] =	vst.idx.msk $0xffff, v1  }
0x333: {  	v2 =	vadd.s32 $0xA3, v12;
	v1 =	vld.idx.msk [tilespmem:v4+s24+$0x0], $0xffff  }
0x334: {  	v4 =	vld.idx.msk [tilespmem:v61+s24+$0x0], $0xffff  }
0x335: {  	v62 =	vadd.s32 $0xA4, v12  }
0x336: {  	v3 =	vld.idx.msk [tilespmem:v3+s24+$0x0], $0xffff  }
0x337: {  	v63 =	vadd.s32 $0xA5, v12  }
0x338: {  	v2 =	vld.idx.msk [tilespmem:v2+s24+$0x0], $0xffff  }
0x339: {  	v1 =	vadd.f32 v4, v1;
	v4 =	vadd.s32 $0xA6, v12  }
0x33a: {  	v55 =	vld.idx.msk [tilespmem:v62+s24+$0x0], $0xffff  }
0x33b: {  	v1 =	vadd.f32 v3, v1;
	v3 =	vadd.s32 $0xA7, v12  }
0x33c: {  	v56 =	vld.idx.msk [tilespmem:v63+s24+$0x0], $0xffff  }
0x33d: {  	v1 =	vadd.f32 v2, v1;
	v2 =	vadd.s32 $0xA8, v12  }
0x33e: {  	v4 =	vld.idx.msk [tilespmem:v4+s24+$0x0], $0xffff  }
0x33f: {  	v60 =	vadd.s32 $0xA9, v12;
	v1 =	vadd.f32 v55, v1  }
0x340: {  	v3 =	vld.idx.msk [tilespmem:v3+s24+$0x0], $0xffff  }
0x341: {  	v61 =	vadd.s32 $0xAA, v12;
	v1 =	vadd.f32 v56, v1  }
0x342: {  	v2 =	vld.idx.msk [tilespmem:v2+s24+$0x0], $0xffff  }
0x343: {  	v1 =	vadd.f32 v4, v1;
	v4 =	vadd.s32 $0xAB, v12  }
0x344: {  	v55 =	vld.idx.msk [tilespmem:v60+s24+$0x0], $0xffff  }
0x345: {  	v1 =	vadd.f32 v3, v1;
	v3 =	vadd.s32 $0xAC, v12  }
0x346: {  	v56 =	vld.idx.msk [tilespmem:v61+s24+$0x0], $0xffff  }
0x347: {  	v1 =	vadd.f32 v2, v1;
	v2 =	vadd.s32 $0xAD, v12  }
0x348: {  	v4 =	vld.idx.msk [tilespmem:v4+s24+$0x0], $0xffff  }
0x349: {  	v62 =	vadd.s32 $0xAE, v12;
	v1 =	vadd.f32 v55, v1  }
0x34a: {  	v3 =	vld.idx.msk [tilespmem:v3+s24+$0x0], $0xffff  }
0x34b: {  	v63 =	vadd.s32 $0xAF, v12;
	v1 =	vadd.f32 v56, v1  }
0x34c: {  	v2 =	vld.idx.msk [tilespmem:v2+s24+$0x0], $0xffff  }
0x34d: {  	v1 =	vadd.f32 v4, v1  }
0x34e: {  	v4 =	vld.idx.msk [tilespmem:v62+s24+$0x0], $0xffff  }
0x34f: {  	v1 =	vadd.f32 v3, v1  }
0x350: {  	v3 =	vld.idx.msk [tilespmem:v63+s24+$0x0], $0xffff  }
0x351: {  	v1 =	vadd.f32 v2, v1;
	v2 =	vadd.s32 $0xA, v32  }
0x352: {  	v2 =	vadd.s32 s30, v2  }
0x353: {  	v1 =	vadd.f32 v4, v1;
	v4 =	vadd.s32 $0xB0, v12  }
0x354: {  	v59 =	vadd.s32 $0xB1, v12  }
0x355: {  	v1 =	vadd.f32 v3, v1  }
0x356: {  	v3 =	vadd.s32 $0xB2, v12  }
0x357: {  	[tilespmem:v2+s25+$0x0] =	vst.idx.msk $0xffff, v1  }
0x358: {  	v2 =	vadd.s32 $0xB3, v12;
	v1 =	vld.idx.msk [tilespmem:v4+s24+$0x0], $0xffff  }
0x359: {  	v4 =	vld.idx.msk [tilespmem:v59+s24+$0x0], $0xffff  }
0x35a: {  	v60 =	vadd.s32 $0xB4, v12  }
0x35b: {  	v3 =	vld.idx.msk [tilespmem:v3+s24+$0x0], $0xffff  }
0x35c: {  	v61 =	vadd.s32 $0xB5, v12  }
0x35d: {  	v2 =	vld.idx.msk [tilespmem:v2+s24+$0x0], $0xffff  }
0x35e: {  	v1 =	vadd.f32 v4, v1;
	v4 =	vadd.s32 $0xB6, v12  }
0x35f: {  	v55 =	vld.idx.msk [tilespmem:v60+s24+$0x0], $0xffff  }
0x360: {  	v1 =	vadd.f32 v3, v1;
	v3 =	vadd.s32 $0xB7, v12  }
0x361: {  	v56 =	vld.idx.msk [tilespmem:v61+s24+$0x0], $0xffff  }
0x362: {  	v1 =	vadd.f32 v2, v1;
	v2 =	vadd.s32 $0xB8, v12  }
0x363: {  	v4 =	vld.idx.msk [tilespmem:v4+s24+$0x0], $0xffff  }
0x364: {  	v62 =	vadd.s32 $0xB9, v12;
	v1 =	vadd.f32 v55, v1  }
0x365: {  	v3 =	vld.idx.msk [tilespmem:v3+s24+$0x0], $0xffff  }
0x366: {  	v63 =	vadd.s32 $0xBA, v12;
	v1 =	vadd.f32 v56, v1  }
0x367: {  	v2 =	vld.idx.msk [tilespmem:v2+s24+$0x0], $0xffff  }
0x368: {  	v1 =	vadd.f32 v4, v1;
	v4 =	vadd.s32 $0xBB, v12  }
0x369: {  	v55 =	vld.idx.msk [tilespmem:v62+s24+$0x0], $0xffff  }
0x36a: {  	v1 =	vadd.f32 v3, v1;
	v3 =	vadd.s32 $0xBC, v12  }
0x36b: {  	v56 =	vld.idx.msk [tilespmem:v63+s24+$0x0], $0xffff  }
0x36c: {  	v1 =	vadd.f32 v2, v1;
	v2 =	vadd.s32 $0xBD, v12  }
0x36d: {  	v4 =	vld.idx.msk [tilespmem:v4+s24+$0x0], $0xffff  }
0x36e: {  	v60 =	vadd.s32 $0xBE, v12;
	v1 =	vadd.f32 v55, v1  }
0x36f: {  	v3 =	vld.idx.msk [tilespmem:v3+s24+$0x0], $0xffff  }
0x370: {  	v61 =	vadd.s32 $0xBF, v12;
	v1 =	vadd.f32 v56, v1  }
0x371: {  	v2 =	vld.idx.msk [tilespmem:v2+s24+$0x0], $0xffff  }
0x372: {  	v1 =	vadd.f32 v4, v1  }
0x373: {  	v4 =	vld.idx.msk [tilespmem:v60+s24+$0x0], $0xffff  }
0x374: {  	v1 =	vadd.f32 v3, v1  }
0x375: {  	v3 =	vld.idx.msk [tilespmem:v61+s24+$0x0], $0xffff  }
0x376: {  	v1 =	vadd.f32 v2, v1;
	v2 =	vadd.s32 $0xB, v32  }
0x377: {  	v2 =	vadd.s32 s30, v2  }
0x378: {  	v1 =	vadd.f32 v4, v1;
	v4 =	vadd.s32 $0xC0, v12  }
0x379: {  	v62 =	vadd.s32 $0xC1, v12  }
0x37a: {  	v1 =	vadd.f32 v3, v1  }
0x37b: {  	v3 =	vadd.s32 $0xC2, v12  }
0x37c: {  	[tilespmem:v2+s25+$0x0] =	vst.idx.msk $0xffff, v1  }
0x37d: {  	v2 =	vadd.s32 $0xC3, v12;
	v1 =	vld.idx.msk [tilespmem:v4+s24+$0x0], $0xffff  }
0x37e: {  	v4 =	vld.idx.msk [tilespmem:v62+s24+$0x0], $0xffff  }
0x37f: {  	v63 =	vadd.s32 $0xC4, v12  }
0x380: {  	v3 =	vld.idx.msk [tilespmem:v3+s24+$0x0], $0xffff  }
0x381: {  	v60 =	vadd.s32 $0xC5, v12  }
0x382: {  	v2 =	vld.idx.msk [tilespmem:v2+s24+$0x0], $0xffff  }
0x383: {  	v1 =	vadd.f32 v4, v1;
	v4 =	vadd.s32 $0xC6, v12  }
0x384: {  	v55 =	vld.idx.msk [tilespmem:v63+s24+$0x0], $0xffff  }
0x385: {  	v1 =	vadd.f32 v3, v1;
	v3 =	vadd.s32 $0xC7, v12  }
0x386: {  	v56 =	vld.idx.msk [tilespmem:v60+s24+$0x0], $0xffff  }
0x387: {  	v1 =	vadd.f32 v2, v1;
	v2 =	vadd.s32 $0xC8, v12  }
0x388: {  	v4 =	vld.idx.msk [tilespmem:v4+s24+$0x0], $0xffff  }
0x389: {  	v61 =	vadd.s32 $0xC9, v12;
	v1 =	vadd.f32 v55, v1  }
0x38a: {  	v3 =	vld.idx.msk [tilespmem:v3+s24+$0x0], $0xffff  }
0x38b: {  	v62 =	vadd.s32 $0xCA, v12;
	v1 =	vadd.f32 v56, v1  }
0x38c: {  	v2 =	vld.idx.msk [tilespmem:v2+s24+$0x0], $0xffff  }
0x38d: {  	v1 =	vadd.f32 v4, v1;
	v4 =	vadd.s32 $0xCB, v12  }
0x38e: {  	v55 =	vld.idx.msk [tilespmem:v61+s24+$0x0], $0xffff  }
0x38f: {  	v1 =	vadd.f32 v3, v1;
	v3 =	vadd.s32 $0xCC, v12  }
0x390: {  	v56 =	vld.idx.msk [tilespmem:v62+s24+$0x0], $0xffff  }
0x391: {  	v1 =	vadd.f32 v2, v1;
	v2 =	vadd.s32 $0xCD, v12  }
0x392: {  	v4 =	vld.idx.msk [tilespmem:v4+s24+$0x0], $0xffff  }
0x393: {  	v63 =	vadd.s32 $0xCE, v12;
	v1 =	vadd.f32 v55, v1  }
0x394: {  	v3 =	vld.idx.msk [tilespmem:v3+s24+$0x0], $0xffff  }
0x395: {  	v60 =	vadd.s32 $0xCF, v12;
	v1 =	vadd.f32 v56, v1  }
0x396: {  	v2 =	vld.idx.msk [tilespmem:v2+s24+$0x0], $0xffff  }
0x397: {  	v1 =	vadd.f32 v4, v1  }
0x398: {  	v4 =	vld.idx.msk [tilespmem:v63+s24+$0x0], $0xffff  }
0x399: {  	v1 =	vadd.f32 v3, v1  }
0x39a: {  	v3 =	vld.idx.msk [tilespmem:v60+s24+$0x0], $0xffff  }
0x39b: {  	v1 =	vadd.f32 v2, v1;
	v2 =	vadd.s32 $0xC, v32  }
0x39c: {  	v2 =	vadd.s32 s30, v2  }
0x39d: {  	v1 =	vadd.f32 v4, v1;
	v4 =	vadd.s32 $0xD0, v12  }
0x39e: {  	v61 =	vadd.s32 $0xD1, v12  }
0x39f: {  	v1 =	vadd.f32 v3, v1  }
0x3a0: {  	v3 =	vadd.s32 $0xD2, v12  }
0x3a1: {  	[tilespmem:v2+s25+$0x0] =	vst.idx.msk $0xffff, v1  }
0x3a2: {  	v2 =	vadd.s32 $0xD3, v12;
	v1 =	vld.idx.msk [tilespmem:v4+s24+$0x0], $0xffff  }
0x3a3: {  	v4 =	vld.idx.msk [tilespmem:v61+s24+$0x0], $0xffff  }
0x3a4: {  	v62 =	vadd.s32 $0xD4, v12  }
0x3a5: {  	v3 =	vld.idx.msk [tilespmem:v3+s24+$0x0], $0xffff  }
0x3a6: {  	v63 =	vadd.s32 $0xD5, v12  }
0x3a7: {  	v2 =	vld.idx.msk [tilespmem:v2+s24+$0x0], $0xffff  }
0x3a8: {  	v1 =	vadd.f32 v4, v1;
	v4 =	vadd.s32 $0xD6, v12  }
0x3a9: {  	v55 =	vld.idx.msk [tilespmem:v62+s24+$0x0], $0xffff  }
0x3aa: {  	v1 =	vadd.f32 v3, v1;
	v3 =	vadd.s32 $0xD7, v12  }
0x3ab: {  	v56 =	vld.idx.msk [tilespmem:v63+s24+$0x0], $0xffff  }
0x3ac: {  	v1 =	vadd.f32 v2, v1;
	v2 =	vadd.s32 $0xD8, v12  }
0x3ad: {  	v4 =	vld.idx.msk [tilespmem:v4+s24+$0x0], $0xffff  }
0x3ae: {  	v60 =	vadd.s32 $0xD9, v12;
	v1 =	vadd.f32 v55, v1  }
0x3af: {  	v3 =	vld.idx.msk [tilespmem:v3+s24+$0x0], $0xffff  }
0x3b0: {  	v61 =	vadd.s32 $0xDA, v12;
	v1 =	vadd.f32 v56, v1  }
0x3b1: {  	v2 =	vld.idx.msk [tilespmem:v2+s24+$0x0], $0xffff  }
0x3b2: {  	v1 =	vadd.f32 v4, v1;
	v4 =	vadd.s32 $0xDB, v12  }
0x3b3: {  	v55 =	vld.idx.msk [tilespmem:v60+s24+$0x0], $0xffff  }
0x3b4: {  	v1 =	vadd.f32 v3, v1;
	v3 =	vadd.s32 $0xDC, v12  }
0x3b5: {  	v56 =	vld.idx.msk [tilespmem:v61+s24+$0x0], $0xffff  }
0x3b6: {  	v1 =	vadd.f32 v2, v1;
	v2 =	vadd.s32 $0xDD, v12  }
0x3b7: {  	v4 =	vld.idx.msk [tilespmem:v4+s24+$0x0], $0xffff  }
0x3b8: {  	v62 =	vadd.s32 $0xDE, v12;
	v1 =	vadd.f32 v55, v1  }
0x3b9: {  	v3 =	vld.idx.msk [tilespmem:v3+s24+$0x0], $0xffff  }
0x3ba: {  	v63 =	vadd.s32 $0xDF, v12;
	v1 =	vadd.f32 v56, v1  }
0x3bb: {  	v2 =	vld.idx.msk [tilespmem:v2+s24+$0x0], $0xffff  }
0x3bc: {  	v1 =	vadd.f32 v4, v1  }
0x3bd: {  	v4 =	vld.idx.msk [tilespmem:v62+s24+$0x0], $0xffff  }
0x3be: {  	v1 =	vadd.f32 v3, v1  }
0x3bf: {  	v3 =	vld.idx.msk [tilespmem:v63+s24+$0x0], $0xffff  }
0x3c0: {  	v1 =	vadd.f32 v2, v1;
	v2 =	vadd.s32 $0xD, v32  }
0x3c1: {  	v2 =	vadd.s32 s30, v2  }
0x3c2: {  	v1 =	vadd.f32 v4, v1;
	v4 =	vadd.s32 $0xE0, v12  }
0x3c3: {  	v59 =	vadd.s32 $0xE1, v12  }
0x3c4: {  	v1 =	vadd.f32 v3, v1  }
0x3c5: {  	v3 =	vadd.s32 $0xE2, v12  }
0x3c6: {  	[tilespmem:v2+s25+$0x0] =	vst.idx.msk $0xffff, v1  }
0x3c7: {  	v2 =	vadd.s32 $0xE3, v12;
	v1 =	vld.idx.msk [tilespmem:v4+s24+$0x0], $0xffff  }
0x3c8: {  	v4 =	vld.idx.msk [tilespmem:v59+s24+$0x0], $0xffff  }
0x3c9: {  	v60 =	vadd.s32 $0xE4, v12  }
0x3ca: {  	v3 =	vld.idx.msk [tilespmem:v3+s24+$0x0], $0xffff  }
0x3cb: {  	v61 =	vadd.s32 $0xE5, v12  }
0x3cc: {  	v2 =	vld.idx.msk [tilespmem:v2+s24+$0x0], $0xffff  }
0x3cd: {  	v1 =	vadd.f32 v4, v1;
	v4 =	vadd.s32 $0xE6, v12  }
0x3ce: {  	v55 =	vld.idx.msk [tilespmem:v60+s24+$0x0], $0xffff  }
0x3cf: {  	v1 =	vadd.f32 v3, v1;
	v3 =	vadd.s32 $0xE7, v12  }
0x3d0: {  	v56 =	vld.idx.msk [tilespmem:v61+s24+$0x0], $0xffff  }
0x3d1: {  	v1 =	vadd.f32 v2, v1;
	v2 =	vadd.s32 $0xE8, v12  }
0x3d2: {  	v4 =	vld.idx.msk [tilespmem:v4+s24+$0x0], $0xffff  }
0x3d3: {  	v62 =	vadd.s32 $0xE9, v12;
	v1 =	vadd.f32 v55, v1  }
0x3d4: {  	v3 =	vld.idx.msk [tilespmem:v3+s24+$0x0], $0xffff  }
0x3d5: {  	v63 =	vadd.s32 $0xEA, v12;
	v1 =	vadd.f32 v56, v1  }
0x3d6: {  	v2 =	vld.idx.msk [tilespmem:v2+s24+$0x0], $0xffff  }
0x3d7: {  	v1 =	vadd.f32 v4, v1;
	v4 =	vadd.s32 $0xEB, v12  }
0x3d8: {  	v55 =	vld.idx.msk [tilespmem:v62+s24+$0x0], $0xffff  }
0x3d9: {  	v1 =	vadd.f32 v3, v1;
	v3 =	vadd.s32 $0xEC, v12  }
0x3da: {  	v56 =	vld.idx.msk [tilespmem:v63+s24+$0x0], $0xffff  }
0x3db: {  	v1 =	vadd.f32 v2, v1;
	v2 =	vadd.s32 $0xED, v12  }
0x3dc: {  	v4 =	vld.idx.msk [tilespmem:v4+s24+$0x0], $0xffff  }
0x3dd: {  	v60 =	vadd.s32 $0xEE, v12;
	v1 =	vadd.f32 v55, v1  }
0x3de: {  	v3 =	vld.idx.msk [tilespmem:v3+s24+$0x0], $0xffff  }
0x3df: {  	v61 =	vadd.s32 $0xEF, v12;
	v1 =	vadd.f32 v56, v1  }
0x3e0: {  	v2 =	vld.idx.msk [tilespmem:v2+s24+$0x0], $0xffff  }
0x3e1: {  	v1 =	vadd.f32 v4, v1  }
0x3e2: {  	v4 =	vld.idx.msk [tilespmem:v60+s24+$0x0], $0xffff  }
0x3e3: {  	v1 =	vadd.f32 v3, v1  }
0x3e4: {  	v3 =	vld.idx.msk [tilespmem:v61+s24+$0x0], $0xffff  }
0x3e5: {  	v1 =	vadd.f32 v2, v1;
	v2 =	vadd.s32 $0xE, v32  }
0x3e6: {  	v2 =	vadd.s32 s30, v2  }
0x3e7: {  	v1 =	vadd.f32 v4, v1;
	v4 =	vadd.s32 $0xF0, v12  }
0x3e8: {  	v62 =	vadd.s32 $0xF1, v12  }
0x3e9: {  	v1 =	vadd.f32 v3, v1  }
0x3ea: {  	v3 =	vadd.s32 $0xF2, v12  }
0x3eb: {  	[tilespmem:v2+s25+$0x0] =	vst.idx.msk $0xffff, v1  }
0x3ec: {  	v2 =	vadd.s32 $0xF3, v12;
	v1 =	vld.idx.msk [tilespmem:v4+s24+$0x0], $0xffff  }
0x3ed: {  	v4 =	vld.idx.msk [tilespmem:v62+s24+$0x0], $0xffff  }
0x3ee: {  	v63 =	vadd.s32 $0xF4, v12  }
0x3ef: {  	v3 =	vld.idx.msk [tilespmem:v3+s24+$0x0], $0xffff  }
0x3f0: {  	v60 =	vadd.s32 $0xF5, v12  }
0x3f1: {  	v2 =	vld.idx.msk [tilespmem:v2+s24+$0x0], $0xffff  }
0x3f2: {  	v1 =	vadd.f32 v4, v1;
	v4 =	vadd.s32 $0xF6, v12  }
0x3f3: {  	v55 =	vld.idx.msk [tilespmem:v63+s24+$0x0], $0xffff  }
0x3f4: {  	v1 =	vadd.f32 v3, v1;
	v3 =	vadd.s32 $0xF7, v12  }
0x3f5: {  	v56 =	vld.idx.msk [tilespmem:v60+s24+$0x0], $0xffff  }
0x3f6: {  	v1 =	vadd.f32 v2, v1;
	v2 =	vadd.s32 $0xF8, v12  }
0x3f7: {  	v4 =	vld.idx.msk [tilespmem:v4+s24+$0x0], $0xffff  }
0x3f8: {  	v61 =	vadd.s32 $0xF9, v12;
	v1 =	vadd.f32 v55, v1  }
0x3f9: {  	v3 =	vld.idx.msk [tilespmem:v3+s24+$0x0], $0xffff  }
0x3fa: {  	v62 =	vadd.s32 $0xFA, v12;
	v1 =	vadd.f32 v56, v1  }
0x3fb: {  	v2 =	vld.idx.msk [tilespmem:v2+s24+$0x0], $0xffff  }
0x3fc: {  	v1 =	vadd.f32 v4, v1;
	v4 =	vadd.s32 $0xFB, v12  }
0x3fd: {  	v55 =	vld.idx.msk [tilespmem:v61+s24+$0x0], $0xffff  }
0x3fe: {  	v1 =	vadd.f32 v3, v1;
	v3 =	vadd.s32 $0xFC, v12  }
0x3ff: {  	v56 =	vld.idx.msk [tilespmem:v62+s24+$0x0], $0xffff  }
0x400: {  	v1 =	vadd.f32 v2, v1;
	v2 =	vadd.s32 $0xFD, v12  }
0x401: {  	v4 =	vld.idx.msk [tilespmem:v4+s24+$0x0], $0xffff  }
0x402: {  	v63 =	vadd.s32 $0xFE, v12;
	v1 =	vadd.f32 v55, v1  }
0x403: {  	v3 =	vld.idx.msk [tilespmem:v3+s24+$0x0], $0xffff  }
0x404: {  	v60 =	vadd.s32 $0xFF, v12;
	v1 =	vadd.f32 v56, v1  }
0x405: {  	v2 =	vld.idx.msk [tilespmem:v2+s24+$0x0], $0xffff  }
0x406: {  	v1 =	vadd.f32 v4, v1  }
0x407: {  	v4 =	vld.idx.msk [tilespmem:v63+s24+$0x0], $0xffff  }
0x408: {  	v1 =	vadd.f32 v3, v1  }
0x409: {  	v3 =	vld.idx.msk [tilespmem:v60+s24+$0x0], $0xffff  }
0x40a: {  	v1 =	vadd.f32 v2, v1;
	v2 =	vadd.s32 $0xF, v32  }
0x40b: {  	v2 =	vadd.s32 s30, v2  }
0x40c: {  	v1 =	vadd.f32 v4, v1;
	v4 =	vadd.s32 $0x100, v12  }
0x40d: {  	v61 =	vadd.s32 $0x101, v12  }
0x40e: {  	v1 =	vadd.f32 v3, v1  }
0x40f: {  	v3 =	vadd.s32 $0x102, v12  }
0x410: {  	[tilespmem:v2+s25+$0x0] =	vst.idx.msk $0xffff, v1  }
0x411: {  	v2 =	vadd.s32 $0x103, v12;
	v1 =	vld.idx.msk [tilespmem:v4+s24+$0x0], $0xffff  }
0x412: {  	v4 =	vld.idx.msk [tilespmem:v61+s24+$0x0], $0xffff  }
0x413: {  	v62 =	vadd.s32 $0x104, v12  }
0x414: {  	v3 =	vld.idx.msk [tilespmem:v3+s24+$0x0], $0xffff  }
0x415: {  	v63 =	vadd.s32 $0x105, v12  }
0x416: {  	v2 =	vld.idx.msk [tilespmem:v2+s24+$0x0], $0xffff  }
0x417: {  	v1 =	vadd.f32 v4, v1;
	v4 =	vadd.s32 $0x106, v12  }
0x418: {  	v55 =	vld.idx.msk [tilespmem:v62+s24+$0x0], $0xffff  }
0x419: {  	v1 =	vadd.f32 v3, v1;
	v3 =	vadd.s32 $0x107, v12  }
0x41a: {  	v56 =	vld.idx.msk [tilespmem:v63+s24+$0x0], $0xffff  }
0x41b: {  	v1 =	vadd.f32 v2, v1;
	v2 =	vadd.s32 $0x108, v12  }
0x41c: {  	v4 =	vld.idx.msk [tilespmem:v4+s24+$0x0], $0xffff  }
0x41d: {  	v60 =	vadd.s32 $0x109, v12;
	v1 =	vadd.f32 v55, v1  }
0x41e: {  	v3 =	vld.idx.msk [tilespmem:v3+s24+$0x0], $0xffff  }
0x41f: {  	v61 =	vadd.s32 $0x10A, v12;
	v1 =	vadd.f32 v56, v1  }
0x420: {  	v2 =	vld.idx.msk [tilespmem:v2+s24+$0x0], $0xffff  }
0x421: {  	v1 =	vadd.f32 v4, v1;
	v4 =	vadd.s32 $0x10B, v12  }
0x422: {  	v55 =	vld.idx.msk [tilespmem:v60+s24+$0x0], $0xffff  }
0x423: {  	v1 =	vadd.f32 v3, v1;
	v3 =	vadd.s32 $0x10C, v12  }
0x424: {  	v56 =	vld.idx.msk [tilespmem:v61+s24+$0x0], $0xffff  }
0x425: {  	v1 =	vadd.f32 v2, v1;
	v2 =	vadd.s32 $0x10D, v12  }
0x426: {  	v4 =	vld.idx.msk [tilespmem:v4+s24+$0x0], $0xffff  }
0x427: {  	v62 =	vadd.s32 $0x10E, v12;
	v1 =	vadd.f32 v55, v1  }
0x428: {  	v3 =	vld.idx.msk [tilespmem:v3+s24+$0x0], $0xffff  }
0x429: {  	v63 =	vadd.s32 $0x10F, v12;
	v1 =	vadd.f32 v56, v1  }
0x42a: {  	v2 =	vld.idx.msk [tilespmem:v2+s24+$0x0], $0xffff  }
0x42b: {  	v1 =	vadd.f32 v4, v1  }
0x42c: {  	v4 =	vld.idx.msk [tilespmem:v62+s24+$0x0], $0xffff  }
0x42d: {  	v1 =	vadd.f32 v3, v1  }
0x42e: {  	v3 =	vld.idx.msk [tilespmem:v63+s24+$0x0], $0xffff  }
0x42f: {  	v1 =	vadd.f32 v2, v1;
	v2 =	vadd.s32 $0x10, v32  }
0x430: {  	v2 =	vadd.s32 s30, v2  }
0x431: {  	v1 =	vadd.f32 v4, v1;
	v4 =	vadd.s32 $0x110, v12  }
0x432: {  	v59 =	vadd.s32 $0x111, v12  }
0x433: {  	v1 =	vadd.f32 v3, v1  }
0x434: {  	v3 =	vadd.s32 $0x112, v12  }
0x435: {  	[tilespmem:v2+s25+$0x0] =	vst.idx.msk $0xffff, v1  }
0x436: {  	v2 =	vadd.s32 $0x113, v12;
	v1 =	vld.idx.msk [tilespmem:v4+s24+$0x0], $0xffff  }
0x437: {  	v4 =	vld.idx.msk [tilespmem:v59+s24+$0x0], $0xffff  }
0x438: {  	v60 =	vadd.s32 $0x114, v12  }
0x439: {  	v3 =	vld.idx.msk [tilespmem:v3+s24+$0x0], $0xffff  }
0x43a: {  	v61 =	vadd.s32 $0x115, v12  }
0x43b: {  	v2 =	vld.idx.msk [tilespmem:v2+s24+$0x0], $0xffff  }
0x43c: {  	v1 =	vadd.f32 v4, v1;
	v4 =	vadd.s32 $0x116, v12  }
0x43d: {  	v55 =	vld.idx.msk [tilespmem:v60+s24+$0x0], $0xffff  }
0x43e: {  	v1 =	vadd.f32 v3, v1;
	v3 =	vadd.s32 $0x117, v12  }
0x43f: {  	v56 =	vld.idx.msk [tilespmem:v61+s24+$0x0], $0xffff  }
0x440: {  	v1 =	vadd.f32 v2, v1;
	v2 =	vadd.s32 $0x118, v12  }
0x441: {  	v4 =	vld.idx.msk [tilespmem:v4+s24+$0x0], $0xffff  }
0x442: {  	v62 =	vadd.s32 $0x119, v12;
	v1 =	vadd.f32 v55, v1  }
0x443: {  	v3 =	vld.idx.msk [tilespmem:v3+s24+$0x0], $0xffff  }
0x444: {  	v63 =	vadd.s32 $0x11A, v12;
	v1 =	vadd.f32 v56, v1  }
0x445: {  	v2 =	vld.idx.msk [tilespmem:v2+s24+$0x0], $0xffff  }
0x446: {  	v1 =	vadd.f32 v4, v1;
	v4 =	vadd.s32 $0x11B, v12  }
0x447: {  	v55 =	vld.idx.msk [tilespmem:v62+s24+$0x0], $0xffff  }
0x448: {  	v1 =	vadd.f32 v3, v1;
	v3 =	vadd.s32 $0x11C, v12  }
0x449: {  	v56 =	vld.idx.msk [tilespmem:v63+s24+$0x0], $0xffff  }
0x44a: {  	v1 =	vadd.f32 v2, v1;
	v2 =	vadd.s32 $0x11D, v12  }
0x44b: {  	v4 =	vld.idx.msk [tilespmem:v4+s24+$0x0], $0xffff  }
0x44c: {  	v60 =	vadd.s32 $0x11E, v12;
	v1 =	vadd.f32 v55, v1  }
0x44d: {  	v3 =	vld.idx.msk [tilespmem:v3+s24+$0x0], $0xffff  }
0x44e: {  	v61 =	vadd.s32 $0x11F, v12;
	v1 =	vadd.f32 v56, v1  }
0x44f: {  	v2 =	vld.idx.msk [tilespmem:v2+s24+$0x0], $0xffff  }
0x450: {  	v1 =	vadd.f32 v4, v1  }
0x451: {  	v4 =	vld.idx.msk [tilespmem:v60+s24+$0x0], $0xffff  }
0x452: {  	v1 =	vadd.f32 v3, v1  }
0x453: {  	v3 =	vld.idx.msk [tilespmem:v61+s24+$0x0], $0xffff  }
0x454: {  	v1 =	vadd.f32 v2, v1;
	v2 =	vadd.s32 $0x11, v32  }
0x455: {  	v2 =	vadd.s32 s30, v2  }
0x456: {  	v1 =	vadd.f32 v4, v1;
	v4 =	vadd.s32 $0x120, v12  }
0x457: {  	v62 =	vadd.s32 $0x121, v12  }
0x458: {  	v1 =	vadd.f32 v3, v1  }
0x459: {  	v3 =	vadd.s32 $0x122, v12  }
0x45a: {  	[tilespmem:v2+s25+$0x0] =	vst.idx.msk $0xffff, v1  }
0x45b: {  	v2 =	vadd.s32 $0x123, v12;
	v1 =	vld.idx.msk [tilespmem:v4+s24+$0x0], $0xffff  }
0x45c: {  	v4 =	vld.idx.msk [tilespmem:v62+s24+$0x0], $0xffff  }
0x45d: {  	v63 =	vadd.s32 $0x124, v12  }
0x45e: {  	v3 =	vld.idx.msk [tilespmem:v3+s24+$0x0], $0xffff  }
0x45f: {  	v60 =	vadd.s32 $0x125, v12  }
0x460: {  	v2 =	vld.idx.msk [tilespmem:v2+s24+$0x0], $0xffff  }
0x461: {  	v1 =	vadd.f32 v4, v1;
	v4 =	vadd.s32 $0x126, v12  }
0x462: {  	v55 =	vld.idx.msk [tilespmem:v63+s24+$0x0], $0xffff  }
0x463: {  	v1 =	vadd.f32 v3, v1;
	v3 =	vadd.s32 $0x127, v12  }
0x464: {  	v56 =	vld.idx.msk [tilespmem:v60+s24+$0x0], $0xffff  }
0x465: {  	v1 =	vadd.f32 v2, v1;
	v2 =	vadd.s32 $0x128, v12  }
0x466: {  	v4 =	vld.idx.msk [tilespmem:v4+s24+$0x0], $0xffff  }
0x467: {  	v61 =	vadd.s32 $0x129, v12;
	v1 =	vadd.f32 v55, v1  }
0x468: {  	v3 =	vld.idx.msk [tilespmem:v3+s24+$0x0], $0xffff  }
0x469: {  	v62 =	vadd.s32 $0x12A, v12;
	v1 =	vadd.f32 v56, v1  }
0x46a: {  	v2 =	vld.idx.msk [tilespmem:v2+s24+$0x0], $0xffff  }
0x46b: {  	v1 =	vadd.f32 v4, v1;
	v4 =	vadd.s32 $0x12B, v12  }
0x46c: {  	v55 =	vld.idx.msk [tilespmem:v61+s24+$0x0], $0xffff  }
0x46d: {  	v1 =	vadd.f32 v3, v1;
	v3 =	vadd.s32 $0x12C, v12  }
0x46e: {  	v56 =	vld.idx.msk [tilespmem:v62+s24+$0x0], $0xffff  }
0x46f: {  	v1 =	vadd.f32 v2, v1;
	v2 =	vadd.s32 $0x12D, v12  }
0x470: {  	v4 =	vld.idx.msk [tilespmem:v4+s24+$0x0], $0xffff  }
0x471: {  	v63 =	vadd.s32 $0x12E, v12;
	v1 =	vadd.f32 v55, v1  }
0x472: {  	v3 =	vld.idx.msk [tilespmem:v3+s24+$0x0], $0xffff  }
0x473: {  	v60 =	vadd.s32 $0x12F, v12;
	v1 =	vadd.f32 v56, v1  }
0x474: {  	v2 =	vld.idx.msk [tilespmem:v2+s24+$0x0], $0xffff  }
0x475: {  	v1 =	vadd.f32 v4, v1  }
0x476: {  	v4 =	vld.idx.msk [tilespmem:v63+s24+$0x0], $0xffff  }
0x477: {  	v1 =	vadd.f32 v3, v1  }
0x478: {  	v3 =	vld.idx.msk [tilespmem:v60+s24+$0x0], $0xffff  }
0x479: {  	v1 =	vadd.f32 v2, v1;
	v2 =	vadd.s32 $0x12, v32  }
0x47a: {  	v2 =	vadd.s32 s30, v2  }
0x47b: {  	v1 =	vadd.f32 v4, v1;
	v4 =	vadd.s32 $0x130, v12  }
0x47c: {  	v61 =	vadd.s32 $0x131, v12  }
0x47d: {  	v1 =	vadd.f32 v3, v1  }
0x47e: {  	v3 =	vadd.s32 $0x132, v12  }
0x47f: {  	[tilespmem:v2+s25+$0x0] =	vst.idx.msk $0xffff, v1  }
0x480: {  	v2 =	vadd.s32 $0x133, v12;
	v1 =	vld.idx.msk [tilespmem:v4+s24+$0x0], $0xffff  }
0x481: {  	v4 =	vld.idx.msk [tilespmem:v61+s24+$0x0], $0xffff  }
0x482: {  	v62 =	vadd.s32 $0x134, v12  }
0x483: {  	v3 =	vld.idx.msk [tilespmem:v3+s24+$0x0], $0xffff  }
0x484: {  	v63 =	vadd.s32 $0x135, v12  }
0x485: {  	v2 =	vld.idx.msk [tilespmem:v2+s24+$0x0], $0xffff  }
0x486: {  	v1 =	vadd.f32 v4, v1;
	v4 =	vadd.s32 $0x136, v12  }
0x487: {  	v55 =	vld.idx.msk [tilespmem:v62+s24+$0x0], $0xffff  }
0x488: {  	v1 =	vadd.f32 v3, v1;
	v3 =	vadd.s32 $0x137, v12  }
0x489: {  	v56 =	vld.idx.msk [tilespmem:v63+s24+$0x0], $0xffff  }
0x48a: {  	v1 =	vadd.f32 v2, v1;
	v2 =	vadd.s32 $0x138, v12  }
0x48b: {  	v4 =	vld.idx.msk [tilespmem:v4+s24+$0x0], $0xffff  }
0x48c: {  	v60 =	vadd.s32 $0x139, v12;
	v1 =	vadd.f32 v55, v1  }
0x48d: {  	v3 =	vld.idx.msk [tilespmem:v3+s24+$0x0], $0xffff  }
0x48e: {  	v61 =	vadd.s32 $0x13A, v12;
	v1 =	vadd.f32 v56, v1  }
0x48f: {  	v2 =	vld.idx.msk [tilespmem:v2+s24+$0x0], $0xffff  }
0x490: {  	v1 =	vadd.f32 v4, v1;
	v4 =	vadd.s32 $0x13B, v12  }
0x491: {  	v55 =	vld.idx.msk [tilespmem:v60+s24+$0x0], $0xffff  }
0x492: {  	v1 =	vadd.f32 v3, v1;
	v3 =	vadd.s32 $0x13C, v12  }
0x493: {  	v56 =	vld.idx.msk [tilespmem:v61+s24+$0x0], $0xffff  }
0x494: {  	v1 =	vadd.f32 v2, v1;
	v2 =	vadd.s32 $0x13D, v12  }
0x495: {  	v4 =	vld.idx.msk [tilespmem:v4+s24+$0x0], $0xffff  }
0x496: {  	v62 =	vadd.s32 $0x13E, v12;
	v1 =	vadd.f32 v55, v1  }
0x497: {  	v3 =	vld.idx.msk [tilespmem:v3+s24+$0x0], $0xffff  }
0x498: {  	v63 =	vadd.s32 $0x13F, v12;
	v1 =	vadd.f32 v56, v1  }
0x499: {  	v2 =	vld.idx.msk [tilespmem:v2+s24+$0x0], $0xffff  }
0x49a: {  	v1 =	vadd.f32 v4, v1  }
0x49b: {  	v4 =	vld.idx.msk [tilespmem:v62+s24+$0x0], $0xffff  }
0x49c: {  	v1 =	vadd.f32 v3, v1  }
0x49d: {  	v3 =	vld.idx.msk [tilespmem:v63+s24+$0x0], $0xffff  }
0x49e: {  	s29 =	sadd.s32 $0x1, s29;
	v1 =	vadd.f32 v2, v1;
	v2 =	vadd.s32 $0x13, v32  }
0x49f: {  	p0 =	sne.s32 s29, $0x20;
	v2 =	vadd.s32 s30, v2  }
.Ltmp1:
0x4a0: {  	v1 =	vadd.f32 v4, v1;
	(pc) =	sbr.rel @p0 .LBB2_2-.Ltmp1, $3  }
0x4a1: {  	_ = 	snop  }
0x4a2: {  	v1 =	vadd.f32 v3, v1;
	_ =	sdelay $0x1  }
0x4a3: {  	[tilespmem:v2+s25+$0x0] =	vst.idx.msk $0xffff, v1  }
0x4a4: {  	s2 =	simm.s32 $0xF100  }
0x4a5: {  	[hbm4b:s8+s4] =	stream.linear.scatter [tilespmem:s2], [sflag:$0x2], $0x200, $0x38;
	[tilespmem:$0x11B00] =	vst v63  }
0x4a6: {  	s28 =	sadd.s32 $0x1, s28;
	_ =	swait.ge [sflag:s11], $0x200  }
0x4a7: {  	p0 =	sne.s32 s28, s10;
	[sflag:s11] =	ssyncset.done $0x0  }
.Ltmp2:
0x4a8: {  	[sflag:s11] =	ssyncadd.s32 $0xFFFFFE00;
	(pc) =	sbr.rel @p0 .LBB2_1-.Ltmp2, $4  }
0x4a9: {  	[hbm4b:s9+s4] =	stream.linear.scatter [tilespmem:s25], [sflag:$0x2], $0x2800, $0x38;
	[tilespmem:$0x11B00] =	vst v63  }
0x4aa: {  	_ =	swait.ge [sflag:s11], $0x2800  }
0x4ab: {  	[sflag:s11] =	ssyncset.done $0x0  }
0x4ac: {  	[sflag:s11] =	ssyncadd.s32 $0xFFFFD800  }
0x4ad: {  	_ =	sfence.sel $0x180000  }
0x4ae: {  	[bflag:$0x0] =	sbarrier.arrive $0xFFFF  }
0x4af: {  	_ =	strace $0x90000047  }
0x4b0: {  	s0 =	stileid.u32;
	[bflag:$0x2] =	sbarrier.arrive $0xFFFF  }
0x4b1: {  	p0 =	sne.s32 s0, $0x0;
	s0 =	rddreg [dreg:$0x5]  }
0x4b2: {  	s0 =	sadd.s32 @!p0 $0x100000, s0  }
0x4b3: {  	[sflag:s0] =	ssyncadd.tile.s32 @!p0 $0x1;
	_ =	shalt  }
.Lfunc_end2:
_tile_overlayer_lowered:
.L_overlay_start_2:
0x4b4: {  	(tag) =	ssettag $0x2  }
0x4b5: {  	s0 =	rddreg [dreg:$0x0];
	s2 =	stileid.u32  }
0x4b6: {  	s1 =	rddreg [dreg:$0x1];
	p0 =	sne.s32 s2, $0x0  }
0x4b7: {  	s3 =	rddreg [dreg:$0x2];
	[bflag:$0x3] =	sbarrier.arrive $0xFFFF;
	s2 =	simm.s32 @!p0 $0x1C02  }
0x4b8: {  	[timem:s3], [sflag:s2] =	dma.local @!p0 [hbm:s0], s1  }
0x4b9: {  	s0 =	simm.s32 @!p0 $0x2  }
0x4ba: {  	_ =	swait.ge @!p0 [sflag:s0], s1  }
0x4bb: {  	s1 =	ssub.s32 @!p0 $0x0, s1;
	[sflag:s0] =	ssyncset.done @!p0 $0x0  }
0x4bc: {  	[sflag:s0] =	ssyncadd.s32 @!p0 s1  }
0x4bd: {  	[bflag:$0x3] =	sbarrier.arrive $0xFFFF  }
0x4be: {  	_ =	shalt  }

</sc_bundles>
